<compile_context>
chip_gen: v7x
topology: tpu7x:2x2x1
jax: 0.10.2.dev20260603
libtpu: 0.0.44.dev20260713+nightly
codegen_flags: <defaults>
</compile_context>

<pallas_src>
import functools

import jax
import jax.numpy as jnp
from jax import lax
from jax.experimental import pallas as pl
from jax.experimental.pallas import tpu as pltpu
from jax.experimental.pallas import tpu_sc as plsc

_B = 16384
_F = 26
_D = 16
_V = 1000000
_CB = 128
_NBLK = (_V + 127) // 128
_LAST = _NBLK - 1


_BC = 256
_NFULL = _V // _BC
_NBUF = 4


def _make_transpose():
    info = plsc.get_sparse_core_info()
    nc, ns = info.num_cores, info.num_subcores
    nw = nc * ns
    rem = _NFULL % nw

    mesh = plsc.VectorSubcoreMesh(core_axis_name="c", subcore_axis_name="s")

    in_bufs = [pltpu.VMEM((_D, _BC), jnp.float32) for _ in range(_NBUF)]
    out_bufs = [pltpu.VMEM((_BC // 8, 128), jnp.float32) for _ in range(_NBUF)]

    @functools.partial(
        pl.kernel,
        mesh=mesh,
        out_type=jax.ShapeDtypeStruct((_V * _D // 128, 128), jnp.float32),
        compiler_params=pltpu.CompilerParams(
            use_tc_tiling_on_sc=True, needs_layout_passes=False
        ),
        scratch_types=in_bufs + out_bufs + [
            pltpu.SemaphoreType.DMA,
            pltpu.SemaphoreType.DMA,
        ],
    )
    def transpose(tt_hbm, tail_hbm, out_hbm,
                  i0, i1, i2, i3, o0, o1, o2, o3, sem_in, sem_out):
        wid = lax.axis_index("s") * nc + lax.axis_index("c")
        lanes = lax.iota(jnp.int32, 16)
        ins = [i0, i1, i2, i3]
        outs = [o0, o1, o2, o3]
        n_w = jnp.where(wid < rem, _NFULL // nw + 1, _NFULL // nw)

        def fire_in(k, buf):
            @pl.when(k < n_w)
            def _():
                c0 = (k * nw + wid) * _BC
                pltpu.async_copy(tt_hbm.at[pl.ds(0, _D), pl.ds(c0, _BC)], buf,
                                 sem_in)

        def compute(k, src, dst):
            def grp_body(g, carry):
                c0 = g * 16
                for j in range(16):
                    kdiag = (16 - j) & 15
                    diag = plsc.load_gather(
                        src, [lanes, c0 + ((lanes + kdiag) & 15)]
                    )
                    rot = diag.at[(lanes + j) & 15].get(mode="promise_in_bounds")
                    plsc.store_scatter(
                        dst,
                        [2 * g + (lanes >> 3),
                         ((lanes & 7) << 4) + ((lanes + j) & 15)],
                        rot,
                    )
                return carry

            lax.fori_loop(0, _BC // 16, grp_body, 0)

        for b in range(_NBUF):
            fire_in(b, ins[b])

        def outer(kk, carry):
            for b in range(_NBUF):
                k = kk * _NBUF + b

                @pl.when(k < n_w)
                def _(k=k, b=b):
                    pltpu.make_async_copy(
                        tt_hbm.at[pl.ds(0, _D), pl.ds(0, _BC)], ins[b], sem_in
                    ).wait()

                    @pl.when(k >= _NBUF)
                    def _():
                        pltpu.make_async_copy(
                            outs[b], out_hbm.at[pl.ds(0, _BC // 8)], sem_out
                        ).wait()

                    compute(k, ins[b], outs[b])
                    r0 = (k * nw + wid) * (_BC // 8)
                    pltpu.async_copy(outs[b], out_hbm.at[pl.ds(r0, _BC // 8)],
                                     sem_out)
                    fire_in(k + _NBUF, ins[b])

            return carry

        n_outer = (_NFULL // nw + 1 + _NBUF - 1) // _NBUF
        lax.fori_loop(0, n_outer, outer, 0)

        for b in range(_NBUF):
            pltpu.make_async_copy(
                outs[b], out_hbm.at[pl.ds(0, _BC // 8)], sem_out
            ).wait()

        @pl.when(wid == 0)
        def _tail():
            pltpu.sync_copy(tail_hbm, i0.at[pl.ds(0, _D), pl.ds(0, 128)])

            def row_body(r, carry):
                for s in range(8):
                    col = jnp.full((16,), r * 8 + s, jnp.int32)
                    o0[r, pl.ds(s * _D, _D)] = plsc.load_gather(i0, [lanes, col])
                return carry

            lax.fori_loop(0, 8, row_body, 0)
            pltpu.sync_copy(o0.at[pl.ds(0, 8)],
                            out_hbm.at[pl.ds((_V // 8) - 8, 8)])

    return transpose


def _make_lookup():
    info = plsc.get_sparse_core_info()
    nc, ns = info.num_cores, info.num_subcores
    nw = nc * ns
    b_per_w = _B // nw
    n_chunks = b_per_w // _CB

    mesh = plsc.VectorSubcoreMesh(core_axis_name="c", subcore_axis_name="s")

    @functools.partial(
        pl.kernel,
        mesh=mesh,
        out_type=jax.ShapeDtypeStruct((_B, _D), jnp.float32),
        compiler_params=pltpu.CompilerParams(use_tc_tiling_on_sc=False),
        scratch_types=[
            pltpu.VMEM((32, b_per_w), jnp.int32),
            pltpu.VMEM((_F * _CB, _D), jnp.float32),
            pltpu.VMEM((_CB, _D), jnp.float32),
            pltpu.SemaphoreType.DMA,
        ],
    )
    def emb_sum(idx_hbm, table_hbm, out_hbm, idx_v, rows_v, out_v, sem):
        wid = lax.axis_index("s") * nc + lax.axis_index("c")
        pltpu.sync_copy(idx_hbm.at[pl.ds(0, 32), pl.ds(wid * b_per_w, b_per_w)], idx_v)

        def chunk_body(c, carry):
            for f in range(_F):
                pltpu.async_copy(
                    table_hbm.at[idx_v.at[f, pl.ds(c * _CB, _CB)]],
                    rows_v.at[pl.ds(f * _CB, _CB)],
                    sem,
                )
            pltpu.make_async_copy(
                table_hbm.at[pl.ds(0, _F * _CB)], rows_v, sem
            ).wait()

            def reduce_body(i, inner):
                acc = rows_v[i]
                for f in range(1, _F):
                    acc = acc + rows_v[f * _CB + i]
                out_v[i] = acc
                return inner

            lax.fori_loop(0, _CB, reduce_body, 0)
            pltpu.sync_copy(out_v, out_hbm.at[pl.ds(wid * b_per_w + c * _CB, _CB)])
            return carry

        lax.fori_loop(0, n_chunks, chunk_body, 0)

    return emb_sum


def kernel(inputs, table):
    idx_t = jnp.pad(inputs.astype(jnp.int32).T, ((0, 32 - _F), (0, 0)), mode="edge")
    tt = table.T
    tail = jnp.pad(tt[:, _LAST * 128:], ((0, 0), (0, 128 - (_V - _LAST * 128))))
    table_rm = _make_transpose()(tt, tail)
    table16 = table_rm.reshape(_V, _D)
    return _make_lookup()(idx_t, table16)

# --- scband reference (transcript-rebuilt; emitter-appended) ---
"""Pipeline reference for scband-lr-71803263255152 (READ-ONLY COPY).

The authoritative reference and input builder live on the scoring server;
editing this copy changes nothing except your own understanding.
"""

import jax, jax.numpy as jnp
import numpy as np

VOCAB = 1000000
EMBED_DIM = 16
BATCH = 16384
FIELDS = 26

def setup_inputs(seed: int = 0) -> dict:
    key = jax.random.key(seed)
    k1, k2 = jax.random.split(key)
    inputs = jax.random.randint(k1, (BATCH, FIELDS), 0, VOCAB, dtype=jnp.int64)
    # Keras Embedding default initializer is uniform(-0.05, 0.05)
    table = jax.random.uniform(k2, (VOCAB, EMBED_DIM), dtype=jnp.float32, minval=-0.05, maxval=0.05)
    return {"inputs": inputs, "table": table}

def reference(inputs, table):
    # embedding lookup: [B, F] -> [B, F, D]
    emb = jnp.take(table, inputs, axis=0)
    # sum over the field axis -> [B, D]
    logits = jnp.sum(emb, axis=1)
    return logits

if __name__ == "__main__":
    import jax
    _d = setup_inputs()
    print(jax.jit(kernel)(*tuple(_d.values())))

</pallas_src>

<mosaic_0001>
#map = affine_map<(d0, d1) -> (0, 0)>
module attributes {stable_mosaic.version = 14 : i64} {
  func.func @transpose(%arg0: i32, %arg1: i32, %arg2: memref<16x1000000xf32, #tpu.memory_space<hbm>>, %arg3: memref<16x128xf32, #tpu.memory_space<hbm>>, %arg4: memref<125000x128xf32, #tpu.memory_space<hbm>>, %arg5: memref<16x256xf32, #tpu.memory_space<vmem>>, %arg6: memref<16x256xf32, #tpu.memory_space<vmem>>, %arg7: memref<16x256xf32, #tpu.memory_space<vmem>>, %arg8: memref<16x256xf32, #tpu.memory_space<vmem>>, %arg9: memref<32x128xf32, #tpu.memory_space<vmem>>, %arg10: memref<32x128xf32, #tpu.memory_space<vmem>>, %arg11: memref<32x128xf32, #tpu.memory_space<vmem>>, %arg12: memref<32x128xf32, #tpu.memory_space<vmem>>, %arg13: memref<!tpu.dma_semaphore, #tpu.memory_space<semaphore_mem>>, %arg14: memref<!tpu.dma_semaphore, #tpu.memory_space<semaphore_mem>>) attributes {dimension_semantics = [#tpu.dimension_semantics<core_parallel>, #tpu.dimension_semantics<subcore_parallel>], iteration_bounds = array<i64: 2, 16>, scalar_prefetch = 0 : i64, scratch_operands = 10 : i64, tpu.core_type = #tpu.core_type<sc_vector_subcore>, window_params = [{transform_indices = #map}, {transform_indices = #map}, {transform_indices = #map}]} {
    %mul3A = arith.constant 2 : i32
    %mul3A_0 = arith.muli %arg1, %mul3A : i32
    %add3A = arith.addi %mul3A_0, %arg0 : i32
    %iota3A = tpu.iota {dimensions = array<i32: 0>} : vector<16xi32>
    %lt3A = arith.constant 2 : i32
    %lt3A_1 = arith.cmpi slt, %add3A, %lt3A : i32
    %jit3A = arith.constant 123 : i32
    %jit3A_2 = arith.constant 122 : i32
    %select_n3A = arith.select %lt3A_1, %jit3A, %jit3A_2 : i32
    %gt3A = arith.constant 0 : i32
    %gt3A_3 = arith.cmpi sgt, %select_n3A, %gt3A : i32
    %convert_element_type3A = arith.extui %gt3A_3 : i1 to i32
    %cond3A = arith.constant 0 : i32
    %cond3A_4 = arith.cmpi ne, %convert_element_type3A, %cond3A : i32
    scf.if %cond3A_4 {
      %add3A_52 = arith.constant 0 : i32
      %add3A_53 = arith.addi %add3A_52, %add3A : i32
      %mul3A_54 = arith.constant 256 : i32
      %mul3A_55 = arith.muli %add3A_53, %mul3A_54 : i32
      %dma_start3A = arith.constant 0 : i32
      %dma_start3A_56 = tpu.memref_slice %arg2[%dma_start3A, %mul3A_55] : memref<16x1000000xf32, #tpu.memory_space<hbm>> -> memref<16x256xf32, #tpu.memory_space<hbm>>
      %dma_start3A_57 = arith.constant 0 : i32
      %dma_start3A_58 = tpu.memref_slice %arg2[%dma_start3A_57, %mul3A_55] : memref<16x1000000xf32, #tpu.memory_space<hbm>> -> memref<16x256xf32, #tpu.memory_space<hbm>>
      tpu.enqueue_dma source(%dma_start3A_58 : memref<16x256xf32, #tpu.memory_space<hbm>>) target(%arg5 : memref<16x256xf32, #tpu.memory_space<vmem>>) target_semaphore(%arg13 : memref<!tpu.dma_semaphore, #tpu.memory_space<semaphore_mem>>)
    } else {
    }
    %gt3A_5 = arith.constant 1 : i32
    %gt3A_6 = arith.cmpi sgt, %select_n3A, %gt3A_5 : i32
    %convert_element_type3A_7 = arith.extui %gt3A_6 : i1 to i32
    %cond3A_8 = arith.constant 0 : i32
    %cond3A_9 = arith.cmpi ne, %convert_element_type3A_7, %cond3A_8 : i32
    scf.if %cond3A_9 {
      %add3A_52 = arith.constant 32 : i32
      %add3A_53 = arith.addi %add3A_52, %add3A : i32
      %mul3A_54 = arith.constant 256 : i32
      %mul3A_55 = arith.muli %add3A_53, %mul3A_54 : i32
      %dma_start3A = arith.constant 0 : i32
      %dma_start3A_56 = tpu.memref_slice %arg2[%dma_start3A, %mul3A_55] : memref<16x1000000xf32, #tpu.memory_space<hbm>> -> memref<16x256xf32, #tpu.memory_space<hbm>>
      %dma_start3A_57 = arith.constant 0 : i32
      %dma_start3A_58 = tpu.memref_slice %arg2[%dma_start3A_57, %mul3A_55] : memref<16x1000000xf32, #tpu.memory_space<hbm>> -> memref<16x256xf32, #tpu.memory_space<hbm>>
      tpu.enqueue_dma source(%dma_start3A_58 : memref<16x256xf32, #tpu.memory_space<hbm>>) target(%arg6 : memref<16x256xf32, #tpu.memory_space<vmem>>) target_semaphore(%arg13 : memref<!tpu.dma_semaphore, #tpu.memory_space<semaphore_mem>>)
    } else {
    }
    %gt3A_10 = arith.constant 2 : i32
    %gt3A_11 = arith.cmpi sgt, %select_n3A, %gt3A_10 : i32
    %convert_element_type3A_12 = arith.extui %gt3A_11 : i1 to i32
    %cond3A_13 = arith.constant 0 : i32
    %cond3A_14 = arith.cmpi ne, %convert_element_type3A_12, %cond3A_13 : i32
    scf.if %cond3A_14 {
      %add3A_52 = arith.constant 64 : i32
      %add3A_53 = arith.addi %add3A_52, %add3A : i32
      %mul3A_54 = arith.constant 256 : i32
      %mul3A_55 = arith.muli %add3A_53, %mul3A_54 : i32
      %dma_start3A = arith.constant 0 : i32
      %dma_start3A_56 = tpu.memref_slice %arg2[%dma_start3A, %mul3A_55] : memref<16x1000000xf32, #tpu.memory_space<hbm>> -> memref<16x256xf32, #tpu.memory_space<hbm>>
      %dma_start3A_57 = arith.constant 0 : i32
      %dma_start3A_58 = tpu.memref_slice %arg2[%dma_start3A_57, %mul3A_55] : memref<16x1000000xf32, #tpu.memory_space<hbm>> -> memref<16x256xf32, #tpu.memory_space<hbm>>
      tpu.enqueue_dma source(%dma_start3A_58 : memref<16x256xf32, #tpu.memory_space<hbm>>) target(%arg7 : memref<16x256xf32, #tpu.memory_space<vmem>>) target_semaphore(%arg13 : memref<!tpu.dma_semaphore, #tpu.memory_space<semaphore_mem>>)
    } else {
    }
    %gt3A_15 = arith.constant 3 : i32
    %gt3A_16 = arith.cmpi sgt, %select_n3A, %gt3A_15 : i32
    %convert_element_type3A_17 = arith.extui %gt3A_16 : i1 to i32
    %cond3A_18 = arith.constant 0 : i32
    %cond3A_19 = arith.cmpi ne, %convert_element_type3A_17, %cond3A_18 : i32
    scf.if %cond3A_19 {
      %add3A_52 = arith.constant 96 : i32
      %add3A_53 = arith.addi %add3A_52, %add3A : i32
      %mul3A_54 = arith.constant 256 : i32
      %mul3A_55 = arith.muli %add3A_53, %mul3A_54 : i32
      %dma_start3A = arith.constant 0 : i32
      %dma_start3A_56 = tpu.memref_slice %arg2[%dma_start3A, %mul3A_55] : memref<16x1000000xf32, #tpu.memory_space<hbm>> -> memref<16x256xf32, #tpu.memory_space<hbm>>
      %dma_start3A_57 = arith.constant 0 : i32
      %dma_start3A_58 = tpu.memref_slice %arg2[%dma_start3A_57, %mul3A_55] : memref<16x1000000xf32, #tpu.memory_space<hbm>> -> memref<16x256xf32, #tpu.memory_space<hbm>>
      tpu.enqueue_dma source(%dma_start3A_58 : memref<16x256xf32, #tpu.memory_space<hbm>>) target(%arg8 : memref<16x256xf32, #tpu.memory_space<vmem>>) target_semaphore(%arg13 : memref<!tpu.dma_semaphore, #tpu.memory_space<semaphore_mem>>)
    } else {
    }
    %scan3A = arith.constant 0 : i32
    %scan3A_20 = arith.constant 0 : i32
    %scan3A_21 = arith.constant 31 : i32
    %scan3A_22 = arith.addi %scan3A_20, %scan3A_21 : i32
    %scan3A_23 = arith.constant 1 : i32
    scf.for %scan3A_52 = %scan3A_20 to %scan3A_22 step %scan3A_23  : i32 {
      %mul3A_53 = arith.constant 4 : i32
      %mul3A_54 = arith.muli %scan3A_52, %mul3A_53 : i32
      %add3A_55 = arith.constant 0 : i32
      %add3A_56 = arith.addi %mul3A_54, %add3A_55 : i32
      %lt3A_57 = arith.cmpi slt, %add3A_56, %select_n3A : i32
      %convert_element_type3A_58 = arith.extui %lt3A_57 : i1 to i32
      %cond3A_59 = arith.constant 0 : i32
      %cond3A_60 = arith.cmpi ne, %convert_element_type3A_58, %cond3A_59 : i32
      scf.if %cond3A_60 {
        %dma_wait3A_85 = arith.constant 0 : i32
        %dma_wait3A_86 = arith.constant 0 : i32
        %dma_wait3A_87 = tpu.memref_slice %arg2[%dma_wait3A_85, %dma_wait3A_86] : memref<16x1000000xf32, #tpu.memory_space<hbm>> -> memref<16x256xf32, #tpu.memory_space<hbm>>
        %dma_wait3A_88 = arith.constant 0 : i32
        %dma_wait3A_89 = arith.constant 0 : i32
        %dma_wait3A_90 = tpu.memref_slice %arg2[%dma_wait3A_88, %dma_wait3A_89] : memref<16x1000000xf32, #tpu.memory_space<hbm>> -> memref<16x256xf32, #tpu.memory_space<hbm>>
        tpu.wait_dma2 semaphore(%arg13 : memref<!tpu.dma_semaphore, #tpu.memory_space<semaphore_mem>>) src(%dma_wait3A_90 : memref<16x256xf32, #tpu.memory_space<hbm>>) dst(%arg5 : memref<16x256xf32, #tpu.memory_space<vmem>>)
        %ge3A = arith.constant 4 : i32
        %ge3A_91 = arith.cmpi sge, %add3A_56, %ge3A : i32
        %convert_element_type3A_92 = arith.extui %ge3A_91 : i1 to i32
        %cond3A_93 = arith.constant 0 : i32
        %cond3A_94 = arith.cmpi ne, %convert_element_type3A_92, %cond3A_93 : i32
        scf.if %cond3A_94 {
          %dma_wait3A_115 = arith.constant 0 : i32
          %dma_wait3A_116 = arith.constant 0 : i32
          %dma_wait3A_117 = tpu.memref_slice %arg4[%dma_wait3A_115, %dma_wait3A_116] : memref<125000x128xf32, #tpu.memory_space<hbm>> -> memref<32x128xf32, #tpu.memory_space<hbm>>
          %dma_wait3A_118 = arith.constant 0 : i32
          %dma_wait3A_119 = arith.constant 0 : i32
          %dma_wait3A_120 = tpu.memref_slice %arg4[%dma_wait3A_118, %dma_wait3A_119] : memref<125000x128xf32, #tpu.memory_space<hbm>> -> memref<32x128xf32, #tpu.memory_space<hbm>>
          tpu.wait_dma2 semaphore(%arg14 : memref<!tpu.dma_semaphore, #tpu.memory_space<semaphore_mem>>) src(%arg9 : memref<32x128xf32, #tpu.memory_space<vmem>>) dst(%dma_wait3A_120 : memref<32x128xf32, #tpu.memory_space<hbm>>)
        } else {
        }
        %scan3A_95 = arith.constant 0 : i32
        %scan3A_96 = arith.constant 0 : i32
        %scan3A_97 = arith.constant 16 : i32
        %scan3A_98 = arith.addi %scan3A_96, %scan3A_97 : i32
        %scan3A_99 = arith.constant 1 : i32
        scf.for %scan3A_115 = %scan3A_96 to %scan3A_98 step %scan3A_99  : i32 {
          %mul3A_116 = arith.constant 16 : i32
          %mul3A_117 = arith.muli %scan3A_115, %mul3A_116 : i32
          %add3A_118 = arith.constant 0 : i32
          %add3A_119 = vector.broadcast %add3A_118 : i32 to vector<16xi32>
          %add3A_120 = arith.addi %iota3A, %add3A_119 : vector<16xi32>
          %and3A = arith.constant 15 : i32
          %and3A_121 = vector.broadcast %and3A : i32 to vector<16xi32>
          %and3A_122 = arith.andi %add3A_120, %and3A_121 : vector<16xi32>
          %add3A_123 = vector.broadcast %mul3A_117 : i32 to vector<16xi32>
          %add3A_124 = arith.addi %add3A_123, %and3A_122 : vector<16xi32>
          %gather3A = tpu.vector_load_idx %arg5[%iota3A, %add3A_124] : memref<16x256xf32, #tpu.memory_space<vmem>>[vector<16xi32>, vector<16xi32>], vector<16xf32>,
          %add3A_125 = arith.constant 0 : i32
          %add3A_126 = vector.broadcast %add3A_125 : i32 to vector<16xi32>
          %add3A_127 = arith.addi %iota3A, %add3A_126 : vector<16xi32>
          %and3A_128 = arith.constant 15 : i32
          %and3A_129 = vector.broadcast %and3A_128 : i32 to vector<16xi32>
          %and3A_130 = arith.andi %add3A_127, %and3A_129 : vector<16xi32>
          %lt3A_131 = arith.constant 0 : i32
          %lt3A_132 = vector.broadcast %lt3A_131 : i32 to vector<16xi32>
          %lt3A_133 = arith.cmpi slt, %and3A_130, %lt3A_132 : vector<16xi32>
          %add3A_134 = arith.constant 16 : i32
          %add3A_135 = vector.broadcast %add3A_134 : i32 to vector<16xi32>
          %add3A_136 = arith.addi %and3A_130, %add3A_135 : vector<16xi32>
          %select_n3A_137 = arith.select %lt3A_133, %add3A_136, %and3A_130 : vector<16xi1>, vector<16xi32>
          %broadcast_in_dim3A = vector.shape_cast %select_n3A_137 : vector<16xi32> to vector<16x1xi32>
          %gather3A_138 = vector.shape_cast %broadcast_in_dim3A : vector<16x1xi32> to vector<16xi32>
          %gather3A_139 = tpu.dynamic_gather %gather3A[%gather3A_138] in [0] : vector<16xf32>, vector<16xi32> -> vector<16xf32>
          %mul3A_140 = arith.constant 2 : i32
          %mul3A_141 = arith.muli %mul3A_140, %scan3A_115 : i32
          %shift_right_arithmetic3A = arith.constant 3 : i32
          %shift_right_arithmetic3A_142 = vector.broadcast %shift_right_arithmetic3A : i32 to vector<16xi32>
          %shift_right_arithmetic3A_143 = arith.shrsi %iota3A, %shift_right_arithmetic3A_142 : vector<16xi32>
          %add3A_144 = vector.broadcast %mul3A_141 : i32 to vector<16xi32>
          %add3A_145 = arith.addi %add3A_144, %shift_right_arithmetic3A_143 : vector<16xi32>
          %and3A_146 = arith.constant 7 : i32
          %and3A_147 = vector.broadcast %and3A_146 : i32 to vector<16xi32>
          %and3A_148 = arith.andi %iota3A, %and3A_147 : vector<16xi32>
          %shift_left3A = arith.constant 4 : i32
          %shift_left3A_149 = vector.broadcast %shift_left3A : i32 to vector<16xi32>
          %shift_left3A_150 = arith.shli %and3A_148, %shift_left3A_149 : vector<16xi32>
          %add3A_151 = arith.constant 0 : i32
          %add3A_152 = vector.broadcast %add3A_151 : i32 to vector<16xi32>
          %add3A_153 = arith.addi %iota3A, %add3A_152 : vector<16xi32>
          %and3A_154 = arith.constant 15 : i32
          %and3A_155 = vector.broadcast %and3A_154 : i32 to vector<16xi32>
          %and3A_156 = arith.andi %add3A_153, %and3A_155 : vector<16xi32>
          %add3A_157 = arith.addi %shift_left3A_150, %and3A_156 : vector<16xi32>
          tpu.vector_store_idx %arg9[%add3A_145, %add3A_157], %gather3A_139 : memref<32x128xf32, #tpu.memory_space<vmem>>[vector<16xi32>, vector<16xi32>], vector<16xf32>,
          %add3A_158 = arith.constant 15 : i32
          %add3A_159 = vector.broadcast %add3A_158 : i32 to vector<16xi32>
          %add3A_160 = arith.addi %iota3A, %add3A_159 : vector<16xi32>
          %and3A_161 = arith.constant 15 : i32
          %and3A_162 = vector.broadcast %and3A_161 : i32 to vector<16xi32>
          %and3A_163 = arith.andi %add3A_160, %and3A_162 : vector<16xi32>
          %add3A_164 = vector.broadcast %mul3A_117 : i32 to vector<16xi32>
          %add3A_165 = arith.addi %add3A_164, %and3A_163 : vector<16xi32>
          %gather3A_166 = tpu.vector_load_idx %arg5[%iota3A, %add3A_165] : memref<16x256xf32, #tpu.memory_space<vmem>>[vector<16xi32>, vector<16xi32>], vector<16xf32>,
          %add3A_167 = arith.constant 1 : i32
          %add3A_168 = vector.broadcast %add3A_167 : i32 to vector<16xi32>
          %add3A_169 = arith.addi %iota3A, %add3A_168 : vector<16xi32>
          %and3A_170 = arith.constant 15 : i32
          %and3A_171 = vector.broadcast %and3A_170 : i32 to vector<16xi32>
          %and3A_172 = arith.andi %add3A_169, %and3A_171 : vector<16xi32>
          %lt3A_173 = arith.constant 0 : i32
          %lt3A_174 = vector.broadcast %lt3A_173 : i32 to vector<16xi32>
          %lt3A_175 = arith.cmpi slt, %and3A_172, %lt3A_174 : vector<16xi32>
          %add3A_176 = arith.constant 16 : i32
          %add3A_177 = vector.broadcast %add3A_176 : i32 to vector<16xi32>
          %add3A_178 = arith.addi %and3A_172, %add3A_177 : vector<16xi32>
          %select_n3A_179 = arith.select %lt3A_175, %add3A_178, %and3A_172 : vector<16xi1>, vector<16xi32>
          %broadcast_in_dim3A_180 = vector.shape_cast %select_n3A_179 : vector<16xi32> to vector<16x1xi32>
          %gather3A_181 = vector.shape_cast %broadcast_in_dim3A_180 : vector<16x1xi32> to vector<16xi32>
          %gather3A_182 = tpu.dynamic_gather %gather3A_166[%gather3A_181] in [0] : vector<16xf32>, vector<16xi32> -> vector<16xf32>
          %mul3A_183 = arith.constant 2 : i32
          %mul3A_184 = arith.muli %mul3A_183, %scan3A_115 : i32
          %shift_right_arithmetic3A_185 = arith.constant 3 : i32
          %shift_right_arithmetic3A_186 = vector.broadcast %shift_right_arithmetic3A_185 : i32 to vector<16xi32>
          %shift_right_arithmetic3A_187 = arith.shrsi %iota3A, %shift_right_arithmetic3A_186 : vector<16xi32>
          %add3A_188 = vector.broadcast %mul3A_184 : i32 to vector<16xi32>
          %add3A_189 = arith.addi %add3A_188, %shift_right_arithmetic3A_187 : vector<16xi32>
          %and3A_190 = arith.constant 7 : i32
          %and3A_191 = vector.broadcast %and3A_190 : i32 to vector<16xi32>
          %and3A_192 = arith.andi %iota3A, %and3A_191 : vector<16xi32>
          %shift_left3A_193 = arith.constant 4 : i32
          %shift_left3A_194 = vector.broadcast %shift_left3A_193 : i32 to vector<16xi32>
          %shift_left3A_195 = arith.shli %and3A_192, %shift_left3A_194 : vector<16xi32>
          %add3A_196 = arith.constant 1 : i32
          %add3A_197 = vector.broadcast %add3A_196 : i32 to vector<16xi32>
          %add3A_198 = arith.addi %iota3A, %add3A_197 : vector<16xi32>
          %and3A_199 = arith.constant 15 : i32
          %and3A_200 = vector.broadcast %and3A_199 : i32 to vector<16xi32>
          %and3A_201 = arith.andi %add3A_198, %and3A_200 : vector<16xi32>
          %add3A_202 = arith.addi %shift_left3A_195, %and3A_201 : vector<16xi32>
          tpu.vector_store_idx %arg9[%add3A_189, %add3A_202], %gather3A_182 : memref<32x128xf32, #tpu.memory_space<vmem>>[vector<16xi32>, vector<16xi32>], vector<16xf32>,
          %add3A_203 = arith.constant 14 : i32
          %add3A_204 = vector.broadcast %add3A_203 : i32 to vector<16xi32>
          %add3A_205 = arith.addi %iota3A, %add3A_204 : vector<16xi32>
          %and3A_206 = arith.constant 15 : i32
          %and3A_207 = vector.broadcast %and3A_206 : i32 to vector<16xi32>
          %and3A_208 = arith.andi %add3A_205, %and3A_207 : vector<16xi32>
          %add3A_209 = vector.broadcast %mul3A_117 : i32 to vector<16xi32>
          %add3A_210 = arith.addi %add3A_209, %and3A_208 : vector<16xi32>
          %gather3A_211 = tpu.vector_load_idx %arg5[%iota3A, %add3A_210] : memref<16x256xf32, #tpu.memory_space<vmem>>[vector<16xi32>, vector<16xi32>], vector<16xf32>,
          %add3A_212 = arith.constant 2 : i32
          %add3A_213 = vector.broadcast %add3A_212 : i32 to vector<16xi32>
          %add3A_214 = arith.addi %iota3A, %add3A_213 : vector<16xi32>
          %and3A_215 = arith.constant 15 : i32
          %and3A_216 = vector.broadcast %and3A_215 : i32 to vector<16xi32>
          %and3A_217 = arith.andi %add3A_214, %and3A_216 : vector<16xi32>
          %lt3A_218 = arith.constant 0 : i32
          %lt3A_219 = vector.broadcast %lt3A_218 : i32 to vector<16xi32>
          %lt3A_220 = arith.cmpi slt, %and3A_217, %lt3A_219 : vector<16xi32>
          %add3A_221 = arith.constant 16 : i32
          %add3A_222 = vector.broadcast %add3A_221 : i32 to vector<16xi32>
          %add3A_223 = arith.addi %and3A_217, %add3A_222 : vector<16xi32>
          %select_n3A_224 = arith.select %lt3A_220, %add3A_223, %and3A_217 : vector<16xi1>, vector<16xi32>
          %broadcast_in_dim3A_225 = vector.shape_cast %select_n3A_224 : vector<16xi32> to vector<16x1xi32>
          %gather3A_226 = vector.shape_cast %broadcast_in_dim3A_225 : vector<16x1xi32> to vector<16xi32>
          %gather3A_227 = tpu.dynamic_gather %gather3A_211[%gather3A_226] in [0] : vector<16xf32>, vector<16xi32> -> vector<16xf32>
          %mul3A_228 = arith.constant 2 : i32
          %mul3A_229 = arith.muli %mul3A_228, %scan3A_115 : i32
          %shift_right_arithmetic3A_230 = arith.constant 3 : i32
          %shift_right_arithmetic3A_231 = vector.broadcast %shift_right_arithmetic3A_230 : i32 to vector<16xi32>
          %shift_right_arithmetic3A_232 = arith.shrsi %iota3A, %shift_right_arithmetic3A_231 : vector<16xi32>
          %add3A_233 = vector.broadcast %mul3A_229 : i32 to vector<16xi32>
          %add3A_234 = arith.addi %add3A_233, %shift_right_arithmetic3A_232 : vector<16xi32>
          %and3A_235 = arith.constant 7 : i32
          %and3A_236 = vector.broadcast %and3A_235 : i32 to vector<16xi32>
          %and3A_237 = arith.andi %iota3A, %and3A_236 : vector<16xi32>
          %shift_left3A_238 = arith.constant 4 : i32
          %shift_left3A_239 = vector.broadcast %shift_left3A_238 : i32 to vector<16xi32>
          %shift_left3A_240 = arith.shli %and3A_237, %shift_left3A_239 : vector<16xi32>
          %add3A_241 = arith.constant 2 : i32
          %add3A_242 = vector.broadcast %add3A_241 : i32 to vector<16xi32>
          %add3A_243 = arith.addi %iota3A, %add3A_242 : vector<16xi32>
          %and3A_244 = arith.constant 15 : i32
          %and3A_245 = vector.broadcast %and3A_244 : i32 to vector<16xi32>
          %and3A_246 = arith.andi %add3A_243, %and3A_245 : vector<16xi32>
          %add3A_247 = arith.addi %shift_left3A_240, %and3A_246 : vector<16xi32>
          tpu.vector_store_idx %arg9[%add3A_234, %add3A_247], %gather3A_227 : memref<32x128xf32, #tpu.memory_space<vmem>>[vector<16xi32>, vector<16xi32>], vector<16xf32>,
          %add3A_248 = arith.constant 13 : i32
          %add3A_249 = vector.broadcast %add3A_248 : i32 to vector<16xi32>
          %add3A_250 = arith.addi %iota3A, %add3A_249 : vector<16xi32>
          %and3A_251 = arith.constant 15 : i32
          %and3A_252 = vector.broadcast %and3A_251 : i32 to vector<16xi32>
          %and3A_253 = arith.andi %add3A_250, %and3A_252 : vector<16xi32>
          %add3A_254 = vector.broadcast %mul3A_117 : i32 to vector<16xi32>
          %add3A_255 = arith.addi %add3A_254, %and3A_253 : vector<16xi32>
          %gather3A_256 = tpu.vector_load_idx %arg5[%iota3A, %add3A_255] : memref<16x256xf32, #tpu.memory_space<vmem>>[vector<16xi32>, vector<16xi32>], vector<16xf32>,
          %add3A_257 = arith.constant 3 : i32
          %add3A_258 = vector.broadcast %add3A_257 : i32 to vector<16xi32>
          %add3A_259 = arith.addi %iota3A, %add3A_258 : vector<16xi32>
          %and3A_260 = arith.constant 15 : i32
          %and3A_261 = vector.broadcast %and3A_260 : i32 to vector<16xi32>
          %and3A_262 = arith.andi %add3A_259, %and3A_261 : vector<16xi32>
          %lt3A_263 = arith.constant 0 : i32
          %lt3A_264 = vector.broadcast %lt3A_263 : i32 to vector<16xi32>
          %lt3A_265 = arith.cmpi slt, %and3A_262, %lt3A_264 : vector<16xi32>
          %add3A_266 = arith.constant 16 : i32
          %add3A_267 = vector.broadcast %add3A_266 : i32 to vector<16xi32>
          %add3A_268 = arith.addi %and3A_262, %add3A_267 : vector<16xi32>
          %select_n3A_269 = arith.select %lt3A_265, %add3A_268, %and3A_262 : vector<16xi1>, vector<16xi32>
          %broadcast_in_dim3A_270 = vector.shape_cast %select_n3A_269 : vector<16xi32> to vector<16x1xi32>
          %gather3A_271 = vector.shape_cast %broadcast_in_dim3A_270 : vector<16x1xi32> to vector<16xi32>
          %gather3A_272 = tpu.dynamic_gather %gather3A_256[%gather3A_271] in [0] : vector<16xf32>, vector<16xi32> -> vector<16xf32>
          %mul3A_273 = arith.constant 2 : i32
          %mul3A_274 = arith.muli %mul3A_273, %scan3A_115 : i32
          %shift_right_arithmetic3A_275 = arith.constant 3 : i32
          %shift_right_arithmetic3A_276 = vector.broadcast %shift_right_arithmetic3A_275 : i32 to vector<16xi32>
          %shift_right_arithmetic3A_277 = arith.shrsi %iota3A, %shift_right_arithmetic3A_276 : vector<16xi32>
          %add3A_278 = vector.broadcast %mul3A_274 : i32 to vector<16xi32>
          %add3A_279 = arith.addi %add3A_278, %shift_right_arithmetic3A_277 : vector<16xi32>
          %and3A_280 = arith.constant 7 : i32
          %and3A_281 = vector.broadcast %and3A_280 : i32 to vector<16xi32>
          %and3A_282 = arith.andi %iota3A, %and3A_281 : vector<16xi32>
          %shift_left3A_283 = arith.constant 4 : i32
          %shift_left3A_284 = vector.broadcast %shift_left3A_283 : i32 to vector<16xi32>
          %shift_left3A_285 = arith.shli %and3A_282, %shift_left3A_284 : vector<16xi32>
          %add3A_286 = arith.constant 3 : i32
          %add3A_287 = vector.broadcast %add3A_286 : i32 to vector<16xi32>
          %add3A_288 = arith.addi %iota3A, %add3A_287 : vector<16xi32>
          %and3A_289 = arith.constant 15 : i32
          %and3A_290 = vector.broadcast %and3A_289 : i32 to vector<16xi32>
          %and3A_291 = arith.andi %add3A_288, %and3A_290 : vector<16xi32>
          %add3A_292 = arith.addi %shift_left3A_285, %and3A_291 : vector<16xi32>
          tpu.vector_store_idx %arg9[%add3A_279, %add3A_292], %gather3A_272 : memref<32x128xf32, #tpu.memory_space<vmem>>[vector<16xi32>, vector<16xi32>], vector<16xf32>,
          %add3A_293 = arith.constant 12 : i32
          %add3A_294 = vector.broadcast %add3A_293 : i32 to vector<16xi32>
          %add3A_295 = arith.addi %iota3A, %add3A_294 : vector<16xi32>
          %and3A_296 = arith.constant 15 : i32
          %and3A_297 = vector.broadcast %and3A_296 : i32 to vector<16xi32>
          %and3A_298 = arith.andi %add3A_295, %and3A_297 : vector<16xi32>
          %add3A_299 = vector.broadcast %mul3A_117 : i32 to vector<16xi32>
          %add3A_300 = arith.addi %add3A_299, %and3A_298 : vector<16xi32>
          %gather3A_301 = tpu.vector_load_idx %arg5[%iota3A, %add3A_300] : memref<16x256xf32, #tpu.memory_space<vmem>>[vector<16xi32>, vector<16xi32>], vector<16xf32>,
          %add3A_302 = arith.constant 4 : i32
          %add3A_303 = vector.broadcast %add3A_302 : i32 to vector<16xi32>
          %add3A_304 = arith.addi %iota3A, %add3A_303 : vector<16xi32>
          %and3A_305 = arith.constant 15 : i32
          %and3A_306 = vector.broadcast %and3A_305 : i32 to vector<16xi32>
          %and3A_307 = arith.andi %add3A_304, %and3A_306 : vector<16xi32>
          %lt3A_308 = arith.constant 0 : i32
          %lt3A_309 = vector.broadcast %lt3A_308 : i32 to vector<16xi32>
          %lt3A_310 = arith.cmpi slt, %and3A_307, %lt3A_309 : vector<16xi32>
          %add3A_311 = arith.constant 16 : i32
          %add3A_312 = vector.broadcast %add3A_311 : i32 to vector<16xi32>
          %add3A_313 = arith.addi %and3A_307, %add3A_312 : vector<16xi32>
          %select_n3A_314 = arith.select %lt3A_310, %add3A_313, %and3A_307 : vector<16xi1>, vector<16xi32>
          %broadcast_in_dim3A_315 = vector.shape_cast %select_n3A_314 : vector<16xi32> to vector<16x1xi32>
          %gather3A_316 = vector.shape_cast %broadcast_in_dim3A_315 : vector<16x1xi32> to vector<16xi32>
          %gather3A_317 = tpu.dynamic_gather %gather3A_301[%gather3A_316] in [0] : vector<16xf32>, vector<16xi32> -> vector<16xf32>
          %mul3A_318 = arith.constant 2 : i32
          %mul3A_319 = arith.muli %mul3A_318, %scan3A_115 : i32
          %shift_right_arithmetic3A_320 = arith.constant 3 : i32
          %shift_right_arithmetic3A_321 = vector.broadcast %shift_right_arithmetic3A_320 : i32 to vector<16xi32>
          %shift_right_arithmetic3A_322 = arith.shrsi %iota3A, %shift_right_arithmetic3A_321 : vector<16xi32>
          %add3A_323 = vector.broadcast %mul3A_319 : i32 to vector<16xi32>
          %add3A_324 = arith.addi %add3A_323, %shift_right_arithmetic3A_322 : vector<16xi32>
          %and3A_325 = arith.constant 7 : i32
          %and3A_326 = vector.broadcast %and3A_325 : i32 to vector<16xi32>
          %and3A_327 = arith.andi %iota3A, %and3A_326 : vector<16xi32>
          %shift_left3A_328 = arith.constant 4 : i32
          %shift_left3A_329 = vector.broadcast %shift_left3A_328 : i32 to vector<16xi32>
          %shift_left3A_330 = arith.shli %and3A_327, %shift_left3A_329 : vector<16xi32>
          %add3A_331 = arith.constant 4 : i32
          %add3A_332 = vector.broadcast %add3A_331 : i32 to vector<16xi32>
          %add3A_333 = arith.addi %iota3A, %add3A_332 : vector<16xi32>
          %and3A_334 = arith.constant 15 : i32
          %and3A_335 = vector.broadcast %and3A_334 : i32 to vector<16xi32>
          %and3A_336 = arith.andi %add3A_333, %and3A_335 : vector<16xi32>
          %add3A_337 = arith.addi %shift_left3A_330, %and3A_336 : vector<16xi32>
          tpu.vector_store_idx %arg9[%add3A_324, %add3A_337], %gather3A_317 : memref<32x128xf32, #tpu.memory_space<vmem>>[vector<16xi32>, vector<16xi32>], vector<16xf32>,
          %add3A_338 = arith.constant 11 : i32
          %add3A_339 = vector.broadcast %add3A_338 : i32 to vector<16xi32>
          %add3A_340 = arith.addi %iota3A, %add3A_339 : vector<16xi32>
          %and3A_341 = arith.constant 15 : i32
          %and3A_342 = vector.broadcast %and3A_341 : i32 to vector<16xi32>
          %and3A_343 = arith.andi %add3A_340, %and3A_342 : vector<16xi32>
          %add3A_344 = vector.broadcast %mul3A_117 : i32 to vector<16xi32>
          %add3A_345 = arith.addi %add3A_344, %and3A_343 : vector<16xi32>
          %gather3A_346 = tpu.vector_load_idx %arg5[%iota3A, %add3A_345] : memref<16x256xf32, #tpu.memory_space<vmem>>[vector<16xi32>, vector<16xi32>], vector<16xf32>,
          %add3A_347 = arith.constant 5 : i32
          %add3A_348 = vector.broadcast %add3A_347 : i32 to vector<16xi32>
          %add3A_349 = arith.addi %iota3A, %add3A_348 : vector<16xi32>
          %and3A_350 = arith.constant 15 : i32
          %and3A_351 = vector.broadcast %and3A_350 : i32 to vector<16xi32>
          %and3A_352 = arith.andi %add3A_349, %and3A_351 : vector<16xi32>
          %lt3A_353 = arith.constant 0 : i32
          %lt3A_354 = vector.broadcast %lt3A_353 : i32 to vector<16xi32>
          %lt3A_355 = arith.cmpi slt, %and3A_352, %lt3A_354 : vector<16xi32>
          %add3A_356 = arith.constant 16 : i32
          %add3A_357 = vector.broadcast %add3A_356 : i32 to vector<16xi32>
          %add3A_358 = arith.addi %and3A_352, %add3A_357 : vector<16xi32>
          %select_n3A_359 = arith.select %lt3A_355, %add3A_358, %and3A_352 : vector<16xi1>, vector<16xi32>
          %broadcast_in_dim3A_360 = vector.shape_cast %select_n3A_359 : vector<16xi32> to vector<16x1xi32>
          %gather3A_361 = vector.shape_cast %broadcast_in_dim3A_360 : vector<16x1xi32> to vector<16xi32>
          %gather3A_362 = tpu.dynamic_gather %gather3A_346[%gather3A_361] in [0] : vector<16xf32>, vector<16xi32> -> vector<16xf32>
          %mul3A_363 = arith.constant 2 : i32
          %mul3A_364 = arith.muli %mul3A_363, %scan3A_115 : i32
          %shift_right_arithmetic3A_365 = arith.constant 3 : i32
          %shift_right_arithmetic3A_366 = vector.broadcast %shift_right_arithmetic3A_365 : i32 to vector<16xi32>
          %shift_right_arithmetic3A_367 = arith.shrsi %iota3A, %shift_right_arithmetic3A_366 : vector<16xi32>
          %add3A_368 = vector.broadcast %mul3A_364 : i32 to vector<16xi32>
          %add3A_369 = arith.addi %add3A_368, %shift_right_arithmetic3A_367 : vector<16xi32>
          %and3A_370 = arith.constant 7 : i32
          %and3A_371 = vector.broadcast %and3A_370 : i32 to vector<16xi32>
          %and3A_372 = arith.andi %iota3A, %and3A_371 : vector<16xi32>
          %shift_left3A_373 = arith.constant 4 : i32
          %shift_left3A_374 = vector.broadcast %shift_left3A_373 : i32 to vector<16xi32>
          %shift_left3A_375 = arith.shli %and3A_372, %shift_left3A_374 : vector<16xi32>
          %add3A_376 = arith.constant 5 : i32
          %add3A_377 = vector.broadcast %add3A_376 : i32 to vector<16xi32>
          %add3A_378 = arith.addi %iota3A, %add3A_377 : vector<16xi32>
          %and3A_379 = arith.constant 15 : i32
          %and3A_380 = vector.broadcast %and3A_379 : i32 to vector<16xi32>
          %and3A_381 = arith.andi %add3A_378, %and3A_380 : vector<16xi32>
          %add3A_382 = arith.addi %shift_left3A_375, %and3A_381 : vector<16xi32>
          tpu.vector_store_idx %arg9[%add3A_369, %add3A_382], %gather3A_362 : memref<32x128xf32, #tpu.memory_space<vmem>>[vector<16xi32>, vector<16xi32>], vector<16xf32>,
          %add3A_383 = arith.constant 10 : i32
          %add3A_384 = vector.broadcast %add3A_383 : i32 to vector<16xi32>
          %add3A_385 = arith.addi %iota3A, %add3A_384 : vector<16xi32>
          %and3A_386 = arith.constant 15 : i32
          %and3A_387 = vector.broadcast %and3A_386 : i32 to vector<16xi32>
          %and3A_388 = arith.andi %add3A_385, %and3A_387 : vector<16xi32>
          %add3A_389 = vector.broadcast %mul3A_117 : i32 to vector<16xi32>
          %add3A_390 = arith.addi %add3A_389, %and3A_388 : vector<16xi32>
          %gather3A_391 = tpu.vector_load_idx %arg5[%iota3A, %add3A_390] : memref<16x256xf32, #tpu.memory_space<vmem>>[vector<16xi32>, vector<16xi32>], vector<16xf32>,
          %add3A_392 = arith.constant 6 : i32
          %add3A_393 = vector.broadcast %add3A_392 : i32 to vector<16xi32>
          %add3A_394 = arith.addi %iota3A, %add3A_393 : vector<16xi32>
          %and3A_395 = arith.constant 15 : i32
          %and3A_396 = vector.broadcast %and3A_395 : i32 to vector<16xi32>
          %and3A_397 = arith.andi %add3A_394, %and3A_396 : vector<16xi32>
          %lt3A_398 = arith.constant 0 : i32
          %lt3A_399 = vector.broadcast %lt3A_398 : i32 to vector<16xi32>
          %lt3A_400 = arith.cmpi slt, %and3A_397, %lt3A_399 : vector<16xi32>
          %add3A_401 = arith.constant 16 : i32
          %add3A_402 = vector.broadcast %add3A_401 : i32 to vector<16xi32>
          %add3A_403 = arith.addi %and3A_397, %add3A_402 : vector<16xi32>
          %select_n3A_404 = arith.select %lt3A_400, %add3A_403, %and3A_397 : vector<16xi1>, vector<16xi32>
          %broadcast_in_dim3A_405 = vector.shape_cast %select_n3A_404 : vector<16xi32> to vector<16x1xi32>
          %gather3A_406 = vector.shape_cast %broadcast_in_dim3A_405 : vector<16x1xi32> to vector<16xi32>
          %gather3A_407 = tpu.dynamic_gather %gather3A_391[%gather3A_406] in [0] : vector<16xf32>, vector<16xi32> -> vector<16xf32>
          %mul3A_408 = arith.constant 2 : i32
          %mul3A_409 = arith.muli %mul3A_408, %scan3A_115 : i32
          %shift_right_arithmetic3A_410 = arith.constant 3 : i32
          %shift_right_arithmetic3A_411 = vector.broadcast %shift_right_arithmetic3A_410 : i32 to vector<16xi32>
          %shift_right_arithmetic3A_412 = arith.shrsi %iota3A, %shift_right_arithmetic3A_411 : vector<16xi32>
          %add3A_413 = vector.broadcast %mul3A_409 : i32 to vector<16xi32>
          %add3A_414 = arith.addi %add3A_413, %shift_right_arithmetic3A_412 : vector<16xi32>
          %and3A_415 = arith.constant 7 : i32
          %and3A_416 = vector.broadcast %and3A_415 : i32 to vector<16xi32>
          %and3A_417 = arith.andi %iota3A, %and3A_416 : vector<16xi32>
          %shift_left3A_418 = arith.constant 4 : i32
          %shift_left3A_419 = vector.broadcast %shift_left3A_418 : i32 to vector<16xi32>
          %shift_left3A_420 = arith.shli %and3A_417, %shift_left3A_419 : vector<16xi32>
          %add3A_421 = arith.constant 6 : i32
          %add3A_422 = vector.broadcast %add3A_421 : i32 to vector<16xi32>
          %add3A_423 = arith.addi %iota3A, %add3A_422 : vector<16xi32>
          %and3A_424 = arith.constant 15 : i32
          %and3A_425 = vector.broadcast %and3A_424 : i32 to vector<16xi32>
          %and3A_426 = arith.andi %add3A_423, %and3A_425 : vector<16xi32>
          %add3A_427 = arith.addi %shift_left3A_420, %and3A_426 : vector<16xi32>
          tpu.vector_store_idx %arg9[%add3A_414, %add3A_427], %gather3A_407 : memref<32x128xf32, #tpu.memory_space<vmem>>[vector<16xi32>, vector<16xi32>], vector<16xf32>,
          %add3A_428 = arith.constant 9 : i32
          %add3A_429 = vector.broadcast %add3A_428 : i32 to vector<16xi32>
          %add3A_430 = arith.addi %iota3A, %add3A_429 : vector<16xi32>
          %and3A_431 = arith.constant 15 : i32
          %and3A_432 = vector.broadcast %and3A_431 : i32 to vector<16xi32>
          %and3A_433 = arith.andi %add3A_430, %and3A_432 : vector<16xi32>
          %add3A_434 = vector.broadcast %mul3A_117 : i32 to vector<16xi32>
          %add3A_435 = arith.addi %add3A_434, %and3A_433 : vector<16xi32>
          %gather3A_436 = tpu.vector_load_idx %arg5[%iota3A, %add3A_435] : memref<16x256xf32, #tpu.memory_space<vmem>>[vector<16xi32>, vector<16xi32>], vector<16xf32>,
          %add3A_437 = arith.constant 7 : i32
          %add3A_438 = vector.broadcast %add3A_437 : i32 to vector<16xi32>
          %add3A_439 = arith.addi %iota3A, %add3A_438 : vector<16xi32>
          %and3A_440 = arith.constant 15 : i32
          %and3A_441 = vector.broadcast %and3A_440 : i32 to vector<16xi32>
          %and3A_442 = arith.andi %add3A_439, %and3A_441 : vector<16xi32>
          %lt3A_443 = arith.constant 0 : i32
          %lt3A_444 = vector.broadcast %lt3A_443 : i32 to vector<16xi32>
          %lt3A_445 = arith.cmpi slt, %and3A_442, %lt3A_444 : vector<16xi32>
          %add3A_446 = arith.constant 16 : i32
          %add3A_447 = vector.broadcast %add3A_446 : i32 to vector<16xi32>
          %add3A_448 = arith.addi %and3A_442, %add3A_447 : vector<16xi32>
          %select_n3A_449 = arith.select %lt3A_445, %add3A_448, %and3A_442 : vector<16xi1>, vector<16xi32>
          %broadcast_in_dim3A_450 = vector.shape_cast %select_n3A_449 : vector<16xi32> to vector<16x1xi32>
          %gather3A_451 = vector.shape_cast %broadcast_in_dim3A_450 : vector<16x1xi32> to vector<16xi32>
          %gather3A_452 = tpu.dynamic_gather %gather3A_436[%gather3A_451] in [0] : vector<16xf32>, vector<16xi32> -> vector<16xf32>
          %mul3A_453 = arith.constant 2 : i32
          %mul3A_454 = arith.muli %mul3A_453, %scan3A_115 : i32
          %shift_right_arithmetic3A_455 = arith.constant 3 : i32
          %shift_right_arithmetic3A_456 = vector.broadcast %shift_right_arithmetic3A_455 : i32 to vector<16xi32>
          %shift_right_arithmetic3A_457 = arith.shrsi %iota3A, %shift_right_arithmetic3A_456 : vector<16xi32>
          %add3A_458 = vector.broadcast %mul3A_454 : i32 to vector<16xi32>
          %add3A_459 = arith.addi %add3A_458, %shift_right_arithmetic3A_457 : vector<16xi32>
          %and3A_460 = arith.constant 7 : i32
          %and3A_461 = vector.broadcast %and3A_460 : i32 to vector<16xi32>
          %and3A_462 = arith.andi %iota3A, %and3A_461 : vector<16xi32>
          %shift_left3A_463 = arith.constant 4 : i32
          %shift_left3A_464 = vector.broadcast %shift_left3A_463 : i32 to vector<16xi32>
          %shift_left3A_465 = arith.shli %and3A_462, %shift_left3A_464 : vector<16xi32>
          %add3A_466 = arith.constant 7 : i32
          %add3A_467 = vector.broadcast %add3A_466 : i32 to vector<16xi32>
          %add3A_468 = arith.addi %iota3A, %add3A_467 : vector<16xi32>
          %and3A_469 = arith.constant 15 : i32
          %and3A_470 = vector.broadcast %and3A_469 : i32 to vector<16xi32>
          %and3A_471 = arith.andi %add3A_468, %and3A_470 : vector<16xi32>
          %add3A_472 = arith.addi %shift_left3A_465, %and3A_471 : vector<16xi32>
          tpu.vector_store_idx %arg9[%add3A_459, %add3A_472], %gather3A_452 : memref<32x128xf32, #tpu.memory_space<vmem>>[vector<16xi32>, vector<16xi32>], vector<16xf32>,
          %add3A_473 = arith.constant 8 : i32
          %add3A_474 = vector.broadcast %add3A_473 : i32 to vector<16xi32>
          %add3A_475 = arith.addi %iota3A, %add3A_474 : vector<16xi32>
          %and3A_476 = arith.constant 15 : i32
          %and3A_477 = vector.broadcast %and3A_476 : i32 to vector<16xi32>
          %and3A_478 = arith.andi %add3A_475, %and3A_477 : vector<16xi32>
          %add3A_479 = vector.broadcast %mul3A_117 : i32 to vector<16xi32>
          %add3A_480 = arith.addi %add3A_479, %and3A_478 : vector<16xi32>
          %gather3A_481 = tpu.vector_load_idx %arg5[%iota3A, %add3A_480] : memref<16x256xf32, #tpu.memory_space<vmem>>[vector<16xi32>, vector<16xi32>], vector<16xf32>,
          %add3A_482 = arith.constant 8 : i32
          %add3A_483 = vector.broadcast %add3A_482 : i32 to vector<16xi32>
          %add3A_484 = arith.addi %iota3A, %add3A_483 : vector<16xi32>
          %and3A_485 = arith.constant 15 : i32
          %and3A_486 = vector.broadcast %and3A_485 : i32 to vector<16xi32>
          %and3A_487 = arith.andi %add3A_484, %and3A_486 : vector<16xi32>
          %lt3A_488 = arith.constant 0 : i32
          %lt3A_489 = vector.broadcast %lt3A_488 : i32 to vector<16xi32>
          %lt3A_490 = arith.cmpi slt, %and3A_487, %lt3A_489 : vector<16xi32>
          %add3A_491 = arith.constant 16 : i32
          %add3A_492 = vector.broadcast %add3A_491 : i32 to vector<16xi32>
          %add3A_493 = arith.addi %and3A_487, %add3A_492 : vector<16xi32>
          %select_n3A_494 = arith.select %lt3A_490, %add3A_493, %and3A_487 : vector<16xi1>, vector<16xi32>
          %broadcast_in_dim3A_495 = vector.shape_cast %select_n3A_494 : vector<16xi32> to vector<16x1xi32>
          %gather3A_496 = vector.shape_cast %broadcast_in_dim3A_495 : vector<16x1xi32> to vector<16xi32>
          %gather3A_497 = tpu.dynamic_gather %gather3A_481[%gather3A_496] in [0] : vector<16xf32>, vector<16xi32> -> vector<16xf32>
          %mul3A_498 = arith.constant 2 : i32
          %mul3A_499 = arith.muli %mul3A_498, %scan3A_115 : i32
          %shift_right_arithmetic3A_500 = arith.constant 3 : i32
          %shift_right_arithmetic3A_501 = vector.broadcast %shift_right_arithmetic3A_500 : i32 to vector<16xi32>
          %shift_right_arithmetic3A_502 = arith.shrsi %iota3A, %shift_right_arithmetic3A_501 : vector<16xi32>
          %add3A_503 = vector.broadcast %mul3A_499 : i32 to vector<16xi32>
          %add3A_504 = arith.addi %add3A_503, %shift_right_arithmetic3A_502 : vector<16xi32>
          %and3A_505 = arith.constant 7 : i32
          %and3A_506 = vector.broadcast %and3A_505 : i32 to vector<16xi32>
          %and3A_507 = arith.andi %iota3A, %and3A_506 : vector<16xi32>
          %shift_left3A_508 = arith.constant 4 : i32
          %shift_left3A_509 = vector.broadcast %shift_left3A_508 : i32 to vector<16xi32>
          %shift_left3A_510 = arith.shli %and3A_507, %shift_left3A_509 : vector<16xi32>
          %add3A_511 = arith.constant 8 : i32
          %add3A_512 = vector.broadcast %add3A_511 : i32 to vector<16xi32>
          %add3A_513 = arith.addi %iota3A, %add3A_512 : vector<16xi32>
          %and3A_514 = arith.constant 15 : i32
          %and3A_515 = vector.broadcast %and3A_514 : i32 to vector<16xi32>
          %and3A_516 = arith.andi %add3A_513, %and3A_515 : vector<16xi32>
          %add3A_517 = arith.addi %shift_left3A_510, %and3A_516 : vector<16xi32>
          tpu.vector_store_idx %arg9[%add3A_504, %add3A_517], %gather3A_497 : memref<32x128xf32, #tpu.memory_space<vmem>>[vector<16xi32>, vector<16xi32>], vector<16xf32>,
          %add3A_518 = arith.constant 7 : i32
          %add3A_519 = vector.broadcast %add3A_518 : i32 to vector<16xi32>
          %add3A_520 = arith.addi %iota3A, %add3A_519 : vector<16xi32>
          %and3A_521 = arith.constant 15 : i32
          %and3A_522 = vector.broadcast %and3A_521 : i32 to vector<16xi32>
          %and3A_523 = arith.andi %add3A_520, %and3A_522 : vector<16xi32>
          %add3A_524 = vector.broadcast %mul3A_117 : i32 to vector<16xi32>
          %add3A_525 = arith.addi %add3A_524, %and3A_523 : vector<16xi32>
          %gather3A_526 = tpu.vector_load_idx %arg5[%iota3A, %add3A_525] : memref<16x256xf32, #tpu.memory_space<vmem>>[vector<16xi32>, vector<16xi32>], vector<16xf32>,
          %add3A_527 = arith.constant 9 : i32
          %add3A_528 = vector.broadcast %add3A_527 : i32 to vector<16xi32>
          %add3A_529 = arith.addi %iota3A, %add3A_528 : vector<16xi32>
          %and3A_530 = arith.constant 15 : i32
          %and3A_531 = vector.broadcast %and3A_530 : i32 to vector<16xi32>
          %and3A_532 = arith.andi %add3A_529, %and3A_531 : vector<16xi32>
          %lt3A_533 = arith.constant 0 : i32
          %lt3A_534 = vector.broadcast %lt3A_533 : i32 to vector<16xi32>
          %lt3A_535 = arith.cmpi slt, %and3A_532, %lt3A_534 : vector<16xi32>
          %add3A_536 = arith.constant 16 : i32
          %add3A_537 = vector.broadcast %add3A_536 : i32 to vector<16xi32>
          %add3A_538 = arith.addi %and3A_532, %add3A_537 : vector<16xi32>
          %select_n3A_539 = arith.select %lt3A_535, %add3A_538, %and3A_532 : vector<16xi1>, vector<16xi32>
          %broadcast_in_dim3A_540 = vector.shape_cast %select_n3A_539 : vector<16xi32> to vector<16x1xi32>
          %gather3A_541 = vector.shape_cast %broadcast_in_dim3A_540 : vector<16x1xi32> to vector<16xi32>
          %gather3A_542 = tpu.dynamic_gather %gather3A_526[%gather3A_541] in [0] : vector<16xf32>, vector<16xi32> -> vector<16xf32>
          %mul3A_543 = arith.constant 2 : i32
          %mul3A_544 = arith.muli %mul3A_543, %scan3A_115 : i32
          %shift_right_arithmetic3A_545 = arith.constant 3 : i32
          %shift_right_arithmetic3A_546 = vector.broadcast %shift_right_arithmetic3A_545 : i32 to vector<16xi32>
          %shift_right_arithmetic3A_547 = arith.shrsi %iota3A, %shift_right_arithmetic3A_546 : vector<16xi32>
          %add3A_548 = vector.broadcast %mul3A_544 : i32 to vector<16xi32>
          %add3A_549 = arith.addi %add3A_548, %shift_right_arithmetic3A_547 : vector<16xi32>
          %and3A_550 = arith.constant 7 : i32
          %and3A_551 = vector.broadcast %and3A_550 : i32 to vector<16xi32>
          %and3A_552 = arith.andi %iota3A, %and3A_551 : vector<16xi32>
          %shift_left3A_553 = arith.constant 4 : i32
          %shift_left3A_554 = vector.broadcast %shift_left3A_553 : i32 to vector<16xi32>
          %shift_left3A_555 = arith.shli %and3A_552, %shift_left3A_554 : vector<16xi32>
          %add3A_556 = arith.constant 9 : i32
          %add3A_557 = vector.broadcast %add3A_556 : i32 to vector<16xi32>
          %add3A_558 = arith.addi %iota3A, %add3A_557 : vector<16xi32>
          %and3A_559 = arith.constant 15 : i32
          %and3A_560 = vector.broadcast %and3A_559 : i32 to vector<16xi32>
          %and3A_561 = arith.andi %add3A_558, %and3A_560 : vector<16xi32>
          %add3A_562 = arith.addi %shift_left3A_555, %and3A_561 : vector<16xi32>
          tpu.vector_store_idx %arg9[%add3A_549, %add3A_562], %gather3A_542 : memref<32x128xf32, #tpu.memory_space<vmem>>[vector<16xi32>, vector<16xi32>], vector<16xf32>,
          %add3A_563 = arith.constant 6 : i32
          %add3A_564 = vector.broadcast %add3A_563 : i32 to vector<16xi32>
          %add3A_565 = arith.addi %iota3A, %add3A_564 : vector<16xi32>
          %and3A_566 = arith.constant 15 : i32
          %and3A_567 = vector.broadcast %and3A_566 : i32 to vector<16xi32>
          %and3A_568 = arith.andi %add3A_565, %and3A_567 : vector<16xi32>
          %add3A_569 = vector.broadcast %mul3A_117 : i32 to vector<16xi32>
          %add3A_570 = arith.addi %add3A_569, %and3A_568 : vector<16xi32>
          %gather3A_571 = tpu.vector_load_idx %arg5[%iota3A, %add3A_570] : memref<16x256xf32, #tpu.memory_space<vmem>>[vector<16xi32>, vector<16xi32>], vector<16xf32>,
          %add3A_572 = arith.constant 10 : i32
          %add3A_573 = vector.broadcast %add3A_572 : i32 to vector<16xi32>
          %add3A_574 = arith.addi %iota3A, %add3A_573 : vector<16xi32>
          %and3A_575 = arith.constant 15 : i32
          %and3A_576 = vector.broadcast %and3A_575 : i32 to vector<16xi32>
          %and3A_577 = arith.andi %add3A_574, %and3A_576 : vector<16xi32>
          %lt3A_578 = arith.constant 0 : i32
          %lt3A_579 = vector.broadcast %lt3A_578 : i32 to vector<16xi32>
          %lt3A_580 = arith.cmpi slt, %and3A_577, %lt3A_579 : vector<16xi32>
          %add3A_581 = arith.constant 16 : i32
          %add3A_582 = vector.broadcast %add3A_581 : i32 to vector<16xi32>
          %add3A_583 = arith.addi %and3A_577, %add3A_582 : vector<16xi32>
          %select_n3A_584 = arith.select %lt3A_580, %add3A_583, %and3A_577 : vector<16xi1>, vector<16xi32>
          %broadcast_in_dim3A_585 = vector.shape_cast %select_n3A_584 : vector<16xi32> to vector<16x1xi32>
          %gather3A_586 = vector.shape_cast %broadcast_in_dim3A_585 : vector<16x1xi32> to vector<16xi32>
          %gather3A_587 = tpu.dynamic_gather %gather3A_571[%gather3A_586] in [0] : vector<16xf32>, vector<16xi32> -> vector<16xf32>
          %mul3A_588 = arith.constant 2 : i32
          %mul3A_589 = arith.muli %mul3A_588, %scan3A_115 : i32
          %shift_right_arithmetic3A_590 = arith.constant 3 : i32
          %shift_right_arithmetic3A_591 = vector.broadcast %shift_right_arithmetic3A_590 : i32 to vector<16xi32>
          %shift_right_arithmetic3A_592 = arith.shrsi %iota3A, %shift_right_arithmetic3A_591 : vector<16xi32>
          %add3A_593 = vector.broadcast %mul3A_589 : i32 to vector<16xi32>
          %add3A_594 = arith.addi %add3A_593, %shift_right_arithmetic3A_592 : vector<16xi32>
          %and3A_595 = arith.constant 7 : i32
          %and3A_596 = vector.broadcast %and3A_595 : i32 to vector<16xi32>
          %and3A_597 = arith.andi %iota3A, %and3A_596 : vector<16xi32>
          %shift_left3A_598 = arith.constant 4 : i32
          %shift_left3A_599 = vector.broadcast %shift_left3A_598 : i32 to vector<16xi32>
          %shift_left3A_600 = arith.shli %and3A_597, %shift_left3A_599 : vector<16xi32>
          %add3A_601 = arith.constant 10 : i32
          %add3A_602 = vector.broadcast %add3A_601 : i32 to vector<16xi32>
          %add3A_603 = arith.addi %iota3A, %add3A_602 : vector<16xi32>
          %and3A_604 = arith.constant 15 : i32
          %and3A_605 = vector.broadcast %and3A_604 : i32 to vector<16xi32>
          %and3A_606 = arith.andi %add3A_603, %and3A_605 : vector<16xi32>
          %add3A_607 = arith.addi %shift_left3A_600, %and3A_606 : vector<16xi32>
          tpu.vector_store_idx %arg9[%add3A_594, %add3A_607], %gather3A_587 : memref<32x128xf32, #tpu.memory_space<vmem>>[vector<16xi32>, vector<16xi32>], vector<16xf32>,
          %add3A_608 = arith.constant 5 : i32
          %add3A_609 = vector.broadcast %add3A_608 : i32 to vector<16xi32>
          %add3A_610 = arith.addi %iota3A, %add3A_609 : vector<16xi32>
          %and3A_611 = arith.constant 15 : i32
          %and3A_612 = vector.broadcast %and3A_611 : i32 to vector<16xi32>
          %and3A_613 = arith.andi %add3A_610, %and3A_612 : vector<16xi32>
          %add3A_614 = vector.broadcast %mul3A_117 : i32 to vector<16xi32>
          %add3A_615 = arith.addi %add3A_614, %and3A_613 : vector<16xi32>
          %gather3A_616 = tpu.vector_load_idx %arg5[%iota3A, %add3A_615] : memref<16x256xf32, #tpu.memory_space<vmem>>[vector<16xi32>, vector<16xi32>], vector<16xf32>,
          %add3A_617 = arith.constant 11 : i32
          %add3A_618 = vector.broadcast %add3A_617 : i32 to vector<16xi32>
          %add3A_619 = arith.addi %iota3A, %add3A_618 : vector<16xi32>
          %and3A_620 = arith.constant 15 : i32
          %and3A_621 = vector.broadcast %and3A_620 : i32 to vector<16xi32>
          %and3A_622 = arith.andi %add3A_619, %and3A_621 : vector<16xi32>
          %lt3A_623 = arith.constant 0 : i32
          %lt3A_624 = vector.broadcast %lt3A_623 : i32 to vector<16xi32>
          %lt3A_625 = arith.cmpi slt, %and3A_622, %lt3A_624 : vector<16xi32>
          %add3A_626 = arith.constant 16 : i32
          %add3A_627 = vector.broadcast %add3A_626 : i32 to vector<16xi32>
          %add3A_628 = arith.addi %and3A_622, %add3A_627 : vector<16xi32>
          %select_n3A_629 = arith.select %lt3A_625, %add3A_628, %and3A_622 : vector<16xi1>, vector<16xi32>
          %broadcast_in_dim3A_630 = vector.shape_cast %select_n3A_629 : vector<16xi32> to vector<16x1xi32>
          %gather3A_631 = vector.shape_cast %broadcast_in_dim3A_630 : vector<16x1xi32> to vector<16xi32>
          %gather3A_632 = tpu.dynamic_gather %gather3A_616[%gather3A_631] in [0] : vector<16xf32>, vector<16xi32> -> vector<16xf32>
          %mul3A_633 = arith.constant 2 : i32
          %mul3A_634 = arith.muli %mul3A_633, %scan3A_115 : i32
          %shift_right_arithmetic3A_635 = arith.constant 3 : i32
          %shift_right_arithmetic3A_636 = vector.broadcast %shift_right_arithmetic3A_635 : i32 to vector<16xi32>
          %shift_right_arithmetic3A_637 = arith.shrsi %iota3A, %shift_right_arithmetic3A_636 : vector<16xi32>
          %add3A_638 = vector.broadcast %mul3A_634 : i32 to vector<16xi32>
          %add3A_639 = arith.addi %add3A_638, %shift_right_arithmetic3A_637 : vector<16xi32>
          %and3A_640 = arith.constant 7 : i32
          %and3A_641 = vector.broadcast %and3A_640 : i32 to vector<16xi32>
          %and3A_642 = arith.andi %iota3A, %and3A_641 : vector<16xi32>
          %shift_left3A_643 = arith.constant 4 : i32
          %shift_left3A_644 = vector.broadcast %shift_left3A_643 : i32 to vector<16xi32>
          %shift_left3A_645 = arith.shli %and3A_642, %shift_left3A_644 : vector<16xi32>
          %add3A_646 = arith.constant 11 : i32
          %add3A_647 = vector.broadcast %add3A_646 : i32 to vector<16xi32>
          %add3A_648 = arith.addi %iota3A, %add3A_647 : vector<16xi32>
          %and3A_649 = arith.constant 15 : i32
          %and3A_650 = vector.broadcast %and3A_649 : i32 to vector<16xi32>
          %and3A_651 = arith.andi %add3A_648, %and3A_650 : vector<16xi32>
          %add3A_652 = arith.addi %shift_left3A_645, %and3A_651 : vector<16xi32>
          tpu.vector_store_idx %arg9[%add3A_639, %add3A_652], %gather3A_632 : memref<32x128xf32, #tpu.memory_space<vmem>>[vector<16xi32>, vector<16xi32>], vector<16xf32>,
          %add3A_653 = arith.constant 4 : i32
          %add3A_654 = vector.broadcast %add3A_653 : i32 to vector<16xi32>
          %add3A_655 = arith.addi %iota3A, %add3A_654 : vector<16xi32>
          %and3A_656 = arith.constant 15 : i32
          %and3A_657 = vector.broadcast %and3A_656 : i32 to vector<16xi32>
          %and3A_658 = arith.andi %add3A_655, %and3A_657 : vector<16xi32>
          %add3A_659 = vector.broadcast %mul3A_117 : i32 to vector<16xi32>
          %add3A_660 = arith.addi %add3A_659, %and3A_658 : vector<16xi32>
          %gather3A_661 = tpu.vector_load_idx %arg5[%iota3A, %add3A_660] : memref<16x256xf32, #tpu.memory_space<vmem>>[vector<16xi32>, vector<16xi32>], vector<16xf32>,
          %add3A_662 = arith.constant 12 : i32
          %add3A_663 = vector.broadcast %add3A_662 : i32 to vector<16xi32>
          %add3A_664 = arith.addi %iota3A, %add3A_663 : vector<16xi32>
          %and3A_665 = arith.constant 15 : i32
          %and3A_666 = vector.broadcast %and3A_665 : i32 to vector<16xi32>
          %and3A_667 = arith.andi %add3A_664, %and3A_666 : vector<16xi32>
          %lt3A_668 = arith.constant 0 : i32
          %lt3A_669 = vector.broadcast %lt3A_668 : i32 to vector<16xi32>
          %lt3A_670 = arith.cmpi slt, %and3A_667, %lt3A_669 : vector<16xi32>
          %add3A_671 = arith.constant 16 : i32
          %add3A_672 = vector.broadcast %add3A_671 : i32 to vector<16xi32>
          %add3A_673 = arith.addi %and3A_667, %add3A_672 : vector<16xi32>
          %select_n3A_674 = arith.select %lt3A_670, %add3A_673, %and3A_667 : vector<16xi1>, vector<16xi32>
          %broadcast_in_dim3A_675 = vector.shape_cast %select_n3A_674 : vector<16xi32> to vector<16x1xi32>
          %gather3A_676 = vector.shape_cast %broadcast_in_dim3A_675 : vector<16x1xi32> to vector<16xi32>
          %gather3A_677 = tpu.dynamic_gather %gather3A_661[%gather3A_676] in [0] : vector<16xf32>, vector<16xi32> -> vector<16xf32>
          %mul3A_678 = arith.constant 2 : i32
          %mul3A_679 = arith.muli %mul3A_678, %scan3A_115 : i32
          %shift_right_arithmetic3A_680 = arith.constant 3 : i32
          %shift_right_arithmetic3A_681 = vector.broadcast %shift_right_arithmetic3A_680 : i32 to vector<16xi32>
          %shift_right_arithmetic3A_682 = arith.shrsi %iota3A, %shift_right_arithmetic3A_681 : vector<16xi32>
          %add3A_683 = vector.broadcast %mul3A_679 : i32 to vector<16xi32>
          %add3A_684 = arith.addi %add3A_683, %shift_right_arithmetic3A_682 : vector<16xi32>
          %and3A_685 = arith.constant 7 : i32
          %and3A_686 = vector.broadcast %and3A_685 : i32 to vector<16xi32>
          %and3A_687 = arith.andi %iota3A, %and3A_686 : vector<16xi32>
          %shift_left3A_688 = arith.constant 4 : i32
          %shift_left3A_689 = vector.broadcast %shift_left3A_688 : i32 to vector<16xi32>
          %shift_left3A_690 = arith.shli %and3A_687, %shift_left3A_689 : vector<16xi32>
          %add3A_691 = arith.constant 12 : i32
          %add3A_692 = vector.broadcast %add3A_691 : i32 to vector<16xi32>
          %add3A_693 = arith.addi %iota3A, %add3A_692 : vector<16xi32>
          %and3A_694 = arith.constant 15 : i32
          %and3A_695 = vector.broadcast %and3A_694 : i32 to vector<16xi32>
          %and3A_696 = arith.andi %add3A_693, %and3A_695 : vector<16xi32>
          %add3A_697 = arith.addi %shift_left3A_690, %and3A_696 : vector<16xi32>
          tpu.vector_store_idx %arg9[%add3A_684, %add3A_697], %gather3A_677 : memref<32x128xf32, #tpu.memory_space<vmem>>[vector<16xi32>, vector<16xi32>], vector<16xf32>,
          %add3A_698 = arith.constant 3 : i32
          %add3A_699 = vector.broadcast %add3A_698 : i32 to vector<16xi32>
          %add3A_700 = arith.addi %iota3A, %add3A_699 : vector<16xi32>
          %and3A_701 = arith.constant 15 : i32
          %and3A_702 = vector.broadcast %and3A_701 : i32 to vector<16xi32>
          %and3A_703 = arith.andi %add3A_700, %and3A_702 : vector<16xi32>
          %add3A_704 = vector.broadcast %mul3A_117 : i32 to vector<16xi32>
          %add3A_705 = arith.addi %add3A_704, %and3A_703 : vector<16xi32>
          %gather3A_706 = tpu.vector_load_idx %arg5[%iota3A, %add3A_705] : memref<16x256xf32, #tpu.memory_space<vmem>>[vector<16xi32>, vector<16xi32>], vector<16xf32>,
          %add3A_707 = arith.constant 13 : i32
          %add3A_708 = vector.broadcast %add3A_707 : i32 to vector<16xi32>
          %add3A_709 = arith.addi %iota3A, %add3A_708 : vector<16xi32>
          %and3A_710 = arith.constant 15 : i32
          %and3A_711 = vector.broadcast %and3A_710 : i32 to vector<16xi32>
          %and3A_712 = arith.andi %add3A_709, %and3A_711 : vector<16xi32>
          %lt3A_713 = arith.constant 0 : i32
          %lt3A_714 = vector.broadcast %lt3A_713 : i32 to vector<16xi32>
          %lt3A_715 = arith.cmpi slt, %and3A_712, %lt3A_714 : vector<16xi32>
          %add3A_716 = arith.constant 16 : i32
          %add3A_717 = vector.broadcast %add3A_716 : i32 to vector<16xi32>
          %add3A_718 = arith.addi %and3A_712, %add3A_717 : vector<16xi32>
          %select_n3A_719 = arith.select %lt3A_715, %add3A_718, %and3A_712 : vector<16xi1>, vector<16xi32>
          %broadcast_in_dim3A_720 = vector.shape_cast %select_n3A_719 : vector<16xi32> to vector<16x1xi32>
          %gather3A_721 = vector.shape_cast %broadcast_in_dim3A_720 : vector<16x1xi32> to vector<16xi32>
          %gather3A_722 = tpu.dynamic_gather %gather3A_706[%gather3A_721] in [0] : vector<16xf32>, vector<16xi32> -> vector<16xf32>
          %mul3A_723 = arith.constant 2 : i32
          %mul3A_724 = arith.muli %mul3A_723, %scan3A_115 : i32
          %shift_right_arithmetic3A_725 = arith.constant 3 : i32
          %shift_right_arithmetic3A_726 = vector.broadcast %shift_right_arithmetic3A_725 : i32 to vector<16xi32>
          %shift_right_arithmetic3A_727 = arith.shrsi %iota3A, %shift_right_arithmetic3A_726 : vector<16xi32>
          %add3A_728 = vector.broadcast %mul3A_724 : i32 to vector<16xi32>
          %add3A_729 = arith.addi %add3A_728, %shift_right_arithmetic3A_727 : vector<16xi32>
          %and3A_730 = arith.constant 7 : i32
          %and3A_731 = vector.broadcast %and3A_730 : i32 to vector<16xi32>
          %and3A_732 = arith.andi %iota3A, %and3A_731 : vector<16xi32>
          %shift_left3A_733 = arith.constant 4 : i32
          %shift_left3A_734 = vector.broadcast %shift_left3A_733 : i32 to vector<16xi32>
          %shift_left3A_735 = arith.shli %and3A_732, %shift_left3A_734 : vector<16xi32>
          %add3A_736 = arith.constant 13 : i32
          %add3A_737 = vector.broadcast %add3A_736 : i32 to vector<16xi32>
          %add3A_738 = arith.addi %iota3A, %add3A_737 : vector<16xi32>
          %and3A_739 = arith.constant 15 : i32
          %and3A_740 = vector.broadcast %and3A_739 : i32 to vector<16xi32>
          %and3A_741 = arith.andi %add3A_738, %and3A_740 : vector<16xi32>
          %add3A_742 = arith.addi %shift_left3A_735, %and3A_741 : vector<16xi32>
          tpu.vector_store_idx %arg9[%add3A_729, %add3A_742], %gather3A_722 : memref<32x128xf32, #tpu.memory_space<vmem>>[vector<16xi32>, vector<16xi32>], vector<16xf32>,
          %add3A_743 = arith.constant 2 : i32
          %add3A_744 = vector.broadcast %add3A_743 : i32 to vector<16xi32>
          %add3A_745 = arith.addi %iota3A, %add3A_744 : vector<16xi32>
          %and3A_746 = arith.constant 15 : i32
          %and3A_747 = vector.broadcast %and3A_746 : i32 to vector<16xi32>
          %and3A_748 = arith.andi %add3A_745, %and3A_747 : vector<16xi32>
          %add3A_749 = vector.broadcast %mul3A_117 : i32 to vector<16xi32>
          %add3A_750 = arith.addi %add3A_749, %and3A_748 : vector<16xi32>
          %gather3A_751 = tpu.vector_load_idx %arg5[%iota3A, %add3A_750] : memref<16x256xf32, #tpu.memory_space<vmem>>[vector<16xi32>, vector<16xi32>], vector<16xf32>,
          %add3A_752 = arith.constant 14 : i32
          %add3A_753 = vector.broadcast %add3A_752 : i32 to vector<16xi32>
          %add3A_754 = arith.addi %iota3A, %add3A_753 : vector<16xi32>
          %and3A_755 = arith.constant 15 : i32
          %and3A_756 = vector.broadcast %and3A_755 : i32 to vector<16xi32>
          %and3A_757 = arith.andi %add3A_754, %and3A_756 : vector<16xi32>
          %lt3A_758 = arith.constant 0 : i32
          %lt3A_759 = vector.broadcast %lt3A_758 : i32 to vector<16xi32>
          %lt3A_760 = arith.cmpi slt, %and3A_757, %lt3A_759 : vector<16xi32>
          %add3A_761 = arith.constant 16 : i32
          %add3A_762 = vector.broadcast %add3A_761 : i32 to vector<16xi32>
          %add3A_763 = arith.addi %and3A_757, %add3A_762 : vector<16xi32>
          %select_n3A_764 = arith.select %lt3A_760, %add3A_763, %and3A_757 : vector<16xi1>, vector<16xi32>
          %broadcast_in_dim3A_765 = vector.shape_cast %select_n3A_764 : vector<16xi32> to vector<16x1xi32>
          %gather3A_766 = vector.shape_cast %broadcast_in_dim3A_765 : vector<16x1xi32> to vector<16xi32>
          %gather3A_767 = tpu.dynamic_gather %gather3A_751[%gather3A_766] in [0] : vector<16xf32>, vector<16xi32> -> vector<16xf32>
          %mul3A_768 = arith.constant 2 : i32
          %mul3A_769 = arith.muli %mul3A_768, %scan3A_115 : i32
          %shift_right_arithmetic3A_770 = arith.constant 3 : i32
          %shift_right_arithmetic3A_771 = vector.broadcast %shift_right_arithmetic3A_770 : i32 to vector<16xi32>
          %shift_right_arithmetic3A_772 = arith.shrsi %iota3A, %shift_right_arithmetic3A_771 : vector<16xi32>
          %add3A_773 = vector.broadcast %mul3A_769 : i32 to vector<16xi32>
          %add3A_774 = arith.addi %add3A_773, %shift_right_arithmetic3A_772 : vector<16xi32>
          %and3A_775 = arith.constant 7 : i32
          %and3A_776 = vector.broadcast %and3A_775 : i32 to vector<16xi32>
          %and3A_777 = arith.andi %iota3A, %and3A_776 : vector<16xi32>
          %shift_left3A_778 = arith.constant 4 : i32
          %shift_left3A_779 = vector.broadcast %shift_left3A_778 : i32 to vector<16xi32>
          %shift_left3A_780 = arith.shli %and3A_777, %shift_left3A_779 : vector<16xi32>
          %add3A_781 = arith.constant 14 : i32
          %add3A_782 = vector.broadcast %add3A_781 : i32 to vector<16xi32>
          %add3A_783 = arith.addi %iota3A, %add3A_782 : vector<16xi32>
          %and3A_784 = arith.constant 15 : i32
          %and3A_785 = vector.broadcast %and3A_784 : i32 to vector<16xi32>
          %and3A_786 = arith.andi %add3A_783, %and3A_785 : vector<16xi32>
          %add3A_787 = arith.addi %shift_left3A_780, %and3A_786 : vector<16xi32>
          tpu.vector_store_idx %arg9[%add3A_774, %add3A_787], %gather3A_767 : memref<32x128xf32, #tpu.memory_space<vmem>>[vector<16xi32>, vector<16xi32>], vector<16xf32>,
          %add3A_788 = arith.constant 1 : i32
          %add3A_789 = vector.broadcast %add3A_788 : i32 to vector<16xi32>
          %add3A_790 = arith.addi %iota3A, %add3A_789 : vector<16xi32>
          %and3A_791 = arith.constant 15 : i32
          %and3A_792 = vector.broadcast %and3A_791 : i32 to vector<16xi32>
          %and3A_793 = arith.andi %add3A_790, %and3A_792 : vector<16xi32>
          %add3A_794 = vector.broadcast %mul3A_117 : i32 to vector<16xi32>
          %add3A_795 = arith.addi %add3A_794, %and3A_793 : vector<16xi32>
          %gather3A_796 = tpu.vector_load_idx %arg5[%iota3A, %add3A_795] : memref<16x256xf32, #tpu.memory_space<vmem>>[vector<16xi32>, vector<16xi32>], vector<16xf32>,
          %add3A_797 = arith.constant 15 : i32
          %add3A_798 = vector.broadcast %add3A_797 : i32 to vector<16xi32>
          %add3A_799 = arith.addi %iota3A, %add3A_798 : vector<16xi32>
          %and3A_800 = arith.constant 15 : i32
          %and3A_801 = vector.broadcast %and3A_800 : i32 to vector<16xi32>
          %and3A_802 = arith.andi %add3A_799, %and3A_801 : vector<16xi32>
          %lt3A_803 = arith.constant 0 : i32
          %lt3A_804 = vector.broadcast %lt3A_803 : i32 to vector<16xi32>
          %lt3A_805 = arith.cmpi slt, %and3A_802, %lt3A_804 : vector<16xi32>
          %add3A_806 = arith.constant 16 : i32
          %add3A_807 = vector.broadcast %add3A_806 : i32 to vector<16xi32>
          %add3A_808 = arith.addi %and3A_802, %add3A_807 : vector<16xi32>
          %select_n3A_809 = arith.select %lt3A_805, %add3A_808, %and3A_802 : vector<16xi1>, vector<16xi32>
          %broadcast_in_dim3A_810 = vector.shape_cast %select_n3A_809 : vector<16xi32> to vector<16x1xi32>
          %gather3A_811 = vector.shape_cast %broadcast_in_dim3A_810 : vector<16x1xi32> to vector<16xi32>
          %gather3A_812 = tpu.dynamic_gather %gather3A_796[%gather3A_811] in [0] : vector<16xf32>, vector<16xi32> -> vector<16xf32>
          %mul3A_813 = arith.constant 2 : i32
          %mul3A_814 = arith.muli %mul3A_813, %scan3A_115 : i32
          %shift_right_arithmetic3A_815 = arith.constant 3 : i32
          %shift_right_arithmetic3A_816 = vector.broadcast %shift_right_arithmetic3A_815 : i32 to vector<16xi32>
          %shift_right_arithmetic3A_817 = arith.shrsi %iota3A, %shift_right_arithmetic3A_816 : vector<16xi32>
          %add3A_818 = vector.broadcast %mul3A_814 : i32 to vector<16xi32>
          %add3A_819 = arith.addi %add3A_818, %shift_right_arithmetic3A_817 : vector<16xi32>
          %and3A_820 = arith.constant 7 : i32
          %and3A_821 = vector.broadcast %and3A_820 : i32 to vector<16xi32>
          %and3A_822 = arith.andi %iota3A, %and3A_821 : vector<16xi32>
          %shift_left3A_823 = arith.constant 4 : i32
          %shift_left3A_824 = vector.broadcast %shift_left3A_823 : i32 to vector<16xi32>
          %shift_left3A_825 = arith.shli %and3A_822, %shift_left3A_824 : vector<16xi32>
          %add3A_826 = arith.constant 15 : i32
          %add3A_827 = vector.broadcast %add3A_826 : i32 to vector<16xi32>
          %add3A_828 = arith.addi %iota3A, %add3A_827 : vector<16xi32>
          %and3A_829 = arith.constant 15 : i32
          %and3A_830 = vector.broadcast %and3A_829 : i32 to vector<16xi32>
          %and3A_831 = arith.andi %add3A_828, %and3A_830 : vector<16xi32>
          %add3A_832 = arith.addi %shift_left3A_825, %and3A_831 : vector<16xi32>
          tpu.vector_store_idx %arg9[%add3A_819, %add3A_832], %gather3A_812 : memref<32x128xf32, #tpu.memory_space<vmem>>[vector<16xi32>, vector<16xi32>], vector<16xf32>,
        }
        %scan3A_100 = arith.constant 16 : i32
        %mul3A_101 = arith.constant 32 : i32
        %mul3A_102 = arith.muli %add3A_56, %mul3A_101 : i32
        %add3A_103 = arith.addi %mul3A_102, %add3A : i32
        %mul3A_104 = arith.constant 32 : i32
        %mul3A_105 = arith.muli %add3A_103, %mul3A_104 : i32
        %dma_start3A = arith.constant 0 : i32
        %dma_start3A_106 = tpu.memref_slice %arg4[%mul3A_105, %dma_start3A] : memref<125000x128xf32, #tpu.memory_space<hbm>> -> memref<32x128xf32, #tpu.memory_space<hbm>>
        %dma_start3A_107 = arith.constant 0 : i32
        %dma_start3A_108 = tpu.memref_slice %arg4[%mul3A_105, %dma_start3A_107] : memref<125000x128xf32, #tpu.memory_space<hbm>> -> memref<32x128xf32, #tpu.memory_space<hbm>>
        tpu.enqueue_dma source(%arg9 : memref<32x128xf32, #tpu.memory_space<vmem>>) target(%dma_start3A_108 : memref<32x128xf32, #tpu.memory_space<hbm>>) target_semaphore(%arg14 : memref<!tpu.dma_semaphore, #tpu.memory_space<semaphore_mem>>)
        %add3A_109 = arith.constant 4 : i32
        %add3A_110 = arith.addi %add3A_56, %add3A_109 : i32
        %lt3A_111 = arith.cmpi slt, %add3A_110, %select_n3A : i32
        %convert_element_type3A_112 = arith.extui %lt3A_111 : i1 to i32
        %cond3A_113 = arith.constant 0 : i32
        %cond3A_114 = arith.cmpi ne, %convert_element_type3A_112, %cond3A_113 : i32
        scf.if %cond3A_114 {
          %mul3A_115 = arith.constant 32 : i32
          %mul3A_116 = arith.muli %add3A_110, %mul3A_115 : i32
          %add3A_117 = arith.addi %mul3A_116, %add3A : i32
          %mul3A_118 = arith.constant 256 : i32
          %mul3A_119 = arith.muli %add3A_117, %mul3A_118 : i32
          %dma_start3A_120 = arith.constant 0 : i32
          %dma_start3A_121 = tpu.memref_slice %arg2[%dma_start3A_120, %mul3A_119] : memref<16x1000000xf32, #tpu.memory_space<hbm>> -> memref<16x256xf32, #tpu.memory_space<hbm>>
          %dma_start3A_122 = arith.constant 0 : i32
          %dma_start3A_123 = tpu.memref_slice %arg2[%dma_start3A_122, %mul3A_119] : memref<16x1000000xf32, #tpu.memory_space<hbm>> -> memref<16x256xf32, #tpu.memory_space<hbm>>
          tpu.enqueue_dma source(%dma_start3A_123 : memref<16x256xf32, #tpu.memory_space<hbm>>) target(%arg5 : memref<16x256xf32, #tpu.memory_space<vmem>>) target_semaphore(%arg13 : memref<!tpu.dma_semaphore, #tpu.memory_space<semaphore_mem>>)
        } else {
        }
      } else {
      }
      %mul3A_61 = arith.constant 4 : i32
      %mul3A_62 = arith.muli %scan3A_52, %mul3A_61 : i32
      %add3A_63 = arith.constant 1 : i32
      %add3A_64 = arith.addi %mul3A_62, %add3A_63 : i32
      %lt3A_65 = arith.cmpi slt, %add3A_64, %select_n3A : i32
      %convert_element_type3A_66 = arith.extui %lt3A_65 : i1 to i32
      %cond3A_67 = arith.constant 0 : i32
      %cond3A_68 = arith.cmpi ne, %convert_element_type3A_66, %cond3A_67 : i32
      scf.if %cond3A_68 {
        %dma_wait3A_85 = arith.constant 0 : i32
        %dma_wait3A_86 = arith.constant 0 : i32
        %dma_wait3A_87 = tpu.memref_slice %arg2[%dma_wait3A_85, %dma_wait3A_86] : memref<16x1000000xf32, #tpu.memory_space<hbm>> -> memref<16x256xf32, #tpu.memory_space<hbm>>
        %dma_wait3A_88 = arith.constant 0 : i32
        %dma_wait3A_89 = arith.constant 0 : i32
        %dma_wait3A_90 = tpu.memref_slice %arg2[%dma_wait3A_88, %dma_wait3A_89] : memref<16x1000000xf32, #tpu.memory_space<hbm>> -> memref<16x256xf32, #tpu.memory_space<hbm>>
        tpu.wait_dma2 semaphore(%arg13 : memref<!tpu.dma_semaphore, #tpu.memory_space<semaphore_mem>>) src(%dma_wait3A_90 : memref<16x256xf32, #tpu.memory_space<hbm>>) dst(%arg6 : memref<16x256xf32, #tpu.memory_space<vmem>>)
        %ge3A = arith.constant 4 : i32
        %ge3A_91 = arith.cmpi sge, %add3A_64, %ge3A : i32
        %convert_element_type3A_92 = arith.extui %ge3A_91 : i1 to i32
        %cond3A_93 = arith.constant 0 : i32
        %cond3A_94 = arith.cmpi ne, %convert_element_type3A_92, %cond3A_93 : i32
        scf.if %cond3A_94 {
          %dma_wait3A_115 = arith.constant 0 : i32
          %dma_wait3A_116 = arith.constant 0 : i32
          %dma_wait3A_117 = tpu.memref_slice %arg4[%dma_wait3A_115, %dma_wait3A_116] : memref<125000x128xf32, #tpu.memory_space<hbm>> -> memref<32x128xf32, #tpu.memory_space<hbm>>
          %dma_wait3A_118 = arith.constant 0 : i32
          %dma_wait3A_119 = arith.constant 0 : i32
          %dma_wait3A_120 = tpu.memref_slice %arg4[%dma_wait3A_118, %dma_wait3A_119] : memref<125000x128xf32, #tpu.memory_space<hbm>> -> memref<32x128xf32, #tpu.memory_space<hbm>>
          tpu.wait_dma2 semaphore(%arg14 : memref<!tpu.dma_semaphore, #tpu.memory_space<semaphore_mem>>) src(%arg10 : memref<32x128xf32, #tpu.memory_space<vmem>>) dst(%dma_wait3A_120 : memref<32x128xf32, #tpu.memory_space<hbm>>)
        } else {
        }
        %scan3A_95 = arith.constant 0 : i32
        %scan3A_96 = arith.constant 0 : i32
        %scan3A_97 = arith.constant 16 : i32
        %scan3A_98 = arith.addi %scan3A_96, %scan3A_97 : i32
        %scan3A_99 = arith.constant 1 : i32
        scf.for %scan3A_115 = %scan3A_96 to %scan3A_98 step %scan3A_99  : i32 {
          %mul3A_116 = arith.constant 16 : i32
          %mul3A_117 = arith.muli %scan3A_115, %mul3A_116 : i32
          %add3A_118 = arith.constant 0 : i32
          %add3A_119 = vector.broadcast %add3A_118 : i32 to vector<16xi32>
          %add3A_120 = arith.addi %iota3A, %add3A_119 : vector<16xi32>
          %and3A = arith.constant 15 : i32
          %and3A_121 = vector.broadcast %and3A : i32 to vector<16xi32>
          %and3A_122 = arith.andi %add3A_120, %and3A_121 : vector<16xi32>
          %add3A_123 = vector.broadcast %mul3A_117 : i32 to vector<16xi32>
          %add3A_124 = arith.addi %add3A_123, %and3A_122 : vector<16xi32>
          %gather3A = tpu.vector_load_idx %arg6[%iota3A, %add3A_124] : memref<16x256xf32, #tpu.memory_space<vmem>>[vector<16xi32>, vector<16xi32>], vector<16xf32>,
          %add3A_125 = arith.constant 0 : i32
          %add3A_126 = vector.broadcast %add3A_125 : i32 to vector<16xi32>
          %add3A_127 = arith.addi %iota3A, %add3A_126 : vector<16xi32>
          %and3A_128 = arith.constant 15 : i32
          %and3A_129 = vector.broadcast %and3A_128 : i32 to vector<16xi32>
          %and3A_130 = arith.andi %add3A_127, %and3A_129 : vector<16xi32>
          %lt3A_131 = arith.constant 0 : i32
          %lt3A_132 = vector.broadcast %lt3A_131 : i32 to vector<16xi32>
          %lt3A_133 = arith.cmpi slt, %and3A_130, %lt3A_132 : vector<16xi32>
          %add3A_134 = arith.constant 16 : i32
          %add3A_135 = vector.broadcast %add3A_134 : i32 to vector<16xi32>
          %add3A_136 = arith.addi %and3A_130, %add3A_135 : vector<16xi32>
          %select_n3A_137 = arith.select %lt3A_133, %add3A_136, %and3A_130 : vector<16xi1>, vector<16xi32>
          %broadcast_in_dim3A = vector.shape_cast %select_n3A_137 : vector<16xi32> to vector<16x1xi32>
          %gather3A_138 = vector.shape_cast %broadcast_in_dim3A : vector<16x1xi32> to vector<16xi32>
          %gather3A_139 = tpu.dynamic_gather %gather3A[%gather3A_138] in [0] : vector<16xf32>, vector<16xi32> -> vector<16xf32>
          %mul3A_140 = arith.constant 2 : i32
          %mul3A_141 = arith.muli %mul3A_140, %scan3A_115 : i32
          %shift_right_arithmetic3A = arith.constant 3 : i32
          %shift_right_arithmetic3A_142 = vector.broadcast %shift_right_arithmetic3A : i32 to vector<16xi32>
          %shift_right_arithmetic3A_143 = arith.shrsi %iota3A, %shift_right_arithmetic3A_142 : vector<16xi32>
          %add3A_144 = vector.broadcast %mul3A_141 : i32 to vector<16xi32>
          %add3A_145 = arith.addi %add3A_144, %shift_right_arithmetic3A_143 : vector<16xi32>
          %and3A_146 = arith.constant 7 : i32
          %and3A_147 = vector.broadcast %and3A_146 : i32 to vector<16xi32>
          %and3A_148 = arith.andi %iota3A, %and3A_147 : vector<16xi32>
          %shift_left3A = arith.constant 4 : i32
          %shift_left3A_149 = vector.broadcast %shift_left3A : i32 to vector<16xi32>
          %shift_left3A_150 = arith.shli %and3A_148, %shift_left3A_149 : vector<16xi32>
          %add3A_151 = arith.constant 0 : i32
          %add3A_152 = vector.broadcast %add3A_151 : i32 to vector<16xi32>
          %add3A_153 = arith.addi %iota3A, %add3A_152 : vector<16xi32>
          %and3A_154 = arith.constant 15 : i32
          %and3A_155 = vector.broadcast %and3A_154 : i32 to vector<16xi32>
          %and3A_156 = arith.andi %add3A_153, %and3A_155 : vector<16xi32>
          %add3A_157 = arith.addi %shift_left3A_150, %and3A_156 : vector<16xi32>
          tpu.vector_store_idx %arg10[%add3A_145, %add3A_157], %gather3A_139 : memref<32x128xf32, #tpu.memory_space<vmem>>[vector<16xi32>, vector<16xi32>], vector<16xf32>,
          %add3A_158 = arith.constant 15 : i32
          %add3A_159 = vector.broadcast %add3A_158 : i32 to vector<16xi32>
          %add3A_160 = arith.addi %iota3A, %add3A_159 : vector<16xi32>
          %and3A_161 = arith.constant 15 : i32
          %and3A_162 = vector.broadcast %and3A_161 : i32 to vector<16xi32>
          %and3A_163 = arith.andi %add3A_160, %and3A_162 : vector<16xi32>
          %add3A_164 = vector.broadcast %mul3A_117 : i32 to vector<16xi32>
          %add3A_165 = arith.addi %add3A_164, %and3A_163 : vector<16xi32>
          %gather3A_166 = tpu.vector_load_idx %arg6[%iota3A, %add3A_165] : memref<16x256xf32, #tpu.memory_space<vmem>>[vector<16xi32>, vector<16xi32>], vector<16xf32>,
          %add3A_167 = arith.constant 1 : i32
          %add3A_168 = vector.broadcast %add3A_167 : i32 to vector<16xi32>
          %add3A_169 = arith.addi %iota3A, %add3A_168 : vector<16xi32>
          %and3A_170 = arith.constant 15 : i32
          %and3A_171 = vector.broadcast %and3A_170 : i32 to vector<16xi32>
          %and3A_172 = arith.andi %add3A_169, %and3A_171 : vector<16xi32>
          %lt3A_173 = arith.constant 0 : i32
          %lt3A_174 = vector.broadcast %lt3A_173 : i32 to vector<16xi32>
          %lt3A_175 = arith.cmpi slt, %and3A_172, %lt3A_174 : vector<16xi32>
          %add3A_176 = arith.constant 16 : i32
          %add3A_177 = vector.broadcast %add3A_176 : i32 to vector<16xi32>
          %add3A_178 = arith.addi %and3A_172, %add3A_177 : vector<16xi32>
          %select_n3A_179 = arith.select %lt3A_175, %add3A_178, %and3A_172 : vector<16xi1>, vector<16xi32>
          %broadcast_in_dim3A_180 = vector.shape_cast %select_n3A_179 : vector<16xi32> to vector<16x1xi32>
          %gather3A_181 = vector.shape_cast %broadcast_in_dim3A_180 : vector<16x1xi32> to vector<16xi32>
          %gather3A_182 = tpu.dynamic_gather %gather3A_166[%gather3A_181] in [0] : vector<16xf32>, vector<16xi32> -> vector<16xf32>
          %mul3A_183 = arith.constant 2 : i32
          %mul3A_184 = arith.muli %mul3A_183, %scan3A_115 : i32
          %shift_right_arithmetic3A_185 = arith.constant 3 : i32
          %shift_right_arithmetic3A_186 = vector.broadcast %shift_right_arithmetic3A_185 : i32 to vector<16xi32>
          %shift_right_arithmetic3A_187 = arith.shrsi %iota3A, %shift_right_arithmetic3A_186 : vector<16xi32>
          %add3A_188 = vector.broadcast %mul3A_184 : i32 to vector<16xi32>
          %add3A_189 = arith.addi %add3A_188, %shift_right_arithmetic3A_187 : vector<16xi32>
          %and3A_190 = arith.constant 7 : i32
          %and3A_191 = vector.broadcast %and3A_190 : i32 to vector<16xi32>
          %and3A_192 = arith.andi %iota3A, %and3A_191 : vector<16xi32>
          %shift_left3A_193 = arith.constant 4 : i32
          %shift_left3A_194 = vector.broadcast %shift_left3A_193 : i32 to vector<16xi32>
          %shift_left3A_195 = arith.shli %and3A_192, %shift_left3A_194 : vector<16xi32>
          %add3A_196 = arith.constant 1 : i32
          %add3A_197 = vector.broadcast %add3A_196 : i32 to vector<16xi32>
          %add3A_198 = arith.addi %iota3A, %add3A_197 : vector<16xi32>
          %and3A_199 = arith.constant 15 : i32
          %and3A_200 = vector.broadcast %and3A_199 : i32 to vector<16xi32>
          %and3A_201 = arith.andi %add3A_198, %and3A_200 : vector<16xi32>
          %add3A_202 = arith.addi %shift_left3A_195, %and3A_201 : vector<16xi32>
          tpu.vector_store_idx %arg10[%add3A_189, %add3A_202], %gather3A_182 : memref<32x128xf32, #tpu.memory_space<vmem>>[vector<16xi32>, vector<16xi32>], vector<16xf32>,
          %add3A_203 = arith.constant 14 : i32
          %add3A_204 = vector.broadcast %add3A_203 : i32 to vector<16xi32>
          %add3A_205 = arith.addi %iota3A, %add3A_204 : vector<16xi32>
          %and3A_206 = arith.constant 15 : i32
          %and3A_207 = vector.broadcast %and3A_206 : i32 to vector<16xi32>
          %and3A_208 = arith.andi %add3A_205, %and3A_207 : vector<16xi32>
          %add3A_209 = vector.broadcast %mul3A_117 : i32 to vector<16xi32>
          %add3A_210 = arith.addi %add3A_209, %and3A_208 : vector<16xi32>
          %gather3A_211 = tpu.vector_load_idx %arg6[%iota3A, %add3A_210] : memref<16x256xf32, #tpu.memory_space<vmem>>[vector<16xi32>, vector<16xi32>], vector<16xf32>,
          %add3A_212 = arith.constant 2 : i32
          %add3A_213 = vector.broadcast %add3A_212 : i32 to vector<16xi32>
          %add3A_214 = arith.addi %iota3A, %add3A_213 : vector<16xi32>
          %and3A_215 = arith.constant 15 : i32
          %and3A_216 = vector.broadcast %and3A_215 : i32 to vector<16xi32>
          %and3A_217 = arith.andi %add3A_214, %and3A_216 : vector<16xi32>
          %lt3A_218 = arith.constant 0 : i32
          %lt3A_219 = vector.broadcast %lt3A_218 : i32 to vector<16xi32>
          %lt3A_220 = arith.cmpi slt, %and3A_217, %lt3A_219 : vector<16xi32>
          %add3A_221 = arith.constant 16 : i32
          %add3A_222 = vector.broadcast %add3A_221 : i32 to vector<16xi32>
          %add3A_223 = arith.addi %and3A_217, %add3A_222 : vector<16xi32>
          %select_n3A_224 = arith.select %lt3A_220, %add3A_223, %and3A_217 : vector<16xi1>, vector<16xi32>
          %broadcast_in_dim3A_225 = vector.shape_cast %select_n3A_224 : vector<16xi32> to vector<16x1xi32>
          %gather3A_226 = vector.shape_cast %broadcast_in_dim3A_225 : vector<16x1xi32> to vector<16xi32>
          %gather3A_227 = tpu.dynamic_gather %gather3A_211[%gather3A_226] in [0] : vector<16xf32>, vector<16xi32> -> vector<16xf32>
          %mul3A_228 = arith.constant 2 : i32
          %mul3A_229 = arith.muli %mul3A_228, %scan3A_115 : i32
          %shift_right_arithmetic3A_230 = arith.constant 3 : i32
          %shift_right_arithmetic3A_231 = vector.broadcast %shift_right_arithmetic3A_230 : i32 to vector<16xi32>
          %shift_right_arithmetic3A_232 = arith.shrsi %iota3A, %shift_right_arithmetic3A_231 : vector<16xi32>
          %add3A_233 = vector.broadcast %mul3A_229 : i32 to vector<16xi32>
          %add3A_234 = arith.addi %add3A_233, %shift_right_arithmetic3A_232 : vector<16xi32>
          %and3A_235 = arith.constant 7 : i32
          %and3A_236 = vector.broadcast %and3A_235 : i32 to vector<16xi32>
          %and3A_237 = arith.andi %iota3A, %and3A_236 : vector<16xi32>
          %shift_left3A_238 = arith.constant 4 : i32
          %shift_left3A_239 = vector.broadcast %shift_left3A_238 : i32 to vector<16xi32>
          %shift_left3A_240 = arith.shli %and3A_237, %shift_left3A_239 : vector<16xi32>
          %add3A_241 = arith.constant 2 : i32
          %add3A_242 = vector.broadcast %add3A_241 : i32 to vector<16xi32>
          %add3A_243 = arith.addi %iota3A, %add3A_242 : vector<16xi32>
          %and3A_244 = arith.constant 15 : i32
          %and3A_245 = vector.broadcast %and3A_244 : i32 to vector<16xi32>
          %and3A_246 = arith.andi %add3A_243, %and3A_245 : vector<16xi32>
          %add3A_247 = arith.addi %shift_left3A_240, %and3A_246 : vector<16xi32>
          tpu.vector_store_idx %arg10[%add3A_234, %add3A_247], %gather3A_227 : memref<32x128xf32, #tpu.memory_space<vmem>>[vector<16xi32>, vector<16xi32>], vector<16xf32>,
          %add3A_248 = arith.constant 13 : i32
          %add3A_249 = vector.broadcast %add3A_248 : i32 to vector<16xi32>
          %add3A_250 = arith.addi %iota3A, %add3A_249 : vector<16xi32>
          %and3A_251 = arith.constant 15 : i32
          %and3A_252 = vector.broadcast %and3A_251 : i32 to vector<16xi32>
          %and3A_253 = arith.andi %add3A_250, %and3A_252 : vector<16xi32>
          %add3A_254 = vector.broadcast %mul3A_117 : i32 to vector<16xi32>
          %add3A_255 = arith.addi %add3A_254, %and3A_253 : vector<16xi32>
          %gather3A_256 = tpu.vector_load_idx %arg6[%iota3A, %add3A_255] : memref<16x256xf32, #tpu.memory_space<vmem>>[vector<16xi32>, vector<16xi32>], vector<16xf32>,
          %add3A_257 = arith.constant 3 : i32
          %add3A_258 = vector.broadcast %add3A_257 : i32 to vector<16xi32>
          %add3A_259 = arith.addi %iota3A, %add3A_258 : vector<16xi32>
          %and3A_260 = arith.constant 15 : i32
          %and3A_261 = vector.broadcast %and3A_260 : i32 to vector<16xi32>
          %and3A_262 = arith.andi %add3A_259, %and3A_261 : vector<16xi32>
          %lt3A_263 = arith.constant 0 : i32
          %lt3A_264 = vector.broadcast %lt3A_263 : i32 to vector<16xi32>
          %lt3A_265 = arith.cmpi slt, %and3A_262, %lt3A_264 : vector<16xi32>
          %add3A_266 = arith.constant 16 : i32
          %add3A_267 = vector.broadcast %add3A_266 : i32 to vector<16xi32>
          %add3A_268 = arith.addi %and3A_262, %add3A_267 : vector<16xi32>
          %select_n3A_269 = arith.select %lt3A_265, %add3A_268, %and3A_262 : vector<16xi1>, vector<16xi32>
          %broadcast_in_dim3A_270 = vector.shape_cast %select_n3A_269 : vector<16xi32> to vector<16x1xi32>
          %gather3A_271 = vector.shape_cast %broadcast_in_dim3A_270 : vector<16x1xi32> to vector<16xi32>
          %gather3A_272 = tpu.dynamic_gather %gather3A_256[%gather3A_271] in [0] : vector<16xf32>, vector<16xi32> -> vector<16xf32>
          %mul3A_273 = arith.constant 2 : i32
          %mul3A_274 = arith.muli %mul3A_273, %scan3A_115 : i32
          %shift_right_arithmetic3A_275 = arith.constant 3 : i32
          %shift_right_arithmetic3A_276 = vector.broadcast %shift_right_arithmetic3A_275 : i32 to vector<16xi32>
          %shift_right_arithmetic3A_277 = arith.shrsi %iota3A, %shift_right_arithmetic3A_276 : vector<16xi32>
          %add3A_278 = vector.broadcast %mul3A_274 : i32 to vector<16xi32>
          %add3A_279 = arith.addi %add3A_278, %shift_right_arithmetic3A_277 : vector<16xi32>
          %and3A_280 = arith.constant 7 : i32
          %and3A_281 = vector.broadcast %and3A_280 : i32 to vector<16xi32>
          %and3A_282 = arith.andi %iota3A, %and3A_281 : vector<16xi32>
          %shift_left3A_283 = arith.constant 4 : i32
          %shift_left3A_284 = vector.broadcast %shift_left3A_283 : i32 to vector<16xi32>
          %shift_left3A_285 = arith.shli %and3A_282, %shift_left3A_284 : vector<16xi32>
          %add3A_286 = arith.constant 3 : i32
          %add3A_287 = vector.broadcast %add3A_286 : i32 to vector<16xi32>
          %add3A_288 = arith.addi %iota3A, %add3A_287 : vector<16xi32>
          %and3A_289 = arith.constant 15 : i32
          %and3A_290 = vector.broadcast %and3A_289 : i32 to vector<16xi32>
          %and3A_291 = arith.andi %add3A_288, %and3A_290 : vector<16xi32>
          %add3A_292 = arith.addi %shift_left3A_285, %and3A_291 : vector<16xi32>
          tpu.vector_store_idx %arg10[%add3A_279, %add3A_292], %gather3A_272 : memref<32x128xf32, #tpu.memory_space<vmem>>[vector<16xi32>, vector<16xi32>], vector<16xf32>,
          %add3A_293 = arith.constant 12 : i32
          %add3A_294 = vector.broadcast %add3A_293 : i32 to vector<16xi32>
          %add3A_295 = arith.addi %iota3A, %add3A_294 : vector<16xi32>
          %and3A_296 = arith.constant 15 : i32
          %and3A_297 = vector.broadcast %and3A_296 : i32 to vector<16xi32>
          %and3A_298 = arith.andi %add3A_295, %and3A_297 : vector<16xi32>
          %add3A_299 = vector.broadcast %mul3A_117 : i32 to vector<16xi32>
          %add3A_300 = arith.addi %add3A_299, %and3A_298 : vector<16xi32>
          %gather3A_301 = tpu.vector_load_idx %arg6[%iota3A, %add3A_300] : memref<16x256xf32, #tpu.memory_space<vmem>>[vector<16xi32>, vector<16xi32>], vector<16xf32>,
          %add3A_302 = arith.constant 4 : i32
          %add3A_303 = vector.broadcast %add3A_302 : i32 to vector<16xi32>
          %add3A_304 = arith.addi %iota3A, %add3A_303 : vector<16xi32>
          %and3A_305 = arith.constant 15 : i32
          %and3A_306 = vector.broadcast %and3A_305 : i32 to vector<16xi32>
          %and3A_307 = arith.andi %add3A_304, %and3A_306 : vector<16xi32>
          %lt3A_308 = arith.constant 0 : i32
          %lt3A_309 = vector.broadcast %lt3A_308 : i32 to vector<16xi32>
          %lt3A_310 = arith.cmpi slt, %and3A_307, %lt3A_309 : vector<16xi32>
          %add3A_311 = arith.constant 16 : i32
          %add3A_312 = vector.broadcast %add3A_311 : i32 to vector<16xi32>
          %add3A_313 = arith.addi %and3A_307, %add3A_312 : vector<16xi32>
          %select_n3A_314 = arith.select %lt3A_310, %add3A_313, %and3A_307 : vector<16xi1>, vector<16xi32>
          %broadcast_in_dim3A_315 = vector.shape_cast %select_n3A_314 : vector<16xi32> to vector<16x1xi32>
          %gather3A_316 = vector.shape_cast %broadcast_in_dim3A_315 : vector<16x1xi32> to vector<16xi32>
          %gather3A_317 = tpu.dynamic_gather %gather3A_301[%gather3A_316] in [0] : vector<16xf32>, vector<16xi32> -> vector<16xf32>
          %mul3A_318 = arith.constant 2 : i32
          %mul3A_319 = arith.muli %mul3A_318, %scan3A_115 : i32
          %shift_right_arithmetic3A_320 = arith.constant 3 : i32
          %shift_right_arithmetic3A_321 = vector.broadcast %shift_right_arithmetic3A_320 : i32 to vector<16xi32>
          %shift_right_arithmetic3A_322 = arith.shrsi %iota3A, %shift_right_arithmetic3A_321 : vector<16xi32>
          %add3A_323 = vector.broadcast %mul3A_319 : i32 to vector<16xi32>
          %add3A_324 = arith.addi %add3A_323, %shift_right_arithmetic3A_322 : vector<16xi32>
          %and3A_325 = arith.constant 7 : i32
          %and3A_326 = vector.broadcast %and3A_325 : i32 to vector<16xi32>
          %and3A_327 = arith.andi %iota3A, %and3A_326 : vector<16xi32>
          %shift_left3A_328 = arith.constant 4 : i32
          %shift_left3A_329 = vector.broadcast %shift_left3A_328 : i32 to vector<16xi32>
          %shift_left3A_330 = arith.shli %and3A_327, %shift_left3A_329 : vector<16xi32>
          %add3A_331 = arith.constant 4 : i32
          %add3A_332 = vector.broadcast %add3A_331 : i32 to vector<16xi32>
          %add3A_333 = arith.addi %iota3A, %add3A_332 : vector<16xi32>
          %and3A_334 = arith.constant 15 : i32
          %and3A_335 = vector.broadcast %and3A_334 : i32 to vector<16xi32>
          %and3A_336 = arith.andi %add3A_333, %and3A_335 : vector<16xi32>
          %add3A_337 = arith.addi %shift_left3A_330, %and3A_336 : vector<16xi32>
          tpu.vector_store_idx %arg10[%add3A_324, %add3A_337], %gather3A_317 : memref<32x128xf32, #tpu.memory_space<vmem>>[vector<16xi32>, vector<16xi32>], vector<16xf32>,
          %add3A_338 = arith.constant 11 : i32
          %add3A_339 = vector.broadcast %add3A_338 : i32 to vector<16xi32>
          %add3A_340 = arith.addi %iota3A, %add3A_339 : vector<16xi32>
          %and3A_341 = arith.constant 15 : i32
          %and3A_342 = vector.broadcast %and3A_341 : i32 to vector<16xi32>
          %and3A_343 = arith.andi %add3A_340, %and3A_342 : vector<16xi32>
          %add3A_344 = vector.broadcast %mul3A_117 : i32 to vector<16xi32>
          %add3A_345 = arith.addi %add3A_344, %and3A_343 : vector<16xi32>
          %gather3A_346 = tpu.vector_load_idx %arg6[%iota3A, %add3A_345] : memref<16x256xf32, #tpu.memory_space<vmem>>[vector<16xi32>, vector<16xi32>], vector<16xf32>,
          %add3A_347 = arith.constant 5 : i32
          %add3A_348 = vector.broadcast %add3A_347 : i32 to vector<16xi32>
          %add3A_349 = arith.addi %iota3A, %add3A_348 : vector<16xi32>
          %and3A_350 = arith.constant 15 : i32
          %and3A_351 = vector.broadcast %and3A_350 : i32 to vector<16xi32>
          %and3A_352 = arith.andi %add3A_349, %and3A_351 : vector<16xi32>
          %lt3A_353 = arith.constant 0 : i32
          %lt3A_354 = vector.broadcast %lt3A_353 : i32 to vector<16xi32>
          %lt3A_355 = arith.cmpi slt, %and3A_352, %lt3A_354 : vector<16xi32>
          %add3A_356 = arith.constant 16 : i32
          %add3A_357 = vector.broadcast %add3A_356 : i32 to vector<16xi32>
          %add3A_358 = arith.addi %and3A_352, %add3A_357 : vector<16xi32>
          %select_n3A_359 = arith.select %lt3A_355, %add3A_358, %and3A_352 : vector<16xi1>, vector<16xi32>
          %broadcast_in_dim3A_360 = vector.shape_cast %select_n3A_359 : vector<16xi32> to vector<16x1xi32>
          %gather3A_361 = vector.shape_cast %broadcast_in_dim3A_360 : vector<16x1xi32> to vector<16xi32>
          %gather3A_362 = tpu.dynamic_gather %gather3A_346[%gather3A_361] in [0] : vector<16xf32>, vector<16xi32> -> vector<16xf32>
          %mul3A_363 = arith.constant 2 : i32
          %mul3A_364 = arith.muli %mul3A_363, %scan3A_115 : i32
          %shift_right_arithmetic3A_365 = arith.constant 3 : i32
          %shift_right_arithmetic3A_366 = vector.broadcast %shift_right_arithmetic3A_365 : i32 to vector<16xi32>
          %shift_right_arithmetic3A_367 = arith.shrsi %iota3A, %shift_right_arithmetic3A_366 : vector<16xi32>
          %add3A_368 = vector.broadcast %mul3A_364 : i32 to vector<16xi32>
          %add3A_369 = arith.addi %add3A_368, %shift_right_arithmetic3A_367 : vector<16xi32>
          %and3A_370 = arith.constant 7 : i32
          %and3A_371 = vector.broadcast %and3A_370 : i32 to vector<16xi32>
          %and3A_372 = arith.andi %iota3A, %and3A_371 : vector<16xi32>
          %shift_left3A_373 = arith.constant 4 : i32
          %shift_left3A_374 = vector.broadcast %shift_left3A_373 : i32 to vector<16xi32>
          %shift_left3A_375 = arith.shli %and3A_372, %shift_left3A_374 : vector<16xi32>
          %add3A_376 = arith.constant 5 : i32
          %add3A_377 = vector.broadcast %add3A_376 : i32 to vector<16xi32>
          %add3A_378 = arith.addi %iota3A, %add3A_377 : vector<16xi32>
          %and3A_379 = arith.constant 15 : i32
          %and3A_380 = vector.broadcast %and3A_379 : i32 to vector<16xi32>
          %and3A_381 = arith.andi %add3A_378, %and3A_380 : vector<16xi32>
          %add3A_382 = arith.addi %shift_left3A_375, %and3A_381 : vector<16xi32>
          tpu.vector_store_idx %arg10[%add3A_369, %add3A_382], %gather3A_362 : memref<32x128xf32, #tpu.memory_space<vmem>>[vector<16xi32>, vector<16xi32>], vector<16xf32>,
          %add3A_383 = arith.constant 10 : i32
          %add3A_384 = vector.broadcast %add3A_383 : i32 to vector<16xi32>
          %add3A_385 = arith.addi %iota3A, %add3A_384 : vector<16xi32>
          %and3A_386 = arith.constant 15 : i32
          %and3A_387 = vector.broadcast %and3A_386 : i32 to vector<16xi32>
          %and3A_388 = arith.andi %add3A_385, %and3A_387 : vector<16xi32>
          %add3A_389 = vector.broadcast %mul3A_117 : i32 to vector<16xi32>
          %add3A_390 = arith.addi %add3A_389, %and3A_388 : vector<16xi32>
          %gather3A_391 = tpu.vector_load_idx %arg6[%iota3A, %add3A_390] : memref<16x256xf32, #tpu.memory_space<vmem>>[vector<16xi32>, vector<16xi32>], vector<16xf32>,
          %add3A_392 = arith.constant 6 : i32
          %add3A_393 = vector.broadcast %add3A_392 : i32 to vector<16xi32>
          %add3A_394 = arith.addi %iota3A, %add3A_393 : vector<16xi32>
          %and3A_395 = arith.constant 15 : i32
          %and3A_396 = vector.broadcast %and3A_395 : i32 to vector<16xi32>
          %and3A_397 = arith.andi %add3A_394, %and3A_396 : vector<16xi32>
          %lt3A_398 = arith.constant 0 : i32
          %lt3A_399 = vector.broadcast %lt3A_398 : i32 to vector<16xi32>
          %lt3A_400 = arith.cmpi slt, %and3A_397, %lt3A_399 : vector<16xi32>
          %add3A_401 = arith.constant 16 : i32
          %add3A_402 = vector.broadcast %add3A_401 : i32 to vector<16xi32>
          %add3A_403 = arith.addi %and3A_397, %add3A_402 : vector<16xi32>
          %select_n3A_404 = arith.select %lt3A_400, %add3A_403, %and3A_397 : vector<16xi1>, vector<16xi32>
          %broadcast_in_dim3A_405 = vector.shape_cast %select_n3A_404 : vector<16xi32> to vector<16x1xi32>
          %gather3A_406 = vector.shape_cast %broadcast_in_dim3A_405 : vector<16x1xi32> to vector<16xi32>
          %gather3A_407 = tpu.dynamic_gather %gather3A_391[%gather3A_406] in [0] : vector<16xf32>, vector<16xi32> -> vector<16xf32>
          %mul3A_408 = arith.constant 2 : i32
          %mul3A_409 = arith.muli %mul3A_408, %scan3A_115 : i32
          %shift_right_arithmetic3A_410 = arith.constant 3 : i32
          %shift_right_arithmetic3A_411 = vector.broadcast %shift_right_arithmetic3A_410 : i32 to vector<16xi32>
          %shift_right_arithmetic3A_412 = arith.shrsi %iota3A, %shift_right_arithmetic3A_411 : vector<16xi32>
          %add3A_413 = vector.broadcast %mul3A_409 : i32 to vector<16xi32>
          %add3A_414 = arith.addi %add3A_413, %shift_right_arithmetic3A_412 : vector<16xi32>
          %and3A_415 = arith.constant 7 : i32
          %and3A_416 = vector.broadcast %and3A_415 : i32 to vector<16xi32>
          %and3A_417 = arith.andi %iota3A, %and3A_416 : vector<16xi32>
          %shift_left3A_418 = arith.constant 4 : i32
          %shift_left3A_419 = vector.broadcast %shift_left3A_418 : i32 to vector<16xi32>
          %shift_left3A_420 = arith.shli %and3A_417, %shift_left3A_419 : vector<16xi32>
          %add3A_421 = arith.constant 6 : i32
          %add3A_422 = vector.broadcast %add3A_421 : i32 to vector<16xi32>
          %add3A_423 = arith.addi %iota3A, %add3A_422 : vector<16xi32>
          %and3A_424 = arith.constant 15 : i32
          %and3A_425 = vector.broadcast %and3A_424 : i32 to vector<16xi32>
          %and3A_426 = arith.andi %add3A_423, %and3A_425 : vector<16xi32>
          %add3A_427 = arith.addi %shift_left3A_420, %and3A_426 : vector<16xi32>
          tpu.vector_store_idx %arg10[%add3A_414, %add3A_427], %gather3A_407 : memref<32x128xf32, #tpu.memory_space<vmem>>[vector<16xi32>, vector<16xi32>], vector<16xf32>,
          %add3A_428 = arith.constant 9 : i32
          %add3A_429 = vector.broadcast %add3A_428 : i32 to vector<16xi32>
          %add3A_430 = arith.addi %iota3A, %add3A_429 : vector<16xi32>
          %and3A_431 = arith.constant 15 : i32
          %and3A_432 = vector.broadcast %and3A_431 : i32 to vector<16xi32>
          %and3A_433 = arith.andi %add3A_430, %and3A_432 : vector<16xi32>
          %add3A_434 = vector.broadcast %mul3A_117 : i32 to vector<16xi32>
          %add3A_435 = arith.addi %add3A_434, %and3A_433 : vector<16xi32>
          %gather3A_436 = tpu.vector_load_idx %arg6[%iota3A, %add3A_435] : memref<16x256xf32, #tpu.memory_space<vmem>>[vector<16xi32>, vector<16xi32>], vector<16xf32>,
          %add3A_437 = arith.constant 7 : i32
          %add3A_438 = vector.broadcast %add3A_437 : i32 to vector<16xi32>
          %add3A_439 = arith.addi %iota3A, %add3A_438 : vector<16xi32>
          %and3A_440 = arith.constant 15 : i32
          %and3A_441 = vector.broadcast %and3A_440 : i32 to vector<16xi32>
          %and3A_442 = arith.andi %add3A_439, %and3A_441 : vector<16xi32>
          %lt3A_443 = arith.constant 0 : i32
          %lt3A_444 = vector.broadcast %lt3A_443 : i32 to vector<16xi32>
          %lt3A_445 = arith.cmpi slt, %and3A_442, %lt3A_444 : vector<16xi32>
          %add3A_446 = arith.constant 16 : i32
          %add3A_447 = vector.broadcast %add3A_446 : i32 to vector<16xi32>
          %add3A_448 = arith.addi %and3A_442, %add3A_447 : vector<16xi32>
          %select_n3A_449 = arith.select %lt3A_445, %add3A_448, %and3A_442 : vector<16xi1>, vector<16xi32>
          %broadcast_in_dim3A_450 = vector.shape_cast %select_n3A_449 : vector<16xi32> to vector<16x1xi32>
          %gather3A_451 = vector.shape_cast %broadcast_in_dim3A_450 : vector<16x1xi32> to vector<16xi32>
          %gather3A_452 = tpu.dynamic_gather %gather3A_436[%gather3A_451] in [0] : vector<16xf32>, vector<16xi32> -> vector<16xf32>
          %mul3A_453 = arith.constant 2 : i32
          %mul3A_454 = arith.muli %mul3A_453, %scan3A_115 : i32
          %shift_right_arithmetic3A_455 = arith.constant 3 : i32
          %shift_right_arithmetic3A_456 = vector.broadcast %shift_right_arithmetic3A_455 : i32 to vector<16xi32>
          %shift_right_arithmetic3A_457 = arith.shrsi %iota3A, %shift_right_arithmetic3A_456 : vector<16xi32>
          %add3A_458 = vector.broadcast %mul3A_454 : i32 to vector<16xi32>
          %add3A_459 = arith.addi %add3A_458, %shift_right_arithmetic3A_457 : vector<16xi32>
          %and3A_460 = arith.constant 7 : i32
          %and3A_461 = vector.broadcast %and3A_460 : i32 to vector<16xi32>
          %and3A_462 = arith.andi %iota3A, %and3A_461 : vector<16xi32>
          %shift_left3A_463 = arith.constant 4 : i32
          %shift_left3A_464 = vector.broadcast %shift_left3A_463 : i32 to vector<16xi32>
          %shift_left3A_465 = arith.shli %and3A_462, %shift_left3A_464 : vector<16xi32>
          %add3A_466 = arith.constant 7 : i32
          %add3A_467 = vector.broadcast %add3A_466 : i32 to vector<16xi32>
          %add3A_468 = arith.addi %iota3A, %add3A_467 : vector<16xi32>
          %and3A_469 = arith.constant 15 : i32
          %and3A_470 = vector.broadcast %and3A_469 : i32 to vector<16xi32>
          %and3A_471 = arith.andi %add3A_468, %and3A_470 : vector<16xi32>
          %add3A_472 = arith.addi %shift_left3A_465, %and3A_471 : vector<16xi32>
          tpu.vector_store_idx %arg10[%add3A_459, %add3A_472], %gather3A_452 : memref<32x128xf32, #tpu.memory_space<vmem>>[vector<16xi32>, vector<16xi32>], vector<16xf32>,
          %add3A_473 = arith.constant 8 : i32
          %add3A_474 = vector.broadcast %add3A_473 : i32 to vector<16xi32>
          %add3A_475 = arith.addi %iota3A, %add3A_474 : vector<16xi32>
          %and3A_476 = arith.constant 15 : i32
          %and3A_477 = vector.broadcast %and3A_476 : i32 to vector<16xi32>
          %and3A_478 = arith.andi %add3A_475, %and3A_477 : vector<16xi32>
          %add3A_479 = vector.broadcast %mul3A_117 : i32 to vector<16xi32>
          %add3A_480 = arith.addi %add3A_479, %and3A_478 : vector<16xi32>
          %gather3A_481 = tpu.vector_load_idx %arg6[%iota3A, %add3A_480] : memref<16x256xf32, #tpu.memory_space<vmem>>[vector<16xi32>, vector<16xi32>], vector<16xf32>,
          %add3A_482 = arith.constant 8 : i32
          %add3A_483 = vector.broadcast %add3A_482 : i32 to vector<16xi32>
          %add3A_484 = arith.addi %iota3A, %add3A_483 : vector<16xi32>
          %and3A_485 = arith.constant 15 : i32
          %and3A_486 = vector.broadcast %and3A_485 : i32 to vector<16xi32>
          %and3A_487 = arith.andi %add3A_484, %and3A_486 : vector<16xi32>
          %lt3A_488 = arith.constant 0 : i32
          %lt3A_489 = vector.broadcast %lt3A_488 : i32 to vector<16xi32>
          %lt3A_490 = arith.cmpi slt, %and3A_487, %lt3A_489 : vector<16xi32>
          %add3A_491 = arith.constant 16 : i32
          %add3A_492 = vector.broadcast %add3A_491 : i32 to vector<16xi32>
          %add3A_493 = arith.addi %and3A_487, %add3A_492 : vector<16xi32>
          %select_n3A_494 = arith.select %lt3A_490, %add3A_493, %and3A_487 : vector<16xi1>, vector<16xi32>
          %broadcast_in_dim3A_495 = vector.shape_cast %select_n3A_494 : vector<16xi32> to vector<16x1xi32>
          %gather3A_496 = vector.shape_cast %broadcast_in_dim3A_495 : vector<16x1xi32> to vector<16xi32>
          %gather3A_497 = tpu.dynamic_gather %gather3A_481[%gather3A_496] in [0] : vector<16xf32>, vector<16xi32> -> vector<16xf32>
          %mul3A_498 = arith.constant 2 : i32
          %mul3A_499 = arith.muli %mul3A_498, %scan3A_115 : i32
          %shift_right_arithmetic3A_500 = arith.constant 3 : i32
          %shift_right_arithmetic3A_501 = vector.broadcast %shift_right_arithmetic3A_500 : i32 to vector<16xi32>
          %shift_right_arithmetic3A_502 = arith.shrsi %iota3A, %shift_right_arithmetic3A_501 : vector<16xi32>
          %add3A_503 = vector.broadcast %mul3A_499 : i32 to vector<16xi32>
          %add3A_504 = arith.addi %add3A_503, %shift_right_arithmetic3A_502 : vector<16xi32>
          %and3A_505 = arith.constant 7 : i32
          %and3A_506 = vector.broadcast %and3A_505 : i32 to vector<16xi32>
          %and3A_507 = arith.andi %iota3A, %and3A_506 : vector<16xi32>
          %shift_left3A_508 = arith.constant 4 : i32
          %shift_left3A_509 = vector.broadcast %shift_left3A_508 : i32 to vector<16xi32>
          %shift_left3A_510 = arith.shli %and3A_507, %shift_left3A_509 : vector<16xi32>
          %add3A_511 = arith.constant 8 : i32
          %add3A_512 = vector.broadcast %add3A_511 : i32 to vector<16xi32>
          %add3A_513 = arith.addi %iota3A, %add3A_512 : vector<16xi32>
          %and3A_514 = arith.constant 15 : i32
          %and3A_515 = vector.broadcast %and3A_514 : i32 to vector<16xi32>
          %and3A_516 = arith.andi %add3A_513, %and3A_515 : vector<16xi32>
          %add3A_517 = arith.addi %shift_left3A_510, %and3A_516 : vector<16xi32>
          tpu.vector_store_idx %arg10[%add3A_504, %add3A_517], %gather3A_497 : memref<32x128xf32, #tpu.memory_space<vmem>>[vector<16xi32>, vector<16xi32>], vector<16xf32>,
          %add3A_518 = arith.constant 7 : i32
          %add3A_519 = vector.broadcast %add3A_518 : i32 to vector<16xi32>
          %add3A_520 = arith.addi %iota3A, %add3A_519 : vector<16xi32>
          %and3A_521 = arith.constant 15 : i32
          %and3A_522 = vector.broadcast %and3A_521 : i32 to vector<16xi32>
          %and3A_523 = arith.andi %add3A_520, %and3A_522 : vector<16xi32>
          %add3A_524 = vector.broadcast %mul3A_117 : i32 to vector<16xi32>
          %add3A_525 = arith.addi %add3A_524, %and3A_523 : vector<16xi32>
          %gather3A_526 = tpu.vector_load_idx %arg6[%iota3A, %add3A_525] : memref<16x256xf32, #tpu.memory_space<vmem>>[vector<16xi32>, vector<16xi32>], vector<16xf32>,
          %add3A_527 = arith.constant 9 : i32
          %add3A_528 = vector.broadcast %add3A_527 : i32 to vector<16xi32>
          %add3A_529 = arith.addi %iota3A, %add3A_528 : vector<16xi32>
          %and3A_530 = arith.constant 15 : i32
          %and3A_531 = vector.broadcast %and3A_530 : i32 to vector<16xi32>
          %and3A_532 = arith.andi %add3A_529, %and3A_531 : vector<16xi32>
          %lt3A_533 = arith.constant 0 : i32
          %lt3A_534 = vector.broadcast %lt3A_533 : i32 to vector<16xi32>
          %lt3A_535 = arith.cmpi slt, %and3A_532, %lt3A_534 : vector<16xi32>
          %add3A_536 = arith.constant 16 : i32
          %add3A_537 = vector.broadcast %add3A_536 : i32 to vector<16xi32>
          %add3A_538 = arith.addi %and3A_532, %add3A_537 : vector<16xi32>
          %select_n3A_539 = arith.select %lt3A_535, %add3A_538, %and3A_532 : vector<16xi1>, vector<16xi32>
          %broadcast_in_dim3A_540 = vector.shape_cast %select_n3A_539 : vector<16xi32> to vector<16x1xi32>
          %gather3A_541 = vector.shape_cast %broadcast_in_dim3A_540 : vector<16x1xi32> to vector<16xi32>
          %gather3A_542 = tpu.dynamic_gather %gather3A_526[%gather3A_541] in [0] : vector<16xf32>, vector<16xi32> -> vector<16xf32>
          %mul3A_543 = arith.constant 2 : i32
          %mul3A_544 = arith.muli %mul3A_543, %scan3A_115 : i32
          %shift_right_arithmetic3A_545 = arith.constant 3 : i32
          %shift_right_arithmetic3A_546 = vector.broadcast %shift_right_arithmetic3A_545 : i32 to vector<16xi32>
          %shift_right_arithmetic3A_547 = arith.shrsi %iota3A, %shift_right_arithmetic3A_546 : vector<16xi32>
          %add3A_548 = vector.broadcast %mul3A_544 : i32 to vector<16xi32>
          %add3A_549 = arith.addi %add3A_548, %shift_right_arithmetic3A_547 : vector<16xi32>
          %and3A_550 = arith.constant 7 : i32
          %and3A_551 = vector.broadcast %and3A_550 : i32 to vector<16xi32>
          %and3A_552 = arith.andi %iota3A, %and3A_551 : vector<16xi32>
          %shift_left3A_553 = arith.constant 4 : i32
          %shift_left3A_554 = vector.broadcast %shift_left3A_553 : i32 to vector<16xi32>
          %shift_left3A_555 = arith.shli %and3A_552, %shift_left3A_554 : vector<16xi32>
          %add3A_556 = arith.constant 9 : i32
          %add3A_557 = vector.broadcast %add3A_556 : i32 to vector<16xi32>
          %add3A_558 = arith.addi %iota3A, %add3A_557 : vector<16xi32>
          %and3A_559 = arith.constant 15 : i32
          %and3A_560 = vector.broadcast %and3A_559 : i32 to vector<16xi32>
          %and3A_561 = arith.andi %add3A_558, %and3A_560 : vector<16xi32>
          %add3A_562 = arith.addi %shift_left3A_555, %and3A_561 : vector<16xi32>
          tpu.vector_store_idx %arg10[%add3A_549, %add3A_562], %gather3A_542 : memref<32x128xf32, #tpu.memory_space<vmem>>[vector<16xi32>, vector<16xi32>], vector<16xf32>,
          %add3A_563 = arith.constant 6 : i32
          %add3A_564 = vector.broadcast %add3A_563 : i32 to vector<16xi32>
          %add3A_565 = arith.addi %iota3A, %add3A_564 : vector<16xi32>
          %and3A_566 = arith.constant 15 : i32
          %and3A_567 = vector.broadcast %and3A_566 : i32 to vector<16xi32>
          %and3A_568 = arith.andi %add3A_565, %and3A_567 : vector<16xi32>
          %add3A_569 = vector.broadcast %mul3A_117 : i32 to vector<16xi32>
          %add3A_570 = arith.addi %add3A_569, %and3A_568 : vector<16xi32>
          %gather3A_571 = tpu.vector_load_idx %arg6[%iota3A, %add3A_570] : memref<16x256xf32, #tpu.memory_space<vmem>>[vector<16xi32>, vector<16xi32>], vector<16xf32>,
          %add3A_572 = arith.constant 10 : i32
          %add3A_573 = vector.broadcast %add3A_572 : i32 to vector<16xi32>
          %add3A_574 = arith.addi %iota3A, %add3A_573 : vector<16xi32>
          %and3A_575 = arith.constant 15 : i32
          %and3A_576 = vector.broadcast %and3A_575 : i32 to vector<16xi32>
          %and3A_577 = arith.andi %add3A_574, %and3A_576 : vector<16xi32>
          %lt3A_578 = arith.constant 0 : i32
          %lt3A_579 = vector.broadcast %lt3A_578 : i32 to vector<16xi32>
          %lt3A_580 = arith.cmpi slt, %and3A_577, %lt3A_579 : vector<16xi32>
          %add3A_581 = arith.constant 16 : i32
          %add3A_582 = vector.broadcast %add3A_581 : i32 to vector<16xi32>
          %add3A_583 = arith.addi %and3A_577, %add3A_582 : vector<16xi32>
          %select_n3A_584 = arith.select %lt3A_580, %add3A_583, %and3A_577 : vector<16xi1>, vector<16xi32>
          %broadcast_in_dim3A_585 = vector.shape_cast %select_n3A_584 : vector<16xi32> to vector<16x1xi32>
          %gather3A_586 = vector.shape_cast %broadcast_in_dim3A_585 : vector<16x1xi32> to vector<16xi32>
          %gather3A_587 = tpu.dynamic_gather %gather3A_571[%gather3A_586] in [0] : vector<16xf32>, vector<16xi32> -> vector<16xf32>
          %mul3A_588 = arith.constant 2 : i32
          %mul3A_589 = arith.muli %mul3A_588, %scan3A_115 : i32
          %shift_right_arithmetic3A_590 = arith.constant 3 : i32
          %shift_right_arithmetic3A_591 = vector.broadcast %shift_right_arithmetic3A_590 : i32 to vector<16xi32>
          %shift_right_arithmetic3A_592 = arith.shrsi %iota3A, %shift_right_arithmetic3A_591 : vector<16xi32>
          %add3A_593 = vector.broadcast %mul3A_589 : i32 to vector<16xi32>
          %add3A_594 = arith.addi %add3A_593, %shift_right_arithmetic3A_592 : vector<16xi32>
          %and3A_595 = arith.constant 7 : i32
          %and3A_596 = vector.broadcast %and3A_595 : i32 to vector<16xi32>
          %and3A_597 = arith.andi %iota3A, %and3A_596 : vector<16xi32>
          %shift_left3A_598 = arith.constant 4 : i32
          %shift_left3A_599 = vector.broadcast %shift_left3A_598 : i32 to vector<16xi32>
          %shift_left3A_600 = arith.shli %and3A_597, %shift_left3A_599 : vector<16xi32>
          %add3A_601 = arith.constant 10 : i32
          %add3A_602 = vector.broadcast %add3A_601 : i32 to vector<16xi32>
          %add3A_603 = arith.addi %iota3A, %add3A_602 : vector<16xi32>
          %and3A_604 = arith.constant 15 : i32
          %and3A_605 = vector.broadcast %and3A_604 : i32 to vector<16xi32>
          %and3A_606 = arith.andi %add3A_603, %and3A_605 : vector<16xi32>
          %add3A_607 = arith.addi %shift_left3A_600, %and3A_606 : vector<16xi32>
          tpu.vector_store_idx %arg10[%add3A_594, %add3A_607], %gather3A_587 : memref<32x128xf32, #tpu.memory_space<vmem>>[vector<16xi32>, vector<16xi32>], vector<16xf32>,
          %add3A_608 = arith.constant 5 : i32
          %add3A_609 = vector.broadcast %add3A_608 : i32 to vector<16xi32>
          %add3A_610 = arith.addi %iota3A, %add3A_609 : vector<16xi32>
          %and3A_611 = arith.constant 15 : i32
          %and3A_612 = vector.broadcast %and3A_611 : i32 to vector<16xi32>
          %and3A_613 = arith.andi %add3A_610, %and3A_612 : vector<16xi32>
          %add3A_614 = vector.broadcast %mul3A_117 : i32 to vector<16xi32>
          %add3A_615 = arith.addi %add3A_614, %and3A_613 : vector<16xi32>
          %gather3A_616 = tpu.vector_load_idx %arg6[%iota3A, %add3A_615] : memref<16x256xf32, #tpu.memory_space<vmem>>[vector<16xi32>, vector<16xi32>], vector<16xf32>,
          %add3A_617 = arith.constant 11 : i32
          %add3A_618 = vector.broadcast %add3A_617 : i32 to vector<16xi32>
          %add3A_619 = arith.addi %iota3A, %add3A_618 : vector<16xi32>
          %and3A_620 = arith.constant 15 : i32
          %and3A_621 = vector.broadcast %and3A_620 : i32 to vector<16xi32>
          %and3A_622 = arith.andi %add3A_619, %and3A_621 : vector<16xi32>
          %lt3A_623 = arith.constant 0 : i32
          %lt3A_624 = vector.broadcast %lt3A_623 : i32 to vector<16xi32>
          %lt3A_625 = arith.cmpi slt, %and3A_622, %lt3A_624 : vector<16xi32>
          %add3A_626 = arith.constant 16 : i32
          %add3A_627 = vector.broadcast %add3A_626 : i32 to vector<16xi32>
          %add3A_628 = arith.addi %and3A_622, %add3A_627 : vector<16xi32>
          %select_n3A_629 = arith.select %lt3A_625, %add3A_628, %and3A_622 : vector<16xi1>, vector<16xi32>
          %broadcast_in_dim3A_630 = vector.shape_cast %select_n3A_629 : vector<16xi32> to vector<16x1xi32>
          %gather3A_631 = vector.shape_cast %broadcast_in_dim3A_630 : vector<16x1xi32> to vector<16xi32>
          %gather3A_632 = tpu.dynamic_gather %gather3A_616[%gather3A_631] in [0] : vector<16xf32>, vector<16xi32> -> vector<16xf32>
          %mul3A_633 = arith.constant 2 : i32
          %mul3A_634 = arith.muli %mul3A_633, %scan3A_115 : i32
          %shift_right_arithmetic3A_635 = arith.constant 3 : i32
          %shift_right_arithmetic3A_636 = vector.broadcast %shift_right_arithmetic3A_635 : i32 to vector<16xi32>
          %shift_right_arithmetic3A_637 = arith.shrsi %iota3A, %shift_right_arithmetic3A_636 : vector<16xi32>
          %add3A_638 = vector.broadcast %mul3A_634 : i32 to vector<16xi32>
          %add3A_639 = arith.addi %add3A_638, %shift_right_arithmetic3A_637 : vector<16xi32>
          %and3A_640 = arith.constant 7 : i32
          %and3A_641 = vector.broadcast %and3A_640 : i32 to vector<16xi32>
          %and3A_642 = arith.andi %iota3A, %and3A_641 : vector<16xi32>
          %shift_left3A_643 = arith.constant 4 : i32
          %shift_left3A_644 = vector.broadcast %shift_left3A_643 : i32 to vector<16xi32>
          %shift_left3A_645 = arith.shli %and3A_642, %shift_left3A_644 : vector<16xi32>
          %add3A_646 = arith.constant 11 : i32
          %add3A_647 = vector.broadcast %add3A_646 : i32 to vector<16xi32>
          %add3A_648 = arith.addi %iota3A, %add3A_647 : vector<16xi32>
          %and3A_649 = arith.constant 15 : i32
          %and3A_650 = vector.broadcast %and3A_649 : i32 to vector<16xi32>
          %and3A_651 = arith.andi %add3A_648, %and3A_650 : vector<16xi32>
          %add3A_652 = arith.addi %shift_left3A_645, %and3A_651 : vector<16xi32>
          tpu.vector_store_idx %arg10[%add3A_639, %add3A_652], %gather3A_632 : memref<32x128xf32, #tpu.memory_space<vmem>>[vector<16xi32>, vector<16xi32>], vector<16xf32>,
          %add3A_653 = arith.constant 4 : i32
          %add3A_654 = vector.broadcast %add3A_653 : i32 to vector<16xi32>
          %add3A_655 = arith.addi %iota3A, %add3A_654 : vector<16xi32>
          %and3A_656 = arith.constant 15 : i32
          %and3A_657 = vector.broadcast %and3A_656 : i32 to vector<16xi32>
          %and3A_658 = arith.andi %add3A_655, %and3A_657 : vector<16xi32>
          %add3A_659 = vector.broadcast %mul3A_117 : i32 to vector<16xi32>
          %add3A_660 = arith.addi %add3A_659, %and3A_658 : vector<16xi32>
          %gather3A_661 = tpu.vector_load_idx %arg6[%iota3A, %add3A_660] : memref<16x256xf32, #tpu.memory_space<vmem>>[vector<16xi32>, vector<16xi32>], vector<16xf32>,
          %add3A_662 = arith.constant 12 : i32
          %add3A_663 = vector.broadcast %add3A_662 : i32 to vector<16xi32>
          %add3A_664 = arith.addi %iota3A, %add3A_663 : vector<16xi32>
          %and3A_665 = arith.constant 15 : i32
          %and3A_666 = vector.broadcast %and3A_665 : i32 to vector<16xi32>
          %and3A_667 = arith.andi %add3A_664, %and3A_666 : vector<16xi32>
          %lt3A_668 = arith.constant 0 : i32
          %lt3A_669 = vector.broadcast %lt3A_668 : i32 to vector<16xi32>
          %lt3A_670 = arith.cmpi slt, %and3A_667, %lt3A_669 : vector<16xi32>
          %add3A_671 = arith.constant 16 : i32
          %add3A_672 = vector.broadcast %add3A_671 : i32 to vector<16xi32>
          %add3A_673 = arith.addi %and3A_667, %add3A_672 : vector<16xi32>
          %select_n3A_674 = arith.select %lt3A_670, %add3A_673, %and3A_667 : vector<16xi1>, vector<16xi32>
          %broadcast_in_dim3A_675 = vector.shape_cast %select_n3A_674 : vector<16xi32> to vector<16x1xi32>
          %gather3A_676 = vector.shape_cast %broadcast_in_dim3A_675 : vector<16x1xi32> to vector<16xi32>
          %gather3A_677 = tpu.dynamic_gather %gather3A_661[%gather3A_676] in [0] : vector<16xf32>, vector<16xi32> -> vector<16xf32>
          %mul3A_678 = arith.constant 2 : i32
          %mul3A_679 = arith.muli %mul3A_678, %scan3A_115 : i32
          %shift_right_arithmetic3A_680 = arith.constant 3 : i32
          %shift_right_arithmetic3A_681 = vector.broadcast %shift_right_arithmetic3A_680 : i32 to vector<16xi32>
          %shift_right_arithmetic3A_682 = arith.shrsi %iota3A, %shift_right_arithmetic3A_681 : vector<16xi32>
          %add3A_683 = vector.broadcast %mul3A_679 : i32 to vector<16xi32>
          %add3A_684 = arith.addi %add3A_683, %shift_right_arithmetic3A_682 : vector<16xi32>
          %and3A_685 = arith.constant 7 : i32
          %and3A_686 = vector.broadcast %and3A_685 : i32 to vector<16xi32>
          %and3A_687 = arith.andi %iota3A, %and3A_686 : vector<16xi32>
          %shift_left3A_688 = arith.constant 4 : i32
          %shift_left3A_689 = vector.broadcast %shift_left3A_688 : i32 to vector<16xi32>
          %shift_left3A_690 = arith.shli %and3A_687, %shift_left3A_689 : vector<16xi32>
          %add3A_691 = arith.constant 12 : i32
          %add3A_692 = vector.broadcast %add3A_691 : i32 to vector<16xi32>
          %add3A_693 = arith.addi %iota3A, %add3A_692 : vector<16xi32>
          %and3A_694 = arith.constant 15 : i32
          %and3A_695 = vector.broadcast %and3A_694 : i32 to vector<16xi32>
          %and3A_696 = arith.andi %add3A_693, %and3A_695 : vector<16xi32>
          %add3A_697 = arith.addi %shift_left3A_690, %and3A_696 : vector<16xi32>
          tpu.vector_store_idx %arg10[%add3A_684, %add3A_697], %gather3A_677 : memref<32x128xf32, #tpu.memory_space<vmem>>[vector<16xi32>, vector<16xi32>], vector<16xf32>,
          %add3A_698 = arith.constant 3 : i32
          %add3A_699 = vector.broadcast %add3A_698 : i32 to vector<16xi32>
          %add3A_700 = arith.addi %iota3A, %add3A_699 : vector<16xi32>
          %and3A_701 = arith.constant 15 : i32
          %and3A_702 = vector.broadcast %and3A_701 : i32 to vector<16xi32>
          %and3A_703 = arith.andi %add3A_700, %and3A_702 : vector<16xi32>
          %add3A_704 = vector.broadcast %mul3A_117 : i32 to vector<16xi32>
          %add3A_705 = arith.addi %add3A_704, %and3A_703 : vector<16xi32>
          %gather3A_706 = tpu.vector_load_idx %arg6[%iota3A, %add3A_705] : memref<16x256xf32, #tpu.memory_space<vmem>>[vector<16xi32>, vector<16xi32>], vector<16xf32>,
          %add3A_707 = arith.constant 13 : i32
          %add3A_708 = vector.broadcast %add3A_707 : i32 to vector<16xi32>
          %add3A_709 = arith.addi %iota3A, %add3A_708 : vector<16xi32>
          %and3A_710 = arith.constant 15 : i32
          %and3A_711 = vector.broadcast %and3A_710 : i32 to vector<16xi32>
          %and3A_712 = arith.andi %add3A_709, %and3A_711 : vector<16xi32>
          %lt3A_713 = arith.constant 0 : i32
          %lt3A_714 = vector.broadcast %lt3A_713 : i32 to vector<16xi32>
          %lt3A_715 = arith.cmpi slt, %and3A_712, %lt3A_714 : vector<16xi32>
          %add3A_716 = arith.constant 16 : i32
          %add3A_717 = vector.broadcast %add3A_716 : i32 to vector<16xi32>
          %add3A_718 = arith.addi %and3A_712, %add3A_717 : vector<16xi32>
          %select_n3A_719 = arith.select %lt3A_715, %add3A_718, %and3A_712 : vector<16xi1>, vector<16xi32>
          %broadcast_in_dim3A_720 = vector.shape_cast %select_n3A_719 : vector<16xi32> to vector<16x1xi32>
          %gather3A_721 = vector.shape_cast %broadcast_in_dim3A_720 : vector<16x1xi32> to vector<16xi32>
          %gather3A_722 = tpu.dynamic_gather %gather3A_706[%gather3A_721] in [0] : vector<16xf32>, vector<16xi32> -> vector<16xf32>
          %mul3A_723 = arith.constant 2 : i32
          %mul3A_724 = arith.muli %mul3A_723, %scan3A_115 : i32
          %shift_right_arithmetic3A_725 = arith.constant 3 : i32
          %shift_right_arithmetic3A_726 = vector.broadcast %shift_right_arithmetic3A_725 : i32 to vector<16xi32>
          %shift_right_arithmetic3A_727 = arith.shrsi %iota3A, %shift_right_arithmetic3A_726 : vector<16xi32>
          %add3A_728 = vector.broadcast %mul3A_724 : i32 to vector<16xi32>
          %add3A_729 = arith.addi %add3A_728, %shift_right_arithmetic3A_727 : vector<16xi32>
          %and3A_730 = arith.constant 7 : i32
          %and3A_731 = vector.broadcast %and3A_730 : i32 to vector<16xi32>
          %and3A_732 = arith.andi %iota3A, %and3A_731 : vector<16xi32>
          %shift_left3A_733 = arith.constant 4 : i32
          %shift_left3A_734 = vector.broadcast %shift_left3A_733 : i32 to vector<16xi32>
          %shift_left3A_735 = arith.shli %and3A_732, %shift_left3A_734 : vector<16xi32>
          %add3A_736 = arith.constant 13 : i32
          %add3A_737 = vector.broadcast %add3A_736 : i32 to vector<16xi32>
          %add3A_738 = arith.addi %iota3A, %add3A_737 : vector<16xi32>
          %and3A_739 = arith.constant 15 : i32
          %and3A_740 = vector.broadcast %and3A_739 : i32 to vector<16xi32>
          %and3A_741 = arith.andi %add3A_738, %and3A_740 : vector<16xi32>
          %add3A_742 = arith.addi %shift_left3A_735, %and3A_741 : vector<16xi32>
          tpu.vector_store_idx %arg10[%add3A_729, %add3A_742], %gather3A_722 : memref<32x128xf32, #tpu.memory_space<vmem>>[vector<16xi32>, vector<16xi32>], vector<16xf32>,
          %add3A_743 = arith.constant 2 : i32
          %add3A_744 = vector.broadcast %add3A_743 : i32 to vector<16xi32>
          %add3A_745 = arith.addi %iota3A, %add3A_744 : vector<16xi32>
          %and3A_746 = arith.constant 15 : i32
          %and3A_747 = vector.broadcast %and3A_746 : i32 to vector<16xi32>
          %and3A_748 = arith.andi %add3A_745, %and3A_747 : vector<16xi32>
          %add3A_749 = vector.broadcast %mul3A_117 : i32 to vector<16xi32>
          %add3A_750 = arith.addi %add3A_749, %and3A_748 : vector<16xi32>
          %gather3A_751 = tpu.vector_load_idx %arg6[%iota3A, %add3A_750] : memref<16x256xf32, #tpu.memory_space<vmem>>[vector<16xi32>, vector<16xi32>], vector<16xf32>,
          %add3A_752 = arith.constant 14 : i32
          %add3A_753 = vector.broadcast %add3A_752 : i32 to vector<16xi32>
          %add3A_754 = arith.addi %iota3A, %add3A_753 : vector<16xi32>
          %and3A_755 = arith.constant 15 : i32
          %and3A_756 = vector.broadcast %and3A_755 : i32 to vector<16xi32>
          %and3A_757 = arith.andi %add3A_754, %and3A_756 : vector<16xi32>
          %lt3A_758 = arith.constant 0 : i32
          %lt3A_759 = vector.broadcast %lt3A_758 : i32 to vector<16xi32>
          %lt3A_760 = arith.cmpi slt, %and3A_757, %lt3A_759 : vector<16xi32>
          %add3A_761 = arith.constant 16 : i32
          %add3A_762 = vector.broadcast %add3A_761 : i32 to vector<16xi32>
          %add3A_763 = arith.addi %and3A_757, %add3A_762 : vector<16xi32>
          %select_n3A_764 = arith.select %lt3A_760, %add3A_763, %and3A_757 : vector<16xi1>, vector<16xi32>
          %broadcast_in_dim3A_765 = vector.shape_cast %select_n3A_764 : vector<16xi32> to vector<16x1xi32>
          %gather3A_766 = vector.shape_cast %broadcast_in_dim3A_765 : vector<16x1xi32> to vector<16xi32>
          %gather3A_767 = tpu.dynamic_gather %gather3A_751[%gather3A_766] in [0] : vector<16xf32>, vector<16xi32> -> vector<16xf32>
          %mul3A_768 = arith.constant 2 : i32
          %mul3A_769 = arith.muli %mul3A_768, %scan3A_115 : i32
          %shift_right_arithmetic3A_770 = arith.constant 3 : i32
          %shift_right_arithmetic3A_771 = vector.broadcast %shift_right_arithmetic3A_770 : i32 to vector<16xi32>
          %shift_right_arithmetic3A_772 = arith.shrsi %iota3A, %shift_right_arithmetic3A_771 : vector<16xi32>
          %add3A_773 = vector.broadcast %mul3A_769 : i32 to vector<16xi32>
          %add3A_774 = arith.addi %add3A_773, %shift_right_arithmetic3A_772 : vector<16xi32>
          %and3A_775 = arith.constant 7 : i32
          %and3A_776 = vector.broadcast %and3A_775 : i32 to vector<16xi32>
          %and3A_777 = arith.andi %iota3A, %and3A_776 : vector<16xi32>
          %shift_left3A_778 = arith.constant 4 : i32
          %shift_left3A_779 = vector.broadcast %shift_left3A_778 : i32 to vector<16xi32>
          %shift_left3A_780 = arith.shli %and3A_777, %shift_left3A_779 : vector<16xi32>
          %add3A_781 = arith.constant 14 : i32
          %add3A_782 = vector.broadcast %add3A_781 : i32 to vector<16xi32>
          %add3A_783 = arith.addi %iota3A, %add3A_782 : vector<16xi32>
          %and3A_784 = arith.constant 15 : i32
          %and3A_785 = vector.broadcast %and3A_784 : i32 to vector<16xi32>
          %and3A_786 = arith.andi %add3A_783, %and3A_785 : vector<16xi32>
          %add3A_787 = arith.addi %shift_left3A_780, %and3A_786 : vector<16xi32>
          tpu.vector_store_idx %arg10[%add3A_774, %add3A_787], %gather3A_767 : memref<32x128xf32, #tpu.memory_space<vmem>>[vector<16xi32>, vector<16xi32>], vector<16xf32>,
          %add3A_788 = arith.constant 1 : i32
          %add3A_789 = vector.broadcast %add3A_788 : i32 to vector<16xi32>
          %add3A_790 = arith.addi %iota3A, %add3A_789 : vector<16xi32>
          %and3A_791 = arith.constant 15 : i32
          %and3A_792 = vector.broadcast %and3A_791 : i32 to vector<16xi32>
          %and3A_793 = arith.andi %add3A_790, %and3A_792 : vector<16xi32>
          %add3A_794 = vector.broadcast %mul3A_117 : i32 to vector<16xi32>
          %add3A_795 = arith.addi %add3A_794, %and3A_793 : vector<16xi32>
          %gather3A_796 = tpu.vector_load_idx %arg6[%iota3A, %add3A_795] : memref<16x256xf32, #tpu.memory_space<vmem>>[vector<16xi32>, vector<16xi32>], vector<16xf32>,
          %add3A_797 = arith.constant 15 : i32
          %add3A_798 = vector.broadcast %add3A_797 : i32 to vector<16xi32>
          %add3A_799 = arith.addi %iota3A, %add3A_798 : vector<16xi32>
          %and3A_800 = arith.constant 15 : i32
          %and3A_801 = vector.broadcast %and3A_800 : i32 to vector<16xi32>
          %and3A_802 = arith.andi %add3A_799, %and3A_801 : vector<16xi32>
          %lt3A_803 = arith.constant 0 : i32
          %lt3A_804 = vector.broadcast %lt3A_803 : i32 to vector<16xi32>
          %lt3A_805 = arith.cmpi slt, %and3A_802, %lt3A_804 : vector<16xi32>
          %add3A_806 = arith.constant 16 : i32
          %add3A_807 = vector.broadcast %add3A_806 : i32 to vector<16xi32>
          %add3A_808 = arith.addi %and3A_802, %add3A_807 : vector<16xi32>
          %select_n3A_809 = arith.select %lt3A_805, %add3A_808, %and3A_802 : vector<16xi1>, vector<16xi32>
          %broadcast_in_dim3A_810 = vector.shape_cast %select_n3A_809 : vector<16xi32> to vector<16x1xi32>
          %gather3A_811 = vector.shape_cast %broadcast_in_dim3A_810 : vector<16x1xi32> to vector<16xi32>
          %gather3A_812 = tpu.dynamic_gather %gather3A_796[%gather3A_811] in [0] : vector<16xf32>, vector<16xi32> -> vector<16xf32>
          %mul3A_813 = arith.constant 2 : i32
          %mul3A_814 = arith.muli %mul3A_813, %scan3A_115 : i32
          %shift_right_arithmetic3A_815 = arith.constant 3 : i32
          %shift_right_arithmetic3A_816 = vector.broadcast %shift_right_arithmetic3A_815 : i32 to vector<16xi32>
          %shift_right_arithmetic3A_817 = arith.shrsi %iota3A, %shift_right_arithmetic3A_816 : vector<16xi32>
          %add3A_818 = vector.broadcast %mul3A_814 : i32 to vector<16xi32>
          %add3A_819 = arith.addi %add3A_818, %shift_right_arithmetic3A_817 : vector<16xi32>
          %and3A_820 = arith.constant 7 : i32
          %and3A_821 = vector.broadcast %and3A_820 : i32 to vector<16xi32>
          %and3A_822 = arith.andi %iota3A, %and3A_821 : vector<16xi32>
          %shift_left3A_823 = arith.constant 4 : i32
          %shift_left3A_824 = vector.broadcast %shift_left3A_823 : i32 to vector<16xi32>
          %shift_left3A_825 = arith.shli %and3A_822, %shift_left3A_824 : vector<16xi32>
          %add3A_826 = arith.constant 15 : i32
          %add3A_827 = vector.broadcast %add3A_826 : i32 to vector<16xi32>
          %add3A_828 = arith.addi %iota3A, %add3A_827 : vector<16xi32>
          %and3A_829 = arith.constant 15 : i32
          %and3A_830 = vector.broadcast %and3A_829 : i32 to vector<16xi32>
          %and3A_831 = arith.andi %add3A_828, %and3A_830 : vector<16xi32>
          %add3A_832 = arith.addi %shift_left3A_825, %and3A_831 : vector<16xi32>
          tpu.vector_store_idx %arg10[%add3A_819, %add3A_832], %gather3A_812 : memref<32x128xf32, #tpu.memory_space<vmem>>[vector<16xi32>, vector<16xi32>], vector<16xf32>,
        }
        %scan3A_100 = arith.constant 16 : i32
        %mul3A_101 = arith.constant 32 : i32
        %mul3A_102 = arith.muli %add3A_64, %mul3A_101 : i32
        %add3A_103 = arith.addi %mul3A_102, %add3A : i32
        %mul3A_104 = arith.constant 32 : i32
        %mul3A_105 = arith.muli %add3A_103, %mul3A_104 : i32
        %dma_start3A = arith.constant 0 : i32
        %dma_start3A_106 = tpu.memref_slice %arg4[%mul3A_105, %dma_start3A] : memref<125000x128xf32, #tpu.memory_space<hbm>> -> memref<32x128xf32, #tpu.memory_space<hbm>>
        %dma_start3A_107 = arith.constant 0 : i32
        %dma_start3A_108 = tpu.memref_slice %arg4[%mul3A_105, %dma_start3A_107] : memref<125000x128xf32, #tpu.memory_space<hbm>> -> memref<32x128xf32, #tpu.memory_space<hbm>>
        tpu.enqueue_dma source(%arg10 : memref<32x128xf32, #tpu.memory_space<vmem>>) target(%dma_start3A_108 : memref<32x128xf32, #tpu.memory_space<hbm>>) target_semaphore(%arg14 : memref<!tpu.dma_semaphore, #tpu.memory_space<semaphore_mem>>)
        %add3A_109 = arith.constant 4 : i32
        %add3A_110 = arith.addi %add3A_64, %add3A_109 : i32
        %lt3A_111 = arith.cmpi slt, %add3A_110, %select_n3A : i32
        %convert_element_type3A_112 = arith.extui %lt3A_111 : i1 to i32
        %cond3A_113 = arith.constant 0 : i32
        %cond3A_114 = arith.cmpi ne, %convert_element_type3A_112, %cond3A_113 : i32
        scf.if %cond3A_114 {
          %mul3A_115 = arith.constant 32 : i32
          %mul3A_116 = arith.muli %add3A_110, %mul3A_115 : i32
          %add3A_117 = arith.addi %mul3A_116, %add3A : i32
          %mul3A_118 = arith.constant 256 : i32
          %mul3A_119 = arith.muli %add3A_117, %mul3A_118 : i32
          %dma_start3A_120 = arith.constant 0 : i32
          %dma_start3A_121 = tpu.memref_slice %arg2[%dma_start3A_120, %mul3A_119] : memref<16x1000000xf32, #tpu.memory_space<hbm>> -> memref<16x256xf32, #tpu.memory_space<hbm>>
          %dma_start3A_122 = arith.constant 0 : i32
          %dma_start3A_123 = tpu.memref_slice %arg2[%dma_start3A_122, %mul3A_119] : memref<16x1000000xf32, #tpu.memory_space<hbm>> -> memref<16x256xf32, #tpu.memory_space<hbm>>
          tpu.enqueue_dma source(%dma_start3A_123 : memref<16x256xf32, #tpu.memory_space<hbm>>) target(%arg6 : memref<16x256xf32, #tpu.memory_space<vmem>>) target_semaphore(%arg13 : memref<!tpu.dma_semaphore, #tpu.memory_space<semaphore_mem>>)
        } else {
        }
      } else {
      }
      %mul3A_69 = arith.constant 4 : i32
      %mul3A_70 = arith.muli %scan3A_52, %mul3A_69 : i32
      %add3A_71 = arith.constant 2 : i32
      %add3A_72 = arith.addi %mul3A_70, %add3A_71 : i32
      %lt3A_73 = arith.cmpi slt, %add3A_72, %select_n3A : i32
      %convert_element_type3A_74 = arith.extui %lt3A_73 : i1 to i32
      %cond3A_75 = arith.constant 0 : i32
      %cond3A_76 = arith.cmpi ne, %convert_element_type3A_74, %cond3A_75 : i32
      scf.if %cond3A_76 {
        %dma_wait3A_85 = arith.constant 0 : i32
        %dma_wait3A_86 = arith.constant 0 : i32
        %dma_wait3A_87 = tpu.memref_slice %arg2[%dma_wait3A_85, %dma_wait3A_86] : memref<16x1000000xf32, #tpu.memory_space<hbm>> -> memref<16x256xf32, #tpu.memory_space<hbm>>
        %dma_wait3A_88 = arith.constant 0 : i32
        %dma_wait3A_89 = arith.constant 0 : i32
        %dma_wait3A_90 = tpu.memref_slice %arg2[%dma_wait3A_88, %dma_wait3A_89] : memref<16x1000000xf32, #tpu.memory_space<hbm>> -> memref<16x256xf32, #tpu.memory_space<hbm>>
        tpu.wait_dma2 semaphore(%arg13 : memref<!tpu.dma_semaphore, #tpu.memory_space<semaphore_mem>>) src(%dma_wait3A_90 : memref<16x256xf32, #tpu.memory_space<hbm>>) dst(%arg7 : memref<16x256xf32, #tpu.memory_space<vmem>>)
        %ge3A = arith.constant 4 : i32
        %ge3A_91 = arith.cmpi sge, %add3A_72, %ge3A : i32
        %convert_element_type3A_92 = arith.extui %ge3A_91 : i1 to i32
        %cond3A_93 = arith.constant 0 : i32
        %cond3A_94 = arith.cmpi ne, %convert_element_type3A_92, %cond3A_93 : i32
        scf.if %cond3A_94 {
          %dma_wait3A_115 = arith.constant 0 : i32
          %dma_wait3A_116 = arith.constant 0 : i32
          %dma_wait3A_117 = tpu.memref_slice %arg4[%dma_wait3A_115, %dma_wait3A_116] : memref<125000x128xf32, #tpu.memory_space<hbm>> -> memref<32x128xf32, #tpu.memory_space<hbm>>
          %dma_wait3A_118 = arith.constant 0 : i32
          %dma_wait3A_119 = arith.constant 0 : i32
          %dma_wait3A_120 = tpu.memref_slice %arg4[%dma_wait3A_118, %dma_wait3A_119] : memref<125000x128xf32, #tpu.memory_space<hbm>> -> memref<32x128xf32, #tpu.memory_space<hbm>>
          tpu.wait_dma2 semaphore(%arg14 : memref<!tpu.dma_semaphore, #tpu.memory_space<semaphore_mem>>) src(%arg11 : memref<32x128xf32, #tpu.memory_space<vmem>>) dst(%dma_wait3A_120 : memref<32x128xf32, #tpu.memory_space<hbm>>)
        } else {
        }
        %scan3A_95 = arith.constant 0 : i32
        %scan3A_96 = arith.constant 0 : i32
        %scan3A_97 = arith.constant 16 : i32
        %scan3A_98 = arith.addi %scan3A_96, %scan3A_97 : i32
        %scan3A_99 = arith.constant 1 : i32
        scf.for %scan3A_115 = %scan3A_96 to %scan3A_98 step %scan3A_99  : i32 {
          %mul3A_116 = arith.constant 16 : i32
          %mul3A_117 = arith.muli %scan3A_115, %mul3A_116 : i32
          %add3A_118 = arith.constant 0 : i32
          %add3A_119 = vector.broadcast %add3A_118 : i32 to vector<16xi32>
          %add3A_120 = arith.addi %iota3A, %add3A_119 : vector<16xi32>
          %and3A = arith.constant 15 : i32
          %and3A_121 = vector.broadcast %and3A : i32 to vector<16xi32>
          %and3A_122 = arith.andi %add3A_120, %and3A_121 : vector<16xi32>
          %add3A_123 = vector.broadcast %mul3A_117 : i32 to vector<16xi32>
          %add3A_124 = arith.addi %add3A_123, %and3A_122 : vector<16xi32>
          %gather3A = tpu.vector_load_idx %arg7[%iota3A, %add3A_124] : memref<16x256xf32, #tpu.memory_space<vmem>>[vector<16xi32>, vector<16xi32>], vector<16xf32>,
          %add3A_125 = arith.constant 0 : i32
          %add3A_126 = vector.broadcast %add3A_125 : i32 to vector<16xi32>
          %add3A_127 = arith.addi %iota3A, %add3A_126 : vector<16xi32>
          %and3A_128 = arith.constant 15 : i32
          %and3A_129 = vector.broadcast %and3A_128 : i32 to vector<16xi32>
          %and3A_130 = arith.andi %add3A_127, %and3A_129 : vector<16xi32>
          %lt3A_131 = arith.constant 0 : i32
          %lt3A_132 = vector.broadcast %lt3A_131 : i32 to vector<16xi32>
          %lt3A_133 = arith.cmpi slt, %and3A_130, %lt3A_132 : vector<16xi32>
          %add3A_134 = arith.constant 16 : i32
          %add3A_135 = vector.broadcast %add3A_134 : i32 to vector<16xi32>
          %add3A_136 = arith.addi %and3A_130, %add3A_135 : vector<16xi32>
          %select_n3A_137 = arith.select %lt3A_133, %add3A_136, %and3A_130 : vector<16xi1>, vector<16xi32>
          %broadcast_in_dim3A = vector.shape_cast %select_n3A_137 : vector<16xi32> to vector<16x1xi32>
          %gather3A_138 = vector.shape_cast %broadcast_in_dim3A : vector<16x1xi32> to vector<16xi32>
          %gather3A_139 = tpu.dynamic_gather %gather3A[%gather3A_138] in [0] : vector<16xf32>, vector<16xi32> -> vector<16xf32>
          %mul3A_140 = arith.constant 2 : i32
          %mul3A_141 = arith.muli %mul3A_140, %scan3A_115 : i32
          %shift_right_arithmetic3A = arith.constant 3 : i32
          %shift_right_arithmetic3A_142 = vector.broadcast %shift_right_arithmetic3A : i32 to vector<16xi32>
          %shift_right_arithmetic3A_143 = arith.shrsi %iota3A, %shift_right_arithmetic3A_142 : vector<16xi32>
          %add3A_144 = vector.broadcast %mul3A_141 : i32 to vector<16xi32>
          %add3A_145 = arith.addi %add3A_144, %shift_right_arithmetic3A_143 : vector<16xi32>
          %and3A_146 = arith.constant 7 : i32
          %and3A_147 = vector.broadcast %and3A_146 : i32 to vector<16xi32>
          %and3A_148 = arith.andi %iota3A, %and3A_147 : vector<16xi32>
          %shift_left3A = arith.constant 4 : i32
          %shift_left3A_149 = vector.broadcast %shift_left3A : i32 to vector<16xi32>
          %shift_left3A_150 = arith.shli %and3A_148, %shift_left3A_149 : vector<16xi32>
          %add3A_151 = arith.constant 0 : i32
          %add3A_152 = vector.broadcast %add3A_151 : i32 to vector<16xi32>
          %add3A_153 = arith.addi %iota3A, %add3A_152 : vector<16xi32>
          %and3A_154 = arith.constant 15 : i32
          %and3A_155 = vector.broadcast %and3A_154 : i32 to vector<16xi32>
          %and3A_156 = arith.andi %add3A_153, %and3A_155 : vector<16xi32>
          %add3A_157 = arith.addi %shift_left3A_150, %and3A_156 : vector<16xi32>
          tpu.vector_store_idx %arg11[%add3A_145, %add3A_157], %gather3A_139 : memref<32x128xf32, #tpu.memory_space<vmem>>[vector<16xi32>, vector<16xi32>], vector<16xf32>,
          %add3A_158 = arith.constant 15 : i32
          %add3A_159 = vector.broadcast %add3A_158 : i32 to vector<16xi32>
          %add3A_160 = arith.addi %iota3A, %add3A_159 : vector<16xi32>
          %and3A_161 = arith.constant 15 : i32
          %and3A_162 = vector.broadcast %and3A_161 : i32 to vector<16xi32>
          %and3A_163 = arith.andi %add3A_160, %and3A_162 : vector<16xi32>
          %add3A_164 = vector.broadcast %mul3A_117 : i32 to vector<16xi32>
          %add3A_165 = arith.addi %add3A_164, %and3A_163 : vector<16xi32>
          %gather3A_166 = tpu.vector_load_idx %arg7[%iota3A, %add3A_165] : memref<16x256xf32, #tpu.memory_space<vmem>>[vector<16xi32>, vector<16xi32>], vector<16xf32>,
          %add3A_167 = arith.constant 1 : i32
          %add3A_168 = vector.broadcast %add3A_167 : i32 to vector<16xi32>
          %add3A_169 = arith.addi %iota3A, %add3A_168 : vector<16xi32>
          %and3A_170 = arith.constant 15 : i32
          %and3A_171 = vector.broadcast %and3A_170 : i32 to vector<16xi32>
          %and3A_172 = arith.andi %add3A_169, %and3A_171 : vector<16xi32>
          %lt3A_173 = arith.constant 0 : i32
          %lt3A_174 = vector.broadcast %lt3A_173 : i32 to vector<16xi32>
          %lt3A_175 = arith.cmpi slt, %and3A_172, %lt3A_174 : vector<16xi32>
          %add3A_176 = arith.constant 16 : i32
          %add3A_177 = vector.broadcast %add3A_176 : i32 to vector<16xi32>
          %add3A_178 = arith.addi %and3A_172, %add3A_177 : vector<16xi32>
          %select_n3A_179 = arith.select %lt3A_175, %add3A_178, %and3A_172 : vector<16xi1>, vector<16xi32>
          %broadcast_in_dim3A_180 = vector.shape_cast %select_n3A_179 : vector<16xi32> to vector<16x1xi32>
          %gather3A_181 = vector.shape_cast %broadcast_in_dim3A_180 : vector<16x1xi32> to vector<16xi32>
          %gather3A_182 = tpu.dynamic_gather %gather3A_166[%gather3A_181] in [0] : vector<16xf32>, vector<16xi32> -> vector<16xf32>
          %mul3A_183 = arith.constant 2 : i32
          %mul3A_184 = arith.muli %mul3A_183, %scan3A_115 : i32
          %shift_right_arithmetic3A_185 = arith.constant 3 : i32
          %shift_right_arithmetic3A_186 = vector.broadcast %shift_right_arithmetic3A_185 : i32 to vector<16xi32>
          %shift_right_arithmetic3A_187 = arith.shrsi %iota3A, %shift_right_arithmetic3A_186 : vector<16xi32>
          %add3A_188 = vector.broadcast %mul3A_184 : i32 to vector<16xi32>
          %add3A_189 = arith.addi %add3A_188, %shift_right_arithmetic3A_187 : vector<16xi32>
          %and3A_190 = arith.constant 7 : i32
          %and3A_191 = vector.broadcast %and3A_190 : i32 to vector<16xi32>
          %and3A_192 = arith.andi %iota3A, %and3A_191 : vector<16xi32>
          %shift_left3A_193 = arith.constant 4 : i32
          %shift_left3A_194 = vector.broadcast %shift_left3A_193 : i32 to vector<16xi32>
          %shift_left3A_195 = arith.shli %and3A_192, %shift_left3A_194 : vector<16xi32>
          %add3A_196 = arith.constant 1 : i32
          %add3A_197 = vector.broadcast %add3A_196 : i32 to vector<16xi32>
          %add3A_198 = arith.addi %iota3A, %add3A_197 : vector<16xi32>
          %and3A_199 = arith.constant 15 : i32
          %and3A_200 = vector.broadcast %and3A_199 : i32 to vector<16xi32>
          %and3A_201 = arith.andi %add3A_198, %and3A_200 : vector<16xi32>
          %add3A_202 = arith.addi %shift_left3A_195, %and3A_201 : vector<16xi32>
          tpu.vector_store_idx %arg11[%add3A_189, %add3A_202], %gather3A_182 : memref<32x128xf32, #tpu.memory_space<vmem>>[vector<16xi32>, vector<16xi32>], vector<16xf32>,
          %add3A_203 = arith.constant 14 : i32
          %add3A_204 = vector.broadcast %add3A_203 : i32 to vector<16xi32>
          %add3A_205 = arith.addi %iota3A, %add3A_204 : vector<16xi32>
          %and3A_206 = arith.constant 15 : i32
          %and3A_207 = vector.broadcast %and3A_206 : i32 to vector<16xi32>
          %and3A_208 = arith.andi %add3A_205, %and3A_207 : vector<16xi32>
          %add3A_209 = vector.broadcast %mul3A_117 : i32 to vector<16xi32>
          %add3A_210 = arith.addi %add3A_209, %and3A_208 : vector<16xi32>
          %gather3A_211 = tpu.vector_load_idx %arg7[%iota3A, %add3A_210] : memref<16x256xf32, #tpu.memory_space<vmem>>[vector<16xi32>, vector<16xi32>], vector<16xf32>,
          %add3A_212 = arith.constant 2 : i32
          %add3A_213 = vector.broadcast %add3A_212 : i32 to vector<16xi32>
          %add3A_214 = arith.addi %iota3A, %add3A_213 : vector<16xi32>
          %and3A_215 = arith.constant 15 : i32
          %and3A_216 = vector.broadcast %and3A_215 : i32 to vector<16xi32>
          %and3A_217 = arith.andi %add3A_214, %and3A_216 : vector<16xi32>
          %lt3A_218 = arith.constant 0 : i32
          %lt3A_219 = vector.broadcast %lt3A_218 : i32 to vector<16xi32>
          %lt3A_220 = arith.cmpi slt, %and3A_217, %lt3A_219 : vector<16xi32>
          %add3A_221 = arith.constant 16 : i32
          %add3A_222 = vector.broadcast %add3A_221 : i32 to vector<16xi32>
          %add3A_223 = arith.addi %and3A_217, %add3A_222 : vector<16xi32>
          %select_n3A_224 = arith.select %lt3A_220, %add3A_223, %and3A_217 : vector<16xi1>, vector<16xi32>
          %broadcast_in_dim3A_225 = vector.shape_cast %select_n3A_224 : vector<16xi32> to vector<16x1xi32>
          %gather3A_226 = vector.shape_cast %broadcast_in_dim3A_225 : vector<16x1xi32> to vector<16xi32>
          %gather3A_227 = tpu.dynamic_gather %gather3A_211[%gather3A_226] in [0] : vector<16xf32>, vector<16xi32> -> vector<16xf32>
          %mul3A_228 = arith.constant 2 : i32
          %mul3A_229 = arith.muli %mul3A_228, %scan3A_115 : i32
          %shift_right_arithmetic3A_230 = arith.constant 3 : i32
          %shift_right_arithmetic3A_231 = vector.broadcast %shift_right_arithmetic3A_230 : i32 to vector<16xi32>
          %shift_right_arithmetic3A_232 = arith.shrsi %iota3A, %shift_right_arithmetic3A_231 : vector<16xi32>
          %add3A_233 = vector.broadcast %mul3A_229 : i32 to vector<16xi32>
          %add3A_234 = arith.addi %add3A_233, %shift_right_arithmetic3A_232 : vector<16xi32>
          %and3A_235 = arith.constant 7 : i32
          %and3A_236 = vector.broadcast %and3A_235 : i32 to vector<16xi32>
          %and3A_237 = arith.andi %iota3A, %and3A_236 : vector<16xi32>
          %shift_left3A_238 = arith.constant 4 : i32
          %shift_left3A_239 = vector.broadcast %shift_left3A_238 : i32 to vector<16xi32>
          %shift_left3A_240 = arith.shli %and3A_237, %shift_left3A_239 : vector<16xi32>
          %add3A_241 = arith.constant 2 : i32
          %add3A_242 = vector.broadcast %add3A_241 : i32 to vector<16xi32>
          %add3A_243 = arith.addi %iota3A, %add3A_242 : vector<16xi32>
          %and3A_244 = arith.constant 15 : i32
          %and3A_245 = vector.broadcast %and3A_244 : i32 to vector<16xi32>
          %and3A_246 = arith.andi %add3A_243, %and3A_245 : vector<16xi32>
          %add3A_247 = arith.addi %shift_left3A_240, %and3A_246 : vector<16xi32>
          tpu.vector_store_idx %arg11[%add3A_234, %add3A_247], %gather3A_227 : memref<32x128xf32, #tpu.memory_space<vmem>>[vector<16xi32>, vector<16xi32>], vector<16xf32>,
          %add3A_248 = arith.constant 13 : i32
          %add3A_249 = vector.broadcast %add3A_248 : i32 to vector<16xi32>
          %add3A_250 = arith.addi %iota3A, %add3A_249 : vector<16xi32>
          %and3A_251 = arith.constant 15 : i32
          %and3A_252 = vector.broadcast %and3A_251 : i32 to vector<16xi32>
          %and3A_253 = arith.andi %add3A_250, %and3A_252 : vector<16xi32>
          %add3A_254 = vector.broadcast %mul3A_117 : i32 to vector<16xi32>
          %add3A_255 = arith.addi %add3A_254, %and3A_253 : vector<16xi32>
          %gather3A_256 = tpu.vector_load_idx %arg7[%iota3A, %add3A_255] : memref<16x256xf32, #tpu.memory_space<vmem>>[vector<16xi32>, vector<16xi32>], vector<16xf32>,
          %add3A_257 = arith.constant 3 : i32
          %add3A_258 = vector.broadcast %add3A_257 : i32 to vector<16xi32>
          %add3A_259 = arith.addi %iota3A, %add3A_258 : vector<16xi32>
          %and3A_260 = arith.constant 15 : i32
          %and3A_261 = vector.broadcast %and3A_260 : i32 to vector<16xi32>
          %and3A_262 = arith.andi %add3A_259, %and3A_261 : vector<16xi32>
          %lt3A_263 = arith.constant 0 : i32
          %lt3A_264 = vector.broadcast %lt3A_263 : i32 to vector<16xi32>
          %lt3A_265 = arith.cmpi slt, %and3A_262, %lt3A_264 : vector<16xi32>
          %add3A_266 = arith.constant 16 : i32
          %add3A_267 = vector.broadcast %add3A_266 : i32 to vector<16xi32>
          %add3A_268 = arith.addi %and3A_262, %add3A_267 : vector<16xi32>
          %select_n3A_269 = arith.select %lt3A_265, %add3A_268, %and3A_262 : vector<16xi1>, vector<16xi32>
          %broadcast_in_dim3A_270 = vector.shape_cast %select_n3A_269 : vector<16xi32> to vector<16x1xi32>
          %gather3A_271 = vector.shape_cast %broadcast_in_dim3A_270 : vector<16x1xi32> to vector<16xi32>
          %gather3A_272 = tpu.dynamic_gather %gather3A_256[%gather3A_271] in [0] : vector<16xf32>, vector<16xi32> -> vector<16xf32>
          %mul3A_273 = arith.constant 2 : i32
          %mul3A_274 = arith.muli %mul3A_273, %scan3A_115 : i32
          %shift_right_arithmetic3A_275 = arith.constant 3 : i32
          %shift_right_arithmetic3A_276 = vector.broadcast %shift_right_arithmetic3A_275 : i32 to vector<16xi32>
          %shift_right_arithmetic3A_277 = arith.shrsi %iota3A, %shift_right_arithmetic3A_276 : vector<16xi32>
          %add3A_278 = vector.broadcast %mul3A_274 : i32 to vector<16xi32>
          %add3A_279 = arith.addi %add3A_278, %shift_right_arithmetic3A_277 : vector<16xi32>
          %and3A_280 = arith.constant 7 : i32
          %and3A_281 = vector.broadcast %and3A_280 : i32 to vector<16xi32>
          %and3A_282 = arith.andi %iota3A, %and3A_281 : vector<16xi32>
          %shift_left3A_283 = arith.constant 4 : i32
          %shift_left3A_284 = vector.broadcast %shift_left3A_283 : i32 to vector<16xi32>
          %shift_left3A_285 = arith.shli %and3A_282, %shift_left3A_284 : vector<16xi32>
          %add3A_286 = arith.constant 3 : i32
          %add3A_287 = vector.broadcast %add3A_286 : i32 to vector<16xi32>
          %add3A_288 = arith.addi %iota3A, %add3A_287 : vector<16xi32>
          %and3A_289 = arith.constant 15 : i32
          %and3A_290 = vector.broadcast %and3A_289 : i32 to vector<16xi32>
          %and3A_291 = arith.andi %add3A_288, %and3A_290 : vector<16xi32>
          %add3A_292 = arith.addi %shift_left3A_285, %and3A_291 : vector<16xi32>
          tpu.vector_store_idx %arg11[%add3A_279, %add3A_292], %gather3A_272 : memref<32x128xf32, #tpu.memory_space<vmem>>[vector<16xi32>, vector<16xi32>], vector<16xf32>,
          %add3A_293 = arith.constant 12 : i32
          %add3A_294 = vector.broadcast %add3A_293 : i32 to vector<16xi32>
          %add3A_295 = arith.addi %iota3A, %add3A_294 : vector<16xi32>
          %and3A_296 = arith.constant 15 : i32
          %and3A_297 = vector.broadcast %and3A_296 : i32 to vector<16xi32>
          %and3A_298 = arith.andi %add3A_295, %and3A_297 : vector<16xi32>
          %add3A_299 = vector.broadcast %mul3A_117 : i32 to vector<16xi32>
          %add3A_300 = arith.addi %add3A_299, %and3A_298 : vector<16xi32>
          %gather3A_301 = tpu.vector_load_idx %arg7[%iota3A, %add3A_300] : memref<16x256xf32, #tpu.memory_space<vmem>>[vector<16xi32>, vector<16xi32>], vector<16xf32>,
          %add3A_302 = arith.constant 4 : i32
          %add3A_303 = vector.broadcast %add3A_302 : i32 to vector<16xi32>
          %add3A_304 = arith.addi %iota3A, %add3A_303 : vector<16xi32>
          %and3A_305 = arith.constant 15 : i32
          %and3A_306 = vector.broadcast %and3A_305 : i32 to vector<16xi32>
          %and3A_307 = arith.andi %add3A_304, %and3A_306 : vector<16xi32>
          %lt3A_308 = arith.constant 0 : i32
          %lt3A_309 = vector.broadcast %lt3A_308 : i32 to vector<16xi32>
          %lt3A_310 = arith.cmpi slt, %and3A_307, %lt3A_309 : vector<16xi32>
          %add3A_311 = arith.constant 16 : i32
          %add3A_312 = vector.broadcast %add3A_311 : i32 to vector<16xi32>
          %add3A_313 = arith.addi %and3A_307, %add3A_312 : vector<16xi32>
          %select_n3A_314 = arith.select %lt3A_310, %add3A_313, %and3A_307 : vector<16xi1>, vector<16xi32>
          %broadcast_in_dim3A_315 = vector.shape_cast %select_n3A_314 : vector<16xi32> to vector<16x1xi32>
          %gather3A_316 = vector.shape_cast %broadcast_in_dim3A_315 : vector<16x1xi32> to vector<16xi32>
          %gather3A_317 = tpu.dynamic_gather %gather3A_301[%gather3A_316] in [0] : vector<16xf32>, vector<16xi32> -> vector<16xf32>
          %mul3A_318 = arith.constant 2 : i32
          %mul3A_319 = arith.muli %mul3A_318, %scan3A_115 : i32
          %shift_right_arithmetic3A_320 = arith.constant 3 : i32
          %shift_right_arithmetic3A_321 = vector.broadcast %shift_right_arithmetic3A_320 : i32 to vector<16xi32>
          %shift_right_arithmetic3A_322 = arith.shrsi %iota3A, %shift_right_arithmetic3A_321 : vector<16xi32>
          %add3A_323 = vector.broadcast %mul3A_319 : i32 to vector<16xi32>
          %add3A_324 = arith.addi %add3A_323, %shift_right_arithmetic3A_322 : vector<16xi32>
          %and3A_325 = arith.constant 7 : i32
          %and3A_326 = vector.broadcast %and3A_325 : i32 to vector<16xi32>
          %and3A_327 = arith.andi %iota3A, %and3A_326 : vector<16xi32>
          %shift_left3A_328 = arith.constant 4 : i32
          %shift_left3A_329 = vector.broadcast %shift_left3A_328 : i32 to vector<16xi32>
          %shift_left3A_330 = arith.shli %and3A_327, %shift_left3A_329 : vector<16xi32>
          %add3A_331 = arith.constant 4 : i32
          %add3A_332 = vector.broadcast %add3A_331 : i32 to vector<16xi32>
          %add3A_333 = arith.addi %iota3A, %add3A_332 : vector<16xi32>
          %and3A_334 = arith.constant 15 : i32
          %and3A_335 = vector.broadcast %and3A_334 : i32 to vector<16xi32>
          %and3A_336 = arith.andi %add3A_333, %and3A_335 : vector<16xi32>
          %add3A_337 = arith.addi %shift_left3A_330, %and3A_336 : vector<16xi32>
          tpu.vector_store_idx %arg11[%add3A_324, %add3A_337], %gather3A_317 : memref<32x128xf32, #tpu.memory_space<vmem>>[vector<16xi32>, vector<16xi32>], vector<16xf32>,
          %add3A_338 = arith.constant 11 : i32
          %add3A_339 = vector.broadcast %add3A_338 : i32 to vector<16xi32>
          %add3A_340 = arith.addi %iota3A, %add3A_339 : vector<16xi32>
          %and3A_341 = arith.constant 15 : i32
          %and3A_342 = vector.broadcast %and3A_341 : i32 to vector<16xi32>
          %and3A_343 = arith.andi %add3A_340, %and3A_342 : vector<16xi32>
          %add3A_344 = vector.broadcast %mul3A_117 : i32 to vector<16xi32>
          %add3A_345 = arith.addi %add3A_344, %and3A_343 : vector<16xi32>
          %gather3A_346 = tpu.vector_load_idx %arg7[%iota3A, %add3A_345] : memref<16x256xf32, #tpu.memory_space<vmem>>[vector<16xi32>, vector<16xi32>], vector<16xf32>,
          %add3A_347 = arith.constant 5 : i32
          %add3A_348 = vector.broadcast %add3A_347 : i32 to vector<16xi32>
          %add3A_349 = arith.addi %iota3A, %add3A_348 : vector<16xi32>
          %and3A_350 = arith.constant 15 : i32
          %and3A_351 = vector.broadcast %and3A_350 : i32 to vector<16xi32>
          %and3A_352 = arith.andi %add3A_349, %and3A_351 : vector<16xi32>
          %lt3A_353 = arith.constant 0 : i32
          %lt3A_354 = vector.broadcast %lt3A_353 : i32 to vector<16xi32>
          %lt3A_355 = arith.cmpi slt, %and3A_352, %lt3A_354 : vector<16xi32>
          %add3A_356 = arith.constant 16 : i32
          %add3A_357 = vector.broadcast %add3A_356 : i32 to vector<16xi32>
          %add3A_358 = arith.addi %and3A_352, %add3A_357 : vector<16xi32>
          %select_n3A_359 = arith.select %lt3A_355, %add3A_358, %and3A_352 : vector<16xi1>, vector<16xi32>
          %broadcast_in_dim3A_360 = vector.shape_cast %select_n3A_359 : vector<16xi32> to vector<16x1xi32>
          %gather3A_361 = vector.shape_cast %broadcast_in_dim3A_360 : vector<16x1xi32> to vector<16xi32>
          %gather3A_362 = tpu.dynamic_gather %gather3A_346[%gather3A_361] in [0] : vector<16xf32>, vector<16xi32> -> vector<16xf32>
          %mul3A_363 = arith.constant 2 : i32
          %mul3A_364 = arith.muli %mul3A_363, %scan3A_115 : i32
          %shift_right_arithmetic3A_365 = arith.constant 3 : i32
          %shift_right_arithmetic3A_366 = vector.broadcast %shift_right_arithmetic3A_365 : i32 to vector<16xi32>
          %shift_right_arithmetic3A_367 = arith.shrsi %iota3A, %shift_right_arithmetic3A_366 : vector<16xi32>
          %add3A_368 = vector.broadcast %mul3A_364 : i32 to vector<16xi32>
          %add3A_369 = arith.addi %add3A_368, %shift_right_arithmetic3A_367 : vector<16xi32>
          %and3A_370 = arith.constant 7 : i32
          %and3A_371 = vector.broadcast %and3A_370 : i32 to vector<16xi32>
          %and3A_372 = arith.andi %iota3A, %and3A_371 : vector<16xi32>
          %shift_left3A_373 = arith.constant 4 : i32
          %shift_left3A_374 = vector.broadcast %shift_left3A_373 : i32 to vector<16xi32>
          %shift_left3A_375 = arith.shli %and3A_372, %shift_left3A_374 : vector<16xi32>
          %add3A_376 = arith.constant 5 : i32
          %add3A_377 = vector.broadcast %add3A_376 : i32 to vector<16xi32>
          %add3A_378 = arith.addi %iota3A, %add3A_377 : vector<16xi32>
          %and3A_379 = arith.constant 15 : i32
          %and3A_380 = vector.broadcast %and3A_379 : i32 to vector<16xi32>
          %and3A_381 = arith.andi %add3A_378, %and3A_380 : vector<16xi32>
          %add3A_382 = arith.addi %shift_left3A_375, %and3A_381 : vector<16xi32>
          tpu.vector_store_idx %arg11[%add3A_369, %add3A_382], %gather3A_362 : memref<32x128xf32, #tpu.memory_space<vmem>>[vector<16xi32>, vector<16xi32>], vector<16xf32>,
          %add3A_383 = arith.constant 10 : i32
          %add3A_384 = vector.broadcast %add3A_383 : i32 to vector<16xi32>
          %add3A_385 = arith.addi %iota3A, %add3A_384 : vector<16xi32>
          %and3A_386 = arith.constant 15 : i32
          %and3A_387 = vector.broadcast %and3A_386 : i32 to vector<16xi32>
          %and3A_388 = arith.andi %add3A_385, %and3A_387 : vector<16xi32>
          %add3A_389 = vector.broadcast %mul3A_117 : i32 to vector<16xi32>
          %add3A_390 = arith.addi %add3A_389, %and3A_388 : vector<16xi32>
          %gather3A_391 = tpu.vector_load_idx %arg7[%iota3A, %add3A_390] : memref<16x256xf32, #tpu.memory_space<vmem>>[vector<16xi32>, vector<16xi32>], vector<16xf32>,
          %add3A_392 = arith.constant 6 : i32
          %add3A_393 = vector.broadcast %add3A_392 : i32 to vector<16xi32>
          %add3A_394 = arith.addi %iota3A, %add3A_393 : vector<16xi32>
          %and3A_395 = arith.constant 15 : i32
          %and3A_396 = vector.broadcast %and3A_395 : i32 to vector<16xi32>
          %and3A_397 = arith.andi %add3A_394, %and3A_396 : vector<16xi32>
          %lt3A_398 = arith.constant 0 : i32
          %lt3A_399 = vector.broadcast %lt3A_398 : i32 to vector<16xi32>
          %lt3A_400 = arith.cmpi slt, %and3A_397, %lt3A_399 : vector<16xi32>
          %add3A_401 = arith.constant 16 : i32
          %add3A_402 = vector.broadcast %add3A_401 : i32 to vector<16xi32>
          %add3A_403 = arith.addi %and3A_397, %add3A_402 : vector<16xi32>
          %select_n3A_404 = arith.select %lt3A_400, %add3A_403, %and3A_397 : vector<16xi1>, vector<16xi32>
          %broadcast_in_dim3A_405 = vector.shape_cast %select_n3A_404 : vector<16xi32> to vector<16x1xi32>
          %gather3A_406 = vector.shape_cast %broadcast_in_dim3A_405 : vector<16x1xi32> to vector<16xi32>
          %gather3A_407 = tpu.dynamic_gather %gather3A_391[%gather3A_406] in [0] : vector<16xf32>, vector<16xi32> -> vector<16xf32>
          %mul3A_408 = arith.constant 2 : i32
          %mul3A_409 = arith.muli %mul3A_408, %scan3A_115 : i32
          %shift_right_arithmetic3A_410 = arith.constant 3 : i32
          %shift_right_arithmetic3A_411 = vector.broadcast %shift_right_arithmetic3A_410 : i32 to vector<16xi32>
          %shift_right_arithmetic3A_412 = arith.shrsi %iota3A, %shift_right_arithmetic3A_411 : vector<16xi32>
          %add3A_413 = vector.broadcast %mul3A_409 : i32 to vector<16xi32>
          %add3A_414 = arith.addi %add3A_413, %shift_right_arithmetic3A_412 : vector<16xi32>
          %and3A_415 = arith.constant 7 : i32
          %and3A_416 = vector.broadcast %and3A_415 : i32 to vector<16xi32>
          %and3A_417 = arith.andi %iota3A, %and3A_416 : vector<16xi32>
          %shift_left3A_418 = arith.constant 4 : i32
          %shift_left3A_419 = vector.broadcast %shift_left3A_418 : i32 to vector<16xi32>
          %shift_left3A_420 = arith.shli %and3A_417, %shift_left3A_419 : vector<16xi32>
          %add3A_421 = arith.constant 6 : i32
          %add3A_422 = vector.broadcast %add3A_421 : i32 to vector<16xi32>
          %add3A_423 = arith.addi %iota3A, %add3A_422 : vector<16xi32>
          %and3A_424 = arith.constant 15 : i32
          %and3A_425 = vector.broadcast %and3A_424 : i32 to vector<16xi32>
          %and3A_426 = arith.andi %add3A_423, %and3A_425 : vector<16xi32>
          %add3A_427 = arith.addi %shift_left3A_420, %and3A_426 : vector<16xi32>
          tpu.vector_store_idx %arg11[%add3A_414, %add3A_427], %gather3A_407 : memref<32x128xf32, #tpu.memory_space<vmem>>[vector<16xi32>, vector<16xi32>], vector<16xf32>,
          %add3A_428 = arith.constant 9 : i32
          %add3A_429 = vector.broadcast %add3A_428 : i32 to vector<16xi32>
          %add3A_430 = arith.addi %iota3A, %add3A_429 : vector<16xi32>
          %and3A_431 = arith.constant 15 : i32
          %and3A_432 = vector.broadcast %and3A_431 : i32 to vector<16xi32>
          %and3A_433 = arith.andi %add3A_430, %and3A_432 : vector<16xi32>
          %add3A_434 = vector.broadcast %mul3A_117 : i32 to vector<16xi32>
          %add3A_435 = arith.addi %add3A_434, %and3A_433 : vector<16xi32>
          %gather3A_436 = tpu.vector_load_idx %arg7[%iota3A, %add3A_435] : memref<16x256xf32, #tpu.memory_space<vmem>>[vector<16xi32>, vector<16xi32>], vector<16xf32>,
          %add3A_437 = arith.constant 7 : i32
          %add3A_438 = vector.broadcast %add3A_437 : i32 to vector<16xi32>
          %add3A_439 = arith.addi %iota3A, %add3A_438 : vector<16xi32>
          %and3A_440 = arith.constant 15 : i32
          %and3A_441 = vector.broadcast %and3A_440 : i32 to vector<16xi32>
          %and3A_442 = arith.andi %add3A_439, %and3A_441 : vector<16xi32>
          %lt3A_443 = arith.constant 0 : i32
          %lt3A_444 = vector.broadcast %lt3A_443 : i32 to vector<16xi32>
          %lt3A_445 = arith.cmpi slt, %and3A_442, %lt3A_444 : vector<16xi32>
          %add3A_446 = arith.constant 16 : i32
          %add3A_447 = vector.broadcast %add3A_446 : i32 to vector<16xi32>
          %add3A_448 = arith.addi %and3A_442, %add3A_447 : vector<16xi32>
          %select_n3A_449 = arith.select %lt3A_445, %add3A_448, %and3A_442 : vector<16xi1>, vector<16xi32>
          %broadcast_in_dim3A_450 = vector.shape_cast %select_n3A_449 : vector<16xi32> to vector<16x1xi32>
          %gather3A_451 = vector.shape_cast %broadcast_in_dim3A_450 : vector<16x1xi32> to vector<16xi32>
          %gather3A_452 = tpu.dynamic_gather %gather3A_436[%gather3A_451] in [0] : vector<16xf32>, vector<16xi32> -> vector<16xf32>
          %mul3A_453 = arith.constant 2 : i32
          %mul3A_454 = arith.muli %mul3A_453, %scan3A_115 : i32
          %shift_right_arithmetic3A_455 = arith.constant 3 : i32
          %shift_right_arithmetic3A_456 = vector.broadcast %shift_right_arithmetic3A_455 : i32 to vector<16xi32>
          %shift_right_arithmetic3A_457 = arith.shrsi %iota3A, %shift_right_arithmetic3A_456 : vector<16xi32>
          %add3A_458 = vector.broadcast %mul3A_454 : i32 to vector<16xi32>
          %add3A_459 = arith.addi %add3A_458, %shift_right_arithmetic3A_457 : vector<16xi32>
          %and3A_460 = arith.constant 7 : i32
          %and3A_461 = vector.broadcast %and3A_460 : i32 to vector<16xi32>
          %and3A_462 = arith.andi %iota3A, %and3A_461 : vector<16xi32>
          %shift_left3A_463 = arith.constant 4 : i32
          %shift_left3A_464 = vector.broadcast %shift_left3A_463 : i32 to vector<16xi32>
          %shift_left3A_465 = arith.shli %and3A_462, %shift_left3A_464 : vector<16xi32>
          %add3A_466 = arith.constant 7 : i32
          %add3A_467 = vector.broadcast %add3A_466 : i32 to vector<16xi32>
          %add3A_468 = arith.addi %iota3A, %add3A_467 : vector<16xi32>
          %and3A_469 = arith.constant 15 : i32
          %and3A_470 = vector.broadcast %and3A_469 : i32 to vector<16xi32>
          %and3A_471 = arith.andi %add3A_468, %and3A_470 : vector<16xi32>
          %add3A_472 = arith.addi %shift_left3A_465, %and3A_471 : vector<16xi32>
          tpu.vector_store_idx %arg11[%add3A_459, %add3A_472], %gather3A_452 : memref<32x128xf32, #tpu.memory_space<vmem>>[vector<16xi32>, vector<16xi32>], vector<16xf32>,
          %add3A_473 = arith.constant 8 : i32
          %add3A_474 = vector.broadcast %add3A_473 : i32 to vector<16xi32>
          %add3A_475 = arith.addi %iota3A, %add3A_474 : vector<16xi32>
          %and3A_476 = arith.constant 15 : i32
          %and3A_477 = vector.broadcast %and3A_476 : i32 to vector<16xi32>
          %and3A_478 = arith.andi %add3A_475, %and3A_477 : vector<16xi32>
          %add3A_479 = vector.broadcast %mul3A_117 : i32 to vector<16xi32>
          %add3A_480 = arith.addi %add3A_479, %and3A_478 : vector<16xi32>
          %gather3A_481 = tpu.vector_load_idx %arg7[%iota3A, %add3A_480] : memref<16x256xf32, #tpu.memory_space<vmem>>[vector<16xi32>, vector<16xi32>], vector<16xf32>,
          %add3A_482 = arith.constant 8 : i32
          %add3A_483 = vector.broadcast %add3A_482 : i32 to vector<16xi32>
          %add3A_484 = arith.addi %iota3A, %add3A_483 : vector<16xi32>
          %and3A_485 = arith.constant 15 : i32
          %and3A_486 = vector.broadcast %and3A_485 : i32 to vector<16xi32>
          %and3A_487 = arith.andi %add3A_484, %and3A_486 : vector<16xi32>
          %lt3A_488 = arith.constant 0 : i32
          %lt3A_489 = vector.broadcast %lt3A_488 : i32 to vector<16xi32>
          %lt3A_490 = arith.cmpi slt, %and3A_487, %lt3A_489 : vector<16xi32>
          %add3A_491 = arith.constant 16 : i32
          %add3A_492 = vector.broadcast %add3A_491 : i32 to vector<16xi32>
          %add3A_493 = arith.addi %and3A_487, %add3A_492 : vector<16xi32>
          %select_n3A_494 = arith.select %lt3A_490, %add3A_493, %and3A_487 : vector<16xi1>, vector<16xi32>
          %broadcast_in_dim3A_495 = vector.shape_cast %select_n3A_494 : vector<16xi32> to vector<16x1xi32>
          %gather3A_496 = vector.shape_cast %broadcast_in_dim3A_495 : vector<16x1xi32> to vector<16xi32>
          %gather3A_497 = tpu.dynamic_gather %gather3A_481[%gather3A_496] in [0] : vector<16xf32>, vector<16xi32> -> vector<16xf32>
          %mul3A_498 = arith.constant 2 : i32
          %mul3A_499 = arith.muli %mul3A_498, %scan3A_115 : i32
          %shift_right_arithmetic3A_500 = arith.constant 3 : i32
          %shift_right_arithmetic3A_501 = vector.broadcast %shift_right_arithmetic3A_500 : i32 to vector<16xi32>
          %shift_right_arithmetic3A_502 = arith.shrsi %iota3A, %shift_right_arithmetic3A_501 : vector<16xi32>
          %add3A_503 = vector.broadcast %mul3A_499 : i32 to vector<16xi32>
          %add3A_504 = arith.addi %add3A_503, %shift_right_arithmetic3A_502 : vector<16xi32>
          %and3A_505 = arith.constant 7 : i32
          %and3A_506 = vector.broadcast %and3A_505 : i32 to vector<16xi32>
          %and3A_507 = arith.andi %iota3A, %and3A_506 : vector<16xi32>
          %shift_left3A_508 = arith.constant 4 : i32
          %shift_left3A_509 = vector.broadcast %shift_left3A_508 : i32 to vector<16xi32>
          %shift_left3A_510 = arith.shli %and3A_507, %shift_left3A_509 : vector<16xi32>
          %add3A_511 = arith.constant 8 : i32
          %add3A_512 = vector.broadcast %add3A_511 : i32 to vector<16xi32>
          %add3A_513 = arith.addi %iota3A, %add3A_512 : vector<16xi32>
          %and3A_514 = arith.constant 15 : i32
          %and3A_515 = vector.broadcast %and3A_514 : i32 to vector<16xi32>
          %and3A_516 = arith.andi %add3A_513, %and3A_515 : vector<16xi32>
          %add3A_517 = arith.addi %shift_left3A_510, %and3A_516 : vector<16xi32>
          tpu.vector_store_idx %arg11[%add3A_504, %add3A_517], %gather3A_497 : memref<32x128xf32, #tpu.memory_space<vmem>>[vector<16xi32>, vector<16xi32>], vector<16xf32>,
          %add3A_518 = arith.constant 7 : i32
          %add3A_519 = vector.broadcast %add3A_518 : i32 to vector<16xi32>
          %add3A_520 = arith.addi %iota3A, %add3A_519 : vector<16xi32>
          %and3A_521 = arith.constant 15 : i32
          %and3A_522 = vector.broadcast %and3A_521 : i32 to vector<16xi32>
          %and3A_523 = arith.andi %add3A_520, %and3A_522 : vector<16xi32>
          %add3A_524 = vector.broadcast %mul3A_117 : i32 to vector<16xi32>
          %add3A_525 = arith.addi %add3A_524, %and3A_523 : vector<16xi32>
          %gather3A_526 = tpu.vector_load_idx %arg7[%iota3A, %add3A_525] : memref<16x256xf32, #tpu.memory_space<vmem>>[vector<16xi32>, vector<16xi32>], vector<16xf32>,
          %add3A_527 = arith.constant 9 : i32
          %add3A_528 = vector.broadcast %add3A_527 : i32 to vector<16xi32>
          %add3A_529 = arith.addi %iota3A, %add3A_528 : vector<16xi32>
          %and3A_530 = arith.constant 15 : i32
          %and3A_531 = vector.broadcast %and3A_530 : i32 to vector<16xi32>
          %and3A_532 = arith.andi %add3A_529, %and3A_531 : vector<16xi32>
          %lt3A_533 = arith.constant 0 : i32
          %lt3A_534 = vector.broadcast %lt3A_533 : i32 to vector<16xi32>
          %lt3A_535 = arith.cmpi slt, %and3A_532, %lt3A_534 : vector<16xi32>
          %add3A_536 = arith.constant 16 : i32
          %add3A_537 = vector.broadcast %add3A_536 : i32 to vector<16xi32>
          %add3A_538 = arith.addi %and3A_532, %add3A_537 : vector<16xi32>
          %select_n3A_539 = arith.select %lt3A_535, %add3A_538, %and3A_532 : vector<16xi1>, vector<16xi32>
          %broadcast_in_dim3A_540 = vector.shape_cast %select_n3A_539 : vector<16xi32> to vector<16x1xi32>
          %gather3A_541 = vector.shape_cast %broadcast_in_dim3A_540 : vector<16x1xi32> to vector<16xi32>
          %gather3A_542 = tpu.dynamic_gather %gather3A_526[%gather3A_541] in [0] : vector<16xf32>, vector<16xi32> -> vector<16xf32>
          %mul3A_543 = arith.constant 2 : i32
          %mul3A_544 = arith.muli %mul3A_543, %scan3A_115 : i32
          %shift_right_arithmetic3A_545 = arith.constant 3 : i32
          %shift_right_arithmetic3A_546 = vector.broadcast %shift_right_arithmetic3A_545 : i32 to vector<16xi32>
          %shift_right_arithmetic3A_547 = arith.shrsi %iota3A, %shift_right_arithmetic3A_546 : vector<16xi32>
          %add3A_548 = vector.broadcast %mul3A_544 : i32 to vector<16xi32>
          %add3A_549 = arith.addi %add3A_548, %shift_right_arithmetic3A_547 : vector<16xi32>
          %and3A_550 = arith.constant 7 : i32
          %and3A_551 = vector.broadcast %and3A_550 : i32 to vector<16xi32>
          %and3A_552 = arith.andi %iota3A, %and3A_551 : vector<16xi32>
          %shift_left3A_553 = arith.constant 4 : i32
          %shift_left3A_554 = vector.broadcast %shift_left3A_553 : i32 to vector<16xi32>
          %shift_left3A_555 = arith.shli %and3A_552, %shift_left3A_554 : vector<16xi32>
          %add3A_556 = arith.constant 9 : i32
          %add3A_557 = vector.broadcast %add3A_556 : i32 to vector<16xi32>
          %add3A_558 = arith.addi %iota3A, %add3A_557 : vector<16xi32>
          %and3A_559 = arith.constant 15 : i32
          %and3A_560 = vector.broadcast %and3A_559 : i32 to vector<16xi32>
          %and3A_561 = arith.andi %add3A_558, %and3A_560 : vector<16xi32>
          %add3A_562 = arith.addi %shift_left3A_555, %and3A_561 : vector<16xi32>
          tpu.vector_store_idx %arg11[%add3A_549, %add3A_562], %gather3A_542 : memref<32x128xf32, #tpu.memory_space<vmem>>[vector<16xi32>, vector<16xi32>], vector<16xf32>,
          %add3A_563 = arith.constant 6 : i32
          %add3A_564 = vector.broadcast %add3A_563 : i32 to vector<16xi32>
          %add3A_565 = arith.addi %iota3A, %add3A_564 : vector<16xi32>
          %and3A_566 = arith.constant 15 : i32
          %and3A_567 = vector.broadcast %and3A_566 : i32 to vector<16xi32>
          %and3A_568 = arith.andi %add3A_565, %and3A_567 : vector<16xi32>
          %add3A_569 = vector.broadcast %mul3A_117 : i32 to vector<16xi32>
          %add3A_570 = arith.addi %add3A_569, %and3A_568 : vector<16xi32>
          %gather3A_571 = tpu.vector_load_idx %arg7[%iota3A, %add3A_570] : memref<16x256xf32, #tpu.memory_space<vmem>>[vector<16xi32>, vector<16xi32>], vector<16xf32>,
          %add3A_572 = arith.constant 10 : i32
          %add3A_573 = vector.broadcast %add3A_572 : i32 to vector<16xi32>
          %add3A_574 = arith.addi %iota3A, %add3A_573 : vector<16xi32>
          %and3A_575 = arith.constant 15 : i32
          %and3A_576 = vector.broadcast %and3A_575 : i32 to vector<16xi32>
          %and3A_577 = arith.andi %add3A_574, %and3A_576 : vector<16xi32>
          %lt3A_578 = arith.constant 0 : i32
          %lt3A_579 = vector.broadcast %lt3A_578 : i32 to vector<16xi32>
          %lt3A_580 = arith.cmpi slt, %and3A_577, %lt3A_579 : vector<16xi32>
          %add3A_581 = arith.constant 16 : i32
          %add3A_582 = vector.broadcast %add3A_581 : i32 to vector<16xi32>
          %add3A_583 = arith.addi %and3A_577, %add3A_582 : vector<16xi32>
          %select_n3A_584 = arith.select %lt3A_580, %add3A_583, %and3A_577 : vector<16xi1>, vector<16xi32>
          %broadcast_in_dim3A_585 = vector.shape_cast %select_n3A_584 : vector<16xi32> to vector<16x1xi32>
          %gather3A_586 = vector.shape_cast %broadcast_in_dim3A_585 : vector<16x1xi32> to vector<16xi32>
          %gather3A_587 = tpu.dynamic_gather %gather3A_571[%gather3A_586] in [0] : vector<16xf32>, vector<16xi32> -> vector<16xf32>
          %mul3A_588 = arith.constant 2 : i32
          %mul3A_589 = arith.muli %mul3A_588, %scan3A_115 : i32
          %shift_right_arithmetic3A_590 = arith.constant 3 : i32
          %shift_right_arithmetic3A_591 = vector.broadcast %shift_right_arithmetic3A_590 : i32 to vector<16xi32>
          %shift_right_arithmetic3A_592 = arith.shrsi %iota3A, %shift_right_arithmetic3A_591 : vector<16xi32>
          %add3A_593 = vector.broadcast %mul3A_589 : i32 to vector<16xi32>
          %add3A_594 = arith.addi %add3A_593, %shift_right_arithmetic3A_592 : vector<16xi32>
          %and3A_595 = arith.constant 7 : i32
          %and3A_596 = vector.broadcast %and3A_595 : i32 to vector<16xi32>
          %and3A_597 = arith.andi %iota3A, %and3A_596 : vector<16xi32>
          %shift_left3A_598 = arith.constant 4 : i32
          %shift_left3A_599 = vector.broadcast %shift_left3A_598 : i32 to vector<16xi32>
          %shift_left3A_600 = arith.shli %and3A_597, %shift_left3A_599 : vector<16xi32>
          %add3A_601 = arith.constant 10 : i32
          %add3A_602 = vector.broadcast %add3A_601 : i32 to vector<16xi32>
          %add3A_603 = arith.addi %iota3A, %add3A_602 : vector<16xi32>
          %and3A_604 = arith.constant 15 : i32
          %and3A_605 = vector.broadcast %and3A_604 : i32 to vector<16xi32>
          %and3A_606 = arith.andi %add3A_603, %and3A_605 : vector<16xi32>
          %add3A_607 = arith.addi %shift_left3A_600, %and3A_606 : vector<16xi32>
          tpu.vector_store_idx %arg11[%add3A_594, %add3A_607], %gather3A_587 : memref<32x128xf32, #tpu.memory_space<vmem>>[vector<16xi32>, vector<16xi32>], vector<16xf32>,
          %add3A_608 = arith.constant 5 : i32
          %add3A_609 = vector.broadcast %add3A_608 : i32 to vector<16xi32>
          %add3A_610 = arith.addi %iota3A, %add3A_609 : vector<16xi32>
          %and3A_611 = arith.constant 15 : i32
          %and3A_612 = vector.broadcast %and3A_611 : i32 to vector<16xi32>
          %and3A_613 = arith.andi %add3A_610, %and3A_612 : vector<16xi32>
          %add3A_614 = vector.broadcast %mul3A_117 : i32 to vector<16xi32>
          %add3A_615 = arith.addi %add3A_614, %and3A_613 : vector<16xi32>
          %gather3A_616 = tpu.vector_load_idx %arg7[%iota3A, %add3A_615] : memref<16x256xf32, #tpu.memory_space<vmem>>[vector<16xi32>, vector<16xi32>], vector<16xf32>,
          %add3A_617 = arith.constant 11 : i32
          %add3A_618 = vector.broadcast %add3A_617 : i32 to vector<16xi32>
          %add3A_619 = arith.addi %iota3A, %add3A_618 : vector<16xi32>
          %and3A_620 = arith.constant 15 : i32
          %and3A_621 = vector.broadcast %and3A_620 : i32 to vector<16xi32>
          %and3A_622 = arith.andi %add3A_619, %and3A_621 : vector<16xi32>
          %lt3A_623 = arith.constant 0 : i32
          %lt3A_624 = vector.broadcast %lt3A_623 : i32 to vector<16xi32>
          %lt3A_625 = arith.cmpi slt, %and3A_622, %lt3A_624 : vector<16xi32>
          %add3A_626 = arith.constant 16 : i32
          %add3A_627 = vector.broadcast %add3A_626 : i32 to vector<16xi32>
          %add3A_628 = arith.addi %and3A_622, %add3A_627 : vector<16xi32>
          %select_n3A_629 = arith.select %lt3A_625, %add3A_628, %and3A_622 : vector<16xi1>, vector<16xi32>
          %broadcast_in_dim3A_630 = vector.shape_cast %select_n3A_629 : vector<16xi32> to vector<16x1xi32>
          %gather3A_631 = vector.shape_cast %broadcast_in_dim3A_630 : vector<16x1xi32> to vector<16xi32>
          %gather3A_632 = tpu.dynamic_gather %gather3A_616[%gather3A_631] in [0] : vector<16xf32>, vector<16xi32> -> vector<16xf32>
          %mul3A_633 = arith.constant 2 : i32
          %mul3A_634 = arith.muli %mul3A_633, %scan3A_115 : i32
          %shift_right_arithmetic3A_635 = arith.constant 3 : i32
          %shift_right_arithmetic3A_636 = vector.broadcast %shift_right_arithmetic3A_635 : i32 to vector<16xi32>
          %shift_right_arithmetic3A_637 = arith.shrsi %iota3A, %shift_right_arithmetic3A_636 : vector<16xi32>
          %add3A_638 = vector.broadcast %mul3A_634 : i32 to vector<16xi32>
          %add3A_639 = arith.addi %add3A_638, %shift_right_arithmetic3A_637 : vector<16xi32>
          %and3A_640 = arith.constant 7 : i32
          %and3A_641 = vector.broadcast %and3A_640 : i32 to vector<16xi32>
          %and3A_642 = arith.andi %iota3A, %and3A_641 : vector<16xi32>
          %shift_left3A_643 = arith.constant 4 : i32
          %shift_left3A_644 = vector.broadcast %shift_left3A_643 : i32 to vector<16xi32>
          %shift_left3A_645 = arith.shli %and3A_642, %shift_left3A_644 : vector<16xi32>
          %add3A_646 = arith.constant 11 : i32
          %add3A_647 = vector.broadcast %add3A_646 : i32 to vector<16xi32>
          %add3A_648 = arith.addi %iota3A, %add3A_647 : vector<16xi32>
          %and3A_649 = arith.constant 15 : i32
          %and3A_650 = vector.broadcast %and3A_649 : i32 to vector<16xi32>
          %and3A_651 = arith.andi %add3A_648, %and3A_650 : vector<16xi32>
          %add3A_652 = arith.addi %shift_left3A_645, %and3A_651 : vector<16xi32>
          tpu.vector_store_idx %arg11[%add3A_639, %add3A_652], %gather3A_632 : memref<32x128xf32, #tpu.memory_space<vmem>>[vector<16xi32>, vector<16xi32>], vector<16xf32>,
          %add3A_653 = arith.constant 4 : i32
          %add3A_654 = vector.broadcast %add3A_653 : i32 to vector<16xi32>
          %add3A_655 = arith.addi %iota3A, %add3A_654 : vector<16xi32>
          %and3A_656 = arith.constant 15 : i32
          %and3A_657 = vector.broadcast %and3A_656 : i32 to vector<16xi32>
          %and3A_658 = arith.andi %add3A_655, %and3A_657 : vector<16xi32>
          %add3A_659 = vector.broadcast %mul3A_117 : i32 to vector<16xi32>
          %add3A_660 = arith.addi %add3A_659, %and3A_658 : vector<16xi32>
          %gather3A_661 = tpu.vector_load_idx %arg7[%iota3A, %add3A_660] : memref<16x256xf32, #tpu.memory_space<vmem>>[vector<16xi32>, vector<16xi32>], vector<16xf32>,
          %add3A_662 = arith.constant 12 : i32
          %add3A_663 = vector.broadcast %add3A_662 : i32 to vector<16xi32>
          %add3A_664 = arith.addi %iota3A, %add3A_663 : vector<16xi32>
          %and3A_665 = arith.constant 15 : i32
          %and3A_666 = vector.broadcast %and3A_665 : i32 to vector<16xi32>
          %and3A_667 = arith.andi %add3A_664, %and3A_666 : vector<16xi32>
          %lt3A_668 = arith.constant 0 : i32
          %lt3A_669 = vector.broadcast %lt3A_668 : i32 to vector<16xi32>
          %lt3A_670 = arith.cmpi slt, %and3A_667, %lt3A_669 : vector<16xi32>
          %add3A_671 = arith.constant 16 : i32
          %add3A_672 = vector.broadcast %add3A_671 : i32 to vector<16xi32>
          %add3A_673 = arith.addi %and3A_667, %add3A_672 : vector<16xi32>
          %select_n3A_674 = arith.select %lt3A_670, %add3A_673, %and3A_667 : vector<16xi1>, vector<16xi32>
          %broadcast_in_dim3A_675 = vector.shape_cast %select_n3A_674 : vector<16xi32> to vector<16x1xi32>
          %gather3A_676 = vector.shape_cast %broadcast_in_dim3A_675 : vector<16x1xi32> to vector<16xi32>
          %gather3A_677 = tpu.dynamic_gather %gather3A_661[%gather3A_676] in [0] : vector<16xf32>, vector<16xi32> -> vector<16xf32>
          %mul3A_678 = arith.constant 2 : i32
          %mul3A_679 = arith.muli %mul3A_678, %scan3A_115 : i32
          %shift_right_arithmetic3A_680 = arith.constant 3 : i32
          %shift_right_arithmetic3A_681 = vector.broadcast %shift_right_arithmetic3A_680 : i32 to vector<16xi32>
          %shift_right_arithmetic3A_682 = arith.shrsi %iota3A, %shift_right_arithmetic3A_681 : vector<16xi32>
          %add3A_683 = vector.broadcast %mul3A_679 : i32 to vector<16xi32>
          %add3A_684 = arith.addi %add3A_683, %shift_right_arithmetic3A_682 : vector<16xi32>
          %and3A_685 = arith.constant 7 : i32
          %and3A_686 = vector.broadcast %and3A_685 : i32 to vector<16xi32>
          %and3A_687 = arith.andi %iota3A, %and3A_686 : vector<16xi32>
          %shift_left3A_688 = arith.constant 4 : i32
          %shift_left3A_689 = vector.broadcast %shift_left3A_688 : i32 to vector<16xi32>
          %shift_left3A_690 = arith.shli %and3A_687, %shift_left3A_689 : vector<16xi32>
          %add3A_691 = arith.constant 12 : i32
          %add3A_692 = vector.broadcast %add3A_691 : i32 to vector<16xi32>
          %add3A_693 = arith.addi %iota3A, %add3A_692 : vector<16xi32>
          %and3A_694 = arith.constant 15 : i32
          %and3A_695 = vector.broadcast %and3A_694 : i32 to vector<16xi32>
          %and3A_696 = arith.andi %add3A_693, %and3A_695 : vector<16xi32>
          %add3A_697 = arith.addi %shift_left3A_690, %and3A_696 : vector<16xi32>
          tpu.vector_store_idx %arg11[%add3A_684, %add3A_697], %gather3A_677 : memref<32x128xf32, #tpu.memory_space<vmem>>[vector<16xi32>, vector<16xi32>], vector<16xf32>,
          %add3A_698 = arith.constant 3 : i32
          %add3A_699 = vector.broadcast %add3A_698 : i32 to vector<16xi32>
          %add3A_700 = arith.addi %iota3A, %add3A_699 : vector<16xi32>
          %and3A_701 = arith.constant 15 : i32
          %and3A_702 = vector.broadcast %and3A_701 : i32 to vector<16xi32>
          %and3A_703 = arith.andi %add3A_700, %and3A_702 : vector<16xi32>
          %add3A_704 = vector.broadcast %mul3A_117 : i32 to vector<16xi32>
          %add3A_705 = arith.addi %add3A_704, %and3A_703 : vector<16xi32>
          %gather3A_706 = tpu.vector_load_idx %arg7[%iota3A, %add3A_705] : memref<16x256xf32, #tpu.memory_space<vmem>>[vector<16xi32>, vector<16xi32>], vector<16xf32>,
          %add3A_707 = arith.constant 13 : i32
          %add3A_708 = vector.broadcast %add3A_707 : i32 to vector<16xi32>
          %add3A_709 = arith.addi %iota3A, %add3A_708 : vector<16xi32>
          %and3A_710 = arith.constant 15 : i32
          %and3A_711 = vector.broadcast %and3A_710 : i32 to vector<16xi32>
          %and3A_712 = arith.andi %add3A_709, %and3A_711 : vector<16xi32>
          %lt3A_713 = arith.constant 0 : i32
          %lt3A_714 = vector.broadcast %lt3A_713 : i32 to vector<16xi32>
          %lt3A_715 = arith.cmpi slt, %and3A_712, %lt3A_714 : vector<16xi32>
          %add3A_716 = arith.constant 16 : i32
          %add3A_717 = vector.broadcast %add3A_716 : i32 to vector<16xi32>
          %add3A_718 = arith.addi %and3A_712, %add3A_717 : vector<16xi32>
          %select_n3A_719 = arith.select %lt3A_715, %add3A_718, %and3A_712 : vector<16xi1>, vector<16xi32>
          %broadcast_in_dim3A_720 = vector.shape_cast %select_n3A_719 : vector<16xi32> to vector<16x1xi32>
          %gather3A_721 = vector.shape_cast %broadcast_in_dim3A_720 : vector<16x1xi32> to vector<16xi32>
          %gather3A_722 = tpu.dynamic_gather %gather3A_706[%gather3A_721] in [0] : vector<16xf32>, vector<16xi32> -> vector<16xf32>
          %mul3A_723 = arith.constant 2 : i32
          %mul3A_724 = arith.muli %mul3A_723, %scan3A_115 : i32
          %shift_right_arithmetic3A_725 = arith.constant 3 : i32
          %shift_right_arithmetic3A_726 = vector.broadcast %shift_right_arithmetic3A_725 : i32 to vector<16xi32>
          %shift_right_arithmetic3A_727 = arith.shrsi %iota3A, %shift_right_arithmetic3A_726 : vector<16xi32>
          %add3A_728 = vector.broadcast %mul3A_724 : i32 to vector<16xi32>
          %add3A_729 = arith.addi %add3A_728, %shift_right_arithmetic3A_727 : vector<16xi32>
          %and3A_730 = arith.constant 7 : i32
          %and3A_731 = vector.broadcast %and3A_730 : i32 to vector<16xi32>
          %and3A_732 = arith.andi %iota3A, %and3A_731 : vector<16xi32>
          %shift_left3A_733 = arith.constant 4 : i32
          %shift_left3A_734 = vector.broadcast %shift_left3A_733 : i32 to vector<16xi32>
          %shift_left3A_735 = arith.shli %and3A_732, %shift_left3A_734 : vector<16xi32>
          %add3A_736 = arith.constant 13 : i32
          %add3A_737 = vector.broadcast %add3A_736 : i32 to vector<16xi32>
          %add3A_738 = arith.addi %iota3A, %add3A_737 : vector<16xi32>
          %and3A_739 = arith.constant 15 : i32
          %and3A_740 = vector.broadcast %and3A_739 : i32 to vector<16xi32>
          %and3A_741 = arith.andi %add3A_738, %and3A_740 : vector<16xi32>
          %add3A_742 = arith.addi %shift_left3A_735, %and3A_741 : vector<16xi32>
          tpu.vector_store_idx %arg11[%add3A_729, %add3A_742], %gather3A_722 : memref<32x128xf32, #tpu.memory_space<vmem>>[vector<16xi32>, vector<16xi32>], vector<16xf32>,
          %add3A_743 = arith.constant 2 : i32
          %add3A_744 = vector.broadcast %add3A_743 : i32 to vector<16xi32>
          %add3A_745 = arith.addi %iota3A, %add3A_744 : vector<16xi32>
          %and3A_746 = arith.constant 15 : i32
          %and3A_747 = vector.broadcast %and3A_746 : i32 to vector<16xi32>
          %and3A_748 = arith.andi %add3A_745, %and3A_747 : vector<16xi32>
          %add3A_749 = vector.broadcast %mul3A_117 : i32 to vector<16xi32>
          %add3A_750 = arith.addi %add3A_749, %and3A_748 : vector<16xi32>
          %gather3A_751 = tpu.vector_load_idx %arg7[%iota3A, %add3A_750] : memref<16x256xf32, #tpu.memory_space<vmem>>[vector<16xi32>, vector<16xi32>], vector<16xf32>,
          %add3A_752 = arith.constant 14 : i32
          %add3A_753 = vector.broadcast %add3A_752 : i32 to vector<16xi32>
          %add3A_754 = arith.addi %iota3A, %add3A_753 : vector<16xi32>
          %and3A_755 = arith.constant 15 : i32
          %and3A_756 = vector.broadcast %and3A_755 : i32 to vector<16xi32>
          %and3A_757 = arith.andi %add3A_754, %and3A_756 : vector<16xi32>
          %lt3A_758 = arith.constant 0 : i32
          %lt3A_759 = vector.broadcast %lt3A_758 : i32 to vector<16xi32>
          %lt3A_760 = arith.cmpi slt, %and3A_757, %lt3A_759 : vector<16xi32>
          %add3A_761 = arith.constant 16 : i32
          %add3A_762 = vector.broadcast %add3A_761 : i32 to vector<16xi32>
          %add3A_763 = arith.addi %and3A_757, %add3A_762 : vector<16xi32>
          %select_n3A_764 = arith.select %lt3A_760, %add3A_763, %and3A_757 : vector<16xi1>, vector<16xi32>
          %broadcast_in_dim3A_765 = vector.shape_cast %select_n3A_764 : vector<16xi32> to vector<16x1xi32>
          %gather3A_766 = vector.shape_cast %broadcast_in_dim3A_765 : vector<16x1xi32> to vector<16xi32>
          %gather3A_767 = tpu.dynamic_gather %gather3A_751[%gather3A_766] in [0] : vector<16xf32>, vector<16xi32> -> vector<16xf32>
          %mul3A_768 = arith.constant 2 : i32
          %mul3A_769 = arith.muli %mul3A_768, %scan3A_115 : i32
          %shift_right_arithmetic3A_770 = arith.constant 3 : i32
          %shift_right_arithmetic3A_771 = vector.broadcast %shift_right_arithmetic3A_770 : i32 to vector<16xi32>
          %shift_right_arithmetic3A_772 = arith.shrsi %iota3A, %shift_right_arithmetic3A_771 : vector<16xi32>
          %add3A_773 = vector.broadcast %mul3A_769 : i32 to vector<16xi32>
          %add3A_774 = arith.addi %add3A_773, %shift_right_arithmetic3A_772 : vector<16xi32>
          %and3A_775 = arith.constant 7 : i32
          %and3A_776 = vector.broadcast %and3A_775 : i32 to vector<16xi32>
          %and3A_777 = arith.andi %iota3A, %and3A_776 : vector<16xi32>
          %shift_left3A_778 = arith.constant 4 : i32
          %shift_left3A_779 = vector.broadcast %shift_left3A_778 : i32 to vector<16xi32>
          %shift_left3A_780 = arith.shli %and3A_777, %shift_left3A_779 : vector<16xi32>
          %add3A_781 = arith.constant 14 : i32
          %add3A_782 = vector.broadcast %add3A_781 : i32 to vector<16xi32>
          %add3A_783 = arith.addi %iota3A, %add3A_782 : vector<16xi32>
          %and3A_784 = arith.constant 15 : i32
          %and3A_785 = vector.broadcast %and3A_784 : i32 to vector<16xi32>
          %and3A_786 = arith.andi %add3A_783, %and3A_785 : vector<16xi32>
          %add3A_787 = arith.addi %shift_left3A_780, %and3A_786 : vector<16xi32>
          tpu.vector_store_idx %arg11[%add3A_774, %add3A_787], %gather3A_767 : memref<32x128xf32, #tpu.memory_space<vmem>>[vector<16xi32>, vector<16xi32>], vector<16xf32>,
          %add3A_788 = arith.constant 1 : i32
          %add3A_789 = vector.broadcast %add3A_788 : i32 to vector<16xi32>
          %add3A_790 = arith.addi %iota3A, %add3A_789 : vector<16xi32>
          %and3A_791 = arith.constant 15 : i32
          %and3A_792 = vector.broadcast %and3A_791 : i32 to vector<16xi32>
          %and3A_793 = arith.andi %add3A_790, %and3A_792 : vector<16xi32>
          %add3A_794 = vector.broadcast %mul3A_117 : i32 to vector<16xi32>
          %add3A_795 = arith.addi %add3A_794, %and3A_793 : vector<16xi32>
          %gather3A_796 = tpu.vector_load_idx %arg7[%iota3A, %add3A_795] : memref<16x256xf32, #tpu.memory_space<vmem>>[vector<16xi32>, vector<16xi32>], vector<16xf32>,
          %add3A_797 = arith.constant 15 : i32
          %add3A_798 = vector.broadcast %add3A_797 : i32 to vector<16xi32>
          %add3A_799 = arith.addi %iota3A, %add3A_798 : vector<16xi32>
          %and3A_800 = arith.constant 15 : i32
          %and3A_801 = vector.broadcast %and3A_800 : i32 to vector<16xi32>
          %and3A_802 = arith.andi %add3A_799, %and3A_801 : vector<16xi32>
          %lt3A_803 = arith.constant 0 : i32
          %lt3A_804 = vector.broadcast %lt3A_803 : i32 to vector<16xi32>
          %lt3A_805 = arith.cmpi slt, %and3A_802, %lt3A_804 : vector<16xi32>
          %add3A_806 = arith.constant 16 : i32
          %add3A_807 = vector.broadcast %add3A_806 : i32 to vector<16xi32>
          %add3A_808 = arith.addi %and3A_802, %add3A_807 : vector<16xi32>
          %select_n3A_809 = arith.select %lt3A_805, %add3A_808, %and3A_802 : vector<16xi1>, vector<16xi32>
          %broadcast_in_dim3A_810 = vector.shape_cast %select_n3A_809 : vector<16xi32> to vector<16x1xi32>
          %gather3A_811 = vector.shape_cast %broadcast_in_dim3A_810 : vector<16x1xi32> to vector<16xi32>
          %gather3A_812 = tpu.dynamic_gather %gather3A_796[%gather3A_811] in [0] : vector<16xf32>, vector<16xi32> -> vector<16xf32>
          %mul3A_813 = arith.constant 2 : i32
          %mul3A_814 = arith.muli %mul3A_813, %scan3A_115 : i32
          %shift_right_arithmetic3A_815 = arith.constant 3 : i32
          %shift_right_arithmetic3A_816 = vector.broadcast %shift_right_arithmetic3A_815 : i32 to vector<16xi32>
          %shift_right_arithmetic3A_817 = arith.shrsi %iota3A, %shift_right_arithmetic3A_816 : vector<16xi32>
          %add3A_818 = vector.broadcast %mul3A_814 : i32 to vector<16xi32>
          %add3A_819 = arith.addi %add3A_818, %shift_right_arithmetic3A_817 : vector<16xi32>
          %and3A_820 = arith.constant 7 : i32
          %and3A_821 = vector.broadcast %and3A_820 : i32 to vector<16xi32>
          %and3A_822 = arith.andi %iota3A, %and3A_821 : vector<16xi32>
          %shift_left3A_823 = arith.constant 4 : i32
          %shift_left3A_824 = vector.broadcast %shift_left3A_823 : i32 to vector<16xi32>
          %shift_left3A_825 = arith.shli %and3A_822, %shift_left3A_824 : vector<16xi32>
          %add3A_826 = arith.constant 15 : i32
          %add3A_827 = vector.broadcast %add3A_826 : i32 to vector<16xi32>
          %add3A_828 = arith.addi %iota3A, %add3A_827 : vector<16xi32>
          %and3A_829 = arith.constant 15 : i32
          %and3A_830 = vector.broadcast %and3A_829 : i32 to vector<16xi32>
          %and3A_831 = arith.andi %add3A_828, %and3A_830 : vector<16xi32>
          %add3A_832 = arith.addi %shift_left3A_825, %and3A_831 : vector<16xi32>
          tpu.vector_store_idx %arg11[%add3A_819, %add3A_832], %gather3A_812 : memref<32x128xf32, #tpu.memory_space<vmem>>[vector<16xi32>, vector<16xi32>], vector<16xf32>,
        }
        %scan3A_100 = arith.constant 16 : i32
        %mul3A_101 = arith.constant 32 : i32
        %mul3A_102 = arith.muli %add3A_72, %mul3A_101 : i32
        %add3A_103 = arith.addi %mul3A_102, %add3A : i32
        %mul3A_104 = arith.constant 32 : i32
        %mul3A_105 = arith.muli %add3A_103, %mul3A_104 : i32
        %dma_start3A = arith.constant 0 : i32
        %dma_start3A_106 = tpu.memref_slice %arg4[%mul3A_105, %dma_start3A] : memref<125000x128xf32, #tpu.memory_space<hbm>> -> memref<32x128xf32, #tpu.memory_space<hbm>>
        %dma_start3A_107 = arith.constant 0 : i32
        %dma_start3A_108 = tpu.memref_slice %arg4[%mul3A_105, %dma_start3A_107] : memref<125000x128xf32, #tpu.memory_space<hbm>> -> memref<32x128xf32, #tpu.memory_space<hbm>>
        tpu.enqueue_dma source(%arg11 : memref<32x128xf32, #tpu.memory_space<vmem>>) target(%dma_start3A_108 : memref<32x128xf32, #tpu.memory_space<hbm>>) target_semaphore(%arg14 : memref<!tpu.dma_semaphore, #tpu.memory_space<semaphore_mem>>)
        %add3A_109 = arith.constant 4 : i32
        %add3A_110 = arith.addi %add3A_72, %add3A_109 : i32
        %lt3A_111 = arith.cmpi slt, %add3A_110, %select_n3A : i32
        %convert_element_type3A_112 = arith.extui %lt3A_111 : i1 to i32
        %cond3A_113 = arith.constant 0 : i32
        %cond3A_114 = arith.cmpi ne, %convert_element_type3A_112, %cond3A_113 : i32
        scf.if %cond3A_114 {
          %mul3A_115 = arith.constant 32 : i32
          %mul3A_116 = arith.muli %add3A_110, %mul3A_115 : i32
          %add3A_117 = arith.addi %mul3A_116, %add3A : i32
          %mul3A_118 = arith.constant 256 : i32
          %mul3A_119 = arith.muli %add3A_117, %mul3A_118 : i32
          %dma_start3A_120 = arith.constant 0 : i32
          %dma_start3A_121 = tpu.memref_slice %arg2[%dma_start3A_120, %mul3A_119] : memref<16x1000000xf32, #tpu.memory_space<hbm>> -> memref<16x256xf32, #tpu.memory_space<hbm>>
          %dma_start3A_122 = arith.constant 0 : i32
          %dma_start3A_123 = tpu.memref_slice %arg2[%dma_start3A_122, %mul3A_119] : memref<16x1000000xf32, #tpu.memory_space<hbm>> -> memref<16x256xf32, #tpu.memory_space<hbm>>
          tpu.enqueue_dma source(%dma_start3A_123 : memref<16x256xf32, #tpu.memory_space<hbm>>) target(%arg7 : memref<16x256xf32, #tpu.memory_space<vmem>>) target_semaphore(%arg13 : memref<!tpu.dma_semaphore, #tpu.memory_space<semaphore_mem>>)
        } else {
        }
      } else {
      }
      %mul3A_77 = arith.constant 4 : i32
      %mul3A_78 = arith.muli %scan3A_52, %mul3A_77 : i32
      %add3A_79 = arith.constant 3 : i32
      %add3A_80 = arith.addi %mul3A_78, %add3A_79 : i32
      %lt3A_81 = arith.cmpi slt, %add3A_80, %select_n3A : i32
      %convert_element_type3A_82 = arith.extui %lt3A_81 : i1 to i32
      %cond3A_83 = arith.constant 0 : i32
      %cond3A_84 = arith.cmpi ne, %convert_element_type3A_82, %cond3A_83 : i32
      scf.if %cond3A_84 {
        %dma_wait3A_85 = arith.constant 0 : i32
        %dma_wait3A_86 = arith.constant 0 : i32
        %dma_wait3A_87 = tpu.memref_slice %arg2[%dma_wait3A_85, %dma_wait3A_86] : memref<16x1000000xf32, #tpu.memory_space<hbm>> -> memref<16x256xf32, #tpu.memory_space<hbm>>
        %dma_wait3A_88 = arith.constant 0 : i32
        %dma_wait3A_89 = arith.constant 0 : i32
        %dma_wait3A_90 = tpu.memref_slice %arg2[%dma_wait3A_88, %dma_wait3A_89] : memref<16x1000000xf32, #tpu.memory_space<hbm>> -> memref<16x256xf32, #tpu.memory_space<hbm>>
        tpu.wait_dma2 semaphore(%arg13 : memref<!tpu.dma_semaphore, #tpu.memory_space<semaphore_mem>>) src(%dma_wait3A_90 : memref<16x256xf32, #tpu.memory_space<hbm>>) dst(%arg8 : memref<16x256xf32, #tpu.memory_space<vmem>>)
        %ge3A = arith.constant 4 : i32
        %ge3A_91 = arith.cmpi sge, %add3A_80, %ge3A : i32
        %convert_element_type3A_92 = arith.extui %ge3A_91 : i1 to i32
        %cond3A_93 = arith.constant 0 : i32
        %cond3A_94 = arith.cmpi ne, %convert_element_type3A_92, %cond3A_93 : i32
        scf.if %cond3A_94 {
          %dma_wait3A_115 = arith.constant 0 : i32
          %dma_wait3A_116 = arith.constant 0 : i32
          %dma_wait3A_117 = tpu.memref_slice %arg4[%dma_wait3A_115, %dma_wait3A_116] : memref<125000x128xf32, #tpu.memory_space<hbm>> -> memref<32x128xf32, #tpu.memory_space<hbm>>
          %dma_wait3A_118 = arith.constant 0 : i32
          %dma_wait3A_119 = arith.constant 0 : i32
          %dma_wait3A_120 = tpu.memref_slice %arg4[%dma_wait3A_118, %dma_wait3A_119] : memref<125000x128xf32, #tpu.memory_space<hbm>> -> memref<32x128xf32, #tpu.memory_space<hbm>>
          tpu.wait_dma2 semaphore(%arg14 : memref<!tpu.dma_semaphore, #tpu.memory_space<semaphore_mem>>) src(%arg12 : memref<32x128xf32, #tpu.memory_space<vmem>>) dst(%dma_wait3A_120 : memref<32x128xf32, #tpu.memory_space<hbm>>)
        } else {
        }
        %scan3A_95 = arith.constant 0 : i32
        %scan3A_96 = arith.constant 0 : i32
        %scan3A_97 = arith.constant 16 : i32
        %scan3A_98 = arith.addi %scan3A_96, %scan3A_97 : i32
        %scan3A_99 = arith.constant 1 : i32
        scf.for %scan3A_115 = %scan3A_96 to %scan3A_98 step %scan3A_99  : i32 {
          %mul3A_116 = arith.constant 16 : i32
          %mul3A_117 = arith.muli %scan3A_115, %mul3A_116 : i32
          %add3A_118 = arith.constant 0 : i32
          %add3A_119 = vector.broadcast %add3A_118 : i32 to vector<16xi32>
          %add3A_120 = arith.addi %iota3A, %add3A_119 : vector<16xi32>
          %and3A = arith.constant 15 : i32
          %and3A_121 = vector.broadcast %and3A : i32 to vector<16xi32>
          %and3A_122 = arith.andi %add3A_120, %and3A_121 : vector<16xi32>
          %add3A_123 = vector.broadcast %mul3A_117 : i32 to vector<16xi32>
          %add3A_124 = arith.addi %add3A_123, %and3A_122 : vector<16xi32>
          %gather3A = tpu.vector_load_idx %arg8[%iota3A, %add3A_124] : memref<16x256xf32, #tpu.memory_space<vmem>>[vector<16xi32>, vector<16xi32>], vector<16xf32>,
          %add3A_125 = arith.constant 0 : i32
          %add3A_126 = vector.broadcast %add3A_125 : i32 to vector<16xi32>
          %add3A_127 = arith.addi %iota3A, %add3A_126 : vector<16xi32>
          %and3A_128 = arith.constant 15 : i32
          %and3A_129 = vector.broadcast %and3A_128 : i32 to vector<16xi32>
          %and3A_130 = arith.andi %add3A_127, %and3A_129 : vector<16xi32>
          %lt3A_131 = arith.constant 0 : i32
          %lt3A_132 = vector.broadcast %lt3A_131 : i32 to vector<16xi32>
          %lt3A_133 = arith.cmpi slt, %and3A_130, %lt3A_132 : vector<16xi32>
          %add3A_134 = arith.constant 16 : i32
          %add3A_135 = vector.broadcast %add3A_134 : i32 to vector<16xi32>
          %add3A_136 = arith.addi %and3A_130, %add3A_135 : vector<16xi32>
          %select_n3A_137 = arith.select %lt3A_133, %add3A_136, %and3A_130 : vector<16xi1>, vector<16xi32>
          %broadcast_in_dim3A = vector.shape_cast %select_n3A_137 : vector<16xi32> to vector<16x1xi32>
          %gather3A_138 = vector.shape_cast %broadcast_in_dim3A : vector<16x1xi32> to vector<16xi32>
          %gather3A_139 = tpu.dynamic_gather %gather3A[%gather3A_138] in [0] : vector<16xf32>, vector<16xi32> -> vector<16xf32>
          %mul3A_140 = arith.constant 2 : i32
          %mul3A_141 = arith.muli %mul3A_140, %scan3A_115 : i32
          %shift_right_arithmetic3A = arith.constant 3 : i32
          %shift_right_arithmetic3A_142 = vector.broadcast %shift_right_arithmetic3A : i32 to vector<16xi32>
          %shift_right_arithmetic3A_143 = arith.shrsi %iota3A, %shift_right_arithmetic3A_142 : vector<16xi32>
          %add3A_144 = vector.broadcast %mul3A_141 : i32 to vector<16xi32>
          %add3A_145 = arith.addi %add3A_144, %shift_right_arithmetic3A_143 : vector<16xi32>
          %and3A_146 = arith.constant 7 : i32
          %and3A_147 = vector.broadcast %and3A_146 : i32 to vector<16xi32>
          %and3A_148 = arith.andi %iota3A, %and3A_147 : vector<16xi32>
          %shift_left3A = arith.constant 4 : i32
          %shift_left3A_149 = vector.broadcast %shift_left3A : i32 to vector<16xi32>
          %shift_left3A_150 = arith.shli %and3A_148, %shift_left3A_149 : vector<16xi32>
          %add3A_151 = arith.constant 0 : i32
          %add3A_152 = vector.broadcast %add3A_151 : i32 to vector<16xi32>
          %add3A_153 = arith.addi %iota3A, %add3A_152 : vector<16xi32>
          %and3A_154 = arith.constant 15 : i32
          %and3A_155 = vector.broadcast %and3A_154 : i32 to vector<16xi32>
          %and3A_156 = arith.andi %add3A_153, %and3A_155 : vector<16xi32>
          %add3A_157 = arith.addi %shift_left3A_150, %and3A_156 : vector<16xi32>
          tpu.vector_store_idx %arg12[%add3A_145, %add3A_157], %gather3A_139 : memref<32x128xf32, #tpu.memory_space<vmem>>[vector<16xi32>, vector<16xi32>], vector<16xf32>,
          %add3A_158 = arith.constant 15 : i32
          %add3A_159 = vector.broadcast %add3A_158 : i32 to vector<16xi32>
          %add3A_160 = arith.addi %iota3A, %add3A_159 : vector<16xi32>
          %and3A_161 = arith.constant 15 : i32
          %and3A_162 = vector.broadcast %and3A_161 : i32 to vector<16xi32>
          %and3A_163 = arith.andi %add3A_160, %and3A_162 : vector<16xi32>
          %add3A_164 = vector.broadcast %mul3A_117 : i32 to vector<16xi32>
          %add3A_165 = arith.addi %add3A_164, %and3A_163 : vector<16xi32>
          %gather3A_166 = tpu.vector_load_idx %arg8[%iota3A, %add3A_165] : memref<16x256xf32, #tpu.memory_space<vmem>>[vector<16xi32>, vector<16xi32>], vector<16xf32>,
          %add3A_167 = arith.constant 1 : i32
          %add3A_168 = vector.broadcast %add3A_167 : i32 to vector<16xi32>
          %add3A_169 = arith.addi %iota3A, %add3A_168 : vector<16xi32>
          %and3A_170 = arith.constant 15 : i32
          %and3A_171 = vector.broadcast %and3A_170 : i32 to vector<16xi32>
          %and3A_172 = arith.andi %add3A_169, %and3A_171 : vector<16xi32>
          %lt3A_173 = arith.constant 0 : i32
          %lt3A_174 = vector.broadcast %lt3A_173 : i32 to vector<16xi32>
          %lt3A_175 = arith.cmpi slt, %and3A_172, %lt3A_174 : vector<16xi32>
          %add3A_176 = arith.constant 16 : i32
          %add3A_177 = vector.broadcast %add3A_176 : i32 to vector<16xi32>
          %add3A_178 = arith.addi %and3A_172, %add3A_177 : vector<16xi32>
          %select_n3A_179 = arith.select %lt3A_175, %add3A_178, %and3A_172 : vector<16xi1>, vector<16xi32>
          %broadcast_in_dim3A_180 = vector.shape_cast %select_n3A_179 : vector<16xi32> to vector<16x1xi32>
          %gather3A_181 = vector.shape_cast %broadcast_in_dim3A_180 : vector<16x1xi32> to vector<16xi32>
          %gather3A_182 = tpu.dynamic_gather %gather3A_166[%gather3A_181] in [0] : vector<16xf32>, vector<16xi32> -> vector<16xf32>
          %mul3A_183 = arith.constant 2 : i32
          %mul3A_184 = arith.muli %mul3A_183, %scan3A_115 : i32
          %shift_right_arithmetic3A_185 = arith.constant 3 : i32
          %shift_right_arithmetic3A_186 = vector.broadcast %shift_right_arithmetic3A_185 : i32 to vector<16xi32>
          %shift_right_arithmetic3A_187 = arith.shrsi %iota3A, %shift_right_arithmetic3A_186 : vector<16xi32>
          %add3A_188 = vector.broadcast %mul3A_184 : i32 to vector<16xi32>
          %add3A_189 = arith.addi %add3A_188, %shift_right_arithmetic3A_187 : vector<16xi32>
          %and3A_190 = arith.constant 7 : i32
          %and3A_191 = vector.broadcast %and3A_190 : i32 to vector<16xi32>
          %and3A_192 = arith.andi %iota3A, %and3A_191 : vector<16xi32>
          %shift_left3A_193 = arith.constant 4 : i32
          %shift_left3A_194 = vector.broadcast %shift_left3A_193 : i32 to vector<16xi32>
          %shift_left3A_195 = arith.shli %and3A_192, %shift_left3A_194 : vector<16xi32>
          %add3A_196 = arith.constant 1 : i32
          %add3A_197 = vector.broadcast %add3A_196 : i32 to vector<16xi32>
          %add3A_198 = arith.addi %iota3A, %add3A_197 : vector<16xi32>
          %and3A_199 = arith.constant 15 : i32
          %and3A_200 = vector.broadcast %and3A_199 : i32 to vector<16xi32>
          %and3A_201 = arith.andi %add3A_198, %and3A_200 : vector<16xi32>
          %add3A_202 = arith.addi %shift_left3A_195, %and3A_201 : vector<16xi32>
          tpu.vector_store_idx %arg12[%add3A_189, %add3A_202], %gather3A_182 : memref<32x128xf32, #tpu.memory_space<vmem>>[vector<16xi32>, vector<16xi32>], vector<16xf32>,
          %add3A_203 = arith.constant 14 : i32
          %add3A_204 = vector.broadcast %add3A_203 : i32 to vector<16xi32>
          %add3A_205 = arith.addi %iota3A, %add3A_204 : vector<16xi32>
          %and3A_206 = arith.constant 15 : i32
          %and3A_207 = vector.broadcast %and3A_206 : i32 to vector<16xi32>
          %and3A_208 = arith.andi %add3A_205, %and3A_207 : vector<16xi32>
          %add3A_209 = vector.broadcast %mul3A_117 : i32 to vector<16xi32>
          %add3A_210 = arith.addi %add3A_209, %and3A_208 : vector<16xi32>
          %gather3A_211 = tpu.vector_load_idx %arg8[%iota3A, %add3A_210] : memref<16x256xf32, #tpu.memory_space<vmem>>[vector<16xi32>, vector<16xi32>], vector<16xf32>,
          %add3A_212 = arith.constant 2 : i32
          %add3A_213 = vector.broadcast %add3A_212 : i32 to vector<16xi32>
          %add3A_214 = arith.addi %iota3A, %add3A_213 : vector<16xi32>
          %and3A_215 = arith.constant 15 : i32
          %and3A_216 = vector.broadcast %and3A_215 : i32 to vector<16xi32>
          %and3A_217 = arith.andi %add3A_214, %and3A_216 : vector<16xi32>
          %lt3A_218 = arith.constant 0 : i32
          %lt3A_219 = vector.broadcast %lt3A_218 : i32 to vector<16xi32>
          %lt3A_220 = arith.cmpi slt, %and3A_217, %lt3A_219 : vector<16xi32>
          %add3A_221 = arith.constant 16 : i32
          %add3A_222 = vector.broadcast %add3A_221 : i32 to vector<16xi32>
          %add3A_223 = arith.addi %and3A_217, %add3A_222 : vector<16xi32>
          %select_n3A_224 = arith.select %lt3A_220, %add3A_223, %and3A_217 : vector<16xi1>, vector<16xi32>
          %broadcast_in_dim3A_225 = vector.shape_cast %select_n3A_224 : vector<16xi32> to vector<16x1xi32>
          %gather3A_226 = vector.shape_cast %broadcast_in_dim3A_225 : vector<16x1xi32> to vector<16xi32>
          %gather3A_227 = tpu.dynamic_gather %gather3A_211[%gather3A_226] in [0] : vector<16xf32>, vector<16xi32> -> vector<16xf32>
          %mul3A_228 = arith.constant 2 : i32
          %mul3A_229 = arith.muli %mul3A_228, %scan3A_115 : i32
          %shift_right_arithmetic3A_230 = arith.constant 3 : i32
          %shift_right_arithmetic3A_231 = vector.broadcast %shift_right_arithmetic3A_230 : i32 to vector<16xi32>
          %shift_right_arithmetic3A_232 = arith.shrsi %iota3A, %shift_right_arithmetic3A_231 : vector<16xi32>
          %add3A_233 = vector.broadcast %mul3A_229 : i32 to vector<16xi32>
          %add3A_234 = arith.addi %add3A_233, %shift_right_arithmetic3A_232 : vector<16xi32>
          %and3A_235 = arith.constant 7 : i32
          %and3A_236 = vector.broadcast %and3A_235 : i32 to vector<16xi32>
          %and3A_237 = arith.andi %iota3A, %and3A_236 : vector<16xi32>
          %shift_left3A_238 = arith.constant 4 : i32
          %shift_left3A_239 = vector.broadcast %shift_left3A_238 : i32 to vector<16xi32>
          %shift_left3A_240 = arith.shli %and3A_237, %shift_left3A_239 : vector<16xi32>
          %add3A_241 = arith.constant 2 : i32
          %add3A_242 = vector.broadcast %add3A_241 : i32 to vector<16xi32>
          %add3A_243 = arith.addi %iota3A, %add3A_242 : vector<16xi32>
          %and3A_244 = arith.constant 15 : i32
          %and3A_245 = vector.broadcast %and3A_244 : i32 to vector<16xi32>
          %and3A_246 = arith.andi %add3A_243, %and3A_245 : vector<16xi32>
          %add3A_247 = arith.addi %shift_left3A_240, %and3A_246 : vector<16xi32>
          tpu.vector_store_idx %arg12[%add3A_234, %add3A_247], %gather3A_227 : memref<32x128xf32, #tpu.memory_space<vmem>>[vector<16xi32>, vector<16xi32>], vector<16xf32>,
          %add3A_248 = arith.constant 13 : i32
          %add3A_249 = vector.broadcast %add3A_248 : i32 to vector<16xi32>
          %add3A_250 = arith.addi %iota3A, %add3A_249 : vector<16xi32>
          %and3A_251 = arith.constant 15 : i32
          %and3A_252 = vector.broadcast %and3A_251 : i32 to vector<16xi32>
          %and3A_253 = arith.andi %add3A_250, %and3A_252 : vector<16xi32>
          %add3A_254 = vector.broadcast %mul3A_117 : i32 to vector<16xi32>
          %add3A_255 = arith.addi %add3A_254, %and3A_253 : vector<16xi32>
          %gather3A_256 = tpu.vector_load_idx %arg8[%iota3A, %add3A_255] : memref<16x256xf32, #tpu.memory_space<vmem>>[vector<16xi32>, vector<16xi32>], vector<16xf32>,
          %add3A_257 = arith.constant 3 : i32
          %add3A_258 = vector.broadcast %add3A_257 : i32 to vector<16xi32>
          %add3A_259 = arith.addi %iota3A, %add3A_258 : vector<16xi32>
          %and3A_260 = arith.constant 15 : i32
          %and3A_261 = vector.broadcast %and3A_260 : i32 to vector<16xi32>
          %and3A_262 = arith.andi %add3A_259, %and3A_261 : vector<16xi32>
          %lt3A_263 = arith.constant 0 : i32
          %lt3A_264 = vector.broadcast %lt3A_263 : i32 to vector<16xi32>
          %lt3A_265 = arith.cmpi slt, %and3A_262, %lt3A_264 : vector<16xi32>
          %add3A_266 = arith.constant 16 : i32
          %add3A_267 = vector.broadcast %add3A_266 : i32 to vector<16xi32>
          %add3A_268 = arith.addi %and3A_262, %add3A_267 : vector<16xi32>
          %select_n3A_269 = arith.select %lt3A_265, %add3A_268, %and3A_262 : vector<16xi1>, vector<16xi32>
          %broadcast_in_dim3A_270 = vector.shape_cast %select_n3A_269 : vector<16xi32> to vector<16x1xi32>
          %gather3A_271 = vector.shape_cast %broadcast_in_dim3A_270 : vector<16x1xi32> to vector<16xi32>
          %gather3A_272 = tpu.dynamic_gather %gather3A_256[%gather3A_271] in [0] : vector<16xf32>, vector<16xi32> -> vector<16xf32>
          %mul3A_273 = arith.constant 2 : i32
          %mul3A_274 = arith.muli %mul3A_273, %scan3A_115 : i32
          %shift_right_arithmetic3A_275 = arith.constant 3 : i32
          %shift_right_arithmetic3A_276 = vector.broadcast %shift_right_arithmetic3A_275 : i32 to vector<16xi32>
          %shift_right_arithmetic3A_277 = arith.shrsi %iota3A, %shift_right_arithmetic3A_276 : vector<16xi32>
          %add3A_278 = vector.broadcast %mul3A_274 : i32 to vector<16xi32>
          %add3A_279 = arith.addi %add3A_278, %shift_right_arithmetic3A_277 : vector<16xi32>
          %and3A_280 = arith.constant 7 : i32
          %and3A_281 = vector.broadcast %and3A_280 : i32 to vector<16xi32>
          %and3A_282 = arith.andi %iota3A, %and3A_281 : vector<16xi32>
          %shift_left3A_283 = arith.constant 4 : i32
          %shift_left3A_284 = vector.broadcast %shift_left3A_283 : i32 to vector<16xi32>
          %shift_left3A_285 = arith.shli %and3A_282, %shift_left3A_284 : vector<16xi32>
          %add3A_286 = arith.constant 3 : i32
          %add3A_287 = vector.broadcast %add3A_286 : i32 to vector<16xi32>
          %add3A_288 = arith.addi %iota3A, %add3A_287 : vector<16xi32>
          %and3A_289 = arith.constant 15 : i32
          %and3A_290 = vector.broadcast %and3A_289 : i32 to vector<16xi32>
          %and3A_291 = arith.andi %add3A_288, %and3A_290 : vector<16xi32>
          %add3A_292 = arith.addi %shift_left3A_285, %and3A_291 : vector<16xi32>
          tpu.vector_store_idx %arg12[%add3A_279, %add3A_292], %gather3A_272 : memref<32x128xf32, #tpu.memory_space<vmem>>[vector<16xi32>, vector<16xi32>], vector<16xf32>,
          %add3A_293 = arith.constant 12 : i32
          %add3A_294 = vector.broadcast %add3A_293 : i32 to vector<16xi32>
          %add3A_295 = arith.addi %iota3A, %add3A_294 : vector<16xi32>
          %and3A_296 = arith.constant 15 : i32
          %and3A_297 = vector.broadcast %and3A_296 : i32 to vector<16xi32>
          %and3A_298 = arith.andi %add3A_295, %and3A_297 : vector<16xi32>
          %add3A_299 = vector.broadcast %mul3A_117 : i32 to vector<16xi32>
          %add3A_300 = arith.addi %add3A_299, %and3A_298 : vector<16xi32>
          %gather3A_301 = tpu.vector_load_idx %arg8[%iota3A, %add3A_300] : memref<16x256xf32, #tpu.memory_space<vmem>>[vector<16xi32>, vector<16xi32>], vector<16xf32>,
          %add3A_302 = arith.constant 4 : i32
          %add3A_303 = vector.broadcast %add3A_302 : i32 to vector<16xi32>
          %add3A_304 = arith.addi %iota3A, %add3A_303 : vector<16xi32>
          %and3A_305 = arith.constant 15 : i32
          %and3A_306 = vector.broadcast %and3A_305 : i32 to vector<16xi32>
          %and3A_307 = arith.andi %add3A_304, %and3A_306 : vector<16xi32>
          %lt3A_308 = arith.constant 0 : i32
          %lt3A_309 = vector.broadcast %lt3A_308 : i32 to vector<16xi32>
          %lt3A_310 = arith.cmpi slt, %and3A_307, %lt3A_309 : vector<16xi32>
          %add3A_311 = arith.constant 16 : i32
          %add3A_312 = vector.broadcast %add3A_311 : i32 to vector<16xi32>
          %add3A_313 = arith.addi %and3A_307, %add3A_312 : vector<16xi32>
          %select_n3A_314 = arith.select %lt3A_310, %add3A_313, %and3A_307 : vector<16xi1>, vector<16xi32>
          %broadcast_in_dim3A_315 = vector.shape_cast %select_n3A_314 : vector<16xi32> to vector<16x1xi32>
          %gather3A_316 = vector.shape_cast %broadcast_in_dim3A_315 : vector<16x1xi32> to vector<16xi32>
          %gather3A_317 = tpu.dynamic_gather %gather3A_301[%gather3A_316] in [0] : vector<16xf32>, vector<16xi32> -> vector<16xf32>
          %mul3A_318 = arith.constant 2 : i32
          %mul3A_319 = arith.muli %mul3A_318, %scan3A_115 : i32
          %shift_right_arithmetic3A_320 = arith.constant 3 : i32
          %shift_right_arithmetic3A_321 = vector.broadcast %shift_right_arithmetic3A_320 : i32 to vector<16xi32>
          %shift_right_arithmetic3A_322 = arith.shrsi %iota3A, %shift_right_arithmetic3A_321 : vector<16xi32>
          %add3A_323 = vector.broadcast %mul3A_319 : i32 to vector<16xi32>
          %add3A_324 = arith.addi %add3A_323, %shift_right_arithmetic3A_322 : vector<16xi32>
          %and3A_325 = arith.constant 7 : i32
          %and3A_326 = vector.broadcast %and3A_325 : i32 to vector<16xi32>
          %and3A_327 = arith.andi %iota3A, %and3A_326 : vector<16xi32>
          %shift_left3A_328 = arith.constant 4 : i32
          %shift_left3A_329 = vector.broadcast %shift_left3A_328 : i32 to vector<16xi32>
          %shift_left3A_330 = arith.shli %and3A_327, %shift_left3A_329 : vector<16xi32>
          %add3A_331 = arith.constant 4 : i32
          %add3A_332 = vector.broadcast %add3A_331 : i32 to vector<16xi32>
          %add3A_333 = arith.addi %iota3A, %add3A_332 : vector<16xi32>
          %and3A_334 = arith.constant 15 : i32
          %and3A_335 = vector.broadcast %and3A_334 : i32 to vector<16xi32>
          %and3A_336 = arith.andi %add3A_333, %and3A_335 : vector<16xi32>
          %add3A_337 = arith.addi %shift_left3A_330, %and3A_336 : vector<16xi32>
          tpu.vector_store_idx %arg12[%add3A_324, %add3A_337], %gather3A_317 : memref<32x128xf32, #tpu.memory_space<vmem>>[vector<16xi32>, vector<16xi32>], vector<16xf32>,
          %add3A_338 = arith.constant 11 : i32
          %add3A_339 = vector.broadcast %add3A_338 : i32 to vector<16xi32>
          %add3A_340 = arith.addi %iota3A, %add3A_339 : vector<16xi32>
          %and3A_341 = arith.constant 15 : i32
          %and3A_342 = vector.broadcast %and3A_341 : i32 to vector<16xi32>
          %and3A_343 = arith.andi %add3A_340, %and3A_342 : vector<16xi32>
          %add3A_344 = vector.broadcast %mul3A_117 : i32 to vector<16xi32>
          %add3A_345 = arith.addi %add3A_344, %and3A_343 : vector<16xi32>
          %gather3A_346 = tpu.vector_load_idx %arg8[%iota3A, %add3A_345] : memref<16x256xf32, #tpu.memory_space<vmem>>[vector<16xi32>, vector<16xi32>], vector<16xf32>,
          %add3A_347 = arith.constant 5 : i32
          %add3A_348 = vector.broadcast %add3A_347 : i32 to vector<16xi32>
          %add3A_349 = arith.addi %iota3A, %add3A_348 : vector<16xi32>
          %and3A_350 = arith.constant 15 : i32
          %and3A_351 = vector.broadcast %and3A_350 : i32 to vector<16xi32>
          %and3A_352 = arith.andi %add3A_349, %and3A_351 : vector<16xi32>
          %lt3A_353 = arith.constant 0 : i32
          %lt3A_354 = vector.broadcast %lt3A_353 : i32 to vector<16xi32>
          %lt3A_355 = arith.cmpi slt, %and3A_352, %lt3A_354 : vector<16xi32>
          %add3A_356 = arith.constant 16 : i32
          %add3A_357 = vector.broadcast %add3A_356 : i32 to vector<16xi32>
          %add3A_358 = arith.addi %and3A_352, %add3A_357 : vector<16xi32>
          %select_n3A_359 = arith.select %lt3A_355, %add3A_358, %and3A_352 : vector<16xi1>, vector<16xi32>
          %broadcast_in_dim3A_360 = vector.shape_cast %select_n3A_359 : vector<16xi32> to vector<16x1xi32>
          %gather3A_361 = vector.shape_cast %broadcast_in_dim3A_360 : vector<16x1xi32> to vector<16xi32>
          %gather3A_362 = tpu.dynamic_gather %gather3A_346[%gather3A_361] in [0] : vector<16xf32>, vector<16xi32> -> vector<16xf32>
          %mul3A_363 = arith.constant 2 : i32
          %mul3A_364 = arith.muli %mul3A_363, %scan3A_115 : i32
          %shift_right_arithmetic3A_365 = arith.constant 3 : i32
          %shift_right_arithmetic3A_366 = vector.broadcast %shift_right_arithmetic3A_365 : i32 to vector<16xi32>
          %shift_right_arithmetic3A_367 = arith.shrsi %iota3A, %shift_right_arithmetic3A_366 : vector<16xi32>
          %add3A_368 = vector.broadcast %mul3A_364 : i32 to vector<16xi32>
          %add3A_369 = arith.addi %add3A_368, %shift_right_arithmetic3A_367 : vector<16xi32>
          %and3A_370 = arith.constant 7 : i32
          %and3A_371 = vector.broadcast %and3A_370 : i32 to vector<16xi32>
          %and3A_372 = arith.andi %iota3A, %and3A_371 : vector<16xi32>
          %shift_left3A_373 = arith.constant 4 : i32
          %shift_left3A_374 = vector.broadcast %shift_left3A_373 : i32 to vector<16xi32>
          %shift_left3A_375 = arith.shli %and3A_372, %shift_left3A_374 : vector<16xi32>
          %add3A_376 = arith.constant 5 : i32
          %add3A_377 = vector.broadcast %add3A_376 : i32 to vector<16xi32>
          %add3A_378 = arith.addi %iota3A, %add3A_377 : vector<16xi32>
          %and3A_379 = arith.constant 15 : i32
          %and3A_380 = vector.broadcast %and3A_379 : i32 to vector<16xi32>
          %and3A_381 = arith.andi %add3A_378, %and3A_380 : vector<16xi32>
          %add3A_382 = arith.addi %shift_left3A_375, %and3A_381 : vector<16xi32>
          tpu.vector_store_idx %arg12[%add3A_369, %add3A_382], %gather3A_362 : memref<32x128xf32, #tpu.memory_space<vmem>>[vector<16xi32>, vector<16xi32>], vector<16xf32>,
          %add3A_383 = arith.constant 10 : i32
          %add3A_384 = vector.broadcast %add3A_383 : i32 to vector<16xi32>
          %add3A_385 = arith.addi %iota3A, %add3A_384 : vector<16xi32>
          %and3A_386 = arith.constant 15 : i32
          %and3A_387 = vector.broadcast %and3A_386 : i32 to vector<16xi32>
          %and3A_388 = arith.andi %add3A_385, %and3A_387 : vector<16xi32>
          %add3A_389 = vector.broadcast %mul3A_117 : i32 to vector<16xi32>
          %add3A_390 = arith.addi %add3A_389, %and3A_388 : vector<16xi32>
          %gather3A_391 = tpu.vector_load_idx %arg8[%iota3A, %add3A_390] : memref<16x256xf32, #tpu.memory_space<vmem>>[vector<16xi32>, vector<16xi32>], vector<16xf32>,
          %add3A_392 = arith.constant 6 : i32
          %add3A_393 = vector.broadcast %add3A_392 : i32 to vector<16xi32>
          %add3A_394 = arith.addi %iota3A, %add3A_393 : vector<16xi32>
          %and3A_395 = arith.constant 15 : i32
          %and3A_396 = vector.broadcast %and3A_395 : i32 to vector<16xi32>
          %and3A_397 = arith.andi %add3A_394, %and3A_396 : vector<16xi32>
          %lt3A_398 = arith.constant 0 : i32
          %lt3A_399 = vector.broadcast %lt3A_398 : i32 to vector<16xi32>
          %lt3A_400 = arith.cmpi slt, %and3A_397, %lt3A_399 : vector<16xi32>
          %add3A_401 = arith.constant 16 : i32
          %add3A_402 = vector.broadcast %add3A_401 : i32 to vector<16xi32>
          %add3A_403 = arith.addi %and3A_397, %add3A_402 : vector<16xi32>
          %select_n3A_404 = arith.select %lt3A_400, %add3A_403, %and3A_397 : vector<16xi1>, vector<16xi32>
          %broadcast_in_dim3A_405 = vector.shape_cast %select_n3A_404 : vector<16xi32> to vector<16x1xi32>
          %gather3A_406 = vector.shape_cast %broadcast_in_dim3A_405 : vector<16x1xi32> to vector<16xi32>
          %gather3A_407 = tpu.dynamic_gather %gather3A_391[%gather3A_406] in [0] : vector<16xf32>, vector<16xi32> -> vector<16xf32>
          %mul3A_408 = arith.constant 2 : i32
          %mul3A_409 = arith.muli %mul3A_408, %scan3A_115 : i32
          %shift_right_arithmetic3A_410 = arith.constant 3 : i32
          %shift_right_arithmetic3A_411 = vector.broadcast %shift_right_arithmetic3A_410 : i32 to vector<16xi32>
          %shift_right_arithmetic3A_412 = arith.shrsi %iota3A, %shift_right_arithmetic3A_411 : vector<16xi32>
          %add3A_413 = vector.broadcast %mul3A_409 : i32 to vector<16xi32>
          %add3A_414 = arith.addi %add3A_413, %shift_right_arithmetic3A_412 : vector<16xi32>
          %and3A_415 = arith.constant 7 : i32
          %and3A_416 = vector.broadcast %and3A_415 : i32 to vector<16xi32>
          %and3A_417 = arith.andi %iota3A, %and3A_416 : vector<16xi32>
          %shift_left3A_418 = arith.constant 4 : i32
          %shift_left3A_419 = vector.broadcast %shift_left3A_418 : i32 to vector<16xi32>
          %shift_left3A_420 = arith.shli %and3A_417, %shift_left3A_419 : vector<16xi32>
          %add3A_421 = arith.constant 6 : i32
          %add3A_422 = vector.broadcast %add3A_421 : i32 to vector<16xi32>
          %add3A_423 = arith.addi %iota3A, %add3A_422 : vector<16xi32>
          %and3A_424 = arith.constant 15 : i32
          %and3A_425 = vector.broadcast %and3A_424 : i32 to vector<16xi32>
          %and3A_426 = arith.andi %add3A_423, %and3A_425 : vector<16xi32>
          %add3A_427 = arith.addi %shift_left3A_420, %and3A_426 : vector<16xi32>
          tpu.vector_store_idx %arg12[%add3A_414, %add3A_427], %gather3A_407 : memref<32x128xf32, #tpu.memory_space<vmem>>[vector<16xi32>, vector<16xi32>], vector<16xf32>,
          %add3A_428 = arith.constant 9 : i32
          %add3A_429 = vector.broadcast %add3A_428 : i32 to vector<16xi32>
          %add3A_430 = arith.addi %iota3A, %add3A_429 : vector<16xi32>
          %and3A_431 = arith.constant 15 : i32
          %and3A_432 = vector.broadcast %and3A_431 : i32 to vector<16xi32>
          %and3A_433 = arith.andi %add3A_430, %and3A_432 : vector<16xi32>
          %add3A_434 = vector.broadcast %mul3A_117 : i32 to vector<16xi32>
          %add3A_435 = arith.addi %add3A_434, %and3A_433 : vector<16xi32>
          %gather3A_436 = tpu.vector_load_idx %arg8[%iota3A, %add3A_435] : memref<16x256xf32, #tpu.memory_space<vmem>>[vector<16xi32>, vector<16xi32>], vector<16xf32>,
          %add3A_437 = arith.constant 7 : i32
          %add3A_438 = vector.broadcast %add3A_437 : i32 to vector<16xi32>
          %add3A_439 = arith.addi %iota3A, %add3A_438 : vector<16xi32>
          %and3A_440 = arith.constant 15 : i32
          %and3A_441 = vector.broadcast %and3A_440 : i32 to vector<16xi32>
          %and3A_442 = arith.andi %add3A_439, %and3A_441 : vector<16xi32>
          %lt3A_443 = arith.constant 0 : i32
          %lt3A_444 = vector.broadcast %lt3A_443 : i32 to vector<16xi32>
          %lt3A_445 = arith.cmpi slt, %and3A_442, %lt3A_444 : vector<16xi32>
          %add3A_446 = arith.constant 16 : i32
          %add3A_447 = vector.broadcast %add3A_446 : i32 to vector<16xi32>
          %add3A_448 = arith.addi %and3A_442, %add3A_447 : vector<16xi32>
          %select_n3A_449 = arith.select %lt3A_445, %add3A_448, %and3A_442 : vector<16xi1>, vector<16xi32>
          %broadcast_in_dim3A_450 = vector.shape_cast %select_n3A_449 : vector<16xi32> to vector<16x1xi32>
          %gather3A_451 = vector.shape_cast %broadcast_in_dim3A_450 : vector<16x1xi32> to vector<16xi32>
          %gather3A_452 = tpu.dynamic_gather %gather3A_436[%gather3A_451] in [0] : vector<16xf32>, vector<16xi32> -> vector<16xf32>
          %mul3A_453 = arith.constant 2 : i32
          %mul3A_454 = arith.muli %mul3A_453, %scan3A_115 : i32
          %shift_right_arithmetic3A_455 = arith.constant 3 : i32
          %shift_right_arithmetic3A_456 = vector.broadcast %shift_right_arithmetic3A_455 : i32 to vector<16xi32>
          %shift_right_arithmetic3A_457 = arith.shrsi %iota3A, %shift_right_arithmetic3A_456 : vector<16xi32>
          %add3A_458 = vector.broadcast %mul3A_454 : i32 to vector<16xi32>
          %add3A_459 = arith.addi %add3A_458, %shift_right_arithmetic3A_457 : vector<16xi32>
          %and3A_460 = arith.constant 7 : i32
          %and3A_461 = vector.broadcast %and3A_460 : i32 to vector<16xi32>
          %and3A_462 = arith.andi %iota3A, %and3A_461 : vector<16xi32>
          %shift_left3A_463 = arith.constant 4 : i32
          %shift_left3A_464 = vector.broadcast %shift_left3A_463 : i32 to vector<16xi32>
          %shift_left3A_465 = arith.shli %and3A_462, %shift_left3A_464 : vector<16xi32>
          %add3A_466 = arith.constant 7 : i32
          %add3A_467 = vector.broadcast %add3A_466 : i32 to vector<16xi32>
          %add3A_468 = arith.addi %iota3A, %add3A_467 : vector<16xi32>
          %and3A_469 = arith.constant 15 : i32
          %and3A_470 = vector.broadcast %and3A_469 : i32 to vector<16xi32>
          %and3A_471 = arith.andi %add3A_468, %and3A_470 : vector<16xi32>
          %add3A_472 = arith.addi %shift_left3A_465, %and3A_471 : vector<16xi32>
          tpu.vector_store_idx %arg12[%add3A_459, %add3A_472], %gather3A_452 : memref<32x128xf32, #tpu.memory_space<vmem>>[vector<16xi32>, vector<16xi32>], vector<16xf32>,
          %add3A_473 = arith.constant 8 : i32
          %add3A_474 = vector.broadcast %add3A_473 : i32 to vector<16xi32>
          %add3A_475 = arith.addi %iota3A, %add3A_474 : vector<16xi32>
          %and3A_476 = arith.constant 15 : i32
          %and3A_477 = vector.broadcast %and3A_476 : i32 to vector<16xi32>
          %and3A_478 = arith.andi %add3A_475, %and3A_477 : vector<16xi32>
          %add3A_479 = vector.broadcast %mul3A_117 : i32 to vector<16xi32>
          %add3A_480 = arith.addi %add3A_479, %and3A_478 : vector<16xi32>
          %gather3A_481 = tpu.vector_load_idx %arg8[%iota3A, %add3A_480] : memref<16x256xf32, #tpu.memory_space<vmem>>[vector<16xi32>, vector<16xi32>], vector<16xf32>,
          %add3A_482 = arith.constant 8 : i32
          %add3A_483 = vector.broadcast %add3A_482 : i32 to vector<16xi32>
          %add3A_484 = arith.addi %iota3A, %add3A_483 : vector<16xi32>
          %and3A_485 = arith.constant 15 : i32
          %and3A_486 = vector.broadcast %and3A_485 : i32 to vector<16xi32>
          %and3A_487 = arith.andi %add3A_484, %and3A_486 : vector<16xi32>
          %lt3A_488 = arith.constant 0 : i32
          %lt3A_489 = vector.broadcast %lt3A_488 : i32 to vector<16xi32>
          %lt3A_490 = arith.cmpi slt, %and3A_487, %lt3A_489 : vector<16xi32>
          %add3A_491 = arith.constant 16 : i32
          %add3A_492 = vector.broadcast %add3A_491 : i32 to vector<16xi32>
          %add3A_493 = arith.addi %and3A_487, %add3A_492 : vector<16xi32>
          %select_n3A_494 = arith.select %lt3A_490, %add3A_493, %and3A_487 : vector<16xi1>, vector<16xi32>
          %broadcast_in_dim3A_495 = vector.shape_cast %select_n3A_494 : vector<16xi32> to vector<16x1xi32>
          %gather3A_496 = vector.shape_cast %broadcast_in_dim3A_495 : vector<16x1xi32> to vector<16xi32>
          %gather3A_497 = tpu.dynamic_gather %gather3A_481[%gather3A_496] in [0] : vector<16xf32>, vector<16xi32> -> vector<16xf32>
          %mul3A_498 = arith.constant 2 : i32
          %mul3A_499 = arith.muli %mul3A_498, %scan3A_115 : i32
          %shift_right_arithmetic3A_500 = arith.constant 3 : i32
          %shift_right_arithmetic3A_501 = vector.broadcast %shift_right_arithmetic3A_500 : i32 to vector<16xi32>
          %shift_right_arithmetic3A_502 = arith.shrsi %iota3A, %shift_right_arithmetic3A_501 : vector<16xi32>
          %add3A_503 = vector.broadcast %mul3A_499 : i32 to vector<16xi32>
          %add3A_504 = arith.addi %add3A_503, %shift_right_arithmetic3A_502 : vector<16xi32>
          %and3A_505 = arith.constant 7 : i32
          %and3A_506 = vector.broadcast %and3A_505 : i32 to vector<16xi32>
          %and3A_507 = arith.andi %iota3A, %and3A_506 : vector<16xi32>
          %shift_left3A_508 = arith.constant 4 : i32
          %shift_left3A_509 = vector.broadcast %shift_left3A_508 : i32 to vector<16xi32>
          %shift_left3A_510 = arith.shli %and3A_507, %shift_left3A_509 : vector<16xi32>
          %add3A_511 = arith.constant 8 : i32
          %add3A_512 = vector.broadcast %add3A_511 : i32 to vector<16xi32>
          %add3A_513 = arith.addi %iota3A, %add3A_512 : vector<16xi32>
          %and3A_514 = arith.constant 15 : i32
          %and3A_515 = vector.broadcast %and3A_514 : i32 to vector<16xi32>
          %and3A_516 = arith.andi %add3A_513, %and3A_515 : vector<16xi32>
          %add3A_517 = arith.addi %shift_left3A_510, %and3A_516 : vector<16xi32>
          tpu.vector_store_idx %arg12[%add3A_504, %add3A_517], %gather3A_497 : memref<32x128xf32, #tpu.memory_space<vmem>>[vector<16xi32>, vector<16xi32>], vector<16xf32>,
          %add3A_518 = arith.constant 7 : i32
          %add3A_519 = vector.broadcast %add3A_518 : i32 to vector<16xi32>
          %add3A_520 = arith.addi %iota3A, %add3A_519 : vector<16xi32>
          %and3A_521 = arith.constant 15 : i32
          %and3A_522 = vector.broadcast %and3A_521 : i32 to vector<16xi32>
          %and3A_523 = arith.andi %add3A_520, %and3A_522 : vector<16xi32>
          %add3A_524 = vector.broadcast %mul3A_117 : i32 to vector<16xi32>
          %add3A_525 = arith.addi %add3A_524, %and3A_523 : vector<16xi32>
          %gather3A_526 = tpu.vector_load_idx %arg8[%iota3A, %add3A_525] : memref<16x256xf32, #tpu.memory_space<vmem>>[vector<16xi32>, vector<16xi32>], vector<16xf32>,
          %add3A_527 = arith.constant 9 : i32
          %add3A_528 = vector.broadcast %add3A_527 : i32 to vector<16xi32>
          %add3A_529 = arith.addi %iota3A, %add3A_528 : vector<16xi32>
          %and3A_530 = arith.constant 15 : i32
          %and3A_531 = vector.broadcast %and3A_530 : i32 to vector<16xi32>
          %and3A_532 = arith.andi %add3A_529, %and3A_531 : vector<16xi32>
          %lt3A_533 = arith.constant 0 : i32
          %lt3A_534 = vector.broadcast %lt3A_533 : i32 to vector<16xi32>
          %lt3A_535 = arith.cmpi slt, %and3A_532, %lt3A_534 : vector<16xi32>
          %add3A_536 = arith.constant 16 : i32
          %add3A_537 = vector.broadcast %add3A_536 : i32 to vector<16xi32>
          %add3A_538 = arith.addi %and3A_532, %add3A_537 : vector<16xi32>
          %select_n3A_539 = arith.select %lt3A_535, %add3A_538, %and3A_532 : vector<16xi1>, vector<16xi32>
          %broadcast_in_dim3A_540 = vector.shape_cast %select_n3A_539 : vector<16xi32> to vector<16x1xi32>
          %gather3A_541 = vector.shape_cast %broadcast_in_dim3A_540 : vector<16x1xi32> to vector<16xi32>
          %gather3A_542 = tpu.dynamic_gather %gather3A_526[%gather3A_541] in [0] : vector<16xf32>, vector<16xi32> -> vector<16xf32>
          %mul3A_543 = arith.constant 2 : i32
          %mul3A_544 = arith.muli %mul3A_543, %scan3A_115 : i32
          %shift_right_arithmetic3A_545 = arith.constant 3 : i32
          %shift_right_arithmetic3A_546 = vector.broadcast %shift_right_arithmetic3A_545 : i32 to vector<16xi32>
          %shift_right_arithmetic3A_547 = arith.shrsi %iota3A, %shift_right_arithmetic3A_546 : vector<16xi32>
          %add3A_548 = vector.broadcast %mul3A_544 : i32 to vector<16xi32>
          %add3A_549 = arith.addi %add3A_548, %shift_right_arithmetic3A_547 : vector<16xi32>
          %and3A_550 = arith.constant 7 : i32
          %and3A_551 = vector.broadcast %and3A_550 : i32 to vector<16xi32>
          %and3A_552 = arith.andi %iota3A, %and3A_551 : vector<16xi32>
          %shift_left3A_553 = arith.constant 4 : i32
          %shift_left3A_554 = vector.broadcast %shift_left3A_553 : i32 to vector<16xi32>
          %shift_left3A_555 = arith.shli %and3A_552, %shift_left3A_554 : vector<16xi32>
          %add3A_556 = arith.constant 9 : i32
          %add3A_557 = vector.broadcast %add3A_556 : i32 to vector<16xi32>
          %add3A_558 = arith.addi %iota3A, %add3A_557 : vector<16xi32>
          %and3A_559 = arith.constant 15 : i32
          %and3A_560 = vector.broadcast %and3A_559 : i32 to vector<16xi32>
          %and3A_561 = arith.andi %add3A_558, %and3A_560 : vector<16xi32>
          %add3A_562 = arith.addi %shift_left3A_555, %and3A_561 : vector<16xi32>
          tpu.vector_store_idx %arg12[%add3A_549, %add3A_562], %gather3A_542 : memref<32x128xf32, #tpu.memory_space<vmem>>[vector<16xi32>, vector<16xi32>], vector<16xf32>,
          %add3A_563 = arith.constant 6 : i32
          %add3A_564 = vector.broadcast %add3A_563 : i32 to vector<16xi32>
          %add3A_565 = arith.addi %iota3A, %add3A_564 : vector<16xi32>
          %and3A_566 = arith.constant 15 : i32
          %and3A_567 = vector.broadcast %and3A_566 : i32 to vector<16xi32>
          %and3A_568 = arith.andi %add3A_565, %and3A_567 : vector<16xi32>
          %add3A_569 = vector.broadcast %mul3A_117 : i32 to vector<16xi32>
          %add3A_570 = arith.addi %add3A_569, %and3A_568 : vector<16xi32>
          %gather3A_571 = tpu.vector_load_idx %arg8[%iota3A, %add3A_570] : memref<16x256xf32, #tpu.memory_space<vmem>>[vector<16xi32>, vector<16xi32>], vector<16xf32>,
          %add3A_572 = arith.constant 10 : i32
          %add3A_573 = vector.broadcast %add3A_572 : i32 to vector<16xi32>
          %add3A_574 = arith.addi %iota3A, %add3A_573 : vector<16xi32>
          %and3A_575 = arith.constant 15 : i32
          %and3A_576 = vector.broadcast %and3A_575 : i32 to vector<16xi32>
          %and3A_577 = arith.andi %add3A_574, %and3A_576 : vector<16xi32>
          %lt3A_578 = arith.constant 0 : i32
          %lt3A_579 = vector.broadcast %lt3A_578 : i32 to vector<16xi32>
          %lt3A_580 = arith.cmpi slt, %and3A_577, %lt3A_579 : vector<16xi32>
          %add3A_581 = arith.constant 16 : i32
          %add3A_582 = vector.broadcast %add3A_581 : i32 to vector<16xi32>
          %add3A_583 = arith.addi %and3A_577, %add3A_582 : vector<16xi32>
          %select_n3A_584 = arith.select %lt3A_580, %add3A_583, %and3A_577 : vector<16xi1>, vector<16xi32>
          %broadcast_in_dim3A_585 = vector.shape_cast %select_n3A_584 : vector<16xi32> to vector<16x1xi32>
          %gather3A_586 = vector.shape_cast %broadcast_in_dim3A_585 : vector<16x1xi32> to vector<16xi32>
          %gather3A_587 = tpu.dynamic_gather %gather3A_571[%gather3A_586] in [0] : vector<16xf32>, vector<16xi32> -> vector<16xf32>
          %mul3A_588 = arith.constant 2 : i32
          %mul3A_589 = arith.muli %mul3A_588, %scan3A_115 : i32
          %shift_right_arithmetic3A_590 = arith.constant 3 : i32
          %shift_right_arithmetic3A_591 = vector.broadcast %shift_right_arithmetic3A_590 : i32 to vector<16xi32>
          %shift_right_arithmetic3A_592 = arith.shrsi %iota3A, %shift_right_arithmetic3A_591 : vector<16xi32>
          %add3A_593 = vector.broadcast %mul3A_589 : i32 to vector<16xi32>
          %add3A_594 = arith.addi %add3A_593, %shift_right_arithmetic3A_592 : vector<16xi32>
          %and3A_595 = arith.constant 7 : i32
          %and3A_596 = vector.broadcast %and3A_595 : i32 to vector<16xi32>
          %and3A_597 = arith.andi %iota3A, %and3A_596 : vector<16xi32>
          %shift_left3A_598 = arith.constant 4 : i32
          %shift_left3A_599 = vector.broadcast %shift_left3A_598 : i32 to vector<16xi32>
          %shift_left3A_600 = arith.shli %and3A_597, %shift_left3A_599 : vector<16xi32>
          %add3A_601 = arith.constant 10 : i32
          %add3A_602 = vector.broadcast %add3A_601 : i32 to vector<16xi32>
          %add3A_603 = arith.addi %iota3A, %add3A_602 : vector<16xi32>
          %and3A_604 = arith.constant 15 : i32
          %and3A_605 = vector.broadcast %and3A_604 : i32 to vector<16xi32>
          %and3A_606 = arith.andi %add3A_603, %and3A_605 : vector<16xi32>
          %add3A_607 = arith.addi %shift_left3A_600, %and3A_606 : vector<16xi32>
          tpu.vector_store_idx %arg12[%add3A_594, %add3A_607], %gather3A_587 : memref<32x128xf32, #tpu.memory_space<vmem>>[vector<16xi32>, vector<16xi32>], vector<16xf32>,
          %add3A_608 = arith.constant 5 : i32
          %add3A_609 = vector.broadcast %add3A_608 : i32 to vector<16xi32>
          %add3A_610 = arith.addi %iota3A, %add3A_609 : vector<16xi32>
          %and3A_611 = arith.constant 15 : i32
          %and3A_612 = vector.broadcast %and3A_611 : i32 to vector<16xi32>
          %and3A_613 = arith.andi %add3A_610, %and3A_612 : vector<16xi32>
          %add3A_614 = vector.broadcast %mul3A_117 : i32 to vector<16xi32>
          %add3A_615 = arith.addi %add3A_614, %and3A_613 : vector<16xi32>
          %gather3A_616 = tpu.vector_load_idx %arg8[%iota3A, %add3A_615] : memref<16x256xf32, #tpu.memory_space<vmem>>[vector<16xi32>, vector<16xi32>], vector<16xf32>,
          %add3A_617 = arith.constant 11 : i32
          %add3A_618 = vector.broadcast %add3A_617 : i32 to vector<16xi32>
          %add3A_619 = arith.addi %iota3A, %add3A_618 : vector<16xi32>
          %and3A_620 = arith.constant 15 : i32
          %and3A_621 = vector.broadcast %and3A_620 : i32 to vector<16xi32>
          %and3A_622 = arith.andi %add3A_619, %and3A_621 : vector<16xi32>
          %lt3A_623 = arith.constant 0 : i32
          %lt3A_624 = vector.broadcast %lt3A_623 : i32 to vector<16xi32>
          %lt3A_625 = arith.cmpi slt, %and3A_622, %lt3A_624 : vector<16xi32>
          %add3A_626 = arith.constant 16 : i32
          %add3A_627 = vector.broadcast %add3A_626 : i32 to vector<16xi32>
          %add3A_628 = arith.addi %and3A_622, %add3A_627 : vector<16xi32>
          %select_n3A_629 = arith.select %lt3A_625, %add3A_628, %and3A_622 : vector<16xi1>, vector<16xi32>
          %broadcast_in_dim3A_630 = vector.shape_cast %select_n3A_629 : vector<16xi32> to vector<16x1xi32>
          %gather3A_631 = vector.shape_cast %broadcast_in_dim3A_630 : vector<16x1xi32> to vector<16xi32>
          %gather3A_632 = tpu.dynamic_gather %gather3A_616[%gather3A_631] in [0] : vector<16xf32>, vector<16xi32> -> vector<16xf32>
          %mul3A_633 = arith.constant 2 : i32
          %mul3A_634 = arith.muli %mul3A_633, %scan3A_115 : i32
          %shift_right_arithmetic3A_635 = arith.constant 3 : i32
          %shift_right_arithmetic3A_636 = vector.broadcast %shift_right_arithmetic3A_635 : i32 to vector<16xi32>
          %shift_right_arithmetic3A_637 = arith.shrsi %iota3A, %shift_right_arithmetic3A_636 : vector<16xi32>
          %add3A_638 = vector.broadcast %mul3A_634 : i32 to vector<16xi32>
          %add3A_639 = arith.addi %add3A_638, %shift_right_arithmetic3A_637 : vector<16xi32>
          %and3A_640 = arith.constant 7 : i32
          %and3A_641 = vector.broadcast %and3A_640 : i32 to vector<16xi32>
          %and3A_642 = arith.andi %iota3A, %and3A_641 : vector<16xi32>
          %shift_left3A_643 = arith.constant 4 : i32
          %shift_left3A_644 = vector.broadcast %shift_left3A_643 : i32 to vector<16xi32>
          %shift_left3A_645 = arith.shli %and3A_642, %shift_left3A_644 : vector<16xi32>
          %add3A_646 = arith.constant 11 : i32
          %add3A_647 = vector.broadcast %add3A_646 : i32 to vector<16xi32>
          %add3A_648 = arith.addi %iota3A, %add3A_647 : vector<16xi32>
          %and3A_649 = arith.constant 15 : i32
          %and3A_650 = vector.broadcast %and3A_649 : i32 to vector<16xi32>
          %and3A_651 = arith.andi %add3A_648, %and3A_650 : vector<16xi32>
          %add3A_652 = arith.addi %shift_left3A_645, %and3A_651 : vector<16xi32>
          tpu.vector_store_idx %arg12[%add3A_639, %add3A_652], %gather3A_632 : memref<32x128xf32, #tpu.memory_space<vmem>>[vector<16xi32>, vector<16xi32>], vector<16xf32>,
          %add3A_653 = arith.constant 4 : i32
          %add3A_654 = vector.broadcast %add3A_653 : i32 to vector<16xi32>
          %add3A_655 = arith.addi %iota3A, %add3A_654 : vector<16xi32>
          %and3A_656 = arith.constant 15 : i32
          %and3A_657 = vector.broadcast %and3A_656 : i32 to vector<16xi32>
          %and3A_658 = arith.andi %add3A_655, %and3A_657 : vector<16xi32>
          %add3A_659 = vector.broadcast %mul3A_117 : i32 to vector<16xi32>
          %add3A_660 = arith.addi %add3A_659, %and3A_658 : vector<16xi32>
          %gather3A_661 = tpu.vector_load_idx %arg8[%iota3A, %add3A_660] : memref<16x256xf32, #tpu.memory_space<vmem>>[vector<16xi32>, vector<16xi32>], vector<16xf32>,
          %add3A_662 = arith.constant 12 : i32
          %add3A_663 = vector.broadcast %add3A_662 : i32 to vector<16xi32>
          %add3A_664 = arith.addi %iota3A, %add3A_663 : vector<16xi32>
          %and3A_665 = arith.constant 15 : i32
          %and3A_666 = vector.broadcast %and3A_665 : i32 to vector<16xi32>
          %and3A_667 = arith.andi %add3A_664, %and3A_666 : vector<16xi32>
          %lt3A_668 = arith.constant 0 : i32
          %lt3A_669 = vector.broadcast %lt3A_668 : i32 to vector<16xi32>
          %lt3A_670 = arith.cmpi slt, %and3A_667, %lt3A_669 : vector<16xi32>
          %add3A_671 = arith.constant 16 : i32
          %add3A_672 = vector.broadcast %add3A_671 : i32 to vector<16xi32>
          %add3A_673 = arith.addi %and3A_667, %add3A_672 : vector<16xi32>
          %select_n3A_674 = arith.select %lt3A_670, %add3A_673, %and3A_667 : vector<16xi1>, vector<16xi32>
          %broadcast_in_dim3A_675 = vector.shape_cast %select_n3A_674 : vector<16xi32> to vector<16x1xi32>
          %gather3A_676 = vector.shape_cast %broadcast_in_dim3A_675 : vector<16x1xi32> to vector<16xi32>
          %gather3A_677 = tpu.dynamic_gather %gather3A_661[%gather3A_676] in [0] : vector<16xf32>, vector<16xi32> -> vector<16xf32>
          %mul3A_678 = arith.constant 2 : i32
          %mul3A_679 = arith.muli %mul3A_678, %scan3A_115 : i32
          %shift_right_arithmetic3A_680 = arith.constant 3 : i32
          %shift_right_arithmetic3A_681 = vector.broadcast %shift_right_arithmetic3A_680 : i32 to vector<16xi32>
          %shift_right_arithmetic3A_682 = arith.shrsi %iota3A, %shift_right_arithmetic3A_681 : vector<16xi32>
          %add3A_683 = vector.broadcast %mul3A_679 : i32 to vector<16xi32>
          %add3A_684 = arith.addi %add3A_683, %shift_right_arithmetic3A_682 : vector<16xi32>
          %and3A_685 = arith.constant 7 : i32
          %and3A_686 = vector.broadcast %and3A_685 : i32 to vector<16xi32>
          %and3A_687 = arith.andi %iota3A, %and3A_686 : vector<16xi32>
          %shift_left3A_688 = arith.constant 4 : i32
          %shift_left3A_689 = vector.broadcast %shift_left3A_688 : i32 to vector<16xi32>
          %shift_left3A_690 = arith.shli %and3A_687, %shift_left3A_689 : vector<16xi32>
          %add3A_691 = arith.constant 12 : i32
          %add3A_692 = vector.broadcast %add3A_691 : i32 to vector<16xi32>
          %add3A_693 = arith.addi %iota3A, %add3A_692 : vector<16xi32>
          %and3A_694 = arith.constant 15 : i32
          %and3A_695 = vector.broadcast %and3A_694 : i32 to vector<16xi32>
          %and3A_696 = arith.andi %add3A_693, %and3A_695 : vector<16xi32>
          %add3A_697 = arith.addi %shift_left3A_690, %and3A_696 : vector<16xi32>
          tpu.vector_store_idx %arg12[%add3A_684, %add3A_697], %gather3A_677 : memref<32x128xf32, #tpu.memory_space<vmem>>[vector<16xi32>, vector<16xi32>], vector<16xf32>,
          %add3A_698 = arith.constant 3 : i32
          %add3A_699 = vector.broadcast %add3A_698 : i32 to vector<16xi32>
          %add3A_700 = arith.addi %iota3A, %add3A_699 : vector<16xi32>
          %and3A_701 = arith.constant 15 : i32
          %and3A_702 = vector.broadcast %and3A_701 : i32 to vector<16xi32>
          %and3A_703 = arith.andi %add3A_700, %and3A_702 : vector<16xi32>
          %add3A_704 = vector.broadcast %mul3A_117 : i32 to vector<16xi32>
          %add3A_705 = arith.addi %add3A_704, %and3A_703 : vector<16xi32>
          %gather3A_706 = tpu.vector_load_idx %arg8[%iota3A, %add3A_705] : memref<16x256xf32, #tpu.memory_space<vmem>>[vector<16xi32>, vector<16xi32>], vector<16xf32>,
          %add3A_707 = arith.constant 13 : i32
          %add3A_708 = vector.broadcast %add3A_707 : i32 to vector<16xi32>
          %add3A_709 = arith.addi %iota3A, %add3A_708 : vector<16xi32>
          %and3A_710 = arith.constant 15 : i32
          %and3A_711 = vector.broadcast %and3A_710 : i32 to vector<16xi32>
          %and3A_712 = arith.andi %add3A_709, %and3A_711 : vector<16xi32>
          %lt3A_713 = arith.constant 0 : i32
          %lt3A_714 = vector.broadcast %lt3A_713 : i32 to vector<16xi32>
          %lt3A_715 = arith.cmpi slt, %and3A_712, %lt3A_714 : vector<16xi32>
          %add3A_716 = arith.constant 16 : i32
          %add3A_717 = vector.broadcast %add3A_716 : i32 to vector<16xi32>
          %add3A_718 = arith.addi %and3A_712, %add3A_717 : vector<16xi32>
          %select_n3A_719 = arith.select %lt3A_715, %add3A_718, %and3A_712 : vector<16xi1>, vector<16xi32>
          %broadcast_in_dim3A_720 = vector.shape_cast %select_n3A_719 : vector<16xi32> to vector<16x1xi32>
          %gather3A_721 = vector.shape_cast %broadcast_in_dim3A_720 : vector<16x1xi32> to vector<16xi32>
          %gather3A_722 = tpu.dynamic_gather %gather3A_706[%gather3A_721] in [0] : vector<16xf32>, vector<16xi32> -> vector<16xf32>
          %mul3A_723 = arith.constant 2 : i32
          %mul3A_724 = arith.muli %mul3A_723, %scan3A_115 : i32
          %shift_right_arithmetic3A_725 = arith.constant 3 : i32
          %shift_right_arithmetic3A_726 = vector.broadcast %shift_right_arithmetic3A_725 : i32 to vector<16xi32>
          %shift_right_arithmetic3A_727 = arith.shrsi %iota3A, %shift_right_arithmetic3A_726 : vector<16xi32>
          %add3A_728 = vector.broadcast %mul3A_724 : i32 to vector<16xi32>
          %add3A_729 = arith.addi %add3A_728, %shift_right_arithmetic3A_727 : vector<16xi32>
          %and3A_730 = arith.constant 7 : i32
          %and3A_731 = vector.broadcast %and3A_730 : i32 to vector<16xi32>
          %and3A_732 = arith.andi %iota3A, %and3A_731 : vector<16xi32>
          %shift_left3A_733 = arith.constant 4 : i32
          %shift_left3A_734 = vector.broadcast %shift_left3A_733 : i32 to vector<16xi32>
          %shift_left3A_735 = arith.shli %and3A_732, %shift_left3A_734 : vector<16xi32>
          %add3A_736 = arith.constant 13 : i32
          %add3A_737 = vector.broadcast %add3A_736 : i32 to vector<16xi32>
          %add3A_738 = arith.addi %iota3A, %add3A_737 : vector<16xi32>
          %and3A_739 = arith.constant 15 : i32
          %and3A_740 = vector.broadcast %and3A_739 : i32 to vector<16xi32>
          %and3A_741 = arith.andi %add3A_738, %and3A_740 : vector<16xi32>
          %add3A_742 = arith.addi %shift_left3A_735, %and3A_741 : vector<16xi32>
          tpu.vector_store_idx %arg12[%add3A_729, %add3A_742], %gather3A_722 : memref<32x128xf32, #tpu.memory_space<vmem>>[vector<16xi32>, vector<16xi32>], vector<16xf32>,
          %add3A_743 = arith.constant 2 : i32
          %add3A_744 = vector.broadcast %add3A_743 : i32 to vector<16xi32>
          %add3A_745 = arith.addi %iota3A, %add3A_744 : vector<16xi32>
          %and3A_746 = arith.constant 15 : i32
          %and3A_747 = vector.broadcast %and3A_746 : i32 to vector<16xi32>
          %and3A_748 = arith.andi %add3A_745, %and3A_747 : vector<16xi32>
          %add3A_749 = vector.broadcast %mul3A_117 : i32 to vector<16xi32>
          %add3A_750 = arith.addi %add3A_749, %and3A_748 : vector<16xi32>
          %gather3A_751 = tpu.vector_load_idx %arg8[%iota3A, %add3A_750] : memref<16x256xf32, #tpu.memory_space<vmem>>[vector<16xi32>, vector<16xi32>], vector<16xf32>,
          %add3A_752 = arith.constant 14 : i32
          %add3A_753 = vector.broadcast %add3A_752 : i32 to vector<16xi32>
          %add3A_754 = arith.addi %iota3A, %add3A_753 : vector<16xi32>
          %and3A_755 = arith.constant 15 : i32
          %and3A_756 = vector.broadcast %and3A_755 : i32 to vector<16xi32>
          %and3A_757 = arith.andi %add3A_754, %and3A_756 : vector<16xi32>
          %lt3A_758 = arith.constant 0 : i32
          %lt3A_759 = vector.broadcast %lt3A_758 : i32 to vector<16xi32>
          %lt3A_760 = arith.cmpi slt, %and3A_757, %lt3A_759 : vector<16xi32>
          %add3A_761 = arith.constant 16 : i32
          %add3A_762 = vector.broadcast %add3A_761 : i32 to vector<16xi32>
          %add3A_763 = arith.addi %and3A_757, %add3A_762 : vector<16xi32>
          %select_n3A_764 = arith.select %lt3A_760, %add3A_763, %and3A_757 : vector<16xi1>, vector<16xi32>
          %broadcast_in_dim3A_765 = vector.shape_cast %select_n3A_764 : vector<16xi32> to vector<16x1xi32>
          %gather3A_766 = vector.shape_cast %broadcast_in_dim3A_765 : vector<16x1xi32> to vector<16xi32>
          %gather3A_767 = tpu.dynamic_gather %gather3A_751[%gather3A_766] in [0] : vector<16xf32>, vector<16xi32> -> vector<16xf32>
          %mul3A_768 = arith.constant 2 : i32
          %mul3A_769 = arith.muli %mul3A_768, %scan3A_115 : i32
          %shift_right_arithmetic3A_770 = arith.constant 3 : i32
          %shift_right_arithmetic3A_771 = vector.broadcast %shift_right_arithmetic3A_770 : i32 to vector<16xi32>
          %shift_right_arithmetic3A_772 = arith.shrsi %iota3A, %shift_right_arithmetic3A_771 : vector<16xi32>
          %add3A_773 = vector.broadcast %mul3A_769 : i32 to vector<16xi32>
          %add3A_774 = arith.addi %add3A_773, %shift_right_arithmetic3A_772 : vector<16xi32>
          %and3A_775 = arith.constant 7 : i32
          %and3A_776 = vector.broadcast %and3A_775 : i32 to vector<16xi32>
          %and3A_777 = arith.andi %iota3A, %and3A_776 : vector<16xi32>
          %shift_left3A_778 = arith.constant 4 : i32
          %shift_left3A_779 = vector.broadcast %shift_left3A_778 : i32 to vector<16xi32>
          %shift_left3A_780 = arith.shli %and3A_777, %shift_left3A_779 : vector<16xi32>
          %add3A_781 = arith.constant 14 : i32
          %add3A_782 = vector.broadcast %add3A_781 : i32 to vector<16xi32>
          %add3A_783 = arith.addi %iota3A, %add3A_782 : vector<16xi32>
          %and3A_784 = arith.constant 15 : i32
          %and3A_785 = vector.broadcast %and3A_784 : i32 to vector<16xi32>
          %and3A_786 = arith.andi %add3A_783, %and3A_785 : vector<16xi32>
          %add3A_787 = arith.addi %shift_left3A_780, %and3A_786 : vector<16xi32>
          tpu.vector_store_idx %arg12[%add3A_774, %add3A_787], %gather3A_767 : memref<32x128xf32, #tpu.memory_space<vmem>>[vector<16xi32>, vector<16xi32>], vector<16xf32>,
          %add3A_788 = arith.constant 1 : i32
          %add3A_789 = vector.broadcast %add3A_788 : i32 to vector<16xi32>
          %add3A_790 = arith.addi %iota3A, %add3A_789 : vector<16xi32>
          %and3A_791 = arith.constant 15 : i32
          %and3A_792 = vector.broadcast %and3A_791 : i32 to vector<16xi32>
          %and3A_793 = arith.andi %add3A_790, %and3A_792 : vector<16xi32>
          %add3A_794 = vector.broadcast %mul3A_117 : i32 to vector<16xi32>
          %add3A_795 = arith.addi %add3A_794, %and3A_793 : vector<16xi32>
          %gather3A_796 = tpu.vector_load_idx %arg8[%iota3A, %add3A_795] : memref<16x256xf32, #tpu.memory_space<vmem>>[vector<16xi32>, vector<16xi32>], vector<16xf32>,
          %add3A_797 = arith.constant 15 : i32
          %add3A_798 = vector.broadcast %add3A_797 : i32 to vector<16xi32>
          %add3A_799 = arith.addi %iota3A, %add3A_798 : vector<16xi32>
          %and3A_800 = arith.constant 15 : i32
          %and3A_801 = vector.broadcast %and3A_800 : i32 to vector<16xi32>
          %and3A_802 = arith.andi %add3A_799, %and3A_801 : vector<16xi32>
          %lt3A_803 = arith.constant 0 : i32
          %lt3A_804 = vector.broadcast %lt3A_803 : i32 to vector<16xi32>
          %lt3A_805 = arith.cmpi slt, %and3A_802, %lt3A_804 : vector<16xi32>
          %add3A_806 = arith.constant 16 : i32
          %add3A_807 = vector.broadcast %add3A_806 : i32 to vector<16xi32>
          %add3A_808 = arith.addi %and3A_802, %add3A_807 : vector<16xi32>
          %select_n3A_809 = arith.select %lt3A_805, %add3A_808, %and3A_802 : vector<16xi1>, vector<16xi32>
          %broadcast_in_dim3A_810 = vector.shape_cast %select_n3A_809 : vector<16xi32> to vector<16x1xi32>
          %gather3A_811 = vector.shape_cast %broadcast_in_dim3A_810 : vector<16x1xi32> to vector<16xi32>
          %gather3A_812 = tpu.dynamic_gather %gather3A_796[%gather3A_811] in [0] : vector<16xf32>, vector<16xi32> -> vector<16xf32>
          %mul3A_813 = arith.constant 2 : i32
          %mul3A_814 = arith.muli %mul3A_813, %scan3A_115 : i32
          %shift_right_arithmetic3A_815 = arith.constant 3 : i32
          %shift_right_arithmetic3A_816 = vector.broadcast %shift_right_arithmetic3A_815 : i32 to vector<16xi32>
          %shift_right_arithmetic3A_817 = arith.shrsi %iota3A, %shift_right_arithmetic3A_816 : vector<16xi32>
          %add3A_818 = vector.broadcast %mul3A_814 : i32 to vector<16xi32>
          %add3A_819 = arith.addi %add3A_818, %shift_right_arithmetic3A_817 : vector<16xi32>
          %and3A_820 = arith.constant 7 : i32
          %and3A_821 = vector.broadcast %and3A_820 : i32 to vector<16xi32>
          %and3A_822 = arith.andi %iota3A, %and3A_821 : vector<16xi32>
          %shift_left3A_823 = arith.constant 4 : i32
          %shift_left3A_824 = vector.broadcast %shift_left3A_823 : i32 to vector<16xi32>
          %shift_left3A_825 = arith.shli %and3A_822, %shift_left3A_824 : vector<16xi32>
          %add3A_826 = arith.constant 15 : i32
          %add3A_827 = vector.broadcast %add3A_826 : i32 to vector<16xi32>
          %add3A_828 = arith.addi %iota3A, %add3A_827 : vector<16xi32>
          %and3A_829 = arith.constant 15 : i32
          %and3A_830 = vector.broadcast %and3A_829 : i32 to vector<16xi32>
          %and3A_831 = arith.andi %add3A_828, %and3A_830 : vector<16xi32>
          %add3A_832 = arith.addi %shift_left3A_825, %and3A_831 : vector<16xi32>
          tpu.vector_store_idx %arg12[%add3A_819, %add3A_832], %gather3A_812 : memref<32x128xf32, #tpu.memory_space<vmem>>[vector<16xi32>, vector<16xi32>], vector<16xf32>,
        }
        %scan3A_100 = arith.constant 16 : i32
        %mul3A_101 = arith.constant 32 : i32
        %mul3A_102 = arith.muli %add3A_80, %mul3A_101 : i32
        %add3A_103 = arith.addi %mul3A_102, %add3A : i32
        %mul3A_104 = arith.constant 32 : i32
        %mul3A_105 = arith.muli %add3A_103, %mul3A_104 : i32
        %dma_start3A = arith.constant 0 : i32
        %dma_start3A_106 = tpu.memref_slice %arg4[%mul3A_105, %dma_start3A] : memref<125000x128xf32, #tpu.memory_space<hbm>> -> memref<32x128xf32, #tpu.memory_space<hbm>>
        %dma_start3A_107 = arith.constant 0 : i32
        %dma_start3A_108 = tpu.memref_slice %arg4[%mul3A_105, %dma_start3A_107] : memref<125000x128xf32, #tpu.memory_space<hbm>> -> memref<32x128xf32, #tpu.memory_space<hbm>>
        tpu.enqueue_dma source(%arg12 : memref<32x128xf32, #tpu.memory_space<vmem>>) target(%dma_start3A_108 : memref<32x128xf32, #tpu.memory_space<hbm>>) target_semaphore(%arg14 : memref<!tpu.dma_semaphore, #tpu.memory_space<semaphore_mem>>)
        %add3A_109 = arith.constant 4 : i32
        %add3A_110 = arith.addi %add3A_80, %add3A_109 : i32
        %lt3A_111 = arith.cmpi slt, %add3A_110, %select_n3A : i32
        %convert_element_type3A_112 = arith.extui %lt3A_111 : i1 to i32
        %cond3A_113 = arith.constant 0 : i32
        %cond3A_114 = arith.cmpi ne, %convert_element_type3A_112, %cond3A_113 : i32
        scf.if %cond3A_114 {
          %mul3A_115 = arith.constant 32 : i32
          %mul3A_116 = arith.muli %add3A_110, %mul3A_115 : i32
          %add3A_117 = arith.addi %mul3A_116, %add3A : i32
          %mul3A_118 = arith.constant 256 : i32
          %mul3A_119 = arith.muli %add3A_117, %mul3A_118 : i32
          %dma_start3A_120 = arith.constant 0 : i32
          %dma_start3A_121 = tpu.memref_slice %arg2[%dma_start3A_120, %mul3A_119] : memref<16x1000000xf32, #tpu.memory_space<hbm>> -> memref<16x256xf32, #tpu.memory_space<hbm>>
          %dma_start3A_122 = arith.constant 0 : i32
          %dma_start3A_123 = tpu.memref_slice %arg2[%dma_start3A_122, %mul3A_119] : memref<16x1000000xf32, #tpu.memory_space<hbm>> -> memref<16x256xf32, #tpu.memory_space<hbm>>
          tpu.enqueue_dma source(%dma_start3A_123 : memref<16x256xf32, #tpu.memory_space<hbm>>) target(%arg8 : memref<16x256xf32, #tpu.memory_space<vmem>>) target_semaphore(%arg13 : memref<!tpu.dma_semaphore, #tpu.memory_space<semaphore_mem>>)
        } else {
        }
      } else {
      }
    }
    %scan3A_24 = arith.constant 31 : i32
    %dma_wait3A = arith.constant 0 : i32
    %dma_wait3A_25 = arith.constant 0 : i32
    %dma_wait3A_26 = tpu.memref_slice %arg4[%dma_wait3A, %dma_wait3A_25] : memref<125000x128xf32, #tpu.memory_space<hbm>> -> memref<32x128xf32, #tpu.memory_space<hbm>>
    %dma_wait3A_27 = arith.constant 0 : i32
    %dma_wait3A_28 = arith.constant 0 : i32
    %dma_wait3A_29 = tpu.memref_slice %arg4[%dma_wait3A_27, %dma_wait3A_28] : memref<125000x128xf32, #tpu.memory_space<hbm>> -> memref<32x128xf32, #tpu.memory_space<hbm>>
    tpu.wait_dma2 semaphore(%arg14 : memref<!tpu.dma_semaphore, #tpu.memory_space<semaphore_mem>>) src(%arg9 : memref<32x128xf32, #tpu.memory_space<vmem>>) dst(%dma_wait3A_29 : memref<32x128xf32, #tpu.memory_space<hbm>>)
    %dma_wait3A_30 = arith.constant 0 : i32
    %dma_wait3A_31 = arith.constant 0 : i32
    %dma_wait3A_32 = tpu.memref_slice %arg4[%dma_wait3A_30, %dma_wait3A_31] : memref<125000x128xf32, #tpu.memory_space<hbm>> -> memref<32x128xf32, #tpu.memory_space<hbm>>
    %dma_wait3A_33 = arith.constant 0 : i32
    %dma_wait3A_34 = arith.constant 0 : i32
    %dma_wait3A_35 = tpu.memref_slice %arg4[%dma_wait3A_33, %dma_wait3A_34] : memref<125000x128xf32, #tpu.memory_space<hbm>> -> memref<32x128xf32, #tpu.memory_space<hbm>>
    tpu.wait_dma2 semaphore(%arg14 : memref<!tpu.dma_semaphore, #tpu.memory_space<semaphore_mem>>) src(%arg10 : memref<32x128xf32, #tpu.memory_space<vmem>>) dst(%dma_wait3A_35 : memref<32x128xf32, #tpu.memory_space<hbm>>)
    %dma_wait3A_36 = arith.constant 0 : i32
    %dma_wait3A_37 = arith.constant 0 : i32
    %dma_wait3A_38 = tpu.memref_slice %arg4[%dma_wait3A_36, %dma_wait3A_37] : memref<125000x128xf32, #tpu.memory_space<hbm>> -> memref<32x128xf32, #tpu.memory_space<hbm>>
    %dma_wait3A_39 = arith.constant 0 : i32
    %dma_wait3A_40 = arith.constant 0 : i32
    %dma_wait3A_41 = tpu.memref_slice %arg4[%dma_wait3A_39, %dma_wait3A_40] : memref<125000x128xf32, #tpu.memory_space<hbm>> -> memref<32x128xf32, #tpu.memory_space<hbm>>
    tpu.wait_dma2 semaphore(%arg14 : memref<!tpu.dma_semaphore, #tpu.memory_space<semaphore_mem>>) src(%arg11 : memref<32x128xf32, #tpu.memory_space<vmem>>) dst(%dma_wait3A_41 : memref<32x128xf32, #tpu.memory_space<hbm>>)
    %dma_wait3A_42 = arith.constant 0 : i32
    %dma_wait3A_43 = arith.constant 0 : i32
    %dma_wait3A_44 = tpu.memref_slice %arg4[%dma_wait3A_42, %dma_wait3A_43] : memref<125000x128xf32, #tpu.memory_space<hbm>> -> memref<32x128xf32, #tpu.memory_space<hbm>>
    %dma_wait3A_45 = arith.constant 0 : i32
    %dma_wait3A_46 = arith.constant 0 : i32
    %dma_wait3A_47 = tpu.memref_slice %arg4[%dma_wait3A_45, %dma_wait3A_46] : memref<125000x128xf32, #tpu.memory_space<hbm>> -> memref<32x128xf32, #tpu.memory_space<hbm>>
    tpu.wait_dma2 semaphore(%arg14 : memref<!tpu.dma_semaphore, #tpu.memory_space<semaphore_mem>>) src(%arg12 : memref<32x128xf32, #tpu.memory_space<vmem>>) dst(%dma_wait3A_47 : memref<32x128xf32, #tpu.memory_space<hbm>>)
    %eq3A = arith.constant 0 : i32
    %eq3A_48 = arith.cmpi eq, %add3A, %eq3A : i32
    %convert_element_type3A_49 = arith.extui %eq3A_48 : i1 to i32
    %cond3A_50 = arith.constant 0 : i32
    %cond3A_51 = arith.cmpi ne, %convert_element_type3A_49, %cond3A_50 : i32
    scf.if %cond3A_51 {
      "tpu.region"() ({
        %run_scoped3A = tpu.sem_alloc : memref<!tpu.dma_semaphore, #tpu.memory_space<semaphore_mem>>
        %dma_start3A = arith.constant 0 : i32
        %dma_start3A_58 = arith.constant 0 : i32
        %dma_start3A_59 = tpu.memref_slice %arg5[%dma_start3A, %dma_start3A_58] : memref<16x256xf32, #tpu.memory_space<vmem>> -> memref<16x128xf32, #tpu.memory_space<vmem>>
        %dma_start3A_60 = arith.constant 0 : i32
        %dma_start3A_61 = arith.constant 0 : i32
        %dma_start3A_62 = tpu.memref_slice %arg5[%dma_start3A_60, %dma_start3A_61] : memref<16x256xf32, #tpu.memory_space<vmem>> -> memref<16x128xf32, #tpu.memory_space<vmem>>
        tpu.enqueue_dma source(%arg3 : memref<16x128xf32, #tpu.memory_space<hbm>>) target(%dma_start3A_62 : memref<16x128xf32, #tpu.memory_space<vmem>>) target_semaphore(%run_scoped3A : memref<!tpu.dma_semaphore, #tpu.memory_space<semaphore_mem>>)
        %dma_wait3A_63 = arith.constant 0 : i32
        %dma_wait3A_64 = arith.constant 0 : i32
        %dma_wait3A_65 = tpu.memref_slice %arg5[%dma_wait3A_63, %dma_wait3A_64] : memref<16x256xf32, #tpu.memory_space<vmem>> -> memref<16x128xf32, #tpu.memory_space<vmem>>
        %dma_wait3A_66 = arith.constant 0 : i32
        %dma_wait3A_67 = arith.constant 0 : i32
        %dma_wait3A_68 = tpu.memref_slice %arg5[%dma_wait3A_66, %dma_wait3A_67] : memref<16x256xf32, #tpu.memory_space<vmem>> -> memref<16x128xf32, #tpu.memory_space<vmem>>
        tpu.wait_dma2 semaphore(%run_scoped3A : memref<!tpu.dma_semaphore, #tpu.memory_space<semaphore_mem>>) src(%arg3 : memref<16x128xf32, #tpu.memory_space<hbm>>) dst(%dma_wait3A_68 : memref<16x128xf32, #tpu.memory_space<vmem>>)
        tpu.yield
      }) : () -> ()
      %scan3A_52 = arith.constant 0 : i32
      %scan3A_53 = arith.constant 0 : i32
      %scan3A_54 = arith.constant 8 : i32
      %scan3A_55 = arith.addi %scan3A_53, %scan3A_54 : i32
      %scan3A_56 = arith.constant 1 : i32
      scf.for %scan3A_58 = %scan3A_53 to %scan3A_55 step %scan3A_56  : i32 {
        %mul3A_59 = arith.constant 8 : i32
        %mul3A_60 = arith.muli %scan3A_58, %mul3A_59 : i32
        %add3A_61 = arith.constant 0 : i32
        %add3A_62 = arith.addi %mul3A_60, %add3A_61 : i32
        %broadcast_in_dim3A = vector.broadcast %add3A_62 : i32 to vector<16xi32>
        %gather3A = tpu.vector_load_idx %arg5[%iota3A, %broadcast_in_dim3A] : memref<16x256xf32, #tpu.memory_space<vmem>>[vector<16xi32>, vector<16xi32>], vector<16xf32>,
        %swap3A = arith.index_cast %scan3A_58 : i32 to index
        %swap3A_63 = arith.constant 0 : index
        %swap3A_64 = tpu.vector_load %arg9[%swap3A, %swap3A_63] {strides = array<i32>} : memref<32x128xf32, #tpu.memory_space<vmem>>, vector<16xf32>,
        tpu.vector_store %arg9[%swap3A, %swap3A_63], %gather3A {strides = array<i32>} : memref<32x128xf32, #tpu.memory_space<vmem>>, vector<16xf32>,
        %mul3A_65 = arith.constant 8 : i32
        %mul3A_66 = arith.muli %scan3A_58, %mul3A_65 : i32
        %add3A_67 = arith.constant 1 : i32
        %add3A_68 = arith.addi %mul3A_66, %add3A_67 : i32
        %broadcast_in_dim3A_69 = vector.broadcast %add3A_68 : i32 to vector<16xi32>
        %gather3A_70 = tpu.vector_load_idx %arg5[%iota3A, %broadcast_in_dim3A_69] : memref<16x256xf32, #tpu.memory_space<vmem>>[vector<16xi32>, vector<16xi32>], vector<16xf32>,
        %swap3A_71 = arith.index_cast %scan3A_58 : i32 to index
        %swap3A_72 = arith.constant 16 : index
        %swap3A_73 = tpu.vector_load %arg9[%swap3A_71, %swap3A_72] {strides = array<i32>} : memref<32x128xf32, #tpu.memory_space<vmem>>, vector<16xf32>,
        tpu.vector_store %arg9[%swap3A_71, %swap3A_72], %gather3A_70 {strides = array<i32>} : memref<32x128xf32, #tpu.memory_space<vmem>>, vector<16xf32>,
        %mul3A_74 = arith.constant 8 : i32
        %mul3A_75 = arith.muli %scan3A_58, %mul3A_74 : i32
        %add3A_76 = arith.constant 2 : i32
        %add3A_77 = arith.addi %mul3A_75, %add3A_76 : i32
        %broadcast_in_dim3A_78 = vector.broadcast %add3A_77 : i32 to vector<16xi32>
        %gather3A_79 = tpu.vector_load_idx %arg5[%iota3A, %broadcast_in_dim3A_78] : memref<16x256xf32, #tpu.memory_space<vmem>>[vector<16xi32>, vector<16xi32>], vector<16xf32>,
        %swap3A_80 = arith.index_cast %scan3A_58 : i32 to index
        %swap3A_81 = arith.constant 32 : index
        %swap3A_82 = tpu.vector_load %arg9[%swap3A_80, %swap3A_81] {strides = array<i32>} : memref<32x128xf32, #tpu.memory_space<vmem>>, vector<16xf32>,
        tpu.vector_store %arg9[%swap3A_80, %swap3A_81], %gather3A_79 {strides = array<i32>} : memref<32x128xf32, #tpu.memory_space<vmem>>, vector<16xf32>,
        %mul3A_83 = arith.constant 8 : i32
        %mul3A_84 = arith.muli %scan3A_58, %mul3A_83 : i32
        %add3A_85 = arith.constant 3 : i32
        %add3A_86 = arith.addi %mul3A_84, %add3A_85 : i32
        %broadcast_in_dim3A_87 = vector.broadcast %add3A_86 : i32 to vector<16xi32>
        %gather3A_88 = tpu.vector_load_idx %arg5[%iota3A, %broadcast_in_dim3A_87] : memref<16x256xf32, #tpu.memory_space<vmem>>[vector<16xi32>, vector<16xi32>], vector<16xf32>,
        %swap3A_89 = arith.index_cast %scan3A_58 : i32 to index
        %swap3A_90 = arith.constant 48 : index
        %swap3A_91 = tpu.vector_load %arg9[%swap3A_89, %swap3A_90] {strides = array<i32>} : memref<32x128xf32, #tpu.memory_space<vmem>>, vector<16xf32>,
        tpu.vector_store %arg9[%swap3A_89, %swap3A_90], %gather3A_88 {strides = array<i32>} : memref<32x128xf32, #tpu.memory_space<vmem>>, vector<16xf32>,
        %mul3A_92 = arith.constant 8 : i32
        %mul3A_93 = arith.muli %scan3A_58, %mul3A_92 : i32
        %add3A_94 = arith.constant 4 : i32
        %add3A_95 = arith.addi %mul3A_93, %add3A_94 : i32
        %broadcast_in_dim3A_96 = vector.broadcast %add3A_95 : i32 to vector<16xi32>
        %gather3A_97 = tpu.vector_load_idx %arg5[%iota3A, %broadcast_in_dim3A_96] : memref<16x256xf32, #tpu.memory_space<vmem>>[vector<16xi32>, vector<16xi32>], vector<16xf32>,
        %swap3A_98 = arith.index_cast %scan3A_58 : i32 to index
        %swap3A_99 = arith.constant 64 : index
        %swap3A_100 = tpu.vector_load %arg9[%swap3A_98, %swap3A_99] {strides = array<i32>} : memref<32x128xf32, #tpu.memory_space<vmem>>, vector<16xf32>,
        tpu.vector_store %arg9[%swap3A_98, %swap3A_99], %gather3A_97 {strides = array<i32>} : memref<32x128xf32, #tpu.memory_space<vmem>>, vector<16xf32>,
        %mul3A_101 = arith.constant 8 : i32
        %mul3A_102 = arith.muli %scan3A_58, %mul3A_101 : i32
        %add3A_103 = arith.constant 5 : i32
        %add3A_104 = arith.addi %mul3A_102, %add3A_103 : i32
        %broadcast_in_dim3A_105 = vector.broadcast %add3A_104 : i32 to vector<16xi32>
        %gather3A_106 = tpu.vector_load_idx %arg5[%iota3A, %broadcast_in_dim3A_105] : memref<16x256xf32, #tpu.memory_space<vmem>>[vector<16xi32>, vector<16xi32>], vector<16xf32>,
        %swap3A_107 = arith.index_cast %scan3A_58 : i32 to index
        %swap3A_108 = arith.constant 80 : index
        %swap3A_109 = tpu.vector_load %arg9[%swap3A_107, %swap3A_108] {strides = array<i32>} : memref<32x128xf32, #tpu.memory_space<vmem>>, vector<16xf32>,
        tpu.vector_store %arg9[%swap3A_107, %swap3A_108], %gather3A_106 {strides = array<i32>} : memref<32x128xf32, #tpu.memory_space<vmem>>, vector<16xf32>,
        %mul3A_110 = arith.constant 8 : i32
        %mul3A_111 = arith.muli %scan3A_58, %mul3A_110 : i32
        %add3A_112 = arith.constant 6 : i32
        %add3A_113 = arith.addi %mul3A_111, %add3A_112 : i32
        %broadcast_in_dim3A_114 = vector.broadcast %add3A_113 : i32 to vector<16xi32>
        %gather3A_115 = tpu.vector_load_idx %arg5[%iota3A, %broadcast_in_dim3A_114] : memref<16x256xf32, #tpu.memory_space<vmem>>[vector<16xi32>, vector<16xi32>], vector<16xf32>,
        %swap3A_116 = arith.index_cast %scan3A_58 : i32 to index
        %swap3A_117 = arith.constant 96 : index
        %swap3A_118 = tpu.vector_load %arg9[%swap3A_116, %swap3A_117] {strides = array<i32>} : memref<32x128xf32, #tpu.memory_space<vmem>>, vector<16xf32>,
        tpu.vector_store %arg9[%swap3A_116, %swap3A_117], %gather3A_115 {strides = array<i32>} : memref<32x128xf32, #tpu.memory_space<vmem>>, vector<16xf32>,
        %mul3A_119 = arith.constant 8 : i32
        %mul3A_120 = arith.muli %scan3A_58, %mul3A_119 : i32
        %add3A_121 = arith.constant 7 : i32
        %add3A_122 = arith.addi %mul3A_120, %add3A_121 : i32
        %broadcast_in_dim3A_123 = vector.broadcast %add3A_122 : i32 to vector<16xi32>
        %gather3A_124 = tpu.vector_load_idx %arg5[%iota3A, %broadcast_in_dim3A_123] : memref<16x256xf32, #tpu.memory_space<vmem>>[vector<16xi32>, vector<16xi32>], vector<16xf32>,
        %swap3A_125 = arith.index_cast %scan3A_58 : i32 to index
        %swap3A_126 = arith.constant 112 : index
        %swap3A_127 = tpu.vector_load %arg9[%swap3A_125, %swap3A_126] {strides = array<i32>} : memref<32x128xf32, #tpu.memory_space<vmem>>, vector<16xf32>,
        tpu.vector_store %arg9[%swap3A_125, %swap3A_126], %gather3A_124 {strides = array<i32>} : memref<32x128xf32, #tpu.memory_space<vmem>>, vector<16xf32>,
      }
      %scan3A_57 = arith.constant 8 : i32
      "tpu.region"() ({
        %run_scoped3A = tpu.sem_alloc : memref<!tpu.dma_semaphore, #tpu.memory_space<semaphore_mem>>
        %dma_start3A = arith.constant 0 : i32
        %dma_start3A_58 = arith.constant 0 : i32
        %dma_start3A_59 = tpu.memref_slice %arg9[%dma_start3A, %dma_start3A_58] : memref<32x128xf32, #tpu.memory_space<vmem>> -> memref<8x128xf32, #tpu.memory_space<vmem>>
        %dma_start3A_60 = arith.constant 124992 : i32
        %dma_start3A_61 = arith.constant 0 : i32
        %dma_start3A_62 = tpu.memref_slice %arg4[%dma_start3A_60, %dma_start3A_61] : memref<125000x128xf32, #tpu.memory_space<hbm>> -> memref<8x128xf32, #tpu.memory_space<hbm>>
        %dma_start3A_63 = arith.constant 124992 : i32
        %dma_start3A_64 = arith.constant 0 : i32
        %dma_start3A_65 = tpu.memref_slice %arg4[%dma_start3A_63, %dma_start3A_64] : memref<125000x128xf32, #tpu.memory_space<hbm>> -> memref<8x128xf32, #tpu.memory_space<hbm>>
        %dma_start3A_66 = arith.constant 0 : i32
        %dma_start3A_67 = arith.constant 0 : i32
        %dma_start3A_68 = tpu.memref_slice %arg9[%dma_start3A_66, %dma_start3A_67] : memref<32x128xf32, #tpu.memory_space<vmem>> -> memref<8x128xf32, #tpu.memory_space<vmem>>
        tpu.enqueue_dma source(%dma_start3A_68 : memref<8x128xf32, #tpu.memory_space<vmem>>) target(%dma_start3A_65 : memref<8x128xf32, #tpu.memory_space<hbm>>) target_semaphore(%run_scoped3A : memref<!tpu.dma_semaphore, #tpu.memory_space<semaphore_mem>>)
        %dma_wait3A_69 = arith.constant 0 : i32
        %dma_wait3A_70 = arith.constant 0 : i32
        %dma_wait3A_71 = tpu.memref_slice %arg9[%dma_wait3A_69, %dma_wait3A_70] : memref<32x128xf32, #tpu.memory_space<vmem>> -> memref<8x128xf32, #tpu.memory_space<vmem>>
        %dma_wait3A_72 = arith.constant 124992 : i32
        %dma_wait3A_73 = arith.constant 0 : i32
        %dma_wait3A_74 = tpu.memref_slice %arg4[%dma_wait3A_72, %dma_wait3A_73] : memref<125000x128xf32, #tpu.memory_space<hbm>> -> memref<8x128xf32, #tpu.memory_space<hbm>>
        %dma_wait3A_75 = arith.constant 124992 : i32
        %dma_wait3A_76 = arith.constant 0 : i32
        %dma_wait3A_77 = tpu.memref_slice %arg4[%dma_wait3A_75, %dma_wait3A_76] : memref<125000x128xf32, #tpu.memory_space<hbm>> -> memref<8x128xf32, #tpu.memory_space<hbm>>
        %dma_wait3A_78 = arith.constant 0 : i32
        %dma_wait3A_79 = arith.constant 0 : i32
        %dma_wait3A_80 = tpu.memref_slice %arg9[%dma_wait3A_78, %dma_wait3A_79] : memref<32x128xf32, #tpu.memory_space<vmem>> -> memref<8x128xf32, #tpu.memory_space<vmem>>
        tpu.wait_dma2 semaphore(%run_scoped3A : memref<!tpu.dma_semaphore, #tpu.memory_space<semaphore_mem>>) src(%dma_wait3A_80 : memref<8x128xf32, #tpu.memory_space<vmem>>) dst(%dma_wait3A_77 : memref<8x128xf32, #tpu.memory_space<hbm>>)
        tpu.yield
      }) : () -> ()
    } else {
    }
    return
  }
}

#map = affine_map<(d0, d1) -> (0, 0)>
module attributes {stable_mosaic.version = 14 : i64} {
  func.func @emb_sum(%arg0: i32, %arg1: i32, %arg2: memref<32x16384xi32, #tpu.memory_space<hbm>>, %arg3: memref<1000000x16xf32, #tpu.memory_space<hbm>>, %arg4: memref<16384x16xf32, #tpu.memory_space<hbm>>, %arg5: memref<32x512xi32, #tpu.memory_space<vmem>>, %arg6: memref<3328x16xf32, #tpu.memory_space<vmem>>, %arg7: memref<128x16xf32, #tpu.memory_space<vmem>>, %arg8: memref<!tpu.dma_semaphore, #tpu.memory_space<semaphore_mem>>) attributes {dimension_semantics = [#tpu.dimension_semantics<core_parallel>, #tpu.dimension_semantics<subcore_parallel>], iteration_bounds = array<i64: 2, 16>, scalar_prefetch = 0 : i64, scratch_operands = 4 : i64, tpu.core_type = #tpu.core_type<sc_vector_subcore>, window_params = [{transform_indices = #map}, {transform_indices = #map}, {transform_indices = #map}]} {
    %mul3A = arith.constant 2 : i32
    %mul3A_0 = arith.muli %arg1, %mul3A : i32
    %add3A = arith.addi %mul3A_0, %arg0 : i32
    %mul3A_1 = arith.constant 512 : i32
    %mul3A_2 = arith.muli %add3A, %mul3A_1 : i32
    "tpu.region"() ({
      %run_scoped3A = tpu.sem_alloc : memref<!tpu.dma_semaphore, #tpu.memory_space<semaphore_mem>>
      %dma_start3A = arith.constant 0 : i32
      %dma_start3A_8 = tpu.memref_slice %arg2[%dma_start3A, %mul3A_2] : memref<32x16384xi32, #tpu.memory_space<hbm>> -> memref<32x512xi32, #tpu.memory_space<hbm>>
      %dma_start3A_9 = arith.constant 0 : i32
      %dma_start3A_10 = tpu.memref_slice %arg2[%dma_start3A_9, %mul3A_2] : memref<32x16384xi32, #tpu.memory_space<hbm>> -> memref<32x512xi32, #tpu.memory_space<hbm>>
      tpu.enqueue_dma source(%dma_start3A_10 : memref<32x512xi32, #tpu.memory_space<hbm>>) target(%arg5 : memref<32x512xi32, #tpu.memory_space<vmem>>) target_semaphore(%run_scoped3A : memref<!tpu.dma_semaphore, #tpu.memory_space<semaphore_mem>>)
      %dma_wait3A = arith.constant 0 : i32
      %dma_wait3A_11 = tpu.memref_slice %arg2[%dma_wait3A, %mul3A_2] : memref<32x16384xi32, #tpu.memory_space<hbm>> -> memref<32x512xi32, #tpu.memory_space<hbm>>
      %dma_wait3A_12 = arith.constant 0 : i32
      %dma_wait3A_13 = tpu.memref_slice %arg2[%dma_wait3A_12, %mul3A_2] : memref<32x16384xi32, #tpu.memory_space<hbm>> -> memref<32x512xi32, #tpu.memory_space<hbm>>
      tpu.wait_dma2 semaphore(%run_scoped3A : memref<!tpu.dma_semaphore, #tpu.memory_space<semaphore_mem>>) src(%dma_wait3A_13 : memref<32x512xi32, #tpu.memory_space<hbm>>) dst(%arg5 : memref<32x512xi32, #tpu.memory_space<vmem>>)
      tpu.yield
    }) : () -> ()
    %scan3A = arith.constant 0 : i32
    %scan3A_3 = arith.constant 0 : i32
    %scan3A_4 = arith.constant 4 : i32
    %scan3A_5 = arith.addi %scan3A_3, %scan3A_4 : i32
    %scan3A_6 = arith.constant 1 : i32
    scf.for %scan3A_8 = %scan3A_3 to %scan3A_5 step %scan3A_6  : i32 {
      %mul3A_9 = arith.constant 128 : i32
      %mul3A_10 = arith.muli %scan3A_8, %mul3A_9 : i32
      %dma_start3A = arith.constant 0 : i32
      %dma_start3A_11 = arith.constant 0 : i32
      %dma_start3A_12 = arith.constant 0 : i32
      %dma_start3A_13 = tpu.memref_slice %arg6[%dma_start3A_11, %dma_start3A_12] : memref<3328x16xf32, #tpu.memory_space<vmem>> -> memref<128x16xf32, #tpu.memory_space<vmem>>
      %dma_start3A_14 = tpu.memref_slice %arg5[%dma_start3A, %mul3A_10] : memref<32x512xi32, #tpu.memory_space<vmem>> -> memref<1x128xi32, #tpu.memory_space<vmem>>
      %dma_start3A_15 = tpu.memref_squeeze %dma_start3A_14 : memref<1x128xi32, #tpu.memory_space<vmem>> -> memref<128xi32, #tpu.memory_space<vmem>>
      %dma_start3A_16 = arith.constant 0 : i32
      %dma_start3A_17 = arith.constant 0 : i32
      %dma_start3A_18 = tpu.memref_slice %arg3[%dma_start3A_16, %dma_start3A_17] : memref<1000000x16xf32, #tpu.memory_space<hbm>> -> memref<1000000x16xf32, #tpu.memory_space<hbm>>
      tpu.enqueue_indirect_dma source(%dma_start3A_18 : memref<1000000x16xf32, #tpu.memory_space<hbm>>) target(%dma_start3A_13 : memref<128x16xf32, #tpu.memory_space<vmem>>) offsets(%dma_start3A_15 : memref<128xi32, #tpu.memory_space<vmem>>) semaphore(%arg8 : memref<!tpu.dma_semaphore, #tpu.memory_space<semaphore_mem>>)
      %mul3A_19 = arith.constant 128 : i32
      %mul3A_20 = arith.muli %scan3A_8, %mul3A_19 : i32
      %dma_start3A_21 = arith.constant 1 : i32
      %dma_start3A_22 = arith.constant 128 : i32
      %dma_start3A_23 = arith.constant 0 : i32
      %dma_start3A_24 = tpu.memref_slice %arg6[%dma_start3A_22, %dma_start3A_23] : memref<3328x16xf32, #tpu.memory_space<vmem>> -> memref<128x16xf32, #tpu.memory_space<vmem>>
      %dma_start3A_25 = tpu.memref_slice %arg5[%dma_start3A_21, %mul3A_20] : memref<32x512xi32, #tpu.memory_space<vmem>> -> memref<1x128xi32, #tpu.memory_space<vmem>>
      %dma_start3A_26 = tpu.memref_squeeze %dma_start3A_25 : memref<1x128xi32, #tpu.memory_space<vmem>> -> memref<128xi32, #tpu.memory_space<vmem>>
      %dma_start3A_27 = arith.constant 0 : i32
      %dma_start3A_28 = arith.constant 0 : i32
      %dma_start3A_29 = tpu.memref_slice %arg3[%dma_start3A_27, %dma_start3A_28] : memref<1000000x16xf32, #tpu.memory_space<hbm>> -> memref<1000000x16xf32, #tpu.memory_space<hbm>>
      tpu.enqueue_indirect_dma source(%dma_start3A_29 : memref<1000000x16xf32, #tpu.memory_space<hbm>>) target(%dma_start3A_24 : memref<128x16xf32, #tpu.memory_space<vmem>>) offsets(%dma_start3A_26 : memref<128xi32, #tpu.memory_space<vmem>>) semaphore(%arg8 : memref<!tpu.dma_semaphore, #tpu.memory_space<semaphore_mem>>)
      %mul3A_30 = arith.constant 128 : i32
      %mul3A_31 = arith.muli %scan3A_8, %mul3A_30 : i32
      %dma_start3A_32 = arith.constant 2 : i32
      %dma_start3A_33 = arith.constant 256 : i32
      %dma_start3A_34 = arith.constant 0 : i32
      %dma_start3A_35 = tpu.memref_slice %arg6[%dma_start3A_33, %dma_start3A_34] : memref<3328x16xf32, #tpu.memory_space<vmem>> -> memref<128x16xf32, #tpu.memory_space<vmem>>
      %dma_start3A_36 = tpu.memref_slice %arg5[%dma_start3A_32, %mul3A_31] : memref<32x512xi32, #tpu.memory_space<vmem>> -> memref<1x128xi32, #tpu.memory_space<vmem>>
      %dma_start3A_37 = tpu.memref_squeeze %dma_start3A_36 : memref<1x128xi32, #tpu.memory_space<vmem>> -> memref<128xi32, #tpu.memory_space<vmem>>
      %dma_start3A_38 = arith.constant 0 : i32
      %dma_start3A_39 = arith.constant 0 : i32
      %dma_start3A_40 = tpu.memref_slice %arg3[%dma_start3A_38, %dma_start3A_39] : memref<1000000x16xf32, #tpu.memory_space<hbm>> -> memref<1000000x16xf32, #tpu.memory_space<hbm>>
      tpu.enqueue_indirect_dma source(%dma_start3A_40 : memref<1000000x16xf32, #tpu.memory_space<hbm>>) target(%dma_start3A_35 : memref<128x16xf32, #tpu.memory_space<vmem>>) offsets(%dma_start3A_37 : memref<128xi32, #tpu.memory_space<vmem>>) semaphore(%arg8 : memref<!tpu.dma_semaphore, #tpu.memory_space<semaphore_mem>>)
      %mul3A_41 = arith.constant 128 : i32
      %mul3A_42 = arith.muli %scan3A_8, %mul3A_41 : i32
      %dma_start3A_43 = arith.constant 3 : i32
      %dma_start3A_44 = arith.constant 384 : i32
      %dma_start3A_45 = arith.constant 0 : i32
      %dma_start3A_46 = tpu.memref_slice %arg6[%dma_start3A_44, %dma_start3A_45] : memref<3328x16xf32, #tpu.memory_space<vmem>> -> memref<128x16xf32, #tpu.memory_space<vmem>>
      %dma_start3A_47 = tpu.memref_slice %arg5[%dma_start3A_43, %mul3A_42] : memref<32x512xi32, #tpu.memory_space<vmem>> -> memref<1x128xi32, #tpu.memory_space<vmem>>
      %dma_start3A_48 = tpu.memref_squeeze %dma_start3A_47 : memref<1x128xi32, #tpu.memory_space<vmem>> -> memref<128xi32, #tpu.memory_space<vmem>>
      %dma_start3A_49 = arith.constant 0 : i32
      %dma_start3A_50 = arith.constant 0 : i32
      %dma_start3A_51 = tpu.memref_slice %arg3[%dma_start3A_49, %dma_start3A_50] : memref<1000000x16xf32, #tpu.memory_space<hbm>> -> memref<1000000x16xf32, #tpu.memory_space<hbm>>
      tpu.enqueue_indirect_dma source(%dma_start3A_51 : memref<1000000x16xf32, #tpu.memory_space<hbm>>) target(%dma_start3A_46 : memref<128x16xf32, #tpu.memory_space<vmem>>) offsets(%dma_start3A_48 : memref<128xi32, #tpu.memory_space<vmem>>) semaphore(%arg8 : memref<!tpu.dma_semaphore, #tpu.memory_space<semaphore_mem>>)
      %mul3A_52 = arith.constant 128 : i32
      %mul3A_53 = arith.muli %scan3A_8, %mul3A_52 : i32
      %dma_start3A_54 = arith.constant 4 : i32
      %dma_start3A_55 = arith.constant 512 : i32
      %dma_start3A_56 = arith.constant 0 : i32
      %dma_start3A_57 = tpu.memref_slice %arg6[%dma_start3A_55, %dma_start3A_56] : memref<3328x16xf32, #tpu.memory_space<vmem>> -> memref<128x16xf32, #tpu.memory_space<vmem>>
      %dma_start3A_58 = tpu.memref_slice %arg5[%dma_start3A_54, %mul3A_53] : memref<32x512xi32, #tpu.memory_space<vmem>> -> memref<1x128xi32, #tpu.memory_space<vmem>>
      %dma_start3A_59 = tpu.memref_squeeze %dma_start3A_58 : memref<1x128xi32, #tpu.memory_space<vmem>> -> memref<128xi32, #tpu.memory_space<vmem>>
      %dma_start3A_60 = arith.constant 0 : i32
      %dma_start3A_61 = arith.constant 0 : i32
      %dma_start3A_62 = tpu.memref_slice %arg3[%dma_start3A_60, %dma_start3A_61] : memref<1000000x16xf32, #tpu.memory_space<hbm>> -> memref<1000000x16xf32, #tpu.memory_space<hbm>>
      tpu.enqueue_indirect_dma source(%dma_start3A_62 : memref<1000000x16xf32, #tpu.memory_space<hbm>>) target(%dma_start3A_57 : memref<128x16xf32, #tpu.memory_space<vmem>>) offsets(%dma_start3A_59 : memref<128xi32, #tpu.memory_space<vmem>>) semaphore(%arg8 : memref<!tpu.dma_semaphore, #tpu.memory_space<semaphore_mem>>)
      %mul3A_63 = arith.constant 128 : i32
      %mul3A_64 = arith.muli %scan3A_8, %mul3A_63 : i32
      %dma_start3A_65 = arith.constant 5 : i32
      %dma_start3A_66 = arith.constant 640 : i32
      %dma_start3A_67 = arith.constant 0 : i32
      %dma_start3A_68 = tpu.memref_slice %arg6[%dma_start3A_66, %dma_start3A_67] : memref<3328x16xf32, #tpu.memory_space<vmem>> -> memref<128x16xf32, #tpu.memory_space<vmem>>
      %dma_start3A_69 = tpu.memref_slice %arg5[%dma_start3A_65, %mul3A_64] : memref<32x512xi32, #tpu.memory_space<vmem>> -> memref<1x128xi32, #tpu.memory_space<vmem>>
      %dma_start3A_70 = tpu.memref_squeeze %dma_start3A_69 : memref<1x128xi32, #tpu.memory_space<vmem>> -> memref<128xi32, #tpu.memory_space<vmem>>
      %dma_start3A_71 = arith.constant 0 : i32
      %dma_start3A_72 = arith.constant 0 : i32
      %dma_start3A_73 = tpu.memref_slice %arg3[%dma_start3A_71, %dma_start3A_72] : memref<1000000x16xf32, #tpu.memory_space<hbm>> -> memref<1000000x16xf32, #tpu.memory_space<hbm>>
      tpu.enqueue_indirect_dma source(%dma_start3A_73 : memref<1000000x16xf32, #tpu.memory_space<hbm>>) target(%dma_start3A_68 : memref<128x16xf32, #tpu.memory_space<vmem>>) offsets(%dma_start3A_70 : memref<128xi32, #tpu.memory_space<vmem>>) semaphore(%arg8 : memref<!tpu.dma_semaphore, #tpu.memory_space<semaphore_mem>>)
      %mul3A_74 = arith.constant 128 : i32
      %mul3A_75 = arith.muli %scan3A_8, %mul3A_74 : i32
      %dma_start3A_76 = arith.constant 6 : i32
      %dma_start3A_77 = arith.constant 768 : i32
      %dma_start3A_78 = arith.constant 0 : i32
      %dma_start3A_79 = tpu.memref_slice %arg6[%dma_start3A_77, %dma_start3A_78] : memref<3328x16xf32, #tpu.memory_space<vmem>> -> memref<128x16xf32, #tpu.memory_space<vmem>>
      %dma_start3A_80 = tpu.memref_slice %arg5[%dma_start3A_76, %mul3A_75] : memref<32x512xi32, #tpu.memory_space<vmem>> -> memref<1x128xi32, #tpu.memory_space<vmem>>
      %dma_start3A_81 = tpu.memref_squeeze %dma_start3A_80 : memref<1x128xi32, #tpu.memory_space<vmem>> -> memref<128xi32, #tpu.memory_space<vmem>>
      %dma_start3A_82 = arith.constant 0 : i32
      %dma_start3A_83 = arith.constant 0 : i32
      %dma_start3A_84 = tpu.memref_slice %arg3[%dma_start3A_82, %dma_start3A_83] : memref<1000000x16xf32, #tpu.memory_space<hbm>> -> memref<1000000x16xf32, #tpu.memory_space<hbm>>
      tpu.enqueue_indirect_dma source(%dma_start3A_84 : memref<1000000x16xf32, #tpu.memory_space<hbm>>) target(%dma_start3A_79 : memref<128x16xf32, #tpu.memory_space<vmem>>) offsets(%dma_start3A_81 : memref<128xi32, #tpu.memory_space<vmem>>) semaphore(%arg8 : memref<!tpu.dma_semaphore, #tpu.memory_space<semaphore_mem>>)
      %mul3A_85 = arith.constant 128 : i32
      %mul3A_86 = arith.muli %scan3A_8, %mul3A_85 : i32
      %dma_start3A_87 = arith.constant 7 : i32
      %dma_start3A_88 = arith.constant 896 : i32
      %dma_start3A_89 = arith.constant 0 : i32
      %dma_start3A_90 = tpu.memref_slice %arg6[%dma_start3A_88, %dma_start3A_89] : memref<3328x16xf32, #tpu.memory_space<vmem>> -> memref<128x16xf32, #tpu.memory_space<vmem>>
      %dma_start3A_91 = tpu.memref_slice %arg5[%dma_start3A_87, %mul3A_86] : memref<32x512xi32, #tpu.memory_space<vmem>> -> memref<1x128xi32, #tpu.memory_space<vmem>>
      %dma_start3A_92 = tpu.memref_squeeze %dma_start3A_91 : memref<1x128xi32, #tpu.memory_space<vmem>> -> memref<128xi32, #tpu.memory_space<vmem>>
      %dma_start3A_93 = arith.constant 0 : i32
      %dma_start3A_94 = arith.constant 0 : i32
      %dma_start3A_95 = tpu.memref_slice %arg3[%dma_start3A_93, %dma_start3A_94] : memref<1000000x16xf32, #tpu.memory_space<hbm>> -> memref<1000000x16xf32, #tpu.memory_space<hbm>>
      tpu.enqueue_indirect_dma source(%dma_start3A_95 : memref<1000000x16xf32, #tpu.memory_space<hbm>>) target(%dma_start3A_90 : memref<128x16xf32, #tpu.memory_space<vmem>>) offsets(%dma_start3A_92 : memref<128xi32, #tpu.memory_space<vmem>>) semaphore(%arg8 : memref<!tpu.dma_semaphore, #tpu.memory_space<semaphore_mem>>)
      %mul3A_96 = arith.constant 128 : i32
      %mul3A_97 = arith.muli %scan3A_8, %mul3A_96 : i32
      %dma_start3A_98 = arith.constant 8 : i32
      %dma_start3A_99 = arith.constant 1024 : i32
      %dma_start3A_100 = arith.constant 0 : i32
      %dma_start3A_101 = tpu.memref_slice %arg6[%dma_start3A_99, %dma_start3A_100] : memref<3328x16xf32, #tpu.memory_space<vmem>> -> memref<128x16xf32, #tpu.memory_space<vmem>>
      %dma_start3A_102 = tpu.memref_slice %arg5[%dma_start3A_98, %mul3A_97] : memref<32x512xi32, #tpu.memory_space<vmem>> -> memref<1x128xi32, #tpu.memory_space<vmem>>
      %dma_start3A_103 = tpu.memref_squeeze %dma_start3A_102 : memref<1x128xi32, #tpu.memory_space<vmem>> -> memref<128xi32, #tpu.memory_space<vmem>>
      %dma_start3A_104 = arith.constant 0 : i32
      %dma_start3A_105 = arith.constant 0 : i32
      %dma_start3A_106 = tpu.memref_slice %arg3[%dma_start3A_104, %dma_start3A_105] : memref<1000000x16xf32, #tpu.memory_space<hbm>> -> memref<1000000x16xf32, #tpu.memory_space<hbm>>
      tpu.enqueue_indirect_dma source(%dma_start3A_106 : memref<1000000x16xf32, #tpu.memory_space<hbm>>) target(%dma_start3A_101 : memref<128x16xf32, #tpu.memory_space<vmem>>) offsets(%dma_start3A_103 : memref<128xi32, #tpu.memory_space<vmem>>) semaphore(%arg8 : memref<!tpu.dma_semaphore, #tpu.memory_space<semaphore_mem>>)
      %mul3A_107 = arith.constant 128 : i32
      %mul3A_108 = arith.muli %scan3A_8, %mul3A_107 : i32
      %dma_start3A_109 = arith.constant 9 : i32
      %dma_start3A_110 = arith.constant 1152 : i32
      %dma_start3A_111 = arith.constant 0 : i32
      %dma_start3A_112 = tpu.memref_slice %arg6[%dma_start3A_110, %dma_start3A_111] : memref<3328x16xf32, #tpu.memory_space<vmem>> -> memref<128x16xf32, #tpu.memory_space<vmem>>
      %dma_start3A_113 = tpu.memref_slice %arg5[%dma_start3A_109, %mul3A_108] : memref<32x512xi32, #tpu.memory_space<vmem>> -> memref<1x128xi32, #tpu.memory_space<vmem>>
      %dma_start3A_114 = tpu.memref_squeeze %dma_start3A_113 : memref<1x128xi32, #tpu.memory_space<vmem>> -> memref<128xi32, #tpu.memory_space<vmem>>
      %dma_start3A_115 = arith.constant 0 : i32
      %dma_start3A_116 = arith.constant 0 : i32
      %dma_start3A_117 = tpu.memref_slice %arg3[%dma_start3A_115, %dma_start3A_116] : memref<1000000x16xf32, #tpu.memory_space<hbm>> -> memref<1000000x16xf32, #tpu.memory_space<hbm>>
      tpu.enqueue_indirect_dma source(%dma_start3A_117 : memref<1000000x16xf32, #tpu.memory_space<hbm>>) target(%dma_start3A_112 : memref<128x16xf32, #tpu.memory_space<vmem>>) offsets(%dma_start3A_114 : memref<128xi32, #tpu.memory_space<vmem>>) semaphore(%arg8 : memref<!tpu.dma_semaphore, #tpu.memory_space<semaphore_mem>>)
      %mul3A_118 = arith.constant 128 : i32
      %mul3A_119 = arith.muli %scan3A_8, %mul3A_118 : i32
      %dma_start3A_120 = arith.constant 10 : i32
      %dma_start3A_121 = arith.constant 1280 : i32
      %dma_start3A_122 = arith.constant 0 : i32
      %dma_start3A_123 = tpu.memref_slice %arg6[%dma_start3A_121, %dma_start3A_122] : memref<3328x16xf32, #tpu.memory_space<vmem>> -> memref<128x16xf32, #tpu.memory_space<vmem>>
      %dma_start3A_124 = tpu.memref_slice %arg5[%dma_start3A_120, %mul3A_119] : memref<32x512xi32, #tpu.memory_space<vmem>> -> memref<1x128xi32, #tpu.memory_space<vmem>>
      %dma_start3A_125 = tpu.memref_squeeze %dma_start3A_124 : memref<1x128xi32, #tpu.memory_space<vmem>> -> memref<128xi32, #tpu.memory_space<vmem>>
      %dma_start3A_126 = arith.constant 0 : i32
      %dma_start3A_127 = arith.constant 0 : i32
      %dma_start3A_128 = tpu.memref_slice %arg3[%dma_start3A_126, %dma_start3A_127] : memref<1000000x16xf32, #tpu.memory_space<hbm>> -> memref<1000000x16xf32, #tpu.memory_space<hbm>>
      tpu.enqueue_indirect_dma source(%dma_start3A_128 : memref<1000000x16xf32, #tpu.memory_space<hbm>>) target(%dma_start3A_123 : memref<128x16xf32, #tpu.memory_space<vmem>>) offsets(%dma_start3A_125 : memref<128xi32, #tpu.memory_space<vmem>>) semaphore(%arg8 : memref<!tpu.dma_semaphore, #tpu.memory_space<semaphore_mem>>)
      %mul3A_129 = arith.constant 128 : i32
      %mul3A_130 = arith.muli %scan3A_8, %mul3A_129 : i32
      %dma_start3A_131 = arith.constant 11 : i32
      %dma_start3A_132 = arith.constant 1408 : i32
      %dma_start3A_133 = arith.constant 0 : i32
      %dma_start3A_134 = tpu.memref_slice %arg6[%dma_start3A_132, %dma_start3A_133] : memref<3328x16xf32, #tpu.memory_space<vmem>> -> memref<128x16xf32, #tpu.memory_space<vmem>>
      %dma_start3A_135 = tpu.memref_slice %arg5[%dma_start3A_131, %mul3A_130] : memref<32x512xi32, #tpu.memory_space<vmem>> -> memref<1x128xi32, #tpu.memory_space<vmem>>
      %dma_start3A_136 = tpu.memref_squeeze %dma_start3A_135 : memref<1x128xi32, #tpu.memory_space<vmem>> -> memref<128xi32, #tpu.memory_space<vmem>>
      %dma_start3A_137 = arith.constant 0 : i32
      %dma_start3A_138 = arith.constant 0 : i32
      %dma_start3A_139 = tpu.memref_slice %arg3[%dma_start3A_137, %dma_start3A_138] : memref<1000000x16xf32, #tpu.memory_space<hbm>> -> memref<1000000x16xf32, #tpu.memory_space<hbm>>
      tpu.enqueue_indirect_dma source(%dma_start3A_139 : memref<1000000x16xf32, #tpu.memory_space<hbm>>) target(%dma_start3A_134 : memref<128x16xf32, #tpu.memory_space<vmem>>) offsets(%dma_start3A_136 : memref<128xi32, #tpu.memory_space<vmem>>) semaphore(%arg8 : memref<!tpu.dma_semaphore, #tpu.memory_space<semaphore_mem>>)
      %mul3A_140 = arith.constant 128 : i32
      %mul3A_141 = arith.muli %scan3A_8, %mul3A_140 : i32
      %dma_start3A_142 = arith.constant 12 : i32
      %dma_start3A_143 = arith.constant 1536 : i32
      %dma_start3A_144 = arith.constant 0 : i32
      %dma_start3A_145 = tpu.memref_slice %arg6[%dma_start3A_143, %dma_start3A_144] : memref<3328x16xf32, #tpu.memory_space<vmem>> -> memref<128x16xf32, #tpu.memory_space<vmem>>
      %dma_start3A_146 = tpu.memref_slice %arg5[%dma_start3A_142, %mul3A_141] : memref<32x512xi32, #tpu.memory_space<vmem>> -> memref<1x128xi32, #tpu.memory_space<vmem>>
      %dma_start3A_147 = tpu.memref_squeeze %dma_start3A_146 : memref<1x128xi32, #tpu.memory_space<vmem>> -> memref<128xi32, #tpu.memory_space<vmem>>
      %dma_start3A_148 = arith.constant 0 : i32
      %dma_start3A_149 = arith.constant 0 : i32
      %dma_start3A_150 = tpu.memref_slice %arg3[%dma_start3A_148, %dma_start3A_149] : memref<1000000x16xf32, #tpu.memory_space<hbm>> -> memref<1000000x16xf32, #tpu.memory_space<hbm>>
      tpu.enqueue_indirect_dma source(%dma_start3A_150 : memref<1000000x16xf32, #tpu.memory_space<hbm>>) target(%dma_start3A_145 : memref<128x16xf32, #tpu.memory_space<vmem>>) offsets(%dma_start3A_147 : memref<128xi32, #tpu.memory_space<vmem>>) semaphore(%arg8 : memref<!tpu.dma_semaphore, #tpu.memory_space<semaphore_mem>>)
      %mul3A_151 = arith.constant 128 : i32
      %mul3A_152 = arith.muli %scan3A_8, %mul3A_151 : i32
      %dma_start3A_153 = arith.constant 13 : i32
      %dma_start3A_154 = arith.constant 1664 : i32
      %dma_start3A_155 = arith.constant 0 : i32
      %dma_start3A_156 = tpu.memref_slice %arg6[%dma_start3A_154, %dma_start3A_155] : memref<3328x16xf32, #tpu.memory_space<vmem>> -> memref<128x16xf32, #tpu.memory_space<vmem>>
      %dma_start3A_157 = tpu.memref_slice %arg5[%dma_start3A_153, %mul3A_152] : memref<32x512xi32, #tpu.memory_space<vmem>> -> memref<1x128xi32, #tpu.memory_space<vmem>>
      %dma_start3A_158 = tpu.memref_squeeze %dma_start3A_157 : memref<1x128xi32, #tpu.memory_space<vmem>> -> memref<128xi32, #tpu.memory_space<vmem>>
      %dma_start3A_159 = arith.constant 0 : i32
      %dma_start3A_160 = arith.constant 0 : i32
      %dma_start3A_161 = tpu.memref_slice %arg3[%dma_start3A_159, %dma_start3A_160] : memref<1000000x16xf32, #tpu.memory_space<hbm>> -> memref<1000000x16xf32, #tpu.memory_space<hbm>>
      tpu.enqueue_indirect_dma source(%dma_start3A_161 : memref<1000000x16xf32, #tpu.memory_space<hbm>>) target(%dma_start3A_156 : memref<128x16xf32, #tpu.memory_space<vmem>>) offsets(%dma_start3A_158 : memref<128xi32, #tpu.memory_space<vmem>>) semaphore(%arg8 : memref<!tpu.dma_semaphore, #tpu.memory_space<semaphore_mem>>)
      %mul3A_162 = arith.constant 128 : i32
      %mul3A_163 = arith.muli %scan3A_8, %mul3A_162 : i32
      %dma_start3A_164 = arith.constant 14 : i32
      %dma_start3A_165 = arith.constant 1792 : i32
      %dma_start3A_166 = arith.constant 0 : i32
      %dma_start3A_167 = tpu.memref_slice %arg6[%dma_start3A_165, %dma_start3A_166] : memref<3328x16xf32, #tpu.memory_space<vmem>> -> memref<128x16xf32, #tpu.memory_space<vmem>>
      %dma_start3A_168 = tpu.memref_slice %arg5[%dma_start3A_164, %mul3A_163] : memref<32x512xi32, #tpu.memory_space<vmem>> -> memref<1x128xi32, #tpu.memory_space<vmem>>
      %dma_start3A_169 = tpu.memref_squeeze %dma_start3A_168 : memref<1x128xi32, #tpu.memory_space<vmem>> -> memref<128xi32, #tpu.memory_space<vmem>>
      %dma_start3A_170 = arith.constant 0 : i32
      %dma_start3A_171 = arith.constant 0 : i32
      %dma_start3A_172 = tpu.memref_slice %arg3[%dma_start3A_170, %dma_start3A_171] : memref<1000000x16xf32, #tpu.memory_space<hbm>> -> memref<1000000x16xf32, #tpu.memory_space<hbm>>
      tpu.enqueue_indirect_dma source(%dma_start3A_172 : memref<1000000x16xf32, #tpu.memory_space<hbm>>) target(%dma_start3A_167 : memref<128x16xf32, #tpu.memory_space<vmem>>) offsets(%dma_start3A_169 : memref<128xi32, #tpu.memory_space<vmem>>) semaphore(%arg8 : memref<!tpu.dma_semaphore, #tpu.memory_space<semaphore_mem>>)
      %mul3A_173 = arith.constant 128 : i32
      %mul3A_174 = arith.muli %scan3A_8, %mul3A_173 : i32
      %dma_start3A_175 = arith.constant 15 : i32
      %dma_start3A_176 = arith.constant 1920 : i32
      %dma_start3A_177 = arith.constant 0 : i32
      %dma_start3A_178 = tpu.memref_slice %arg6[%dma_start3A_176, %dma_start3A_177] : memref<3328x16xf32, #tpu.memory_space<vmem>> -> memref<128x16xf32, #tpu.memory_space<vmem>>
      %dma_start3A_179 = tpu.memref_slice %arg5[%dma_start3A_175, %mul3A_174] : memref<32x512xi32, #tpu.memory_space<vmem>> -> memref<1x128xi32, #tpu.memory_space<vmem>>
      %dma_start3A_180 = tpu.memref_squeeze %dma_start3A_179 : memref<1x128xi32, #tpu.memory_space<vmem>> -> memref<128xi32, #tpu.memory_space<vmem>>
      %dma_start3A_181 = arith.constant 0 : i32
      %dma_start3A_182 = arith.constant 0 : i32
      %dma_start3A_183 = tpu.memref_slice %arg3[%dma_start3A_181, %dma_start3A_182] : memref<1000000x16xf32, #tpu.memory_space<hbm>> -> memref<1000000x16xf32, #tpu.memory_space<hbm>>
      tpu.enqueue_indirect_dma source(%dma_start3A_183 : memref<1000000x16xf32, #tpu.memory_space<hbm>>) target(%dma_start3A_178 : memref<128x16xf32, #tpu.memory_space<vmem>>) offsets(%dma_start3A_180 : memref<128xi32, #tpu.memory_space<vmem>>) semaphore(%arg8 : memref<!tpu.dma_semaphore, #tpu.memory_space<semaphore_mem>>)
      %mul3A_184 = arith.constant 128 : i32
      %mul3A_185 = arith.muli %scan3A_8, %mul3A_184 : i32
      %dma_start3A_186 = arith.constant 16 : i32
      %dma_start3A_187 = arith.constant 2048 : i32
      %dma_start3A_188 = arith.constant 0 : i32
      %dma_start3A_189 = tpu.memref_slice %arg6[%dma_start3A_187, %dma_start3A_188] : memref<3328x16xf32, #tpu.memory_space<vmem>> -> memref<128x16xf32, #tpu.memory_space<vmem>>
      %dma_start3A_190 = tpu.memref_slice %arg5[%dma_start3A_186, %mul3A_185] : memref<32x512xi32, #tpu.memory_space<vmem>> -> memref<1x128xi32, #tpu.memory_space<vmem>>
      %dma_start3A_191 = tpu.memref_squeeze %dma_start3A_190 : memref<1x128xi32, #tpu.memory_space<vmem>> -> memref<128xi32, #tpu.memory_space<vmem>>
      %dma_start3A_192 = arith.constant 0 : i32
      %dma_start3A_193 = arith.constant 0 : i32
      %dma_start3A_194 = tpu.memref_slice %arg3[%dma_start3A_192, %dma_start3A_193] : memref<1000000x16xf32, #tpu.memory_space<hbm>> -> memref<1000000x16xf32, #tpu.memory_space<hbm>>
      tpu.enqueue_indirect_dma source(%dma_start3A_194 : memref<1000000x16xf32, #tpu.memory_space<hbm>>) target(%dma_start3A_189 : memref<128x16xf32, #tpu.memory_space<vmem>>) offsets(%dma_start3A_191 : memref<128xi32, #tpu.memory_space<vmem>>) semaphore(%arg8 : memref<!tpu.dma_semaphore, #tpu.memory_space<semaphore_mem>>)
      %mul3A_195 = arith.constant 128 : i32
      %mul3A_196 = arith.muli %scan3A_8, %mul3A_195 : i32
      %dma_start3A_197 = arith.constant 17 : i32
      %dma_start3A_198 = arith.constant 2176 : i32
      %dma_start3A_199 = arith.constant 0 : i32
      %dma_start3A_200 = tpu.memref_slice %arg6[%dma_start3A_198, %dma_start3A_199] : memref<3328x16xf32, #tpu.memory_space<vmem>> -> memref<128x16xf32, #tpu.memory_space<vmem>>
      %dma_start3A_201 = tpu.memref_slice %arg5[%dma_start3A_197, %mul3A_196] : memref<32x512xi32, #tpu.memory_space<vmem>> -> memref<1x128xi32, #tpu.memory_space<vmem>>
      %dma_start3A_202 = tpu.memref_squeeze %dma_start3A_201 : memref<1x128xi32, #tpu.memory_space<vmem>> -> memref<128xi32, #tpu.memory_space<vmem>>
      %dma_start3A_203 = arith.constant 0 : i32
      %dma_start3A_204 = arith.constant 0 : i32
      %dma_start3A_205 = tpu.memref_slice %arg3[%dma_start3A_203, %dma_start3A_204] : memref<1000000x16xf32, #tpu.memory_space<hbm>> -> memref<1000000x16xf32, #tpu.memory_space<hbm>>
      tpu.enqueue_indirect_dma source(%dma_start3A_205 : memref<1000000x16xf32, #tpu.memory_space<hbm>>) target(%dma_start3A_200 : memref<128x16xf32, #tpu.memory_space<vmem>>) offsets(%dma_start3A_202 : memref<128xi32, #tpu.memory_space<vmem>>) semaphore(%arg8 : memref<!tpu.dma_semaphore, #tpu.memory_space<semaphore_mem>>)
      %mul3A_206 = arith.constant 128 : i32
      %mul3A_207 = arith.muli %scan3A_8, %mul3A_206 : i32
      %dma_start3A_208 = arith.constant 18 : i32
      %dma_start3A_209 = arith.constant 2304 : i32
      %dma_start3A_210 = arith.constant 0 : i32
      %dma_start3A_211 = tpu.memref_slice %arg6[%dma_start3A_209, %dma_start3A_210] : memref<3328x16xf32, #tpu.memory_space<vmem>> -> memref<128x16xf32, #tpu.memory_space<vmem>>
      %dma_start3A_212 = tpu.memref_slice %arg5[%dma_start3A_208, %mul3A_207] : memref<32x512xi32, #tpu.memory_space<vmem>> -> memref<1x128xi32, #tpu.memory_space<vmem>>
      %dma_start3A_213 = tpu.memref_squeeze %dma_start3A_212 : memref<1x128xi32, #tpu.memory_space<vmem>> -> memref<128xi32, #tpu.memory_space<vmem>>
      %dma_start3A_214 = arith.constant 0 : i32
      %dma_start3A_215 = arith.constant 0 : i32
      %dma_start3A_216 = tpu.memref_slice %arg3[%dma_start3A_214, %dma_start3A_215] : memref<1000000x16xf32, #tpu.memory_space<hbm>> -> memref<1000000x16xf32, #tpu.memory_space<hbm>>
      tpu.enqueue_indirect_dma source(%dma_start3A_216 : memref<1000000x16xf32, #tpu.memory_space<hbm>>) target(%dma_start3A_211 : memref<128x16xf32, #tpu.memory_space<vmem>>) offsets(%dma_start3A_213 : memref<128xi32, #tpu.memory_space<vmem>>) semaphore(%arg8 : memref<!tpu.dma_semaphore, #tpu.memory_space<semaphore_mem>>)
      %mul3A_217 = arith.constant 128 : i32
      %mul3A_218 = arith.muli %scan3A_8, %mul3A_217 : i32
      %dma_start3A_219 = arith.constant 19 : i32
      %dma_start3A_220 = arith.constant 2432 : i32
      %dma_start3A_221 = arith.constant 0 : i32
      %dma_start3A_222 = tpu.memref_slice %arg6[%dma_start3A_220, %dma_start3A_221] : memref<3328x16xf32, #tpu.memory_space<vmem>> -> memref<128x16xf32, #tpu.memory_space<vmem>>
      %dma_start3A_223 = tpu.memref_slice %arg5[%dma_start3A_219, %mul3A_218] : memref<32x512xi32, #tpu.memory_space<vmem>> -> memref<1x128xi32, #tpu.memory_space<vmem>>
      %dma_start3A_224 = tpu.memref_squeeze %dma_start3A_223 : memref<1x128xi32, #tpu.memory_space<vmem>> -> memref<128xi32, #tpu.memory_space<vmem>>
      %dma_start3A_225 = arith.constant 0 : i32
      %dma_start3A_226 = arith.constant 0 : i32
      %dma_start3A_227 = tpu.memref_slice %arg3[%dma_start3A_225, %dma_start3A_226] : memref<1000000x16xf32, #tpu.memory_space<hbm>> -> memref<1000000x16xf32, #tpu.memory_space<hbm>>
      tpu.enqueue_indirect_dma source(%dma_start3A_227 : memref<1000000x16xf32, #tpu.memory_space<hbm>>) target(%dma_start3A_222 : memref<128x16xf32, #tpu.memory_space<vmem>>) offsets(%dma_start3A_224 : memref<128xi32, #tpu.memory_space<vmem>>) semaphore(%arg8 : memref<!tpu.dma_semaphore, #tpu.memory_space<semaphore_mem>>)
      %mul3A_228 = arith.constant 128 : i32
      %mul3A_229 = arith.muli %scan3A_8, %mul3A_228 : i32
      %dma_start3A_230 = arith.constant 20 : i32
      %dma_start3A_231 = arith.constant 2560 : i32
      %dma_start3A_232 = arith.constant 0 : i32
      %dma_start3A_233 = tpu.memref_slice %arg6[%dma_start3A_231, %dma_start3A_232] : memref<3328x16xf32, #tpu.memory_space<vmem>> -> memref<128x16xf32, #tpu.memory_space<vmem>>
      %dma_start3A_234 = tpu.memref_slice %arg5[%dma_start3A_230, %mul3A_229] : memref<32x512xi32, #tpu.memory_space<vmem>> -> memref<1x128xi32, #tpu.memory_space<vmem>>
      %dma_start3A_235 = tpu.memref_squeeze %dma_start3A_234 : memref<1x128xi32, #tpu.memory_space<vmem>> -> memref<128xi32, #tpu.memory_space<vmem>>
      %dma_start3A_236 = arith.constant 0 : i32
      %dma_start3A_237 = arith.constant 0 : i32
      %dma_start3A_238 = tpu.memref_slice %arg3[%dma_start3A_236, %dma_start3A_237] : memref<1000000x16xf32, #tpu.memory_space<hbm>> -> memref<1000000x16xf32, #tpu.memory_space<hbm>>
      tpu.enqueue_indirect_dma source(%dma_start3A_238 : memref<1000000x16xf32, #tpu.memory_space<hbm>>) target(%dma_start3A_233 : memref<128x16xf32, #tpu.memory_space<vmem>>) offsets(%dma_start3A_235 : memref<128xi32, #tpu.memory_space<vmem>>) semaphore(%arg8 : memref<!tpu.dma_semaphore, #tpu.memory_space<semaphore_mem>>)
      %mul3A_239 = arith.constant 128 : i32
      %mul3A_240 = arith.muli %scan3A_8, %mul3A_239 : i32
      %dma_start3A_241 = arith.constant 21 : i32
      %dma_start3A_242 = arith.constant 2688 : i32
      %dma_start3A_243 = arith.constant 0 : i32
      %dma_start3A_244 = tpu.memref_slice %arg6[%dma_start3A_242, %dma_start3A_243] : memref<3328x16xf32, #tpu.memory_space<vmem>> -> memref<128x16xf32, #tpu.memory_space<vmem>>
      %dma_start3A_245 = tpu.memref_slice %arg5[%dma_start3A_241, %mul3A_240] : memref<32x512xi32, #tpu.memory_space<vmem>> -> memref<1x128xi32, #tpu.memory_space<vmem>>
      %dma_start3A_246 = tpu.memref_squeeze %dma_start3A_245 : memref<1x128xi32, #tpu.memory_space<vmem>> -> memref<128xi32, #tpu.memory_space<vmem>>
      %dma_start3A_247 = arith.constant 0 : i32
      %dma_start3A_248 = arith.constant 0 : i32
      %dma_start3A_249 = tpu.memref_slice %arg3[%dma_start3A_247, %dma_start3A_248] : memref<1000000x16xf32, #tpu.memory_space<hbm>> -> memref<1000000x16xf32, #tpu.memory_space<hbm>>
      tpu.enqueue_indirect_dma source(%dma_start3A_249 : memref<1000000x16xf32, #tpu.memory_space<hbm>>) target(%dma_start3A_244 : memref<128x16xf32, #tpu.memory_space<vmem>>) offsets(%dma_start3A_246 : memref<128xi32, #tpu.memory_space<vmem>>) semaphore(%arg8 : memref<!tpu.dma_semaphore, #tpu.memory_space<semaphore_mem>>)
      %mul3A_250 = arith.constant 128 : i32
      %mul3A_251 = arith.muli %scan3A_8, %mul3A_250 : i32
      %dma_start3A_252 = arith.constant 22 : i32
      %dma_start3A_253 = arith.constant 2816 : i32
      %dma_start3A_254 = arith.constant 0 : i32
      %dma_start3A_255 = tpu.memref_slice %arg6[%dma_start3A_253, %dma_start3A_254] : memref<3328x16xf32, #tpu.memory_space<vmem>> -> memref<128x16xf32, #tpu.memory_space<vmem>>
      %dma_start3A_256 = tpu.memref_slice %arg5[%dma_start3A_252, %mul3A_251] : memref<32x512xi32, #tpu.memory_space<vmem>> -> memref<1x128xi32, #tpu.memory_space<vmem>>
      %dma_start3A_257 = tpu.memref_squeeze %dma_start3A_256 : memref<1x128xi32, #tpu.memory_space<vmem>> -> memref<128xi32, #tpu.memory_space<vmem>>
      %dma_start3A_258 = arith.constant 0 : i32
      %dma_start3A_259 = arith.constant 0 : i32
      %dma_start3A_260 = tpu.memref_slice %arg3[%dma_start3A_258, %dma_start3A_259] : memref<1000000x16xf32, #tpu.memory_space<hbm>> -> memref<1000000x16xf32, #tpu.memory_space<hbm>>
      tpu.enqueue_indirect_dma source(%dma_start3A_260 : memref<1000000x16xf32, #tpu.memory_space<hbm>>) target(%dma_start3A_255 : memref<128x16xf32, #tpu.memory_space<vmem>>) offsets(%dma_start3A_257 : memref<128xi32, #tpu.memory_space<vmem>>) semaphore(%arg8 : memref<!tpu.dma_semaphore, #tpu.memory_space<semaphore_mem>>)
      %mul3A_261 = arith.constant 128 : i32
      %mul3A_262 = arith.muli %scan3A_8, %mul3A_261 : i32
      %dma_start3A_263 = arith.constant 23 : i32
      %dma_start3A_264 = arith.constant 2944 : i32
      %dma_start3A_265 = arith.constant 0 : i32
      %dma_start3A_266 = tpu.memref_slice %arg6[%dma_start3A_264, %dma_start3A_265] : memref<3328x16xf32, #tpu.memory_space<vmem>> -> memref<128x16xf32, #tpu.memory_space<vmem>>
      %dma_start3A_267 = tpu.memref_slice %arg5[%dma_start3A_263, %mul3A_262] : memref<32x512xi32, #tpu.memory_space<vmem>> -> memref<1x128xi32, #tpu.memory_space<vmem>>
      %dma_start3A_268 = tpu.memref_squeeze %dma_start3A_267 : memref<1x128xi32, #tpu.memory_space<vmem>> -> memref<128xi32, #tpu.memory_space<vmem>>
      %dma_start3A_269 = arith.constant 0 : i32
      %dma_start3A_270 = arith.constant 0 : i32
      %dma_start3A_271 = tpu.memref_slice %arg3[%dma_start3A_269, %dma_start3A_270] : memref<1000000x16xf32, #tpu.memory_space<hbm>> -> memref<1000000x16xf32, #tpu.memory_space<hbm>>
      tpu.enqueue_indirect_dma source(%dma_start3A_271 : memref<1000000x16xf32, #tpu.memory_space<hbm>>) target(%dma_start3A_266 : memref<128x16xf32, #tpu.memory_space<vmem>>) offsets(%dma_start3A_268 : memref<128xi32, #tpu.memory_space<vmem>>) semaphore(%arg8 : memref<!tpu.dma_semaphore, #tpu.memory_space<semaphore_mem>>)
      %mul3A_272 = arith.constant 128 : i32
      %mul3A_273 = arith.muli %scan3A_8, %mul3A_272 : i32
      %dma_start3A_274 = arith.constant 24 : i32
      %dma_start3A_275 = arith.constant 3072 : i32
      %dma_start3A_276 = arith.constant 0 : i32
      %dma_start3A_277 = tpu.memref_slice %arg6[%dma_start3A_275, %dma_start3A_276] : memref<3328x16xf32, #tpu.memory_space<vmem>> -> memref<128x16xf32, #tpu.memory_space<vmem>>
      %dma_start3A_278 = tpu.memref_slice %arg5[%dma_start3A_274, %mul3A_273] : memref<32x512xi32, #tpu.memory_space<vmem>> -> memref<1x128xi32, #tpu.memory_space<vmem>>
      %dma_start3A_279 = tpu.memref_squeeze %dma_start3A_278 : memref<1x128xi32, #tpu.memory_space<vmem>> -> memref<128xi32, #tpu.memory_space<vmem>>
      %dma_start3A_280 = arith.constant 0 : i32
      %dma_start3A_281 = arith.constant 0 : i32
      %dma_start3A_282 = tpu.memref_slice %arg3[%dma_start3A_280, %dma_start3A_281] : memref<1000000x16xf32, #tpu.memory_space<hbm>> -> memref<1000000x16xf32, #tpu.memory_space<hbm>>
      tpu.enqueue_indirect_dma source(%dma_start3A_282 : memref<1000000x16xf32, #tpu.memory_space<hbm>>) target(%dma_start3A_277 : memref<128x16xf32, #tpu.memory_space<vmem>>) offsets(%dma_start3A_279 : memref<128xi32, #tpu.memory_space<vmem>>) semaphore(%arg8 : memref<!tpu.dma_semaphore, #tpu.memory_space<semaphore_mem>>)
      %mul3A_283 = arith.constant 128 : i32
      %mul3A_284 = arith.muli %scan3A_8, %mul3A_283 : i32
      %dma_start3A_285 = arith.constant 25 : i32
      %dma_start3A_286 = arith.constant 3200 : i32
      %dma_start3A_287 = arith.constant 0 : i32
      %dma_start3A_288 = tpu.memref_slice %arg6[%dma_start3A_286, %dma_start3A_287] : memref<3328x16xf32, #tpu.memory_space<vmem>> -> memref<128x16xf32, #tpu.memory_space<vmem>>
      %dma_start3A_289 = tpu.memref_slice %arg5[%dma_start3A_285, %mul3A_284] : memref<32x512xi32, #tpu.memory_space<vmem>> -> memref<1x128xi32, #tpu.memory_space<vmem>>
      %dma_start3A_290 = tpu.memref_squeeze %dma_start3A_289 : memref<1x128xi32, #tpu.memory_space<vmem>> -> memref<128xi32, #tpu.memory_space<vmem>>
      %dma_start3A_291 = arith.constant 0 : i32
      %dma_start3A_292 = arith.constant 0 : i32
      %dma_start3A_293 = tpu.memref_slice %arg3[%dma_start3A_291, %dma_start3A_292] : memref<1000000x16xf32, #tpu.memory_space<hbm>> -> memref<1000000x16xf32, #tpu.memory_space<hbm>>
      tpu.enqueue_indirect_dma source(%dma_start3A_293 : memref<1000000x16xf32, #tpu.memory_space<hbm>>) target(%dma_start3A_288 : memref<128x16xf32, #tpu.memory_space<vmem>>) offsets(%dma_start3A_290 : memref<128xi32, #tpu.memory_space<vmem>>) semaphore(%arg8 : memref<!tpu.dma_semaphore, #tpu.memory_space<semaphore_mem>>)
      %dma_wait3A = arith.constant 0 : i32
      %dma_wait3A_294 = arith.constant 0 : i32
      %dma_wait3A_295 = tpu.memref_slice %arg3[%dma_wait3A, %dma_wait3A_294] : memref<1000000x16xf32, #tpu.memory_space<hbm>> -> memref<3328x16xf32, #tpu.memory_space<hbm>>
      %dma_wait3A_296 = arith.constant 0 : i32
      %dma_wait3A_297 = arith.constant 0 : i32
      %dma_wait3A_298 = tpu.memref_slice %arg3[%dma_wait3A_296, %dma_wait3A_297] : memref<1000000x16xf32, #tpu.memory_space<hbm>> -> memref<3328x16xf32, #tpu.memory_space<hbm>>
      tpu.wait_dma2 semaphore(%arg8 : memref<!tpu.dma_semaphore, #tpu.memory_space<semaphore_mem>>) src(%dma_wait3A_298 : memref<3328x16xf32, #tpu.memory_space<hbm>>) dst(%arg6 : memref<3328x16xf32, #tpu.memory_space<vmem>>)
      %scan3A_299 = arith.constant 0 : i32
      %scan3A_300 = arith.constant 0 : i32
      %scan3A_301 = arith.constant 128 : i32
      %scan3A_302 = arith.addi %scan3A_300, %scan3A_301 : i32
      %scan3A_303 = arith.constant 1 : i32
      scf.for %scan3A_310 = %scan3A_300 to %scan3A_302 step %scan3A_303  : i32 {
        %get3A = arith.index_cast %scan3A_310 : i32 to index
        %get3A_311 = arith.constant 0 : index
        %get3A_312 = tpu.vector_load %arg6[%get3A, %get3A_311] {strides = array<i32>} : memref<3328x16xf32, #tpu.memory_space<vmem>>, vector<1x16xf32>,
        %get3A_313 = vector.shape_cast %get3A_312 : vector<1x16xf32> to vector<16xf32>
        %add3A_314 = arith.constant 128 : i32
        %add3A_315 = arith.addi %add3A_314, %scan3A_310 : i32
        %get3A_316 = arith.index_cast %add3A_315 : i32 to index
        %get3A_317 = arith.constant 0 : index
        %get3A_318 = tpu.vector_load %arg6[%get3A_316, %get3A_317] {strides = array<i32>} : memref<3328x16xf32, #tpu.memory_space<vmem>>, vector<1x16xf32>,
        %get3A_319 = vector.shape_cast %get3A_318 : vector<1x16xf32> to vector<16xf32>
        %add3A_320 = arith.addf %get3A_313, %get3A_319 : vector<16xf32>
        %add3A_321 = arith.constant 256 : i32
        %add3A_322 = arith.addi %add3A_321, %scan3A_310 : i32
        %get3A_323 = arith.index_cast %add3A_322 : i32 to index
        %get3A_324 = arith.constant 0 : index
        %get3A_325 = tpu.vector_load %arg6[%get3A_323, %get3A_324] {strides = array<i32>} : memref<3328x16xf32, #tpu.memory_space<vmem>>, vector<1x16xf32>,
        %get3A_326 = vector.shape_cast %get3A_325 : vector<1x16xf32> to vector<16xf32>
        %add3A_327 = arith.addf %add3A_320, %get3A_326 : vector<16xf32>
        %add3A_328 = arith.constant 384 : i32
        %add3A_329 = arith.addi %add3A_328, %scan3A_310 : i32
        %get3A_330 = arith.index_cast %add3A_329 : i32 to index
        %get3A_331 = arith.constant 0 : index
        %get3A_332 = tpu.vector_load %arg6[%get3A_330, %get3A_331] {strides = array<i32>} : memref<3328x16xf32, #tpu.memory_space<vmem>>, vector<1x16xf32>,
        %get3A_333 = vector.shape_cast %get3A_332 : vector<1x16xf32> to vector<16xf32>
        %add3A_334 = arith.addf %add3A_327, %get3A_333 : vector<16xf32>
        %add3A_335 = arith.constant 512 : i32
        %add3A_336 = arith.addi %add3A_335, %scan3A_310 : i32
        %get3A_337 = arith.index_cast %add3A_336 : i32 to index
        %get3A_338 = arith.constant 0 : index
        %get3A_339 = tpu.vector_load %arg6[%get3A_337, %get3A_338] {strides = array<i32>} : memref<3328x16xf32, #tpu.memory_space<vmem>>, vector<1x16xf32>,
        %get3A_340 = vector.shape_cast %get3A_339 : vector<1x16xf32> to vector<16xf32>
        %add3A_341 = arith.addf %add3A_334, %get3A_340 : vector<16xf32>
        %add3A_342 = arith.constant 640 : i32
        %add3A_343 = arith.addi %add3A_342, %scan3A_310 : i32
        %get3A_344 = arith.index_cast %add3A_343 : i32 to index
        %get3A_345 = arith.constant 0 : index
        %get3A_346 = tpu.vector_load %arg6[%get3A_344, %get3A_345] {strides = array<i32>} : memref<3328x16xf32, #tpu.memory_space<vmem>>, vector<1x16xf32>,
        %get3A_347 = vector.shape_cast %get3A_346 : vector<1x16xf32> to vector<16xf32>
        %add3A_348 = arith.addf %add3A_341, %get3A_347 : vector<16xf32>
        %add3A_349 = arith.constant 768 : i32
        %add3A_350 = arith.addi %add3A_349, %scan3A_310 : i32
        %get3A_351 = arith.index_cast %add3A_350 : i32 to index
        %get3A_352 = arith.constant 0 : index
        %get3A_353 = tpu.vector_load %arg6[%get3A_351, %get3A_352] {strides = array<i32>} : memref<3328x16xf32, #tpu.memory_space<vmem>>, vector<1x16xf32>,
        %get3A_354 = vector.shape_cast %get3A_353 : vector<1x16xf32> to vector<16xf32>
        %add3A_355 = arith.addf %add3A_348, %get3A_354 : vector<16xf32>
        %add3A_356 = arith.constant 896 : i32
        %add3A_357 = arith.addi %add3A_356, %scan3A_310 : i32
        %get3A_358 = arith.index_cast %add3A_357 : i32 to index
        %get3A_359 = arith.constant 0 : index
        %get3A_360 = tpu.vector_load %arg6[%get3A_358, %get3A_359] {strides = array<i32>} : memref<3328x16xf32, #tpu.memory_space<vmem>>, vector<1x16xf32>,
        %get3A_361 = vector.shape_cast %get3A_360 : vector<1x16xf32> to vector<16xf32>
        %add3A_362 = arith.addf %add3A_355, %get3A_361 : vector<16xf32>
        %add3A_363 = arith.constant 1024 : i32
        %add3A_364 = arith.addi %add3A_363, %scan3A_310 : i32
        %get3A_365 = arith.index_cast %add3A_364 : i32 to index
        %get3A_366 = arith.constant 0 : index
        %get3A_367 = tpu.vector_load %arg6[%get3A_365, %get3A_366] {strides = array<i32>} : memref<3328x16xf32, #tpu.memory_space<vmem>>, vector<1x16xf32>,
        %get3A_368 = vector.shape_cast %get3A_367 : vector<1x16xf32> to vector<16xf32>
        %add3A_369 = arith.addf %add3A_362, %get3A_368 : vector<16xf32>
        %add3A_370 = arith.constant 1152 : i32
        %add3A_371 = arith.addi %add3A_370, %scan3A_310 : i32
        %get3A_372 = arith.index_cast %add3A_371 : i32 to index
        %get3A_373 = arith.constant 0 : index
        %get3A_374 = tpu.vector_load %arg6[%get3A_372, %get3A_373] {strides = array<i32>} : memref<3328x16xf32, #tpu.memory_space<vmem>>, vector<1x16xf32>,
        %get3A_375 = vector.shape_cast %get3A_374 : vector<1x16xf32> to vector<16xf32>
        %add3A_376 = arith.addf %add3A_369, %get3A_375 : vector<16xf32>
        %add3A_377 = arith.constant 1280 : i32
        %add3A_378 = arith.addi %add3A_377, %scan3A_310 : i32
        %get3A_379 = arith.index_cast %add3A_378 : i32 to index
        %get3A_380 = arith.constant 0 : index
        %get3A_381 = tpu.vector_load %arg6[%get3A_379, %get3A_380] {strides = array<i32>} : memref<3328x16xf32, #tpu.memory_space<vmem>>, vector<1x16xf32>,
        %get3A_382 = vector.shape_cast %get3A_381 : vector<1x16xf32> to vector<16xf32>
        %add3A_383 = arith.addf %add3A_376, %get3A_382 : vector<16xf32>
        %add3A_384 = arith.constant 1408 : i32
        %add3A_385 = arith.addi %add3A_384, %scan3A_310 : i32
        %get3A_386 = arith.index_cast %add3A_385 : i32 to index
        %get3A_387 = arith.constant 0 : index
        %get3A_388 = tpu.vector_load %arg6[%get3A_386, %get3A_387] {strides = array<i32>} : memref<3328x16xf32, #tpu.memory_space<vmem>>, vector<1x16xf32>,
        %get3A_389 = vector.shape_cast %get3A_388 : vector<1x16xf32> to vector<16xf32>
        %add3A_390 = arith.addf %add3A_383, %get3A_389 : vector<16xf32>
        %add3A_391 = arith.constant 1536 : i32
        %add3A_392 = arith.addi %add3A_391, %scan3A_310 : i32
        %get3A_393 = arith.index_cast %add3A_392 : i32 to index
        %get3A_394 = arith.constant 0 : index
        %get3A_395 = tpu.vector_load %arg6[%get3A_393, %get3A_394] {strides = array<i32>} : memref<3328x16xf32, #tpu.memory_space<vmem>>, vector<1x16xf32>,
        %get3A_396 = vector.shape_cast %get3A_395 : vector<1x16xf32> to vector<16xf32>
        %add3A_397 = arith.addf %add3A_390, %get3A_396 : vector<16xf32>
        %add3A_398 = arith.constant 1664 : i32
        %add3A_399 = arith.addi %add3A_398, %scan3A_310 : i32
        %get3A_400 = arith.index_cast %add3A_399 : i32 to index
        %get3A_401 = arith.constant 0 : index
        %get3A_402 = tpu.vector_load %arg6[%get3A_400, %get3A_401] {strides = array<i32>} : memref<3328x16xf32, #tpu.memory_space<vmem>>, vector<1x16xf32>,
        %get3A_403 = vector.shape_cast %get3A_402 : vector<1x16xf32> to vector<16xf32>
        %add3A_404 = arith.addf %add3A_397, %get3A_403 : vector<16xf32>
        %add3A_405 = arith.constant 1792 : i32
        %add3A_406 = arith.addi %add3A_405, %scan3A_310 : i32
        %get3A_407 = arith.index_cast %add3A_406 : i32 to index
        %get3A_408 = arith.constant 0 : index
        %get3A_409 = tpu.vector_load %arg6[%get3A_407, %get3A_408] {strides = array<i32>} : memref<3328x16xf32, #tpu.memory_space<vmem>>, vector<1x16xf32>,
        %get3A_410 = vector.shape_cast %get3A_409 : vector<1x16xf32> to vector<16xf32>
        %add3A_411 = arith.addf %add3A_404, %get3A_410 : vector<16xf32>
        %add3A_412 = arith.constant 1920 : i32
        %add3A_413 = arith.addi %add3A_412, %scan3A_310 : i32
        %get3A_414 = arith.index_cast %add3A_413 : i32 to index
        %get3A_415 = arith.constant 0 : index
        %get3A_416 = tpu.vector_load %arg6[%get3A_414, %get3A_415] {strides = array<i32>} : memref<3328x16xf32, #tpu.memory_space<vmem>>, vector<1x16xf32>,
        %get3A_417 = vector.shape_cast %get3A_416 : vector<1x16xf32> to vector<16xf32>
        %add3A_418 = arith.addf %add3A_411, %get3A_417 : vector<16xf32>
        %add3A_419 = arith.constant 2048 : i32
        %add3A_420 = arith.addi %add3A_419, %scan3A_310 : i32
        %get3A_421 = arith.index_cast %add3A_420 : i32 to index
        %get3A_422 = arith.constant 0 : index
        %get3A_423 = tpu.vector_load %arg6[%get3A_421, %get3A_422] {strides = array<i32>} : memref<3328x16xf32, #tpu.memory_space<vmem>>, vector<1x16xf32>,
        %get3A_424 = vector.shape_cast %get3A_423 : vector<1x16xf32> to vector<16xf32>
        %add3A_425 = arith.addf %add3A_418, %get3A_424 : vector<16xf32>
        %add3A_426 = arith.constant 2176 : i32
        %add3A_427 = arith.addi %add3A_426, %scan3A_310 : i32
        %get3A_428 = arith.index_cast %add3A_427 : i32 to index
        %get3A_429 = arith.constant 0 : index
        %get3A_430 = tpu.vector_load %arg6[%get3A_428, %get3A_429] {strides = array<i32>} : memref<3328x16xf32, #tpu.memory_space<vmem>>, vector<1x16xf32>,
        %get3A_431 = vector.shape_cast %get3A_430 : vector<1x16xf32> to vector<16xf32>
        %add3A_432 = arith.addf %add3A_425, %get3A_431 : vector<16xf32>
        %add3A_433 = arith.constant 2304 : i32
        %add3A_434 = arith.addi %add3A_433, %scan3A_310 : i32
        %get3A_435 = arith.index_cast %add3A_434 : i32 to index
        %get3A_436 = arith.constant 0 : index
        %get3A_437 = tpu.vector_load %arg6[%get3A_435, %get3A_436] {strides = array<i32>} : memref<3328x16xf32, #tpu.memory_space<vmem>>, vector<1x16xf32>,
        %get3A_438 = vector.shape_cast %get3A_437 : vector<1x16xf32> to vector<16xf32>
        %add3A_439 = arith.addf %add3A_432, %get3A_438 : vector<16xf32>
        %add3A_440 = arith.constant 2432 : i32
        %add3A_441 = arith.addi %add3A_440, %scan3A_310 : i32
        %get3A_442 = arith.index_cast %add3A_441 : i32 to index
        %get3A_443 = arith.constant 0 : index
        %get3A_444 = tpu.vector_load %arg6[%get3A_442, %get3A_443] {strides = array<i32>} : memref<3328x16xf32, #tpu.memory_space<vmem>>, vector<1x16xf32>,
        %get3A_445 = vector.shape_cast %get3A_444 : vector<1x16xf32> to vector<16xf32>
        %add3A_446 = arith.addf %add3A_439, %get3A_445 : vector<16xf32>
        %add3A_447 = arith.constant 2560 : i32
        %add3A_448 = arith.addi %add3A_447, %scan3A_310 : i32
        %get3A_449 = arith.index_cast %add3A_448 : i32 to index
        %get3A_450 = arith.constant 0 : index
        %get3A_451 = tpu.vector_load %arg6[%get3A_449, %get3A_450] {strides = array<i32>} : memref<3328x16xf32, #tpu.memory_space<vmem>>, vector<1x16xf32>,
        %get3A_452 = vector.shape_cast %get3A_451 : vector<1x16xf32> to vector<16xf32>
        %add3A_453 = arith.addf %add3A_446, %get3A_452 : vector<16xf32>
        %add3A_454 = arith.constant 2688 : i32
        %add3A_455 = arith.addi %add3A_454, %scan3A_310 : i32
        %get3A_456 = arith.index_cast %add3A_455 : i32 to index
        %get3A_457 = arith.constant 0 : index
        %get3A_458 = tpu.vector_load %arg6[%get3A_456, %get3A_457] {strides = array<i32>} : memref<3328x16xf32, #tpu.memory_space<vmem>>, vector<1x16xf32>,
        %get3A_459 = vector.shape_cast %get3A_458 : vector<1x16xf32> to vector<16xf32>
        %add3A_460 = arith.addf %add3A_453, %get3A_459 : vector<16xf32>
        %add3A_461 = arith.constant 2816 : i32
        %add3A_462 = arith.addi %add3A_461, %scan3A_310 : i32
        %get3A_463 = arith.index_cast %add3A_462 : i32 to index
        %get3A_464 = arith.constant 0 : index
        %get3A_465 = tpu.vector_load %arg6[%get3A_463, %get3A_464] {strides = array<i32>} : memref<3328x16xf32, #tpu.memory_space<vmem>>, vector<1x16xf32>,
        %get3A_466 = vector.shape_cast %get3A_465 : vector<1x16xf32> to vector<16xf32>
        %add3A_467 = arith.addf %add3A_460, %get3A_466 : vector<16xf32>
        %add3A_468 = arith.constant 2944 : i32
        %add3A_469 = arith.addi %add3A_468, %scan3A_310 : i32
        %get3A_470 = arith.index_cast %add3A_469 : i32 to index
        %get3A_471 = arith.constant 0 : index
        %get3A_472 = tpu.vector_load %arg6[%get3A_470, %get3A_471] {strides = array<i32>} : memref<3328x16xf32, #tpu.memory_space<vmem>>, vector<1x16xf32>,
        %get3A_473 = vector.shape_cast %get3A_472 : vector<1x16xf32> to vector<16xf32>
        %add3A_474 = arith.addf %add3A_467, %get3A_473 : vector<16xf32>
        %add3A_475 = arith.constant 3072 : i32
        %add3A_476 = arith.addi %add3A_475, %scan3A_310 : i32
        %get3A_477 = arith.index_cast %add3A_476 : i32 to index
        %get3A_478 = arith.constant 0 : index
        %get3A_479 = tpu.vector_load %arg6[%get3A_477, %get3A_478] {strides = array<i32>} : memref<3328x16xf32, #tpu.memory_space<vmem>>, vector<1x16xf32>,
        %get3A_480 = vector.shape_cast %get3A_479 : vector<1x16xf32> to vector<16xf32>
        %add3A_481 = arith.addf %add3A_474, %get3A_480 : vector<16xf32>
        %add3A_482 = arith.constant 3200 : i32
        %add3A_483 = arith.addi %add3A_482, %scan3A_310 : i32
        %get3A_484 = arith.index_cast %add3A_483 : i32 to index
        %get3A_485 = arith.constant 0 : index
        %get3A_486 = tpu.vector_load %arg6[%get3A_484, %get3A_485] {strides = array<i32>} : memref<3328x16xf32, #tpu.memory_space<vmem>>, vector<1x16xf32>,
        %get3A_487 = vector.shape_cast %get3A_486 : vector<1x16xf32> to vector<16xf32>
        %add3A_488 = arith.addf %add3A_481, %get3A_487 : vector<16xf32>
        %swap3A = arith.index_cast %scan3A_310 : i32 to index
        %swap3A_489 = arith.constant 0 : index
        %swap3A_490 = tpu.vector_load %arg7[%swap3A, %swap3A_489] {strides = array<i32>} : memref<128x16xf32, #tpu.memory_space<vmem>>, vector<1x16xf32>,
        %swap3A_491 = vector.shape_cast %swap3A_490 : vector<1x16xf32> to vector<16xf32>
        %swap3A_492 = vector.shape_cast %add3A_488 : vector<16xf32> to vector<1x16xf32>
        tpu.vector_store %arg7[%swap3A, %swap3A_489], %swap3A_492 {strides = array<i32>} : memref<128x16xf32, #tpu.memory_space<vmem>>, vector<1x16xf32>,
      }
      %scan3A_304 = arith.constant 128 : i32
      %mul3A_305 = arith.constant 512 : i32
      %mul3A_306 = arith.muli %add3A, %mul3A_305 : i32
      %mul3A_307 = arith.constant 128 : i32
      %mul3A_308 = arith.muli %scan3A_8, %mul3A_307 : i32
      %add3A_309 = arith.addi %mul3A_306, %mul3A_308 : i32
      "tpu.region"() ({
        %run_scoped3A = tpu.sem_alloc : memref<!tpu.dma_semaphore, #tpu.memory_space<semaphore_mem>>
        %dma_start3A_310 = arith.constant 0 : i32
        %dma_start3A_311 = tpu.memref_slice %arg4[%add3A_309, %dma_start3A_310] : memref<16384x16xf32, #tpu.memory_space<hbm>> -> memref<128x16xf32, #tpu.memory_space<hbm>>
        %dma_start3A_312 = arith.constant 0 : i32
        %dma_start3A_313 = tpu.memref_slice %arg4[%add3A_309, %dma_start3A_312] : memref<16384x16xf32, #tpu.memory_space<hbm>> -> memref<128x16xf32, #tpu.memory_space<hbm>>
        tpu.enqueue_dma source(%arg7 : memref<128x16xf32, #tpu.memory_space<vmem>>) target(%dma_start3A_313 : memref<128x16xf32, #tpu.memory_space<hbm>>) target_semaphore(%run_scoped3A : memref<!tpu.dma_semaphore, #tpu.memory_space<semaphore_mem>>)
        %dma_wait3A_314 = arith.constant 0 : i32
        %dma_wait3A_315 = tpu.memref_slice %arg4[%add3A_309, %dma_wait3A_314] : memref<16384x16xf32, #tpu.memory_space<hbm>> -> memref<128x16xf32, #tpu.memory_space<hbm>>
        %dma_wait3A_316 = arith.constant 0 : i32
        %dma_wait3A_317 = tpu.memref_slice %arg4[%add3A_309, %dma_wait3A_316] : memref<16384x16xf32, #tpu.memory_space<hbm>> -> memref<128x16xf32, #tpu.memory_space<hbm>>
        tpu.wait_dma2 semaphore(%run_scoped3A : memref<!tpu.dma_semaphore, #tpu.memory_space<semaphore_mem>>) src(%arg7 : memref<128x16xf32, #tpu.memory_space<vmem>>) dst(%dma_wait3A_317 : memref<128x16xf32, #tpu.memory_space<hbm>>)
        tpu.yield
      }) : () -> ()
    }
    %scan3A_7 = arith.constant 4 : i32
    return
  }
}

</mosaic_0001>

<sc_bundles>
// kernel: kernel.4.cloned.1.call-start
scs
__scs_entry_jumppad:
0x0: {  	(pc) =	sbr.rel $0x88, $3  }
0x1: {  	(tag) =	ssettag $0x0;
	lr =	simm.s32 $0x1  }
0x2: {  	[smem:$0x3F9F] =	sst lr;
	_ =	strace $0xD0000000  }
0x3: {  	_ = 	snop  }
0x4: {  	_ = 	snop  }
0x5: {  	_ = 	snop  }
0x6: {  	_ = 	snop  }
0x7: {  	_ = 	snop  }
__scs_overlays_trampoline_lowered:
0x8: {  	[smem:$0x3FAE] =	sst s0  }
0x9: {  	[smem:$0x3FAF] =	sst s1  }
0xa: {  	[smem:$0x3FB0] =	sst s2  }
0xb: {  	[smem:$0x3FB1] =	sst s3  }
0xc: {  	[smem:$0x3FB2] =	sst s4  }
0xd: {  	[smem:$0x3FB3] =	sst s5  }
0xe: {  	[smem:$0x3FB4] =	sst s6  }
0xf: {  	[smem:$0x3FB5] =	sst s7  }
0x10: {  	[smem:$0x3FB6] =	sst s8  }
0x11: {  	[smem:$0x3FB7] =	sst s9;
	s0 =	simm.s32 @!p0 $0x0  }
0x12: {  	s1 =	sld [smem:$0x3F9D];
	s0 =	simm.s32 @p0 $0x1  }
0x13: {  	[smem:$0x3FB8] =	sst s0;
	s0 =	simm.s32 @!p1 $0x0  }
0x14: {  	s2 =	sld [smem:$0x3F9C];
	s0 =	simm.s32 @p1 $0x1  }
0x15: {  	[smem:$0x3FB9] =	sst s0;
	s0 =	simm.s32 @!p2 $0x0  }
0x16: {  	s3 =	sld [smem:$0x3FDB];
	s0 =	simm.s32 @p2 $0x1  }
0x17: {  	s4 =	simm.s32 $0x1BF5;
	[smem:$0x3FBB] =	sst s0  }
0x18: {  	s0 =	sld [smem:$0x3F9E];
	_ =	swait.ge [sflag:s4], $0x0  }
0x19: {  	s7 =	sld [smem:$0x3F9F]  }
0x1a: {  	s8 =	sadd.s32 $0xFFFFE003, lr  }
0x1b: {  	s9 =	sadd.s32 $0xFFFFFEF7, lr;
	s5 =	simm.s32 $0xFFFFFFFF;
	p2 =	slt.u32 s8, $0xFFFFF086  }
0x1c: {  	p1 =	slt.u32 s9, $0xF7A;
	s5 =	simm.s32 @!p2 $0x0  }
0x1d: {  	s5 =	simm.s32 @p1 $0x1;
	p0 =	seq.s32 s7, s2  }
0x1e: {  	s7 =	smul.u32 @!p0 $0xF7A, s2;
	p2 =	seq.s32 @!p0 s5, $0x0  }
0x1f: {  	s9 =	smul.u32 $0xF7A, s1;
	s8 =	simm.s32 @!p0 $0x1BF5;
	p2 =	por !p2, p0  }
0x20: {  	[sflag:s8] =	ssyncset.s32 @!p0 $0xFFFFF086;
	s6 =	sadd.s32 @!p0 s3, s7;
	s7 =	simm.s32 @!p0 $0x108  }
0x21: {  	s3 =	sadd.s32 s3, s9;
	s6 =	sadd.s32 @!p0 $0x88, s6;
	s7 =	simm.s32 @p2 $0x1082  }
0x22: {  	[simem:s7], [sflag:s8] =	dma.local @!p0 [hbm:s6], $0xF7A  }
0x23: {  	s9 =	sor.u32 $0xD0000000, s2;
	s6 =	simm.s32 $0x108;
	_ =	swait.ge @!p0 [sflag:s8], $0x0  }
0x24: {  	s3 =	sadd.s32 $0x88, s3;
	s6 =	simm.s32 @!p1 $0x1082;
	[sflag:s4] =	ssyncset.s32 $0xFFFFF086  }
0x25: {  	[simem:s6], [sflag:s4] =	dma.local [hbm:s3], $0xF7A  }
0x26: {  	[smem:$0x3F9F] =	sst s1;
	(tag) =	ssettag s2;
	_ =	strace s9  }
0x27: {  	s1 =	sld [smem:$0x3FAF]  }
0x28: {  	s2 =	sld [smem:$0x3FB0]  }
0x29: {  	s4 =	sld [smem:$0x3FB2]  }
0x2a: {  	p0 =	seq.s32 s5, $0x0;
	s5 =	sld [smem:$0x3FB3]  }
0x2b: {  	s6 =	sld [smem:$0x3FB4]  }
0x2c: {  	s7 =	sld [smem:$0x3FB5]  }
0x2d: {  	s3 =	simm.s32 $0x108;
	s8 =	sld [smem:$0x3FB6]  }
0x2e: {  	s3 =	simm.s32 @!p0 $0x1082;
	s9 =	sld [smem:$0x3FB7]  }
0x2f: {  	lr =	sadd.s32 s0, s3;
	s0 =	sld [smem:$0x3FAE]  }
0x30: {  	s3 =	sld [smem:$0x3FB1]  }
0x31: {  	[smem:$0x3FBA] =	sst s10  }
0x32: {  	s10 =	sld [smem:$0x3FB8];
	_ =	sdelay $0x3  }
0x33: {  	p0 =	seq.s32 s10, $0x1;
	s10 =	sld [smem:$0x3FBA];
	_ =	sdelay $0x3  }
0x34: {  	[smem:$0x3FBA] =	sst s10  }
0x35: {  	s10 =	sld [smem:$0x3FB9];
	_ =	sdelay $0x3  }
0x36: {  	p1 =	seq.s32 s10, $0x1;
	s10 =	sld [smem:$0x3FBA];
	_ =	sdelay $0x3  }
0x37: {  	[smem:$0x3FBA] =	sst s10  }
0x38: {  	s10 =	sld [smem:$0x3FBB]  }
0x39: {  	_ = 	snop;
	(pc) =	sbr.ind lr, $3  }
0x3a: {  	_ = 	snop  }
0x3b: {  	_ = 	snop  }
0x3c: {  	p2 =	seq.s32 s10, $0x1;
	s10 =	sld [smem:$0x3FBA]  }
0x3d: {  	_ =	shalt  }
0x3e: {  	_ =	shalt  }
0x3f: {  	_ =	shalt  }
0x40: {  	_ =	shalt  }
0x41: {  	_ =	shalt  }
0x42: {  	_ =	shalt  }
0x43: {  	_ =	shalt  }
0x44: {  	_ =	shalt  }
0x45: {  	_ =	shalt  }
0x46: {  	_ =	shalt  }
0x47: {  	_ =	shalt  }
0x48: {  	_ =	shalt  }
0x49: {  	_ =	shalt  }
0x4a: {  	_ =	shalt  }
0x4b: {  	_ =	shalt  }
0x4c: {  	_ =	shalt  }
0x4d: {  	_ =	shalt  }
0x4e: {  	_ =	shalt  }
0x4f: {  	_ =	shalt  }
0x50: {  	_ =	shalt  }
0x51: {  	_ =	shalt  }
0x52: {  	_ =	shalt  }
0x53: {  	_ =	shalt  }
0x54: {  	_ =	shalt  }
0x55: {  	_ =	shalt  }
0x56: {  	_ =	shalt  }
0x57: {  	_ =	shalt  }
0x58: {  	_ =	shalt  }
0x59: {  	_ =	shalt  }
0x5a: {  	_ =	shalt  }
0x5b: {  	_ =	shalt  }
0x5c: {  	_ =	shalt  }
0x5d: {  	_ =	shalt  }
0x5e: {  	_ =	shalt  }
0x5f: {  	_ =	shalt  }
0x60: {  	_ =	shalt  }
0x61: {  	_ =	shalt  }
0x62: {  	_ =	shalt  }
0x63: {  	_ =	shalt  }
0x64: {  	_ =	shalt  }
0x65: {  	_ =	shalt  }
0x66: {  	_ =	shalt  }
0x67: {  	_ =	shalt  }
0x68: {  	_ =	shalt  }
0x69: {  	_ =	shalt  }
0x6a: {  	_ =	shalt  }
0x6b: {  	_ =	shalt  }
0x6c: {  	_ =	shalt  }
0x6d: {  	_ =	shalt  }
0x6e: {  	_ =	shalt  }
0x6f: {  	_ =	shalt  }
0x70: {  	_ =	shalt  }
0x71: {  	_ =	shalt  }
0x72: {  	_ =	shalt  }
0x73: {  	_ =	shalt  }
0x74: {  	_ =	shalt  }
0x75: {  	_ =	shalt  }
0x76: {  	_ =	shalt  }
0x77: {  	_ =	shalt  }
0x78: {  	_ =	shalt  }
0x79: {  	_ =	shalt  }
0x7a: {  	_ =	shalt  }
0x7b: {  	_ =	shalt  }
0x7c: {  	_ =	shalt  }
0x7d: {  	_ =	shalt  }
0x7e: {  	_ =	shalt  }
0x7f: {  	_ =	shalt  }
0x80: {  	_ =	shalt  }
0x81: {  	_ =	shalt  }
0x82: {  	_ =	shalt  }
0x83: {  	_ =	shalt  }
0x84: {  	_ =	shalt  }
0x85: {  	_ =	shalt  }
0x86: {  	_ =	shalt  }
0x87: {  	_ =	shalt  }
.Lfunc_end0:
.L_simem_size_0:
called_computation_lowered:
.L_overlay_start_0:
0x88: {  	s2 =	sld [smem:$0x3FD9]  }
0x89: {  	s3 =	sld [smem:$0x3FFE];
	_ =	sdelay $0x1  }
0x8a: {  	s1 =	srdreg.scid  }
0x8b: {  	s0 =	sand.u32 $0x1, s1  }
0x8c: {  	s17 =	sshll.u32 s0, $0xA;
	s2 =	sadd.s32 s3, s2  }
0x8d: {  	s2 =	sadd.s32 s2, s17  }
0x8e: {  	[smem:$0x3FC6] =	sst s2  }
0x8f: {  	_ = 	snop  }
0x90: {  	s2 =	sld [smem:$0x3FC8]  }
0x91: {  	s18 =	sld [smem:$0x3FD0];
	(tm) =	ssettm $0x1  }
0x92: {  	s4 =	sld [smem:$0x3FFB];
	_ =	sdelay $0x3  }
0x93: {  	_ =	strace s4  }
0x94: {  	s4 =	sld [smem:$0x3FFC];
	_ =	sdelay $0x3  }
0x95: {  	_ =	strace s4  }
0x96: {  	s4 =	sld [smem:$0x3FFD];
	_ =	sdelay $0x3  }
0x97: {  	_ =	strace s4  }
0x98: {  	_ =	strace $0x8FFFFFFF  }
0x99: {  	s19 =	sld [smem:$0x3FDB];
	_ =	sdelay $0x1  }
0x9a: {  	s5 =	simm.s32 $_scs_section_size  }
0x9b: {  	s6 =	simm.s32 $_size__tile_overlayer_lowered;
	s7 =	simm.s32 $_tile_overlayer_lowered  }
0x9c: {  	s22 =	simm.s32 $0x1BFF;
	s21 =	sshll.u32 s7, $0x1;
	s4 =	sadd.s32 s5, s19  }
0x9d: {  	s8 =	simm.s32 $0x0;
	s20 =	sshll.u32 s6, $0x1;
	s6 =	sadd.s32 s21, s4  }
0x9e: {  	[timem:s8], [sflag:s22] =	dma.local [hbm:s6], s20  }
0x9f: {  	_ =	swait.ge [sflag:s22], s20  }
0xa0: {  	s5 =	ssub.s32 $0x0, s20;
	[sflag:s22] =	ssyncset.done $0x0  }
0xa1: {  	[sflag:s22] =	ssyncadd.s32 s5;
	_ =	sdelay $0x1  }
0xa2: {  	s23 =	simm.s32 $0x1B8B  }
0xa3: {  	_ =	swait.ge [sflag:s23], $0x1  }
0xa4: {  	[sflag:s23] =	ssyncset.done $0x0  }
0xa5: {  	s25 =	simm.s32 $0x1B8E;
	s24 =	sld [smem:$0x3FFE];
	[sflag:s23] =	ssyncadd.s32 $0xFFFFFFFF  }
0xa6: {  	s26 =	simm.s32 $execute0_lowered;
	[smem:$0x3FD2] =	sst s25  }
0xa7: {  	s6 =	sshll.u32 s26, $0x1;
	_ =	strace $0x80000046;
	[dreg:$0x1] =	wrdreg $0xFFFFFFFF  }
0xa8: {  	s28 =	simm.s32 $_size_execute0_lowered;
	s4 =	sadd.s32 s4, s6;
	[dreg:$0x0] =	wrdreg $0x0  }
0xa9: {  	s6 =	sshll.u32 s28, $0x1;
	[dreg:$0x2] =	wrdreg s4  }
0xaa: {  	[dreg:$0x3] =	wrdreg s6  }
0xab: {  	[dreg:$0x4] =	wrdreg $0xC0  }
0xac: {  	_ =	task [dreg:s8], $0x5FFFF  }
0xad: {  	[dreg:$0x1] =	wrdreg $0xFFFFFFFF  }
0xae: {  	[dreg:$0x0] =	wrdreg $0x60  }
0xaf: {  	[dreg:$0x2] =	wrdreg s2  }
0xb0: {  	[dreg:$0x3] =	wrdreg s18  }
0xb1: {  	[dreg:$0x4] =	wrdreg s24  }
0xb2: {  	[dreg:$0x5] =	wrdreg $0x9  }
0xb3: {  	_ =	task.clear_ibuf [dreg:s8], $0x6FFFF;
	_ =	strace $0x90000046  }
0xb4: {  	s29 =	simm.s32 $0x9;
	_ =	strace $0x80000048  }
0xb5: {  	_ =	swait.ge [sflag:s29], $0x1  }
0xb6: {  	[sflag:s29] =	ssyncadd.s32 $0xFFFFFFFF  }
0xb7: {  	_ =	strace $0x90000048  }
0xb8: {  	_ =	sfence  }
0xb9: {  	s30 =	sld [smem:$0x0];
	_ =	sdelay $0x2  }
0xba: {  	s31 =	sshll.u32 s1, $0xD;
	s1 =	sshrl.u32 s1, $0x2  }
0xbb: {  	s3 =	sand.u32 $0x4000, s31;
	s1 =	sadd.s32 s1, s30  }
0xbc: {  	s0 =	sor.u32 s3, s0;
	s1 =	sshll.u32 s1, $0x11  }
0xbd: {  	s0 =	sor.u32 s1, s0  }
0xbe: {  	s0 =	sadd.s32 $0x8F2B, s0  }
0xbf: {  	[sflag:s0] =	ssyncadd.remote.s32 $0x1  }
0xc0: {  	_ =	sfence.sel $0xFFFF  }
0xc1: {  	[dreg:$0x0] =	wrdreg $0xFFFFFFFF;
	(pc) =	sbr.abs _section_cstart, $3  }
0xc2: {  	[dreg:$0x1] =	wrdreg $0xFFFFFFFF  }
0xc3: {  	_ =	task.clear_ibuf [dreg:s8], $0x2FFFF;
	_ =	strace $0x9FFFFFFF  }
0xc4: {  	(tm) =	ssettm $0x7FFFFFFF  }
0xc5: {  	_ =	shalt  }
tec
execute0_lowered:
.L_overlay_start_1:
0x0: {  	(tag) =	ssettag $0x1  }
0x1: {  	v0 =	vimm.s32 $0xB80;
	vm0 =	vcmask $0x300  }
0x2: {  	vm13 =	vcmask $0x704;
	vm14 =	vcmask $0xB08;
	vm15 =	vcmask $0xF0C  }
0x3: {  	vm4 =	vcmask $0x1310;
	vm5 =	vcmask $0x1714;
	vm6 =	vcmask $0x1B18  }
0x4: {  	vm7 =	vcmask $0x1F1C;
	vm8 =	vcmask $0x2320;
	vm9 =	vcmask $0x2724  }
0x5: {  	vm10 =	vcmask $0x2B28;
	vm11 =	vcmask $0x2F2C;
	vm12 =	vcmask $0x3330  }
0x6: {  	v2 =	vimm.s32 $0x3B2A1908;
	v3 =	vimm.s32 $0x7F6E5D4C;
	v4 =	vimm.s32 $0x33221100  }
0x7: {  	v5 =	vimm.s32 $0x77665544;
	v6 =	vimm.s32 $0xEDCBA987;
	v7 =	vimm.s32 $0x6543210F  }
0x8: {  	v9 =	vimm.s32 $0x78675645;
	v10 =	vimm.s32 $0x543210FE;
	v11 =	vimm.s32 $0x98765432  }
0x9: {  	v12 =	vimm.s32 $0x79685746;
	v13 =	vimm.s32 $0xCBA98765;
	v14 =	vimm.s32 $0x43210FED  }
0xa: {  	v28 =	vimm.s32 $0x210FEDCB;
	v35 =	vimm.s32 $0x302F1E0D;
	v36 =	vimm.s32 $0x74635241  }
0xb: {  	v37 =	vimm.s32 $0x38271605;
	v38 =	vimm.s32 $0x7C6B5A49;
	v39 =	vimm.s32 $0x31201F0E  }
0xc: {  	v40 =	vimm.s32 $0x75645342;
	v56 =	vimm.s32 $0x3A291807;
	v57 =	vimm.s32 $0x7E6D5C4B  }
0xd: {  	v61 =	vimm.s32 $0xFEDCBA98;
	v0 =	vsel vm0, $0x0, v0;
	v2 =	vunpack.c.0.s8.s32 v2  }
0xe: {  	v3 =	vunpack.c.0.s8.s32 v3;
	v4 =	vunpack.c.0.s8.s32 v4;
	v5 =	vunpack.c.0.s8.s32 v5  }
0xf: {  	v6 =	vunpack.c.l.s4.s8 v6;
	v9 =	vunpack.c.0.s8.s32 v9;
	v10 =	vunpack.c.l.s4.s8 v10  }
0x10: {  	v12 =	vunpack.c.0.s8.s32 v12;
	v13 =	vunpack.c.l.s4.s8 v13;
	v14 =	vunpack.c.l.s4.s8 v14  }
0x11: {  	v35 =	vunpack.c.0.s8.s32 v35;
	v36 =	vunpack.c.0.s8.s32 v36;
	v37 =	vunpack.c.0.s8.s32 v37  }
0x12: {  	v38 =	vunpack.c.0.s8.s32 v38;
	v39 =	vunpack.c.0.s8.s32 v39;
	v40 =	vunpack.c.0.s8.s32 v40  }
0x13: {  	v59 =	vunpack.c.0.s8.s32 v57;
	v0 =	vsel vm13, $0x80, v0;
	vm13 =	vcmask $0x3734  }
0x14: {  	v0 =	vsel vm14, $0x100, v0;
	vm14 =	vcmask $0x3B38;
	v19 =	vunpack.c.0.s8.s32 v6  }
0x15: {  	v22 =	vunpack.c.0.s8.s32 v10;
	v10 =	vunpack.c.l.s4.s8 v11;
	v29 =	vunpack.c.0.s8.s32 v13  }
0x16: {  	v30 =	vunpack.c.0.s8.s32 v14;
	v13 =	vimm.s32 $0x7A695847;
	v14 =	vimm.s32 $0xBA987654  }
0x17: {  	v0 =	vsel vm15, $0x180, v0;
	vm15 =	vcmask $0x1F10;
	v13 =	vunpack.c.0.s8.s32 v13  }
0x18: {  	v0 =	vsel vm4, $0x200, v0;
	v23 =	vsel vm15, v3, v2;
	v2 =	vunpack.c.l.s4.s8 v7  }
0x19: {  	v24 =	vsel vm15, v5, v4;
	v3 =	vimm.s32 $0xFEDCBA9;
	v5 =	vimm.s32 $0x87654321  }
0x1a: {  	v7 =	vimm.s32 $0x34231201;
	v16 =	vunpack.c.0.s8.s32 v10;
	v10 =	vimm.s32 $0x71605F4E  }
0x1b: {  	v35 =	vsel vm15, v36, v35;
	v54 =	vsel vm15, v38, v37;
	v55 =	vsel vm15, v40, v39  }
0x1c: {  	v0 =	vsel vm5, $0x280, v0;
	v4 =	vunpack.c.l.s4.s8 v3;
	v3 =	vcombine.low v24, v23  }
0x1d: {  	v5 =	vunpack.c.l.s4.s8 v5;
	v7 =	vunpack.c.0.s8.s32 v7;
	v10 =	vunpack.c.0.s8.s32 v10  }
0x1e: {  	v23 =	vcombine.low v23, v24;
	v0 =	vsel vm6, $0x300, v0;
	v20 =	vunpack.c.0.s8.s32 v2  }
0x1f: {  	v0 =	vsel vm7, $0x380, v0;
	v18 =	vunpack.c.0.s8.s32 v4;
	v4 =	vimm.s32 $0x3C2B1A09  }
0x20: {  	v21 =	vunpack.c.0.s8.s32 v5;
	v5 =	vimm.s32 $0x706F5E4D;
	v26 =	vsel vm15, v9, v7  }
0x21: {  	v9 =	vimm.s32 $0x3D2C1B0A;
	v0 =	vsel vm8, $0x800, v0;
	v6 =	vcombine.low v20, v19  }
0x22: {  	v4 =	vunpack.c.0.s8.s32 v4;
	v5 =	vunpack.c.0.s8.s32 v5;
	v9 =	vunpack.c.0.s8.s32 v9  }
0x23: {  	v44 =	vcombine.low v19, v20;
	v0 =	vsel vm9, $0x880, v0;
	v11 =	vcombine.low v21, v18  }
0x24: {  	v63 =	vcombine.low v18, v21;
	v0 =	vsel vm10, $0x900, v0;
	v25 =	vsel vm15, v5, v4  }
0x25: {  	v4 =	vand.u32 $0xF, v6;
	v27 =	vsel vm15, v10, v9;
	v9 =	vunpack.c.l.s4.s8 v28  }
0x26: {  	v10 =	vimm.s32 $0x3E2D1C0B;
	v0 =	vsel vm11, $0x980, v0;
	v5 =	vand.u32 $0xF, v11  }
0x27: {  	v6 =	vcombine.low v26, v25;
	v11 =	vimm.s32 $0x35241302;
	v10 =	vunpack.c.0.s8.s32 v10  }
0x28: {  	v24 =	vcombine.low v25, v26;
	v0 =	vsel vm12, $0xA00, v0;
	v11 =	vunpack.c.0.s8.s32 v11  }
0x29: {  	v31 =	vunpack.c.0.s8.s32 v9;
	v9 =	vimm.s32 $0xA9876543;
	v1 =	vsel vm13, $0xA80, v0  }
0x2a: {  	v0 =	vlaneseq.u32;
	v9 =	vunpack.c.l.s4.s8 v9;
	v1 =	vsel vm14, $0xB00, v1  }
0x2b: {  	v8 =	vshrl.u32 v0, $0x3;
	v28 =	vsel vm15, v12, v11;
	v11 =	vimm.s32 $0x7261504F  }
0x2c: {  	v12 =	vimm.s32 $0x36251403;
	v2 =	vmul.u32 $0x80, v8;
	v8 =	vimm.s32 $0xDCBA9876  }
0x2d: {  	v11 =	vunpack.c.0.s8.s32 v11;
	v12 =	vunpack.c.0.s8.s32 v12;
	v32 =	vunpack.c.0.s8.s32 v9  }
0x2e: {  	v9 =	vunpack.c.l.s4.s8 v14;
	v14 =	vimm.s32 $0x7B6A5948;
	v26 =	vcombine.low v27, v28  }
0x2f: {  	v8 =	vunpack.c.l.s4.s8 v8;
	v14 =	vunpack.c.0.s8.s32 v14;
	v33 =	vsel vm15, v11, v10  }
0x30: {  	v34 =	vsel vm15, v13, v12;
	v10 =	vimm.s32 $0x3210FEDC;
	v11 =	vimm.s32 $0x3F2E1D0C  }
0x31: {  	v12 =	vunpack.c.0.s8.s32 v9;
	v13 =	vimm.s32 $0x37261504;
	v17 =	vunpack.c.0.s8.s32 v8  }
0x32: {  	v8 =	vimm.s32 $0x10FEDCBA;
	v9 =	vunpack.c.l.s4.s8 v10;
	v13 =	vunpack.c.0.s8.s32 v13  }
0x33: {  	v10 =	vunpack.c.0.s8.s32 v11;
	v11 =	vimm.s32 $0x73625140;
	v8 =	vunpack.c.l.s4.s8 v8  }
0x34: {  	v11 =	vunpack.c.0.s8.s32 v11;
	v7 =	vcombine.low v22, v17;
	v42 =	vsel vm15, v14, v13  }
0x35: {  	v13 =	vimm.s32 $0x3221100F;
	v14 =	vimm.s32 $0x76655443;
	v58 =	vunpack.c.0.s8.s32 v9  }
0x36: {  	v9 =	vunpack.c.0.s8.s32 v56;
	v15 =	vunpack.c.0.s8.s32 v8;
	v41 =	vsel vm15, v11, v10  }
0x37: {  	s2 =	rddreg [dreg:$0x0];
	v10 =	vimm.s32 $0x39281706;
	v11 =	vimm.s32 $0x7D6C5B4A;
	v13 =	vunpack.c.0.s8.s32 v13  }
0x38: {  	s0 =	rddreg [dreg:$0x1];
	v14 =	vunpack.c.0.s8.s32 v14;
	v7 =	vand.u32 $0xF, v7;
	v10 =	vunpack.c.0.s8.s32 v10  }
0x39: {  	s1 =	srdreg.scid;
	s7 =	stileid.u32;
	v38 =	vsel vm15, v59, v9;
	v9 =	vcombine.low v28, v27;
	v27 =	vcombine.low v33, v34  }
0x3a: {  	s10 =	rddreg [dreg:$0x2];
	s3 =	simm.s32 $0x0;
	s13 =	simm.s32 $0x800;
	v8 =	vcombine.low v16, v15;
	v43 =	vsel vm15, v14, v13;
	v13 =	vcombine.low v58, v12  }
0x3b: {  	s14 =	simm.s32 $0x7A1400;
	s15 =	simm.s32 $0x1000;
	s16 =	simm.s32 $0x2000;
	v11 =	vunpack.c.0.s8.s32 v11;
	v14 =	vcombine.low v12, v58;
	v12 =	vcombine.low v34, v33  }
0x3c: {  	s17 =	simm.s32 $0x3000;
	s18 =	simm.s32 $0x1;
	s19 =	simm.s32 $0x4000;
	v28 =	vand.u32 $0xF, v63;
	v62 =	vcombine.low v15, v16;
	v15 =	vcombine.low v42, v41  }
0x3d: {  	s20 =	simm.s32 $0x5000;
	s21 =	simm.s32 $0x6000;
	s22 =	simm.s32 $0x7000;
	v60 =	vsel vm15, v11, v10;
	v10 =	vcombine.low v30, v29;
	v11 =	vcombine.low v32, v31  }
0x3e: {  	s23 =	simm.s32 $0x2;
	s24 =	simm.s32 $0x3;
	s25 =	simm.s32 $0x0;
	v31 =	vcombine.low v31, v32;
	v29 =	vcombine.low v29, v30;
	v30 =	vimm.s32 $0x76543210  }
0x3f: {  	s4 =	sand.u32 $0x1, s1;
	s29 =	sshll.u32 s7, $0x1;
	[smem:$0x7FF] =	sst s3;
	v32 =	vunpack.c.l.s4.s8 v61;
	v20 =	vcombine.low v38, v43;
	v33 =	vcombine.low v43, v38  }
0x40: {  	p0 =	seq.s32 s7, $0x0;
	s12 =	sadd.s32 $0x80, s0;
	s1 =	sor.u32 s4, s29;
	v8 =	vand.u32 $0xF, v8;
	v13 =	vand.u32 $0xF, v13;
	v14 =	vand.u32 $0xF, v14  }
0x41: {  	s6 =	ssub.s32 $0x2, s4;
	_ =	strace $0x80000047;
	s4 =	simm.s32 $0x7B;
	v30 =	vunpack.c.l.s4.s8 v30;
	v18 =	vcombine.low v60, v55;
	v10 =	vand.u32 $0xF, v10  }
.Ltmp0:
0x42: {  	s5 =	sshll.u32 s1, $0x9;
	s30 =	sshrl.u32 s6, $0x1;
	v11 =	vand.u32 $0xF, v11;
	v16 =	vand.u32 $0xF, v31;
	v31 =	vcombine.low v17, v22;
	(pc) =	sbr.rel .LBB2_1-.Ltmp0, $4  }
0x43: {  	s31 =	sshll.u32 s1, $0x8;
	s4 =	simm.s32 @!p0 $0x7A;
	p0 =	sne.s32 s1, $0x0;
	v22 =	vunpack.c.0.s8.s32 v32;
	v17 =	vcombine.low v54, v35;
	v19 =	vand.u32 $0xF, v29  }
0x44: {  	s9 =	sadd.s32 s5, s10;
	s11 =	ssub.s32 s6, s30;
	s5 =	sadd.s32 s2, s31;
	v29 =	vcombine.low v41, v42;
	v32 =	vcombine.low v55, v60;
	v21 =	vunpack.c.0.s8.s32 v30  }
0x45: {  	s10 =	sadd.s32 $0x1E8E00, s10;
	s6 =	sadd.s32 $0x2000, s5;
	s7 =	sadd.s32 $0x4000, s5;
	v30 =	vcombine.low v35, v54;
	v22 =	vand.u32 $0xF, v22;
	v25 =	vand.u32 $0xF, v31  }
0x46: {  	s8 =	sadd.s32 $0x6000, s5;
	s9 =	sadd.s32 $0xA00, s9;
	s11 =	smax.u32 s11, $0x1;
	v31 =	vand.u32 $0xF, v44;
	v21 =	vcombine.low v22, v21;
	v22 =	vand.u32 $0xF, v62  }
.LBB2_15:
0x47: {  	_ =	swait.ge [sflag:s23], $0x1000  }
0x48: {  	[sflag:s23] =	ssyncset.done $0x0  }
0x49: {  	[sflag:s23] =	ssyncadd.s32 $0xFFFFF000  }
0x4a: {  	_ =	swait.ge [sflag:s23], $0x1000  }
0x4b: {  	[sflag:s23] =	ssyncset.done $0x0  }
0x4c: {  	[sflag:s23] =	ssyncadd.s32 $0xFFFFF000  }
0x4d: {  	_ =	swait.ge [sflag:s23], $0x1000  }
.Ltmp1:
0x4e: {  	[sflag:s23] =	ssyncset.done $0x0;
	(pc) =	sbr.rel @!p0 .LBB2_16-.Ltmp1, $4  }
0x4f: {  	[sflag:s23] =	ssyncadd.s32 $0xFFFFF000  }
0x50: {  	_ =	swait.ge [sflag:s23], $0x1000  }
0x51: {  	[sflag:s23] =	ssyncset.done $0x0  }
0x52: {  	[sflag:s23] =	ssyncadd.s32 $0xFFFFF000  }
.LBB2_19:
0x53: {  	s25 =	sadd.s32 $0x1, s25  }
0x54: {  	p1 =	sne.s32 s25, s11  }
.Ltmp2:
0x55: {  	_ = 	snop;
	(pc) =	sbr.rel @!p1 .LBB2_20-.Ltmp2, $1  }
0x56: {  	_ =	sdelay $0x3  }
.LBB2_1:
0x57: {  	[tilespmem:s3], [sflag:$0x1] =	stream.strided.gather [hbm4b:s5+s13], $0x1000, s14, s13, $0x38;
	[tilespmem:$0x8000] =	vst v63  }
0x58: {  	_ = 	snop  }
0x59: {  	[tilespmem:s15], [sflag:$0x1] =	stream.strided.gather [hbm4b:s6+s13], $0x1000, s14, s13, $0x38;
	[tilespmem:$0x8000] =	vst v63  }
.Ltmp3:
0x5a: {  	_ = 	snop;
	(pc) =	sbr.rel .LBB2_2-.Ltmp3, $4  }
0x5b: {  	_ = 	snop  }
0x5c: {  	[tilespmem:s16], [sflag:$0x1] =	stream.strided.gather [hbm4b:s7+s13], $0x1000, s14, s13, $0x38;
	[tilespmem:$0x8000] =	vst v63  }
0x5d: {  	s26 =	simm.s32 $0x0  }
0x5e: {  	[tilespmem:s17], [sflag:$0x1] =	stream.strided.gather [hbm4b:s8+s13], $0x1000, s14, s13, $0x38;
	[tilespmem:$0x8000] =	vst v63  }
.LBB2_14:
0x5f: {  	s26 =	sadd.s32 $0x1, s26  }
0x60: {  	p1 =	sne.s32 s26, $0x1F  }
.Ltmp4:
0x61: {  	_ = 	snop;
	(pc) =	sbr.rel @!p1 .LBB2_15-.Ltmp4, $1  }
0x62: {  	_ =	sdelay $0x3  }
.LBB2_2:
0x63: {  	s29 =	simm.s32 $0x0  }
0x64: {  	v34 =	vmov s29  }
0x65: {  	v34 =	vshll.u32 v34, $0x3  }
0x66: {  	v35 =	vor.u32 s29, v0;
	v34 =	vand.u32 $0x400, v34  }
0x67: {  	_ =	swait.ge [sflag:s18], $0x1000;
	v35 =	vand.u32 $0x7F, v35;
	v34 =	vor.u32 v1, v34  }
0x68: {  	p1 =	seq.s32 s26, $0x0;
	[sflag:s18] =	ssyncset.done $0x0;
	v35 =	vor.u32 v35, v34  }
0x69: {  	s1 =	simm.s32 @!p1 $0x2;
	[sflag:s18] =	ssyncadd.s32 $0xFFFFF000  }
0x6a: {  	_ =	swait.ge @!p1 [sflag:s1], $0x1000  }
0x6b: {  	[sflag:s1] =	ssyncset.done @!p1 $0x0  }
0x6c: {  	v36 =	vmov s29;
	[sflag:s1] =	ssyncadd.s32 @!p1 $0xFFFFF000  }
0x6d: {  	v36 =	vshll.u32 v36, $0x7;
	v35 =	vld.idx.msk [tilespmem:v35+s3+$0x0], $0xffff  }
0x6e: {  	v37 =	vor.u32 s29, v4;
	v36 =	vor.u32 v2, v36  }
0x6f: {  	v37 =	vand.u32 $0x7F, v37;
	v38 =	vor.u32 v3, v36  }
0x70: {  	v37 =	vor.u32 v37, v34;
	_ =	sdelay $0x1  }
0x71: {  	v35 =	vperm.xlane v35, v0;
	_ =	sdelay $0x1  }
0x72: {  	[tilespmem:v38+s19+$0x0] =	vst.idx.msk $0xffff, v35  }
0x73: {  	v35 =	vld.idx.msk [tilespmem:v37+s3+$0x0], $0xffff  }
0x74: {  	v58 =	vor.u32 s29, v7  }
0x75: {  	v59 =	vor.u32 v6, v36;
	v37 =	vand.u32 $0x7F, v58  }
0x76: {  	v37 =	vor.u32 v37, v34;
	_ =	sdelay $0x1  }
0x77: {  	v35 =	vperm.xlane v35, v5;
	_ =	sdelay $0x1  }
0x78: {  	[tilespmem:v59+s19+$0x0] =	vst.idx.msk $0xffff, v35  }
0x79: {  	v35 =	vld.idx.msk [tilespmem:v37+s3+$0x0], $0xffff  }
0x7a: {  	v60 =	vor.u32 s29, v10  }
0x7b: {  	v61 =	vor.u32 v9, v36;
	v37 =	vand.u32 $0x7F, v60  }
0x7c: {  	v37 =	vor.u32 v37, v34;
	_ =	sdelay $0x1  }
0x7d: {  	v35 =	vperm.xlane v35, v8;
	_ =	sdelay $0x1  }
0x7e: {  	[tilespmem:v61+s19+$0x0] =	vst.idx.msk $0xffff, v35  }
0x7f: {  	v35 =	vld.idx.msk [tilespmem:v37+s3+$0x0], $0xffff  }
0x80: {  	v62 =	vor.u32 s29, v13  }
0x81: {  	v63 =	vor.u32 v12, v36;
	v37 =	vand.u32 $0x7F, v62  }
0x82: {  	v37 =	vor.u32 v37, v34;
	_ =	sdelay $0x1  }
0x83: {  	v35 =	vperm.xlane v35, v11;
	_ =	sdelay $0x1  }
0x84: {  	[tilespmem:v63+s19+$0x0] =	vst.idx.msk $0xffff, v35  }
0x85: {  	v35 =	vld.idx.msk [tilespmem:v37+s3+$0x0], $0xffff  }
0x86: {  	v40 =	vor.u32 s29, v16  }
0x87: {  	v41 =	vor.u32 v15, v36;
	v37 =	vand.u32 $0x7F, v40  }
0x88: {  	v37 =	vor.u32 v37, v34;
	_ =	sdelay $0x1  }
0x89: {  	v35 =	vperm.xlane v35, v14;
	_ =	sdelay $0x1  }
0x8a: {  	[tilespmem:v41+s19+$0x0] =	vst.idx.msk $0xffff, v35  }
0x8b: {  	v35 =	vld.idx.msk [tilespmem:v37+s3+$0x0], $0xffff  }
0x8c: {  	v42 =	vor.u32 s29, v22  }
0x8d: {  	v43 =	vor.u32 v17, v36;
	v37 =	vand.u32 $0x7F, v42  }
0x8e: {  	v37 =	vor.u32 v37, v34;
	_ =	sdelay $0x1  }
0x8f: {  	v35 =	vperm.xlane v35, v19;
	_ =	sdelay $0x1  }
0x90: {  	[tilespmem:v43+s19+$0x0] =	vst.idx.msk $0xffff, v35  }
0x91: {  	v35 =	vld.idx.msk [tilespmem:v37+s3+$0x0], $0xffff  }
0x92: {  	v44 =	vor.u32 s29, v28  }
0x93: {  	v45 =	vor.u32 v18, v36;
	v37 =	vand.u32 $0x7F, v44  }
0x94: {  	v37 =	vor.u32 v37, v34;
	_ =	sdelay $0x1  }
0x95: {  	v35 =	vperm.xlane v35, v25;
	_ =	sdelay $0x1  }
0x96: {  	[tilespmem:v45+s19+$0x0] =	vst.idx.msk $0xffff, v35  }
0x97: {  	v35 =	vld.idx.msk [tilespmem:v37+s3+$0x0], $0xffff  }
0x98: {  	v46 =	vor.u32 s29, v21  }
0x99: {  	v47 =	vor.u32 v20, v36;
	v37 =	vand.u32 $0x7F, v46  }
0x9a: {  	v37 =	vor.u32 v37, v34;
	_ =	sdelay $0x1  }
0x9b: {  	v35 =	vperm.xlane v35, v31;
	_ =	sdelay $0x1  }
0x9c: {  	[tilespmem:v47+s19+$0x0] =	vst.idx.msk $0xffff, v35  }
0x9d: {  	v35 =	vld.idx.msk [tilespmem:v37+s3+$0x0], $0xffff  }
0x9e: {  	v48 =	vor.u32 s29, v31  }
0x9f: {  	v49 =	vor.u32 v23, v36;
	v37 =	vand.u32 $0x7F, v48  }
0xa0: {  	v37 =	vor.u32 v37, v34;
	_ =	sdelay $0x1  }
0xa1: {  	v35 =	vperm.xlane v35, v21;
	_ =	sdelay $0x1  }
0xa2: {  	[tilespmem:v49+s19+$0x0] =	vst.idx.msk $0xffff, v35  }
0xa3: {  	v35 =	vld.idx.msk [tilespmem:v37+s3+$0x0], $0xffff  }
0xa4: {  	v50 =	vor.u32 s29, v25  }
0xa5: {  	v51 =	vor.u32 v24, v36;
	v37 =	vand.u32 $0x7F, v50  }
0xa6: {  	v37 =	vor.u32 v37, v34;
	_ =	sdelay $0x1  }
0xa7: {  	v35 =	vperm.xlane v35, v28;
	_ =	sdelay $0x1  }
0xa8: {  	[tilespmem:v51+s19+$0x0] =	vst.idx.msk $0xffff, v35  }
0xa9: {  	v35 =	vld.idx.msk [tilespmem:v37+s3+$0x0], $0xffff  }
0xaa: {  	v52 =	vor.u32 s29, v19  }
0xab: {  	v53 =	vor.u32 v26, v36;
	v37 =	vand.u32 $0x7F, v52  }
0xac: {  	v37 =	vor.u32 v37, v34;
	_ =	sdelay $0x1  }
0xad: {  	v35 =	vperm.xlane v35, v22;
	_ =	sdelay $0x1  }
0xae: {  	[tilespmem:v53+s19+$0x0] =	vst.idx.msk $0xffff, v35  }
0xaf: {  	v35 =	vld.idx.msk [tilespmem:v37+s3+$0x0], $0xffff  }
0xb0: {  	v54 =	vor.u32 s29, v14  }
0xb1: {  	v55 =	vor.u32 v27, v36;
	v37 =	vand.u32 $0x7F, v54  }
0xb2: {  	v37 =	vor.u32 v37, v34;
	_ =	sdelay $0x1  }
0xb3: {  	v35 =	vperm.xlane v35, v16;
	_ =	sdelay $0x1  }
0xb4: {  	[tilespmem:v55+s19+$0x0] =	vst.idx.msk $0xffff, v35  }
0xb5: {  	v35 =	vld.idx.msk [tilespmem:v37+s3+$0x0], $0xffff  }
0xb6: {  	v56 =	vor.u32 s29, v11  }
0xb7: {  	v57 =	vor.u32 v29, v36;
	v37 =	vand.u32 $0x7F, v56  }
0xb8: {  	v37 =	vor.u32 v37, v34;
	_ =	sdelay $0x1  }
0xb9: {  	v35 =	vperm.xlane v35, v13;
	_ =	sdelay $0x1  }
0xba: {  	[tilespmem:v57+s19+$0x0] =	vst.idx.msk $0xffff, v35  }
0xbb: {  	v35 =	vld.idx.msk [tilespmem:v37+s3+$0x0], $0xffff  }
0xbc: {  	v58 =	vor.u32 s29, v8  }
0xbd: {  	v59 =	vor.u32 v30, v36;
	v37 =	vand.u32 $0x7F, v58  }
0xbe: {  	v37 =	vor.u32 v37, v34;
	_ =	sdelay $0x1  }
0xbf: {  	v35 =	vperm.xlane v35, v10;
	_ =	sdelay $0x1  }
0xc0: {  	[tilespmem:v59+s19+$0x0] =	vst.idx.msk $0xffff, v35  }
0xc1: {  	v35 =	vld.idx.msk [tilespmem:v37+s3+$0x0], $0xffff  }
0xc2: {  	v60 =	vor.u32 s29, v5  }
0xc3: {  	v61 =	vor.u32 v32, v36;
	v37 =	vand.u32 $0x7F, v60  }
0xc4: {  	v34 =	vor.u32 v37, v34;
	_ =	sdelay $0x1  }
0xc5: {  	v35 =	vperm.xlane v35, v7  }
0xc6: {  	s30 =	simm.s32 $0x10  }
0xc7: {  	v62 =	vmov s30;
	[tilespmem:v61+s19+$0x0] =	vst.idx.msk $0xffff, v35  }
0xc8: {  	v37 =	vld.idx.msk [tilespmem:v34+s3+$0x0], $0xffff;
	v34 =	vshll.u32 v62, $0x3  }
0xc9: {  	v63 =	vor.u32 s30, v0;
	v34 =	vand.u32 $0x400, v34  }
0xca: {  	v36 =	vor.u32 v33, v36;
	v35 =	vand.u32 $0x7F, v63;
	v34 =	vor.u32 v1, v34  }
0xcb: {  	v35 =	vor.u32 v35, v34;
	_ =	sdelay $0x1  }
0xcc: {  	s28 =	sshll.u32 s26, $0x2;
	s31 =	simm.s32 $0x20;
	v37 =	vperm.xlane v37, v4  }
.LBB2_3:
0xcd: {  	p2 =	sne.s32 s31, $0xF0  }
0xce: {  	s29 =	sadd.s32 $0x2, s29;
	s2 =	smov.u32 s31;
	s31 =	sadd.s32 $0x10, s31;
	[tilespmem:v36+s19+$0x0] =	vst.idx.msk $0xffff, v37  }
0xcf: {  	v36 =	vld.idx.msk [tilespmem:v35+s3+$0x0], $0xffff;
	v35 =	vmov s29  }
0xd0: {  	v35 =	vshll.u32 v35, $0x7  }
0xd1: {  	v37 =	vor.u32 s30, v4;
	v35 =	vor.u32 v2, v35  }
0xd2: {  	v37 =	vand.u32 $0x7F, v37;
	v38 =	vor.u32 v3, v35  }
0xd3: {  	v37 =	vor.u32 v37, v34;
	_ =	sdelay $0x1  }
0xd4: {  	v36 =	vperm.xlane v36, v0;
	_ =	sdelay $0x1  }
0xd5: {  	[tilespmem:v38+s19+$0x0] =	vst.idx.msk $0xffff, v36  }
0xd6: {  	v36 =	vld.idx.msk [tilespmem:v37+s3+$0x0], $0xffff;
	_ =	sdelay $0x1  }
0xd7: {  	v37 =	vor.u32 s30, v7  }
0xd8: {  	v38 =	vor.u32 v6, v35;
	v37 =	vand.u32 $0x7F, v37  }
0xd9: {  	v37 =	vor.u32 v37, v34;
	_ =	sdelay $0x1  }
0xda: {  	v36 =	vperm.xlane v36, v5;
	_ =	sdelay $0x1  }
0xdb: {  	[tilespmem:v38+s19+$0x0] =	vst.idx.msk $0xffff, v36  }
0xdc: {  	v36 =	vld.idx.msk [tilespmem:v37+s3+$0x0], $0xffff;
	_ =	sdelay $0x1  }
0xdd: {  	v37 =	vor.u32 s30, v10  }
0xde: {  	v38 =	vor.u32 v9, v35;
	v37 =	vand.u32 $0x7F, v37  }
0xdf: {  	v37 =	vor.u32 v37, v34;
	_ =	sdelay $0x1  }
0xe0: {  	v36 =	vperm.xlane v36, v8;
	_ =	sdelay $0x1  }
0xe1: {  	[tilespmem:v38+s19+$0x0] =	vst.idx.msk $0xffff, v36  }
0xe2: {  	v36 =	vld.idx.msk [tilespmem:v37+s3+$0x0], $0xffff;
	_ =	sdelay $0x1  }
0xe3: {  	v37 =	vor.u32 s30, v13  }
0xe4: {  	v38 =	vor.u32 v12, v35;
	v37 =	vand.u32 $0x7F, v37  }
0xe5: {  	v37 =	vor.u32 v37, v34;
	_ =	sdelay $0x1  }
0xe6: {  	v36 =	vperm.xlane v36, v11;
	_ =	sdelay $0x1  }
0xe7: {  	[tilespmem:v38+s19+$0x0] =	vst.idx.msk $0xffff, v36  }
0xe8: {  	v36 =	vld.idx.msk [tilespmem:v37+s3+$0x0], $0xffff;
	_ =	sdelay $0x1  }
0xe9: {  	v37 =	vor.u32 s30, v16  }
0xea: {  	v38 =	vor.u32 v15, v35;
	v37 =	vand.u32 $0x7F, v37  }
0xeb: {  	v37 =	vor.u32 v37, v34;
	_ =	sdelay $0x1  }
0xec: {  	v36 =	vperm.xlane v36, v14;
	_ =	sdelay $0x1  }
0xed: {  	[tilespmem:v38+s19+$0x0] =	vst.idx.msk $0xffff, v36  }
0xee: {  	v36 =	vld.idx.msk [tilespmem:v37+s3+$0x0], $0xffff;
	_ =	sdelay $0x1  }
0xef: {  	v37 =	vor.u32 s30, v22  }
0xf0: {  	v38 =	vor.u32 v17, v35;
	v37 =	vand.u32 $0x7F, v37  }
0xf1: {  	v37 =	vor.u32 v37, v34;
	_ =	sdelay $0x1  }
0xf2: {  	v36 =	vperm.xlane v36, v19;
	_ =	sdelay $0x1  }
0xf3: {  	[tilespmem:v38+s19+$0x0] =	vst.idx.msk $0xffff, v36  }
0xf4: {  	v36 =	vld.idx.msk [tilespmem:v37+s3+$0x0], $0xffff;
	_ =	sdelay $0x1  }
0xf5: {  	v37 =	vor.u32 s30, v28  }
0xf6: {  	v38 =	vor.u32 v18, v35;
	v37 =	vand.u32 $0x7F, v37  }
0xf7: {  	v37 =	vor.u32 v37, v34;
	_ =	sdelay $0x1  }
0xf8: {  	v36 =	vperm.xlane v36, v25;
	_ =	sdelay $0x1  }
0xf9: {  	[tilespmem:v38+s19+$0x0] =	vst.idx.msk $0xffff, v36  }
0xfa: {  	v36 =	vld.idx.msk [tilespmem:v37+s3+$0x0], $0xffff;
	_ =	sdelay $0x1  }
0xfb: {  	v37 =	vor.u32 s30, v21  }
0xfc: {  	v38 =	vor.u32 v20, v35;
	v37 =	vand.u32 $0x7F, v37  }
0xfd: {  	v37 =	vor.u32 v37, v34;
	_ =	sdelay $0x1  }
0xfe: {  	v36 =	vperm.xlane v36, v31;
	_ =	sdelay $0x1  }
0xff: {  	[tilespmem:v38+s19+$0x0] =	vst.idx.msk $0xffff, v36  }
0x100: {  	v36 =	vld.idx.msk [tilespmem:v37+s3+$0x0], $0xffff;
	_ =	sdelay $0x1  }
0x101: {  	v37 =	vor.u32 s30, v31  }
0x102: {  	v38 =	vor.u32 v23, v35;
	v37 =	vand.u32 $0x7F, v37  }
0x103: {  	v37 =	vor.u32 v37, v34;
	_ =	sdelay $0x1  }
0x104: {  	v36 =	vperm.xlane v36, v21;
	_ =	sdelay $0x1  }
0x105: {  	[tilespmem:v38+s19+$0x0] =	vst.idx.msk $0xffff, v36  }
0x106: {  	v36 =	vld.idx.msk [tilespmem:v37+s3+$0x0], $0xffff;
	_ =	sdelay $0x1  }
0x107: {  	v37 =	vor.u32 s30, v25  }
0x108: {  	v38 =	vor.u32 v24, v35;
	v37 =	vand.u32 $0x7F, v37  }
0x109: {  	v37 =	vor.u32 v37, v34;
	_ =	sdelay $0x1  }
0x10a: {  	v36 =	vperm.xlane v36, v28;
	_ =	sdelay $0x1  }
0x10b: {  	[tilespmem:v38+s19+$0x0] =	vst.idx.msk $0xffff, v36  }
0x10c: {  	v36 =	vld.idx.msk [tilespmem:v37+s3+$0x0], $0xffff;
	_ =	sdelay $0x1  }
0x10d: {  	v37 =	vor.u32 s30, v19  }
0x10e: {  	v38 =	vor.u32 v26, v35;
	v37 =	vand.u32 $0x7F, v37  }
0x10f: {  	v37 =	vor.u32 v37, v34;
	_ =	sdelay $0x1  }
0x110: {  	v36 =	vperm.xlane v36, v22;
	_ =	sdelay $0x1  }
0x111: {  	[tilespmem:v38+s19+$0x0] =	vst.idx.msk $0xffff, v36  }
0x112: {  	v36 =	vld.idx.msk [tilespmem:v37+s3+$0x0], $0xffff;
	_ =	sdelay $0x1  }
0x113: {  	v37 =	vor.u32 s30, v14  }
0x114: {  	v38 =	vor.u32 v27, v35;
	v37 =	vand.u32 $0x7F, v37  }
0x115: {  	v37 =	vor.u32 v37, v34;
	_ =	sdelay $0x1  }
0x116: {  	v36 =	vperm.xlane v36, v16;
	_ =	sdelay $0x1  }
0x117: {  	[tilespmem:v38+s19+$0x0] =	vst.idx.msk $0xffff, v36  }
0x118: {  	v36 =	vld.idx.msk [tilespmem:v37+s3+$0x0], $0xffff;
	_ =	sdelay $0x1  }
0x119: {  	v37 =	vor.u32 s30, v11  }
0x11a: {  	v38 =	vor.u32 v29, v35;
	v37 =	vand.u32 $0x7F, v37  }
0x11b: {  	v37 =	vor.u32 v37, v34;
	_ =	sdelay $0x1  }
0x11c: {  	v36 =	vperm.xlane v36, v13;
	_ =	sdelay $0x1  }
0x11d: {  	[tilespmem:v38+s19+$0x0] =	vst.idx.msk $0xffff, v36  }
0x11e: {  	v36 =	vld.idx.msk [tilespmem:v37+s3+$0x0], $0xffff;
	_ =	sdelay $0x1  }
0x11f: {  	v37 =	vor.u32 s30, v8  }
0x120: {  	v38 =	vor.u32 v30, v35;
	v37 =	vand.u32 $0x7F, v37  }
0x121: {  	v37 =	vor.u32 v37, v34;
	_ =	sdelay $0x1  }
0x122: {  	v36 =	vperm.xlane v36, v10;
	_ =	sdelay $0x1  }
0x123: {  	[tilespmem:v38+s19+$0x0] =	vst.idx.msk $0xffff, v36  }
0x124: {  	v36 =	vld.idx.msk [tilespmem:v37+s3+$0x0], $0xffff;
	_ =	sdelay $0x1  }
0x125: {  	v37 =	vor.u32 s30, v5;
	s30 =	smov.u32 s2  }
0x126: {  	v38 =	vor.u32 v32, v35;
	v37 =	vand.u32 $0x7F, v37  }
0x127: {  	v34 =	vor.u32 v37, v34;
	_ =	sdelay $0x1  }
0x128: {  	v36 =	vperm.xlane v36, v7;
	_ =	sdelay $0x1  }
0x129: {  	[tilespmem:v38+s19+$0x0] =	vst.idx.msk $0xffff, v36  }
0x12a: {  	v36 =	vmov s30;
	v37 =	vld.idx.msk [tilespmem:v34+s3+$0x0], $0xffff  }
0x12b: {  	v34 =	vshll.u32 v36, $0x3  }
.Ltmp5:
0x12c: {  	v36 =	vor.u32 s30, v0;
	v34 =	vand.u32 $0x400, v34;
	(pc) =	sbr.rel @p2 .LBB2_3-.Ltmp5, $3  }
0x12d: {  	v38 =	vand.u32 $0x7F, v36;
	v36 =	vor.u32 v33, v35;
	v34 =	vor.u32 v1, v34  }
0x12e: {  	v35 =	vor.u32 v38, v34;
	_ =	sdelay $0x1  }
0x12f: {  	v37 =	vperm.xlane v37, v4  }
0x130: {  	_ =	sdelay $0x2  }
0x131: {  	s1 =	sadd.s32 $0x2, s29  }
0x132: {  	[tilespmem:v36+s19+$0x0] =	vst.idx.msk $0xffff, v37;
	v45 =	vmov s1  }
0x133: {  	v35 =	vld.idx.msk [tilespmem:v35+s3+$0x0], $0xffff;
	v36 =	vshll.u32 v45, $0x7  }
0x134: {  	v46 =	vor.u32 s30, v4;
	v36 =	vor.u32 v2, v36  }
0x135: {  	v37 =	vand.u32 $0x7F, v46;
	v38 =	vor.u32 v3, v36  }
0x136: {  	v37 =	vor.u32 v37, v34;
	_ =	sdelay $0x1  }
0x137: {  	v35 =	vperm.xlane v35, v0;
	_ =	sdelay $0x1  }
0x138: {  	[tilespmem:v38+s19+$0x0] =	vst.idx.msk $0xffff, v35  }
0x139: {  	v35 =	vld.idx.msk [tilespmem:v37+s3+$0x0], $0xffff  }
0x13a: {  	v47 =	vor.u32 s30, v7  }
0x13b: {  	v48 =	vor.u32 v6, v36;
	v37 =	vand.u32 $0x7F, v47  }
0x13c: {  	v37 =	vor.u32 v37, v34;
	_ =	sdelay $0x1  }
0x13d: {  	v35 =	vperm.xlane v35, v5;
	_ =	sdelay $0x1  }
0x13e: {  	[tilespmem:v48+s19+$0x0] =	vst.idx.msk $0xffff, v35  }
0x13f: {  	v35 =	vld.idx.msk [tilespmem:v37+s3+$0x0], $0xffff  }
0x140: {  	v49 =	vor.u32 s30, v10  }
0x141: {  	v50 =	vor.u32 v9, v36;
	v37 =	vand.u32 $0x7F, v49  }
0x142: {  	v37 =	vor.u32 v37, v34;
	_ =	sdelay $0x1  }
0x143: {  	v35 =	vperm.xlane v35, v8;
	_ =	sdelay $0x1  }
0x144: {  	[tilespmem:v50+s19+$0x0] =	vst.idx.msk $0xffff, v35  }
0x145: {  	v35 =	vld.idx.msk [tilespmem:v37+s3+$0x0], $0xffff  }
0x146: {  	v51 =	vor.u32 s30, v13  }
0x147: {  	v52 =	vor.u32 v12, v36;
	v37 =	vand.u32 $0x7F, v51  }
0x148: {  	v37 =	vor.u32 v37, v34;
	_ =	sdelay $0x1  }
0x149: {  	v35 =	vperm.xlane v35, v11;
	_ =	sdelay $0x1  }
0x14a: {  	[tilespmem:v52+s19+$0x0] =	vst.idx.msk $0xffff, v35  }
0x14b: {  	v35 =	vld.idx.msk [tilespmem:v37+s3+$0x0], $0xffff  }
0x14c: {  	v53 =	vor.u32 s30, v16  }
0x14d: {  	v54 =	vor.u32 v15, v36;
	v37 =	vand.u32 $0x7F, v53  }
0x14e: {  	v37 =	vor.u32 v37, v34;
	_ =	sdelay $0x1  }
0x14f: {  	v35 =	vperm.xlane v35, v14;
	_ =	sdelay $0x1  }
0x150: {  	[tilespmem:v54+s19+$0x0] =	vst.idx.msk $0xffff, v35  }
0x151: {  	v35 =	vld.idx.msk [tilespmem:v37+s3+$0x0], $0xffff  }
0x152: {  	v55 =	vor.u32 s30, v22  }
0x153: {  	v56 =	vor.u32 v17, v36;
	v37 =	vand.u32 $0x7F, v55  }
0x154: {  	v37 =	vor.u32 v37, v34;
	_ =	sdelay $0x1  }
0x155: {  	v35 =	vperm.xlane v35, v19;
	_ =	sdelay $0x1  }
0x156: {  	[tilespmem:v56+s19+$0x0] =	vst.idx.msk $0xffff, v35  }
0x157: {  	v35 =	vld.idx.msk [tilespmem:v37+s3+$0x0], $0xffff  }
0x158: {  	v57 =	vor.u32 s30, v28  }
0x159: {  	v58 =	vor.u32 v18, v36;
	v37 =	vand.u32 $0x7F, v57  }
0x15a: {  	v37 =	vor.u32 v37, v34;
	_ =	sdelay $0x1  }
0x15b: {  	v35 =	vperm.xlane v35, v25;
	_ =	sdelay $0x1  }
0x15c: {  	[tilespmem:v58+s19+$0x0] =	vst.idx.msk $0xffff, v35  }
0x15d: {  	v35 =	vld.idx.msk [tilespmem:v37+s3+$0x0], $0xffff  }
0x15e: {  	v59 =	vor.u32 s30, v21  }
0x15f: {  	v60 =	vor.u32 v20, v36;
	v37 =	vand.u32 $0x7F, v59  }
0x160: {  	v37 =	vor.u32 v37, v34;
	_ =	sdelay $0x1  }
0x161: {  	v35 =	vperm.xlane v35, v31;
	_ =	sdelay $0x1  }
0x162: {  	[tilespmem:v60+s19+$0x0] =	vst.idx.msk $0xffff, v35  }
0x163: {  	v35 =	vld.idx.msk [tilespmem:v37+s3+$0x0], $0xffff  }
0x164: {  	v61 =	vor.u32 s30, v31  }
0x165: {  	v62 =	vor.u32 v23, v36;
	v37 =	vand.u32 $0x7F, v61  }
0x166: {  	v37 =	vor.u32 v37, v34;
	_ =	sdelay $0x1  }
0x167: {  	v35 =	vperm.xlane v35, v21;
	_ =	sdelay $0x1  }
0x168: {  	[tilespmem:v62+s19+$0x0] =	vst.idx.msk $0xffff, v35  }
0x169: {  	v35 =	vld.idx.msk [tilespmem:v37+s3+$0x0], $0xffff  }
0x16a: {  	v63 =	vor.u32 s30, v25  }
0x16b: {  	v40 =	vor.u32 v24, v36;
	v37 =	vand.u32 $0x7F, v63  }
0x16c: {  	v37 =	vor.u32 v37, v34;
	_ =	sdelay $0x1  }
0x16d: {  	v35 =	vperm.xlane v35, v28;
	_ =	sdelay $0x1  }
0x16e: {  	[tilespmem:v40+s19+$0x0] =	vst.idx.msk $0xffff, v35  }
0x16f: {  	v35 =	vld.idx.msk [tilespmem:v37+s3+$0x0], $0xffff  }
0x170: {  	v41 =	vor.u32 s30, v19  }
0x171: {  	v42 =	vor.u32 v26, v36;
	v37 =	vand.u32 $0x7F, v41  }
0x172: {  	v37 =	vor.u32 v37, v34;
	_ =	sdelay $0x1  }
0x173: {  	v35 =	vperm.xlane v35, v22;
	_ =	sdelay $0x1  }
0x174: {  	[tilespmem:v42+s19+$0x0] =	vst.idx.msk $0xffff, v35  }
0x175: {  	v35 =	vld.idx.msk [tilespmem:v37+s3+$0x0], $0xffff  }
0x176: {  	v43 =	vor.u32 s30, v14  }
0x177: {  	v44 =	vor.u32 v27, v36;
	v37 =	vand.u32 $0x7F, v43  }
0x178: {  	v37 =	vor.u32 v37, v34;
	_ =	sdelay $0x1  }
0x179: {  	v35 =	vperm.xlane v35, v16;
	_ =	sdelay $0x1  }
0x17a: {  	[tilespmem:v44+s19+$0x0] =	vst.idx.msk $0xffff, v35  }
0x17b: {  	v35 =	vld.idx.msk [tilespmem:v37+s3+$0x0], $0xffff  }
0x17c: {  	v45 =	vor.u32 s30, v11  }
0x17d: {  	v46 =	vor.u32 v29, v36;
	v37 =	vand.u32 $0x7F, v45  }
0x17e: {  	v37 =	vor.u32 v37, v34;
	_ =	sdelay $0x1  }
0x17f: {  	v35 =	vperm.xlane v35, v13;
	_ =	sdelay $0x1  }
0x180: {  	[tilespmem:v46+s19+$0x0] =	vst.idx.msk $0xffff, v35  }
0x181: {  	v35 =	vld.idx.msk [tilespmem:v37+s3+$0x0], $0xffff  }
0x182: {  	v47 =	vor.u32 s30, v8  }
0x183: {  	v48 =	vor.u32 v30, v36;
	v37 =	vand.u32 $0x7F, v47  }
0x184: {  	v37 =	vor.u32 v37, v34;
	_ =	sdelay $0x1  }
0x185: {  	v35 =	vperm.xlane v35, v10;
	_ =	sdelay $0x1  }
0x186: {  	[tilespmem:v48+s19+$0x0] =	vst.idx.msk $0xffff, v35  }
0x187: {  	v35 =	vld.idx.msk [tilespmem:v37+s3+$0x0], $0xffff  }
0x188: {  	v49 =	vor.u32 s30, v5  }
0x189: {  	v50 =	vor.u32 v32, v36;
	v37 =	vand.u32 $0x7F, v49  }
0x18a: {  	v51 =	vor.u32 v37, v34;
	_ =	sdelay $0x1  }
0x18b: {  	v35 =	vperm.xlane v35, v7;
	_ =	sdelay $0x1  }
0x18c: {  	[tilespmem:v50+s19+$0x0] =	vst.idx.msk $0xffff, v35  }
0x18d: {  	v34 =	vld.idx.msk [tilespmem:v51+s3+$0x0], $0xffff;
	_ =	sdelay $0x1  }
0x18e: {  	v52 =	vor.u32 v33, v36;
	_ =	sdelay $0x2  }
0x18f: {  	s2 =	sshll.u32 s26, $0x10;
	s1 =	sadd.s32 $0x4, s28;
	v34 =	vperm.xlane v34, v4  }
0x190: {  	s29 =	sadd.s32 s2, s9;
	p2 =	sge.u32 s1, s4  }
0x191: {  	s1 =	sshll.u32 @!p2 s1, $0xD;
	s2 =	simm.s32 @!p2 $0x800;
	s30 =	simm.s32 $0x0;
	[tilespmem:v52+s19+$0x0] =	vst.idx.msk $0xffff, v34  }
0x192: {  	v53 =	vmov s30;
	[hbm4b:s29+s3] =	stream.linear.scatter [tilespmem:s19], [sflag:$0x2], $0x1000, $0x38;
	[tilespmem:$0x8000] =	vst v63  }
0x193: {  	s31 =	simm.s32 @!p2 $0x7A1400;
	s0 =	simm.s32 @!p2 $0x0;
	s1 =	sadd.s32 @!p2 s1, s5;
	v34 =	vshll.u32 v53, $0x3  }
0x194: {  	v54 =	vor.u32 s30, v0;
	v34 =	vand.u32 $0x400, v34;
	[tilespmem:s0], [sflag:$0x1] =	stream.strided.gather @!p2 [hbm4b:s1+s2], $0x1000, s31, s2, $0x38;
	[tilespmem:$0x8000] =	vst v63  }
0x195: {  	v35 =	vand.u32 $0x7F, v54;
	v34 =	vor.u32 v1, v34;
	_ =	swait.ge [sflag:s18], $0x1000  }
0x196: {  	v35 =	vor.u32 v35, v34;
	[sflag:s18] =	ssyncset.done $0x0  }
0x197: {  	s0 =	simm.s32 @!p1 $0x2;
	[sflag:s18] =	ssyncadd.s32 $0xFFFFF000  }
0x198: {  	_ =	swait.ge @!p1 [sflag:s0], $0x1000  }
0x199: {  	[sflag:s0] =	ssyncset.done @!p1 $0x0  }
0x19a: {  	v55 =	vmov s30;
	[sflag:s0] =	ssyncadd.s32 @!p1 $0xFFFFF000  }
0x19b: {  	v36 =	vshll.u32 v55, $0x7;
	v35 =	vld.idx.msk [tilespmem:v35+s15+$0x0], $0xffff  }
0x19c: {  	v36 =	vor.u32 v2, v36;
	v56 =	vor.u32 s30, v4  }
0x19d: {  	v57 =	vor.u32 v3, v36;
	v37 =	vand.u32 $0x7F, v56  }
0x19e: {  	v37 =	vor.u32 v37, v34;
	_ =	sdelay $0x1  }
0x19f: {  	v35 =	vperm.xlane v35, v0;
	_ =	sdelay $0x1  }
0x1a0: {  	[tilespmem:v57+s20+$0x0] =	vst.idx.msk $0xffff, v35  }
0x1a1: {  	v35 =	vld.idx.msk [tilespmem:v37+s15+$0x0], $0xffff  }
0x1a2: {  	v58 =	vor.u32 s30, v7  }
0x1a3: {  	v59 =	vor.u32 v6, v36;
	v37 =	vand.u32 $0x7F, v58  }
0x1a4: {  	v37 =	vor.u32 v37, v34;
	_ =	sdelay $0x1  }
0x1a5: {  	v35 =	vperm.xlane v35, v5;
	_ =	sdelay $0x1  }
0x1a6: {  	[tilespmem:v59+s20+$0x0] =	vst.idx.msk $0xffff, v35  }
0x1a7: {  	v35 =	vld.idx.msk [tilespmem:v37+s15+$0x0], $0xffff  }
0x1a8: {  	v60 =	vor.u32 s30, v10  }
0x1a9: {  	v61 =	vor.u32 v9, v36;
	v37 =	vand.u32 $0x7F, v60  }
0x1aa: {  	v37 =	vor.u32 v37, v34;
	_ =	sdelay $0x1  }
0x1ab: {  	v35 =	vperm.xlane v35, v8;
	_ =	sdelay $0x1  }
0x1ac: {  	[tilespmem:v61+s20+$0x0] =	vst.idx.msk $0xffff, v35  }
0x1ad: {  	v35 =	vld.idx.msk [tilespmem:v37+s15+$0x0], $0xffff  }
0x1ae: {  	v62 =	vor.u32 s30, v13  }
0x1af: {  	v63 =	vor.u32 v12, v36;
	v37 =	vand.u32 $0x7F, v62  }
0x1b0: {  	v37 =	vor.u32 v37, v34;
	_ =	sdelay $0x1  }
0x1b1: {  	v35 =	vperm.xlane v35, v11;
	_ =	sdelay $0x1  }
0x1b2: {  	[tilespmem:v63+s20+$0x0] =	vst.idx.msk $0xffff, v35  }
0x1b3: {  	v35 =	vld.idx.msk [tilespmem:v37+s15+$0x0], $0xffff  }
0x1b4: {  	v40 =	vor.u32 s30, v16  }
0x1b5: {  	v41 =	vor.u32 v15, v36;
	v37 =	vand.u32 $0x7F, v40  }
0x1b6: {  	v37 =	vor.u32 v37, v34;
	_ =	sdelay $0x1  }
0x1b7: {  	v35 =	vperm.xlane v35, v14;
	_ =	sdelay $0x1  }
0x1b8: {  	[tilespmem:v41+s20+$0x0] =	vst.idx.msk $0xffff, v35  }
0x1b9: {  	v35 =	vld.idx.msk [tilespmem:v37+s15+$0x0], $0xffff  }
0x1ba: {  	v42 =	vor.u32 s30, v22  }
0x1bb: {  	v43 =	vor.u32 v17, v36;
	v37 =	vand.u32 $0x7F, v42  }
0x1bc: {  	v37 =	vor.u32 v37, v34;
	_ =	sdelay $0x1  }
0x1bd: {  	v35 =	vperm.xlane v35, v19;
	_ =	sdelay $0x1  }
0x1be: {  	[tilespmem:v43+s20+$0x0] =	vst.idx.msk $0xffff, v35  }
0x1bf: {  	v35 =	vld.idx.msk [tilespmem:v37+s15+$0x0], $0xffff  }
0x1c0: {  	v44 =	vor.u32 s30, v28  }
0x1c1: {  	v45 =	vor.u32 v18, v36;
	v37 =	vand.u32 $0x7F, v44  }
0x1c2: {  	v37 =	vor.u32 v37, v34;
	_ =	sdelay $0x1  }
0x1c3: {  	v35 =	vperm.xlane v35, v25;
	_ =	sdelay $0x1  }
0x1c4: {  	[tilespmem:v45+s20+$0x0] =	vst.idx.msk $0xffff, v35  }
0x1c5: {  	v35 =	vld.idx.msk [tilespmem:v37+s15+$0x0], $0xffff  }
0x1c6: {  	v46 =	vor.u32 s30, v21  }
0x1c7: {  	v47 =	vor.u32 v20, v36;
	v37 =	vand.u32 $0x7F, v46  }
0x1c8: {  	v37 =	vor.u32 v37, v34;
	_ =	sdelay $0x1  }
0x1c9: {  	v35 =	vperm.xlane v35, v31;
	_ =	sdelay $0x1  }
0x1ca: {  	[tilespmem:v47+s20+$0x0] =	vst.idx.msk $0xffff, v35  }
0x1cb: {  	v35 =	vld.idx.msk [tilespmem:v37+s15+$0x0], $0xffff  }
0x1cc: {  	v48 =	vor.u32 s30, v31  }
0x1cd: {  	v49 =	vor.u32 v23, v36;
	v37 =	vand.u32 $0x7F, v48  }
0x1ce: {  	v37 =	vor.u32 v37, v34;
	_ =	sdelay $0x1  }
0x1cf: {  	v35 =	vperm.xlane v35, v21;
	_ =	sdelay $0x1  }
0x1d0: {  	[tilespmem:v49+s20+$0x0] =	vst.idx.msk $0xffff, v35  }
0x1d1: {  	v35 =	vld.idx.msk [tilespmem:v37+s15+$0x0], $0xffff  }
0x1d2: {  	v50 =	vor.u32 s30, v25  }
0x1d3: {  	v51 =	vor.u32 v24, v36;
	v37 =	vand.u32 $0x7F, v50  }
0x1d4: {  	v37 =	vor.u32 v37, v34;
	_ =	sdelay $0x1  }
0x1d5: {  	v35 =	vperm.xlane v35, v28;
	_ =	sdelay $0x1  }
0x1d6: {  	[tilespmem:v51+s20+$0x0] =	vst.idx.msk $0xffff, v35  }
0x1d7: {  	v35 =	vld.idx.msk [tilespmem:v37+s15+$0x0], $0xffff  }
0x1d8: {  	v52 =	vor.u32 s30, v19  }
0x1d9: {  	v53 =	vor.u32 v26, v36;
	v37 =	vand.u32 $0x7F, v52  }
0x1da: {  	v37 =	vor.u32 v37, v34;
	_ =	sdelay $0x1  }
0x1db: {  	v35 =	vperm.xlane v35, v22;
	_ =	sdelay $0x1  }
0x1dc: {  	[tilespmem:v53+s20+$0x0] =	vst.idx.msk $0xffff, v35  }
0x1dd: {  	v35 =	vld.idx.msk [tilespmem:v37+s15+$0x0], $0xffff  }
0x1de: {  	v54 =	vor.u32 s30, v14  }
0x1df: {  	v55 =	vor.u32 v27, v36;
	v37 =	vand.u32 $0x7F, v54  }
0x1e0: {  	v37 =	vor.u32 v37, v34;
	_ =	sdelay $0x1  }
0x1e1: {  	v35 =	vperm.xlane v35, v16;
	_ =	sdelay $0x1  }
0x1e2: {  	[tilespmem:v55+s20+$0x0] =	vst.idx.msk $0xffff, v35  }
0x1e3: {  	v35 =	vld.idx.msk [tilespmem:v37+s15+$0x0], $0xffff  }
0x1e4: {  	v56 =	vor.u32 s30, v11  }
0x1e5: {  	v57 =	vor.u32 v29, v36;
	v37 =	vand.u32 $0x7F, v56  }
0x1e6: {  	v37 =	vor.u32 v37, v34;
	_ =	sdelay $0x1  }
0x1e7: {  	v35 =	vperm.xlane v35, v13;
	_ =	sdelay $0x1  }
0x1e8: {  	[tilespmem:v57+s20+$0x0] =	vst.idx.msk $0xffff, v35  }
0x1e9: {  	v35 =	vld.idx.msk [tilespmem:v37+s15+$0x0], $0xffff  }
0x1ea: {  	v58 =	vor.u32 s30, v8  }
0x1eb: {  	v59 =	vor.u32 v30, v36;
	v37 =	vand.u32 $0x7F, v58  }
0x1ec: {  	v37 =	vor.u32 v37, v34;
	_ =	sdelay $0x1  }
0x1ed: {  	v35 =	vperm.xlane v35, v10;
	_ =	sdelay $0x1  }
0x1ee: {  	[tilespmem:v59+s20+$0x0] =	vst.idx.msk $0xffff, v35  }
0x1ef: {  	v35 =	vld.idx.msk [tilespmem:v37+s15+$0x0], $0xffff  }
0x1f0: {  	v60 =	vor.u32 s30, v5  }
0x1f1: {  	v61 =	vor.u32 v32, v36;
	v37 =	vand.u32 $0x7F, v60  }
0x1f2: {  	v34 =	vor.u32 v37, v34;
	_ =	sdelay $0x1  }
0x1f3: {  	v35 =	vperm.xlane v35, v7  }
0x1f4: {  	s31 =	simm.s32 $0x10  }
0x1f5: {  	v62 =	vmov s31;
	[tilespmem:v61+s20+$0x0] =	vst.idx.msk $0xffff, v35  }
0x1f6: {  	v37 =	vld.idx.msk [tilespmem:v34+s15+$0x0], $0xffff;
	v34 =	vshll.u32 v62, $0x3  }
0x1f7: {  	v63 =	vor.u32 s31, v0;
	v34 =	vand.u32 $0x400, v34  }
0x1f8: {  	v36 =	vor.u32 v33, v36;
	v35 =	vand.u32 $0x7F, v63;
	v34 =	vor.u32 v1, v34  }
0x1f9: {  	v35 =	vor.u32 v35, v34;
	_ =	sdelay $0x1  }
0x1fa: {  	s2 =	simm.s32 $0x20;
	v37 =	vperm.xlane v37, v4  }
.LBB2_5:
0x1fb: {  	p2 =	sne.s32 s2, $0xF0  }
0x1fc: {  	s30 =	sadd.s32 $0x2, s30;
	s1 =	smov.u32 s2;
	s2 =	sadd.s32 $0x10, s2;
	[tilespmem:v36+s20+$0x0] =	vst.idx.msk $0xffff, v37  }
0x1fd: {  	v36 =	vld.idx.msk [tilespmem:v35+s15+$0x0], $0xffff;
	v35 =	vmov s30  }
0x1fe: {  	v35 =	vshll.u32 v35, $0x7  }
0x1ff: {  	v37 =	vor.u32 s31, v4;
	v35 =	vor.u32 v2, v35  }
0x200: {  	v37 =	vand.u32 $0x7F, v37;
	v38 =	vor.u32 v3, v35  }
0x201: {  	v37 =	vor.u32 v37, v34;
	_ =	sdelay $0x1  }
0x202: {  	v36 =	vperm.xlane v36, v0;
	_ =	sdelay $0x1  }
0x203: {  	[tilespmem:v38+s20+$0x0] =	vst.idx.msk $0xffff, v36  }
0x204: {  	v36 =	vld.idx.msk [tilespmem:v37+s15+$0x0], $0xffff;
	_ =	sdelay $0x1  }
0x205: {  	v37 =	vor.u32 s31, v7  }
0x206: {  	v38 =	vor.u32 v6, v35;
	v37 =	vand.u32 $0x7F, v37  }
0x207: {  	v37 =	vor.u32 v37, v34;
	_ =	sdelay $0x1  }
0x208: {  	v36 =	vperm.xlane v36, v5;
	_ =	sdelay $0x1  }
0x209: {  	[tilespmem:v38+s20+$0x0] =	vst.idx.msk $0xffff, v36  }
0x20a: {  	v36 =	vld.idx.msk [tilespmem:v37+s15+$0x0], $0xffff;
	_ =	sdelay $0x1  }
0x20b: {  	v37 =	vor.u32 s31, v10  }
0x20c: {  	v38 =	vor.u32 v9, v35;
	v37 =	vand.u32 $0x7F, v37  }
0x20d: {  	v37 =	vor.u32 v37, v34;
	_ =	sdelay $0x1  }
0x20e: {  	v36 =	vperm.xlane v36, v8;
	_ =	sdelay $0x1  }
0x20f: {  	[tilespmem:v38+s20+$0x0] =	vst.idx.msk $0xffff, v36  }
0x210: {  	v36 =	vld.idx.msk [tilespmem:v37+s15+$0x0], $0xffff;
	_ =	sdelay $0x1  }
0x211: {  	v37 =	vor.u32 s31, v13  }
0x212: {  	v38 =	vor.u32 v12, v35;
	v37 =	vand.u32 $0x7F, v37  }
0x213: {  	v37 =	vor.u32 v37, v34;
	_ =	sdelay $0x1  }
0x214: {  	v36 =	vperm.xlane v36, v11;
	_ =	sdelay $0x1  }
0x215: {  	[tilespmem:v38+s20+$0x0] =	vst.idx.msk $0xffff, v36  }
0x216: {  	v36 =	vld.idx.msk [tilespmem:v37+s15+$0x0], $0xffff;
	_ =	sdelay $0x1  }
0x217: {  	v37 =	vor.u32 s31, v16  }
0x218: {  	v38 =	vor.u32 v15, v35;
	v37 =	vand.u32 $0x7F, v37  }
0x219: {  	v37 =	vor.u32 v37, v34;
	_ =	sdelay $0x1  }
0x21a: {  	v36 =	vperm.xlane v36, v14;
	_ =	sdelay $0x1  }
0x21b: {  	[tilespmem:v38+s20+$0x0] =	vst.idx.msk $0xffff, v36  }
0x21c: {  	v36 =	vld.idx.msk [tilespmem:v37+s15+$0x0], $0xffff;
	_ =	sdelay $0x1  }
0x21d: {  	v37 =	vor.u32 s31, v22  }
0x21e: {  	v38 =	vor.u32 v17, v35;
	v37 =	vand.u32 $0x7F, v37  }
0x21f: {  	v37 =	vor.u32 v37, v34;
	_ =	sdelay $0x1  }
0x220: {  	v36 =	vperm.xlane v36, v19;
	_ =	sdelay $0x1  }
0x221: {  	[tilespmem:v38+s20+$0x0] =	vst.idx.msk $0xffff, v36  }
0x222: {  	v36 =	vld.idx.msk [tilespmem:v37+s15+$0x0], $0xffff;
	_ =	sdelay $0x1  }
0x223: {  	v37 =	vor.u32 s31, v28  }
0x224: {  	v38 =	vor.u32 v18, v35;
	v37 =	vand.u32 $0x7F, v37  }
0x225: {  	v37 =	vor.u32 v37, v34;
	_ =	sdelay $0x1  }
0x226: {  	v36 =	vperm.xlane v36, v25;
	_ =	sdelay $0x1  }
0x227: {  	[tilespmem:v38+s20+$0x0] =	vst.idx.msk $0xffff, v36  }
0x228: {  	v36 =	vld.idx.msk [tilespmem:v37+s15+$0x0], $0xffff;
	_ =	sdelay $0x1  }
0x229: {  	v37 =	vor.u32 s31, v21  }
0x22a: {  	v38 =	vor.u32 v20, v35;
	v37 =	vand.u32 $0x7F, v37  }
0x22b: {  	v37 =	vor.u32 v37, v34;
	_ =	sdelay $0x1  }
0x22c: {  	v36 =	vperm.xlane v36, v31;
	_ =	sdelay $0x1  }
0x22d: {  	[tilespmem:v38+s20+$0x0] =	vst.idx.msk $0xffff, v36  }
0x22e: {  	v36 =	vld.idx.msk [tilespmem:v37+s15+$0x0], $0xffff;
	_ =	sdelay $0x1  }
0x22f: {  	v37 =	vor.u32 s31, v31  }
0x230: {  	v38 =	vor.u32 v23, v35;
	v37 =	vand.u32 $0x7F, v37  }
0x231: {  	v37 =	vor.u32 v37, v34;
	_ =	sdelay $0x1  }
0x232: {  	v36 =	vperm.xlane v36, v21;
	_ =	sdelay $0x1  }
0x233: {  	[tilespmem:v38+s20+$0x0] =	vst.idx.msk $0xffff, v36  }
0x234: {  	v36 =	vld.idx.msk [tilespmem:v37+s15+$0x0], $0xffff;
	_ =	sdelay $0x1  }
0x235: {  	v37 =	vor.u32 s31, v25  }
0x236: {  	v38 =	vor.u32 v24, v35;
	v37 =	vand.u32 $0x7F, v37  }
0x237: {  	v37 =	vor.u32 v37, v34;
	_ =	sdelay $0x1  }
0x238: {  	v36 =	vperm.xlane v36, v28;
	_ =	sdelay $0x1  }
0x239: {  	[tilespmem:v38+s20+$0x0] =	vst.idx.msk $0xffff, v36  }
0x23a: {  	v36 =	vld.idx.msk [tilespmem:v37+s15+$0x0], $0xffff;
	_ =	sdelay $0x1  }
0x23b: {  	v37 =	vor.u32 s31, v19  }
0x23c: {  	v38 =	vor.u32 v26, v35;
	v37 =	vand.u32 $0x7F, v37  }
0x23d: {  	v37 =	vor.u32 v37, v34;
	_ =	sdelay $0x1  }
0x23e: {  	v36 =	vperm.xlane v36, v22;
	_ =	sdelay $0x1  }
0x23f: {  	[tilespmem:v38+s20+$0x0] =	vst.idx.msk $0xffff, v36  }
0x240: {  	v36 =	vld.idx.msk [tilespmem:v37+s15+$0x0], $0xffff;
	_ =	sdelay $0x1  }
0x241: {  	v37 =	vor.u32 s31, v14  }
0x242: {  	v38 =	vor.u32 v27, v35;
	v37 =	vand.u32 $0x7F, v37  }
0x243: {  	v37 =	vor.u32 v37, v34;
	_ =	sdelay $0x1  }
0x244: {  	v36 =	vperm.xlane v36, v16;
	_ =	sdelay $0x1  }
0x245: {  	[tilespmem:v38+s20+$0x0] =	vst.idx.msk $0xffff, v36  }
0x246: {  	v36 =	vld.idx.msk [tilespmem:v37+s15+$0x0], $0xffff;
	_ =	sdelay $0x1  }
0x247: {  	v37 =	vor.u32 s31, v11  }
0x248: {  	v38 =	vor.u32 v29, v35;
	v37 =	vand.u32 $0x7F, v37  }
0x249: {  	v37 =	vor.u32 v37, v34;
	_ =	sdelay $0x1  }
0x24a: {  	v36 =	vperm.xlane v36, v13;
	_ =	sdelay $0x1  }
0x24b: {  	[tilespmem:v38+s20+$0x0] =	vst.idx.msk $0xffff, v36  }
0x24c: {  	v36 =	vld.idx.msk [tilespmem:v37+s15+$0x0], $0xffff;
	_ =	sdelay $0x1  }
0x24d: {  	v37 =	vor.u32 s31, v8  }
0x24e: {  	v38 =	vor.u32 v30, v35;
	v37 =	vand.u32 $0x7F, v37  }
0x24f: {  	v37 =	vor.u32 v37, v34;
	_ =	sdelay $0x1  }
0x250: {  	v36 =	vperm.xlane v36, v10;
	_ =	sdelay $0x1  }
0x251: {  	[tilespmem:v38+s20+$0x0] =	vst.idx.msk $0xffff, v36  }
0x252: {  	v36 =	vld.idx.msk [tilespmem:v37+s15+$0x0], $0xffff;
	_ =	sdelay $0x1  }
0x253: {  	v37 =	vor.u32 s31, v5;
	s31 =	smov.u32 s1  }
0x254: {  	v38 =	vor.u32 v32, v35;
	v37 =	vand.u32 $0x7F, v37  }
0x255: {  	v34 =	vor.u32 v37, v34;
	_ =	sdelay $0x1  }
0x256: {  	v36 =	vperm.xlane v36, v7;
	_ =	sdelay $0x1  }
0x257: {  	[tilespmem:v38+s20+$0x0] =	vst.idx.msk $0xffff, v36  }
0x258: {  	v36 =	vmov s31;
	v37 =	vld.idx.msk [tilespmem:v34+s15+$0x0], $0xffff  }
0x259: {  	v34 =	vshll.u32 v36, $0x3  }
.Ltmp6:
0x25a: {  	v36 =	vor.u32 s31, v0;
	v34 =	vand.u32 $0x400, v34;
	(pc) =	sbr.rel @p2 .LBB2_5-.Ltmp6, $3  }
0x25b: {  	v38 =	vand.u32 $0x7F, v36;
	v36 =	vor.u32 v33, v35;
	v34 =	vor.u32 v1, v34  }
0x25c: {  	v35 =	vor.u32 v38, v34;
	_ =	sdelay $0x1  }
0x25d: {  	v37 =	vperm.xlane v37, v4  }
0x25e: {  	_ =	sdelay $0x2  }
0x25f: {  	s0 =	sadd.s32 $0x2, s30  }
0x260: {  	[tilespmem:v36+s20+$0x0] =	vst.idx.msk $0xffff, v37;
	v56 =	vmov s0  }
0x261: {  	v35 =	vld.idx.msk [tilespmem:v35+s15+$0x0], $0xffff;
	v36 =	vshll.u32 v56, $0x7  }
0x262: {  	v57 =	vor.u32 s31, v4;
	v36 =	vor.u32 v2, v36  }
0x263: {  	v37 =	vand.u32 $0x7F, v57;
	v38 =	vor.u32 v3, v36  }
0x264: {  	v37 =	vor.u32 v37, v34;
	_ =	sdelay $0x1  }
0x265: {  	v35 =	vperm.xlane v35, v0;
	_ =	sdelay $0x1  }
0x266: {  	[tilespmem:v38+s20+$0x0] =	vst.idx.msk $0xffff, v35  }
0x267: {  	v35 =	vld.idx.msk [tilespmem:v37+s15+$0x0], $0xffff  }
0x268: {  	v58 =	vor.u32 s31, v7  }
0x269: {  	v59 =	vor.u32 v6, v36;
	v37 =	vand.u32 $0x7F, v58  }
0x26a: {  	v37 =	vor.u32 v37, v34;
	_ =	sdelay $0x1  }
0x26b: {  	v35 =	vperm.xlane v35, v5;
	_ =	sdelay $0x1  }
0x26c: {  	[tilespmem:v59+s20+$0x0] =	vst.idx.msk $0xffff, v35  }
0x26d: {  	v35 =	vld.idx.msk [tilespmem:v37+s15+$0x0], $0xffff  }
0x26e: {  	v60 =	vor.u32 s31, v10  }
0x26f: {  	v61 =	vor.u32 v9, v36;
	v37 =	vand.u32 $0x7F, v60  }
0x270: {  	v37 =	vor.u32 v37, v34;
	_ =	sdelay $0x1  }
0x271: {  	v35 =	vperm.xlane v35, v8;
	_ =	sdelay $0x1  }
0x272: {  	[tilespmem:v61+s20+$0x0] =	vst.idx.msk $0xffff, v35  }
0x273: {  	v35 =	vld.idx.msk [tilespmem:v37+s15+$0x0], $0xffff  }
0x274: {  	v62 =	vor.u32 s31, v13  }
0x275: {  	v63 =	vor.u32 v12, v36;
	v37 =	vand.u32 $0x7F, v62  }
0x276: {  	v37 =	vor.u32 v37, v34;
	_ =	sdelay $0x1  }
0x277: {  	v35 =	vperm.xlane v35, v11;
	_ =	sdelay $0x1  }
0x278: {  	[tilespmem:v63+s20+$0x0] =	vst.idx.msk $0xffff, v35  }
0x279: {  	v35 =	vld.idx.msk [tilespmem:v37+s15+$0x0], $0xffff  }
0x27a: {  	v40 =	vor.u32 s31, v16  }
0x27b: {  	v41 =	vor.u32 v15, v36;
	v37 =	vand.u32 $0x7F, v40  }
0x27c: {  	v37 =	vor.u32 v37, v34;
	_ =	sdelay $0x1  }
0x27d: {  	v35 =	vperm.xlane v35, v14;
	_ =	sdelay $0x1  }
0x27e: {  	[tilespmem:v41+s20+$0x0] =	vst.idx.msk $0xffff, v35  }
0x27f: {  	v35 =	vld.idx.msk [tilespmem:v37+s15+$0x0], $0xffff  }
0x280: {  	v42 =	vor.u32 s31, v22  }
0x281: {  	v43 =	vor.u32 v17, v36;
	v37 =	vand.u32 $0x7F, v42  }
0x282: {  	v37 =	vor.u32 v37, v34;
	_ =	sdelay $0x1  }
0x283: {  	v35 =	vperm.xlane v35, v19;
	_ =	sdelay $0x1  }
0x284: {  	[tilespmem:v43+s20+$0x0] =	vst.idx.msk $0xffff, v35  }
0x285: {  	v35 =	vld.idx.msk [tilespmem:v37+s15+$0x0], $0xffff  }
0x286: {  	v44 =	vor.u32 s31, v28  }
0x287: {  	v45 =	vor.u32 v18, v36;
	v37 =	vand.u32 $0x7F, v44  }
0x288: {  	v37 =	vor.u32 v37, v34;
	_ =	sdelay $0x1  }
0x289: {  	v35 =	vperm.xlane v35, v25;
	_ =	sdelay $0x1  }
0x28a: {  	[tilespmem:v45+s20+$0x0] =	vst.idx.msk $0xffff, v35  }
0x28b: {  	v35 =	vld.idx.msk [tilespmem:v37+s15+$0x0], $0xffff  }
0x28c: {  	v46 =	vor.u32 s31, v21  }
0x28d: {  	v47 =	vor.u32 v20, v36;
	v37 =	vand.u32 $0x7F, v46  }
0x28e: {  	v37 =	vor.u32 v37, v34;
	_ =	sdelay $0x1  }
0x28f: {  	v35 =	vperm.xlane v35, v31;
	_ =	sdelay $0x1  }
0x290: {  	[tilespmem:v47+s20+$0x0] =	vst.idx.msk $0xffff, v35  }
0x291: {  	v35 =	vld.idx.msk [tilespmem:v37+s15+$0x0], $0xffff  }
0x292: {  	v48 =	vor.u32 s31, v31  }
0x293: {  	v49 =	vor.u32 v23, v36;
	v37 =	vand.u32 $0x7F, v48  }
0x294: {  	v37 =	vor.u32 v37, v34;
	_ =	sdelay $0x1  }
0x295: {  	v35 =	vperm.xlane v35, v21;
	_ =	sdelay $0x1  }
0x296: {  	[tilespmem:v49+s20+$0x0] =	vst.idx.msk $0xffff, v35  }
0x297: {  	v35 =	vld.idx.msk [tilespmem:v37+s15+$0x0], $0xffff  }
0x298: {  	v50 =	vor.u32 s31, v25  }
0x299: {  	v51 =	vor.u32 v24, v36;
	v37 =	vand.u32 $0x7F, v50  }
0x29a: {  	v37 =	vor.u32 v37, v34;
	_ =	sdelay $0x1  }
0x29b: {  	v35 =	vperm.xlane v35, v28;
	_ =	sdelay $0x1  }
0x29c: {  	[tilespmem:v51+s20+$0x0] =	vst.idx.msk $0xffff, v35  }
0x29d: {  	v35 =	vld.idx.msk [tilespmem:v37+s15+$0x0], $0xffff  }
0x29e: {  	v52 =	vor.u32 s31, v19  }
0x29f: {  	v53 =	vor.u32 v26, v36;
	v37 =	vand.u32 $0x7F, v52  }
0x2a0: {  	v37 =	vor.u32 v37, v34;
	_ =	sdelay $0x1  }
0x2a1: {  	v35 =	vperm.xlane v35, v22;
	_ =	sdelay $0x1  }
0x2a2: {  	[tilespmem:v53+s20+$0x0] =	vst.idx.msk $0xffff, v35  }
0x2a3: {  	v35 =	vld.idx.msk [tilespmem:v37+s15+$0x0], $0xffff  }
0x2a4: {  	v54 =	vor.u32 s31, v14  }
0x2a5: {  	v55 =	vor.u32 v27, v36;
	v37 =	vand.u32 $0x7F, v54  }
0x2a6: {  	v37 =	vor.u32 v37, v34;
	_ =	sdelay $0x1  }
0x2a7: {  	v35 =	vperm.xlane v35, v16;
	_ =	sdelay $0x1  }
0x2a8: {  	[tilespmem:v55+s20+$0x0] =	vst.idx.msk $0xffff, v35  }
0x2a9: {  	v35 =	vld.idx.msk [tilespmem:v37+s15+$0x0], $0xffff  }
0x2aa: {  	v56 =	vor.u32 s31, v11  }
0x2ab: {  	v57 =	vor.u32 v29, v36;
	v37 =	vand.u32 $0x7F, v56  }
0x2ac: {  	v37 =	vor.u32 v37, v34;
	_ =	sdelay $0x1  }
0x2ad: {  	v35 =	vperm.xlane v35, v13;
	_ =	sdelay $0x1  }
0x2ae: {  	[tilespmem:v57+s20+$0x0] =	vst.idx.msk $0xffff, v35  }
0x2af: {  	v35 =	vld.idx.msk [tilespmem:v37+s15+$0x0], $0xffff  }
0x2b0: {  	v58 =	vor.u32 s31, v8  }
0x2b1: {  	v59 =	vor.u32 v30, v36;
	v37 =	vand.u32 $0x7F, v58  }
0x2b2: {  	v37 =	vor.u32 v37, v34;
	_ =	sdelay $0x1  }
0x2b3: {  	v35 =	vperm.xlane v35, v10;
	_ =	sdelay $0x1  }
0x2b4: {  	[tilespmem:v59+s20+$0x0] =	vst.idx.msk $0xffff, v35  }
0x2b5: {  	v35 =	vld.idx.msk [tilespmem:v37+s15+$0x0], $0xffff  }
0x2b6: {  	v60 =	vor.u32 s31, v5  }
0x2b7: {  	v61 =	vor.u32 v32, v36;
	v37 =	vand.u32 $0x7F, v60  }
0x2b8: {  	v62 =	vor.u32 v37, v34;
	_ =	sdelay $0x1  }
0x2b9: {  	v35 =	vperm.xlane v35, v7;
	_ =	sdelay $0x1  }
0x2ba: {  	[tilespmem:v61+s20+$0x0] =	vst.idx.msk $0xffff, v35  }
0x2bb: {  	v34 =	vld.idx.msk [tilespmem:v62+s15+$0x0], $0xffff;
	_ =	sdelay $0x1  }
0x2bc: {  	v63 =	vor.u32 v33, v36;
	_ =	sdelay $0x2  }
0x2bd: {  	s0 =	sadd.s32 $0x5, s28;
	v34 =	vperm.xlane v34, v4  }
0x2be: {  	p2 =	sge.u32 s0, s4  }
0x2bf: {  	s0 =	sshll.u32 @!p2 s0, $0xD;
	s1 =	simm.s32 @!p2 $0x800;
	s31 =	sadd.s32 $0x4000, s29;
	[tilespmem:v63+s20+$0x0] =	vst.idx.msk $0xffff, v34  }
0x2c0: {  	[hbm4b:s31+s3] =	stream.linear.scatter [tilespmem:s20], [sflag:$0x2], $0x1000, $0x38;
	[tilespmem:$0x8000] =	vst v63  }
0x2c1: {  	s2 =	simm.s32 @!p2 $0x7A1400;
	s0 =	sadd.s32 @!p2 s0, s5;
	s29 =	simm.s32 @!p2 $0x1000  }
0x2c2: {  	[tilespmem:s29], [sflag:$0x1] =	stream.strided.gather @!p2 [hbm4b:s0+s1], $0x1000, s2, s1, $0x38;
	[tilespmem:$0x8000] =	vst v63  }
0x2c3: {  	s29 =	sor.u32 $0x2, s28  }
0x2c4: {  	p2 =	sge.u32 s29, s4  }
.Ltmp7:
0x2c5: {  	_ = 	snop;
	(pc) =	sbr.rel @p2 .LBB2_10-.Ltmp7, $1  }
0x2c6: {  	_ =	sdelay $0x3  }
0x2c7: {  	s30 =	simm.s32 $0x0  }
0x2c8: {  	v34 =	vmov s30  }
0x2c9: {  	v34 =	vshll.u32 v34, $0x3  }
0x2ca: {  	v35 =	vor.u32 s30, v0;
	v34 =	vand.u32 $0x400, v34  }
0x2cb: {  	_ =	swait.ge [sflag:s18], $0x1000;
	v35 =	vand.u32 $0x7F, v35;
	v34 =	vor.u32 v1, v34  }
0x2cc: {  	[sflag:s18] =	ssyncset.done $0x0;
	v35 =	vor.u32 v35, v34  }
0x2cd: {  	s0 =	simm.s32 @!p1 $0x2;
	[sflag:s18] =	ssyncadd.s32 $0xFFFFF000  }
0x2ce: {  	_ =	swait.ge @!p1 [sflag:s0], $0x1000  }
0x2cf: {  	[sflag:s0] =	ssyncset.done @!p1 $0x0  }
0x2d0: {  	v36 =	vmov s30;
	[sflag:s0] =	ssyncadd.s32 @!p1 $0xFFFFF000  }
0x2d1: {  	v36 =	vshll.u32 v36, $0x7;
	v35 =	vld.idx.msk [tilespmem:v35+s16+$0x0], $0xffff  }
0x2d2: {  	v37 =	vor.u32 s30, v4;
	v36 =	vor.u32 v2, v36  }
0x2d3: {  	v37 =	vand.u32 $0x7F, v37;
	v38 =	vor.u32 v3, v36  }
0x2d4: {  	v37 =	vor.u32 v37, v34;
	_ =	sdelay $0x1  }
0x2d5: {  	v35 =	vperm.xlane v35, v0;
	_ =	sdelay $0x1  }
0x2d6: {  	[tilespmem:v38+s21+$0x0] =	vst.idx.msk $0xffff, v35  }
0x2d7: {  	v35 =	vld.idx.msk [tilespmem:v37+s16+$0x0], $0xffff  }
0x2d8: {  	v58 =	vor.u32 s30, v7  }
0x2d9: {  	v59 =	vor.u32 v6, v36;
	v37 =	vand.u32 $0x7F, v58  }
0x2da: {  	v37 =	vor.u32 v37, v34;
	_ =	sdelay $0x1  }
0x2db: {  	v35 =	vperm.xlane v35, v5;
	_ =	sdelay $0x1  }
0x2dc: {  	[tilespmem:v59+s21+$0x0] =	vst.idx.msk $0xffff, v35  }
0x2dd: {  	v35 =	vld.idx.msk [tilespmem:v37+s16+$0x0], $0xffff  }
0x2de: {  	v60 =	vor.u32 s30, v10  }
0x2df: {  	v61 =	vor.u32 v9, v36;
	v37 =	vand.u32 $0x7F, v60  }
0x2e0: {  	v37 =	vor.u32 v37, v34;
	_ =	sdelay $0x1  }
0x2e1: {  	v35 =	vperm.xlane v35, v8;
	_ =	sdelay $0x1  }
0x2e2: {  	[tilespmem:v61+s21+$0x0] =	vst.idx.msk $0xffff, v35  }
0x2e3: {  	v35 =	vld.idx.msk [tilespmem:v37+s16+$0x0], $0xffff  }
0x2e4: {  	v62 =	vor.u32 s30, v13  }
0x2e5: {  	v63 =	vor.u32 v12, v36;
	v37 =	vand.u32 $0x7F, v62  }
0x2e6: {  	v37 =	vor.u32 v37, v34;
	_ =	sdelay $0x1  }
0x2e7: {  	v35 =	vperm.xlane v35, v11;
	_ =	sdelay $0x1  }
0x2e8: {  	[tilespmem:v63+s21+$0x0] =	vst.idx.msk $0xffff, v35  }
0x2e9: {  	v35 =	vld.idx.msk [tilespmem:v37+s16+$0x0], $0xffff  }
0x2ea: {  	v40 =	vor.u32 s30, v16  }
0x2eb: {  	v41 =	vor.u32 v15, v36;
	v37 =	vand.u32 $0x7F, v40  }
0x2ec: {  	v37 =	vor.u32 v37, v34;
	_ =	sdelay $0x1  }
0x2ed: {  	v35 =	vperm.xlane v35, v14;
	_ =	sdelay $0x1  }
0x2ee: {  	[tilespmem:v41+s21+$0x0] =	vst.idx.msk $0xffff, v35  }
0x2ef: {  	v35 =	vld.idx.msk [tilespmem:v37+s16+$0x0], $0xffff  }
0x2f0: {  	v42 =	vor.u32 s30, v22  }
0x2f1: {  	v43 =	vor.u32 v17, v36;
	v37 =	vand.u32 $0x7F, v42  }
0x2f2: {  	v37 =	vor.u32 v37, v34;
	_ =	sdelay $0x1  }
0x2f3: {  	v35 =	vperm.xlane v35, v19;
	_ =	sdelay $0x1  }
0x2f4: {  	[tilespmem:v43+s21+$0x0] =	vst.idx.msk $0xffff, v35  }
0x2f5: {  	v35 =	vld.idx.msk [tilespmem:v37+s16+$0x0], $0xffff  }
0x2f6: {  	v44 =	vor.u32 s30, v28  }
0x2f7: {  	v45 =	vor.u32 v18, v36;
	v37 =	vand.u32 $0x7F, v44  }
0x2f8: {  	v37 =	vor.u32 v37, v34;
	_ =	sdelay $0x1  }
0x2f9: {  	v35 =	vperm.xlane v35, v25;
	_ =	sdelay $0x1  }
0x2fa: {  	[tilespmem:v45+s21+$0x0] =	vst.idx.msk $0xffff, v35  }
0x2fb: {  	v35 =	vld.idx.msk [tilespmem:v37+s16+$0x0], $0xffff  }
0x2fc: {  	v46 =	vor.u32 s30, v21  }
0x2fd: {  	v47 =	vor.u32 v20, v36;
	v37 =	vand.u32 $0x7F, v46  }
0x2fe: {  	v37 =	vor.u32 v37, v34;
	_ =	sdelay $0x1  }
0x2ff: {  	v35 =	vperm.xlane v35, v31;
	_ =	sdelay $0x1  }
0x300: {  	[tilespmem:v47+s21+$0x0] =	vst.idx.msk $0xffff, v35  }
0x301: {  	v35 =	vld.idx.msk [tilespmem:v37+s16+$0x0], $0xffff  }
0x302: {  	v48 =	vor.u32 s30, v31  }
0x303: {  	v49 =	vor.u32 v23, v36;
	v37 =	vand.u32 $0x7F, v48  }
0x304: {  	v37 =	vor.u32 v37, v34;
	_ =	sdelay $0x1  }
0x305: {  	v35 =	vperm.xlane v35, v21;
	_ =	sdelay $0x1  }
0x306: {  	[tilespmem:v49+s21+$0x0] =	vst.idx.msk $0xffff, v35  }
0x307: {  	v35 =	vld.idx.msk [tilespmem:v37+s16+$0x0], $0xffff  }
0x308: {  	v50 =	vor.u32 s30, v25  }
0x309: {  	v51 =	vor.u32 v24, v36;
	v37 =	vand.u32 $0x7F, v50  }
0x30a: {  	v37 =	vor.u32 v37, v34;
	_ =	sdelay $0x1  }
0x30b: {  	v35 =	vperm.xlane v35, v28;
	_ =	sdelay $0x1  }
0x30c: {  	[tilespmem:v51+s21+$0x0] =	vst.idx.msk $0xffff, v35  }
0x30d: {  	v35 =	vld.idx.msk [tilespmem:v37+s16+$0x0], $0xffff  }
0x30e: {  	v52 =	vor.u32 s30, v19  }
0x30f: {  	v53 =	vor.u32 v26, v36;
	v37 =	vand.u32 $0x7F, v52  }
0x310: {  	v37 =	vor.u32 v37, v34;
	_ =	sdelay $0x1  }
0x311: {  	v35 =	vperm.xlane v35, v22;
	_ =	sdelay $0x1  }
0x312: {  	[tilespmem:v53+s21+$0x0] =	vst.idx.msk $0xffff, v35  }
0x313: {  	v35 =	vld.idx.msk [tilespmem:v37+s16+$0x0], $0xffff  }
0x314: {  	v54 =	vor.u32 s30, v14  }
0x315: {  	v55 =	vor.u32 v27, v36;
	v37 =	vand.u32 $0x7F, v54  }
0x316: {  	v37 =	vor.u32 v37, v34;
	_ =	sdelay $0x1  }
0x317: {  	v35 =	vperm.xlane v35, v16;
	_ =	sdelay $0x1  }
0x318: {  	[tilespmem:v55+s21+$0x0] =	vst.idx.msk $0xffff, v35  }
0x319: {  	v35 =	vld.idx.msk [tilespmem:v37+s16+$0x0], $0xffff  }
0x31a: {  	v56 =	vor.u32 s30, v11  }
0x31b: {  	v57 =	vor.u32 v29, v36;
	v37 =	vand.u32 $0x7F, v56  }
0x31c: {  	v37 =	vor.u32 v37, v34;
	_ =	sdelay $0x1  }
0x31d: {  	v35 =	vperm.xlane v35, v13;
	_ =	sdelay $0x1  }
0x31e: {  	[tilespmem:v57+s21+$0x0] =	vst.idx.msk $0xffff, v35  }
0x31f: {  	v35 =	vld.idx.msk [tilespmem:v37+s16+$0x0], $0xffff  }
0x320: {  	v58 =	vor.u32 s30, v8  }
0x321: {  	v59 =	vor.u32 v30, v36;
	v37 =	vand.u32 $0x7F, v58  }
0x322: {  	v37 =	vor.u32 v37, v34;
	_ =	sdelay $0x1  }
0x323: {  	v35 =	vperm.xlane v35, v10;
	_ =	sdelay $0x1  }
0x324: {  	[tilespmem:v59+s21+$0x0] =	vst.idx.msk $0xffff, v35  }
0x325: {  	v35 =	vld.idx.msk [tilespmem:v37+s16+$0x0], $0xffff  }
0x326: {  	v60 =	vor.u32 s30, v5  }
0x327: {  	v61 =	vor.u32 v32, v36;
	v37 =	vand.u32 $0x7F, v60  }
0x328: {  	v34 =	vor.u32 v37, v34;
	_ =	sdelay $0x1  }
0x329: {  	v35 =	vperm.xlane v35, v7  }
0x32a: {  	s31 =	simm.s32 $0x10  }
0x32b: {  	v62 =	vmov s31;
	[tilespmem:v61+s21+$0x0] =	vst.idx.msk $0xffff, v35  }
0x32c: {  	v37 =	vld.idx.msk [tilespmem:v34+s16+$0x0], $0xffff;
	v34 =	vshll.u32 v62, $0x3  }
0x32d: {  	v63 =	vor.u32 s31, v0;
	v34 =	vand.u32 $0x400, v34  }
0x32e: {  	v36 =	vor.u32 v33, v36;
	v35 =	vand.u32 $0x7F, v63;
	v34 =	vor.u32 v1, v34  }
0x32f: {  	v35 =	vor.u32 v35, v34;
	_ =	sdelay $0x1  }
0x330: {  	s2 =	simm.s32 $0x20;
	v37 =	vperm.xlane v37, v4  }
.LBB2_8:
0x331: {  	p2 =	sne.s32 s2, $0xF0  }
0x332: {  	s30 =	sadd.s32 $0x2, s30;
	s1 =	smov.u32 s2;
	s2 =	sadd.s32 $0x10, s2;
	[tilespmem:v36+s21+$0x0] =	vst.idx.msk $0xffff, v37  }
0x333: {  	v36 =	vld.idx.msk [tilespmem:v35+s16+$0x0], $0xffff;
	v35 =	vmov s30  }
0x334: {  	v35 =	vshll.u32 v35, $0x7  }
0x335: {  	v37 =	vor.u32 s31, v4;
	v35 =	vor.u32 v2, v35  }
0x336: {  	v37 =	vand.u32 $0x7F, v37;
	v38 =	vor.u32 v3, v35  }
0x337: {  	v37 =	vor.u32 v37, v34;
	_ =	sdelay $0x1  }
0x338: {  	v36 =	vperm.xlane v36, v0;
	_ =	sdelay $0x1  }
0x339: {  	[tilespmem:v38+s21+$0x0] =	vst.idx.msk $0xffff, v36  }
0x33a: {  	v36 =	vld.idx.msk [tilespmem:v37+s16+$0x0], $0xffff;
	_ =	sdelay $0x1  }
0x33b: {  	v37 =	vor.u32 s31, v7  }
0x33c: {  	v38 =	vor.u32 v6, v35;
	v37 =	vand.u32 $0x7F, v37  }
0x33d: {  	v37 =	vor.u32 v37, v34;
	_ =	sdelay $0x1  }
0x33e: {  	v36 =	vperm.xlane v36, v5;
	_ =	sdelay $0x1  }
0x33f: {  	[tilespmem:v38+s21+$0x0] =	vst.idx.msk $0xffff, v36  }
0x340: {  	v36 =	vld.idx.msk [tilespmem:v37+s16+$0x0], $0xffff;
	_ =	sdelay $0x1  }
0x341: {  	v37 =	vor.u32 s31, v10  }
0x342: {  	v38 =	vor.u32 v9, v35;
	v37 =	vand.u32 $0x7F, v37  }
0x343: {  	v37 =	vor.u32 v37, v34;
	_ =	sdelay $0x1  }
0x344: {  	v36 =	vperm.xlane v36, v8;
	_ =	sdelay $0x1  }
0x345: {  	[tilespmem:v38+s21+$0x0] =	vst.idx.msk $0xffff, v36  }
0x346: {  	v36 =	vld.idx.msk [tilespmem:v37+s16+$0x0], $0xffff;
	_ =	sdelay $0x1  }
0x347: {  	v37 =	vor.u32 s31, v13  }
0x348: {  	v38 =	vor.u32 v12, v35;
	v37 =	vand.u32 $0x7F, v37  }
0x349: {  	v37 =	vor.u32 v37, v34;
	_ =	sdelay $0x1  }
0x34a: {  	v36 =	vperm.xlane v36, v11;
	_ =	sdelay $0x1  }
0x34b: {  	[tilespmem:v38+s21+$0x0] =	vst.idx.msk $0xffff, v36  }
0x34c: {  	v36 =	vld.idx.msk [tilespmem:v37+s16+$0x0], $0xffff;
	_ =	sdelay $0x1  }
0x34d: {  	v37 =	vor.u32 s31, v16  }
0x34e: {  	v38 =	vor.u32 v15, v35;
	v37 =	vand.u32 $0x7F, v37  }
0x34f: {  	v37 =	vor.u32 v37, v34;
	_ =	sdelay $0x1  }
0x350: {  	v36 =	vperm.xlane v36, v14;
	_ =	sdelay $0x1  }
0x351: {  	[tilespmem:v38+s21+$0x0] =	vst.idx.msk $0xffff, v36  }
0x352: {  	v36 =	vld.idx.msk [tilespmem:v37+s16+$0x0], $0xffff;
	_ =	sdelay $0x1  }
0x353: {  	v37 =	vor.u32 s31, v22  }
0x354: {  	v38 =	vor.u32 v17, v35;
	v37 =	vand.u32 $0x7F, v37  }
0x355: {  	v37 =	vor.u32 v37, v34;
	_ =	sdelay $0x1  }
0x356: {  	v36 =	vperm.xlane v36, v19;
	_ =	sdelay $0x1  }
0x357: {  	[tilespmem:v38+s21+$0x0] =	vst.idx.msk $0xffff, v36  }
0x358: {  	v36 =	vld.idx.msk [tilespmem:v37+s16+$0x0], $0xffff;
	_ =	sdelay $0x1  }
0x359: {  	v37 =	vor.u32 s31, v28  }
0x35a: {  	v38 =	vor.u32 v18, v35;
	v37 =	vand.u32 $0x7F, v37  }
0x35b: {  	v37 =	vor.u32 v37, v34;
	_ =	sdelay $0x1  }
0x35c: {  	v36 =	vperm.xlane v36, v25;
	_ =	sdelay $0x1  }
0x35d: {  	[tilespmem:v38+s21+$0x0] =	vst.idx.msk $0xffff, v36  }
0x35e: {  	v36 =	vld.idx.msk [tilespmem:v37+s16+$0x0], $0xffff;
	_ =	sdelay $0x1  }
0x35f: {  	v37 =	vor.u32 s31, v21  }
0x360: {  	v38 =	vor.u32 v20, v35;
	v37 =	vand.u32 $0x7F, v37  }
0x361: {  	v37 =	vor.u32 v37, v34;
	_ =	sdelay $0x1  }
0x362: {  	v36 =	vperm.xlane v36, v31;
	_ =	sdelay $0x1  }
0x363: {  	[tilespmem:v38+s21+$0x0] =	vst.idx.msk $0xffff, v36  }
0x364: {  	v36 =	vld.idx.msk [tilespmem:v37+s16+$0x0], $0xffff;
	_ =	sdelay $0x1  }
0x365: {  	v37 =	vor.u32 s31, v31  }
0x366: {  	v38 =	vor.u32 v23, v35;
	v37 =	vand.u32 $0x7F, v37  }
0x367: {  	v37 =	vor.u32 v37, v34;
	_ =	sdelay $0x1  }
0x368: {  	v36 =	vperm.xlane v36, v21;
	_ =	sdelay $0x1  }
0x369: {  	[tilespmem:v38+s21+$0x0] =	vst.idx.msk $0xffff, v36  }
0x36a: {  	v36 =	vld.idx.msk [tilespmem:v37+s16+$0x0], $0xffff;
	_ =	sdelay $0x1  }
0x36b: {  	v37 =	vor.u32 s31, v25  }
0x36c: {  	v38 =	vor.u32 v24, v35;
	v37 =	vand.u32 $0x7F, v37  }
0x36d: {  	v37 =	vor.u32 v37, v34;
	_ =	sdelay $0x1  }
0x36e: {  	v36 =	vperm.xlane v36, v28;
	_ =	sdelay $0x1  }
0x36f: {  	[tilespmem:v38+s21+$0x0] =	vst.idx.msk $0xffff, v36  }
0x370: {  	v36 =	vld.idx.msk [tilespmem:v37+s16+$0x0], $0xffff;
	_ =	sdelay $0x1  }
0x371: {  	v37 =	vor.u32 s31, v19  }
0x372: {  	v38 =	vor.u32 v26, v35;
	v37 =	vand.u32 $0x7F, v37  }
0x373: {  	v37 =	vor.u32 v37, v34;
	_ =	sdelay $0x1  }
0x374: {  	v36 =	vperm.xlane v36, v22;
	_ =	sdelay $0x1  }
0x375: {  	[tilespmem:v38+s21+$0x0] =	vst.idx.msk $0xffff, v36  }
0x376: {  	v36 =	vld.idx.msk [tilespmem:v37+s16+$0x0], $0xffff;
	_ =	sdelay $0x1  }
0x377: {  	v37 =	vor.u32 s31, v14  }
0x378: {  	v38 =	vor.u32 v27, v35;
	v37 =	vand.u32 $0x7F, v37  }
0x379: {  	v37 =	vor.u32 v37, v34;
	_ =	sdelay $0x1  }
0x37a: {  	v36 =	vperm.xlane v36, v16;
	_ =	sdelay $0x1  }
0x37b: {  	[tilespmem:v38+s21+$0x0] =	vst.idx.msk $0xffff, v36  }
0x37c: {  	v36 =	vld.idx.msk [tilespmem:v37+s16+$0x0], $0xffff;
	_ =	sdelay $0x1  }
0x37d: {  	v37 =	vor.u32 s31, v11  }
0x37e: {  	v38 =	vor.u32 v29, v35;
	v37 =	vand.u32 $0x7F, v37  }
0x37f: {  	v37 =	vor.u32 v37, v34;
	_ =	sdelay $0x1  }
0x380: {  	v36 =	vperm.xlane v36, v13;
	_ =	sdelay $0x1  }
0x381: {  	[tilespmem:v38+s21+$0x0] =	vst.idx.msk $0xffff, v36  }
0x382: {  	v36 =	vld.idx.msk [tilespmem:v37+s16+$0x0], $0xffff;
	_ =	sdelay $0x1  }
0x383: {  	v37 =	vor.u32 s31, v8  }
0x384: {  	v38 =	vor.u32 v30, v35;
	v37 =	vand.u32 $0x7F, v37  }
0x385: {  	v37 =	vor.u32 v37, v34;
	_ =	sdelay $0x1  }
0x386: {  	v36 =	vperm.xlane v36, v10;
	_ =	sdelay $0x1  }
0x387: {  	[tilespmem:v38+s21+$0x0] =	vst.idx.msk $0xffff, v36  }
0x388: {  	v36 =	vld.idx.msk [tilespmem:v37+s16+$0x0], $0xffff;
	_ =	sdelay $0x1  }
0x389: {  	v37 =	vor.u32 s31, v5;
	s31 =	smov.u32 s1  }
0x38a: {  	v38 =	vor.u32 v32, v35;
	v37 =	vand.u32 $0x7F, v37  }
0x38b: {  	v34 =	vor.u32 v37, v34;
	_ =	sdelay $0x1  }
0x38c: {  	v36 =	vperm.xlane v36, v7;
	_ =	sdelay $0x1  }
0x38d: {  	[tilespmem:v38+s21+$0x0] =	vst.idx.msk $0xffff, v36  }
0x38e: {  	v36 =	vmov s31;
	v37 =	vld.idx.msk [tilespmem:v34+s16+$0x0], $0xffff  }
0x38f: {  	v34 =	vshll.u32 v36, $0x3  }
.Ltmp8:
0x390: {  	v36 =	vor.u32 s31, v0;
	v34 =	vand.u32 $0x400, v34;
	(pc) =	sbr.rel @p2 .LBB2_8-.Ltmp8, $3  }
0x391: {  	v38 =	vand.u32 $0x7F, v36;
	v36 =	vor.u32 v33, v35;
	v34 =	vor.u32 v1, v34  }
0x392: {  	v35 =	vor.u32 v38, v34;
	_ =	sdelay $0x1  }
0x393: {  	v37 =	vperm.xlane v37, v4  }
0x394: {  	_ =	sdelay $0x2  }
0x395: {  	s0 =	sadd.s32 $0x2, s30  }
0x396: {  	[tilespmem:v36+s21+$0x0] =	vst.idx.msk $0xffff, v37;
	v56 =	vmov s0  }
0x397: {  	v35 =	vld.idx.msk [tilespmem:v35+s16+$0x0], $0xffff;
	v36 =	vshll.u32 v56, $0x7  }
0x398: {  	v57 =	vor.u32 s31, v4;
	v36 =	vor.u32 v2, v36  }
0x399: {  	v37 =	vand.u32 $0x7F, v57;
	v38 =	vor.u32 v3, v36  }
0x39a: {  	v37 =	vor.u32 v37, v34;
	_ =	sdelay $0x1  }
0x39b: {  	v35 =	vperm.xlane v35, v0;
	_ =	sdelay $0x1  }
0x39c: {  	[tilespmem:v38+s21+$0x0] =	vst.idx.msk $0xffff, v35  }
0x39d: {  	v35 =	vld.idx.msk [tilespmem:v37+s16+$0x0], $0xffff  }
0x39e: {  	v58 =	vor.u32 s31, v7  }
0x39f: {  	v59 =	vor.u32 v6, v36;
	v37 =	vand.u32 $0x7F, v58  }
0x3a0: {  	v37 =	vor.u32 v37, v34;
	_ =	sdelay $0x1  }
0x3a1: {  	v35 =	vperm.xlane v35, v5;
	_ =	sdelay $0x1  }
0x3a2: {  	[tilespmem:v59+s21+$0x0] =	vst.idx.msk $0xffff, v35  }
0x3a3: {  	v35 =	vld.idx.msk [tilespmem:v37+s16+$0x0], $0xffff  }
0x3a4: {  	v60 =	vor.u32 s31, v10  }
0x3a5: {  	v61 =	vor.u32 v9, v36;
	v37 =	vand.u32 $0x7F, v60  }
0x3a6: {  	v37 =	vor.u32 v37, v34;
	_ =	sdelay $0x1  }
0x3a7: {  	v35 =	vperm.xlane v35, v8;
	_ =	sdelay $0x1  }
0x3a8: {  	[tilespmem:v61+s21+$0x0] =	vst.idx.msk $0xffff, v35  }
0x3a9: {  	v35 =	vld.idx.msk [tilespmem:v37+s16+$0x0], $0xffff  }
0x3aa: {  	v62 =	vor.u32 s31, v13  }
0x3ab: {  	v63 =	vor.u32 v12, v36;
	v37 =	vand.u32 $0x7F, v62  }
0x3ac: {  	v37 =	vor.u32 v37, v34;
	_ =	sdelay $0x1  }
0x3ad: {  	v35 =	vperm.xlane v35, v11;
	_ =	sdelay $0x1  }
0x3ae: {  	[tilespmem:v63+s21+$0x0] =	vst.idx.msk $0xffff, v35  }
0x3af: {  	v35 =	vld.idx.msk [tilespmem:v37+s16+$0x0], $0xffff  }
0x3b0: {  	v40 =	vor.u32 s31, v16  }
0x3b1: {  	v41 =	vor.u32 v15, v36;
	v37 =	vand.u32 $0x7F, v40  }
0x3b2: {  	v37 =	vor.u32 v37, v34;
	_ =	sdelay $0x1  }
0x3b3: {  	v35 =	vperm.xlane v35, v14;
	_ =	sdelay $0x1  }
0x3b4: {  	[tilespmem:v41+s21+$0x0] =	vst.idx.msk $0xffff, v35  }
0x3b5: {  	v35 =	vld.idx.msk [tilespmem:v37+s16+$0x0], $0xffff  }
0x3b6: {  	v42 =	vor.u32 s31, v22  }
0x3b7: {  	v43 =	vor.u32 v17, v36;
	v37 =	vand.u32 $0x7F, v42  }
0x3b8: {  	v37 =	vor.u32 v37, v34;
	_ =	sdelay $0x1  }
0x3b9: {  	v35 =	vperm.xlane v35, v19;
	_ =	sdelay $0x1  }
0x3ba: {  	[tilespmem:v43+s21+$0x0] =	vst.idx.msk $0xffff, v35  }
0x3bb: {  	v35 =	vld.idx.msk [tilespmem:v37+s16+$0x0], $0xffff  }
0x3bc: {  	v44 =	vor.u32 s31, v28  }
0x3bd: {  	v45 =	vor.u32 v18, v36;
	v37 =	vand.u32 $0x7F, v44  }
0x3be: {  	v37 =	vor.u32 v37, v34;
	_ =	sdelay $0x1  }
0x3bf: {  	v35 =	vperm.xlane v35, v25;
	_ =	sdelay $0x1  }
0x3c0: {  	[tilespmem:v45+s21+$0x0] =	vst.idx.msk $0xffff, v35  }
0x3c1: {  	v35 =	vld.idx.msk [tilespmem:v37+s16+$0x0], $0xffff  }
0x3c2: {  	v46 =	vor.u32 s31, v21  }
0x3c3: {  	v47 =	vor.u32 v20, v36;
	v37 =	vand.u32 $0x7F, v46  }
0x3c4: {  	v37 =	vor.u32 v37, v34;
	_ =	sdelay $0x1  }
0x3c5: {  	v35 =	vperm.xlane v35, v31;
	_ =	sdelay $0x1  }
0x3c6: {  	[tilespmem:v47+s21+$0x0] =	vst.idx.msk $0xffff, v35  }
0x3c7: {  	v35 =	vld.idx.msk [tilespmem:v37+s16+$0x0], $0xffff  }
0x3c8: {  	v48 =	vor.u32 s31, v31  }
0x3c9: {  	v49 =	vor.u32 v23, v36;
	v37 =	vand.u32 $0x7F, v48  }
0x3ca: {  	v37 =	vor.u32 v37, v34;
	_ =	sdelay $0x1  }
0x3cb: {  	v35 =	vperm.xlane v35, v21;
	_ =	sdelay $0x1  }
0x3cc: {  	[tilespmem:v49+s21+$0x0] =	vst.idx.msk $0xffff, v35  }
0x3cd: {  	v35 =	vld.idx.msk [tilespmem:v37+s16+$0x0], $0xffff  }
0x3ce: {  	v50 =	vor.u32 s31, v25  }
0x3cf: {  	v51 =	vor.u32 v24, v36;
	v37 =	vand.u32 $0x7F, v50  }
0x3d0: {  	v37 =	vor.u32 v37, v34;
	_ =	sdelay $0x1  }
0x3d1: {  	v35 =	vperm.xlane v35, v28;
	_ =	sdelay $0x1  }
0x3d2: {  	[tilespmem:v51+s21+$0x0] =	vst.idx.msk $0xffff, v35  }
0x3d3: {  	v35 =	vld.idx.msk [tilespmem:v37+s16+$0x0], $0xffff  }
0x3d4: {  	v52 =	vor.u32 s31, v19  }
0x3d5: {  	v53 =	vor.u32 v26, v36;
	v37 =	vand.u32 $0x7F, v52  }
0x3d6: {  	v37 =	vor.u32 v37, v34;
	_ =	sdelay $0x1  }
0x3d7: {  	v35 =	vperm.xlane v35, v22;
	_ =	sdelay $0x1  }
0x3d8: {  	[tilespmem:v53+s21+$0x0] =	vst.idx.msk $0xffff, v35  }
0x3d9: {  	v35 =	vld.idx.msk [tilespmem:v37+s16+$0x0], $0xffff  }
0x3da: {  	v54 =	vor.u32 s31, v14  }
0x3db: {  	v55 =	vor.u32 v27, v36;
	v37 =	vand.u32 $0x7F, v54  }
0x3dc: {  	v37 =	vor.u32 v37, v34;
	_ =	sdelay $0x1  }
0x3dd: {  	v35 =	vperm.xlane v35, v16;
	_ =	sdelay $0x1  }
0x3de: {  	[tilespmem:v55+s21+$0x0] =	vst.idx.msk $0xffff, v35  }
0x3df: {  	v35 =	vld.idx.msk [tilespmem:v37+s16+$0x0], $0xffff  }
0x3e0: {  	v56 =	vor.u32 s31, v11  }
0x3e1: {  	v57 =	vor.u32 v29, v36;
	v37 =	vand.u32 $0x7F, v56  }
0x3e2: {  	v37 =	vor.u32 v37, v34;
	_ =	sdelay $0x1  }
0x3e3: {  	v35 =	vperm.xlane v35, v13;
	_ =	sdelay $0x1  }
0x3e4: {  	[tilespmem:v57+s21+$0x0] =	vst.idx.msk $0xffff, v35  }
0x3e5: {  	v35 =	vld.idx.msk [tilespmem:v37+s16+$0x0], $0xffff  }
0x3e6: {  	v58 =	vor.u32 s31, v8  }
0x3e7: {  	v59 =	vor.u32 v30, v36;
	v37 =	vand.u32 $0x7F, v58  }
0x3e8: {  	v37 =	vor.u32 v37, v34;
	_ =	sdelay $0x1  }
0x3e9: {  	v35 =	vperm.xlane v35, v10;
	_ =	sdelay $0x1  }
0x3ea: {  	[tilespmem:v59+s21+$0x0] =	vst.idx.msk $0xffff, v35  }
0x3eb: {  	v35 =	vld.idx.msk [tilespmem:v37+s16+$0x0], $0xffff  }
0x3ec: {  	v60 =	vor.u32 s31, v5  }
0x3ed: {  	v61 =	vor.u32 v32, v36;
	v37 =	vand.u32 $0x7F, v60  }
0x3ee: {  	v62 =	vor.u32 v37, v34;
	_ =	sdelay $0x1  }
0x3ef: {  	v35 =	vperm.xlane v35, v7;
	_ =	sdelay $0x1  }
0x3f0: {  	[tilespmem:v61+s21+$0x0] =	vst.idx.msk $0xffff, v35  }
0x3f1: {  	v34 =	vld.idx.msk [tilespmem:v62+s16+$0x0], $0xffff;
	_ =	sdelay $0x1  }
0x3f2: {  	v63 =	vor.u32 v33, v36;
	_ =	sdelay $0x2  }
0x3f3: {  	v34 =	vperm.xlane v34, v4  }
0x3f4: {  	s31 =	sshll.u32 s29, $0xE  }
0x3f5: {  	s0 =	sadd.s32 s31, s9;
	[tilespmem:v63+s21+$0x0] =	vst.idx.msk $0xffff, v34  }
0x3f6: {  	[hbm4b:s0+s3] =	stream.linear.scatter [tilespmem:s21], [sflag:$0x2], $0x1000, $0x38;
	[tilespmem:$0x8000] =	vst v63  }
0x3f7: {  	s0 =	sadd.s32 $0x6, s28  }
0x3f8: {  	p2 =	sge.u32 s0, s4  }
0x3f9: {  	s0 =	sshll.u32 @!p2 s0, $0xD;
	s1 =	simm.s32 @!p2 $0x800  }
0x3fa: {  	s2 =	simm.s32 @!p2 $0x7A1400;
	s29 =	simm.s32 @!p2 $0x2000;
	s0 =	sadd.s32 @!p2 s0, s5  }
0x3fb: {  	[tilespmem:s29], [sflag:$0x1] =	stream.strided.gather @!p2 [hbm4b:s0+s1], $0x1000, s2, s1, $0x38;
	[tilespmem:$0x8000] =	vst v63  }
.LBB2_10:
0x3fc: {  	s29 =	sor.u32 $0x3, s28  }
0x3fd: {  	p2 =	sge.u32 s29, s4  }
.Ltmp9:
0x3fe: {  	_ = 	snop;
	(pc) =	sbr.rel @p2 .LBB2_14-.Ltmp9, $1  }
0x3ff: {  	_ =	sdelay $0x3  }
0x400: {  	s30 =	simm.s32 $0x0  }
0x401: {  	v34 =	vmov s30  }
0x402: {  	v34 =	vshll.u32 v34, $0x3  }
0x403: {  	v35 =	vor.u32 s30, v0;
	v34 =	vand.u32 $0x400, v34  }
0x404: {  	_ =	swait.ge [sflag:s18], $0x1000;
	v35 =	vand.u32 $0x7F, v35;
	v34 =	vor.u32 v1, v34  }
0x405: {  	[sflag:s18] =	ssyncset.done $0x0;
	v35 =	vor.u32 v35, v34  }
0x406: {  	s0 =	simm.s32 @!p1 $0x2;
	[sflag:s18] =	ssyncadd.s32 $0xFFFFF000  }
0x407: {  	_ =	swait.ge @!p1 [sflag:s0], $0x1000  }
0x408: {  	[sflag:s0] =	ssyncset.done @!p1 $0x0  }
0x409: {  	v36 =	vmov s30;
	[sflag:s0] =	ssyncadd.s32 @!p1 $0xFFFFF000  }
0x40a: {  	v36 =	vshll.u32 v36, $0x7;
	v35 =	vld.idx.msk [tilespmem:v35+s17+$0x0], $0xffff  }
0x40b: {  	v37 =	vor.u32 s30, v4;
	v36 =	vor.u32 v2, v36  }
0x40c: {  	v37 =	vand.u32 $0x7F, v37;
	v38 =	vor.u32 v3, v36  }
0x40d: {  	v37 =	vor.u32 v37, v34;
	_ =	sdelay $0x1  }
0x40e: {  	v35 =	vperm.xlane v35, v0;
	_ =	sdelay $0x1  }
0x40f: {  	[tilespmem:v38+s22+$0x0] =	vst.idx.msk $0xffff, v35  }
0x410: {  	v35 =	vld.idx.msk [tilespmem:v37+s17+$0x0], $0xffff  }
0x411: {  	v58 =	vor.u32 s30, v7  }
0x412: {  	v59 =	vor.u32 v6, v36;
	v37 =	vand.u32 $0x7F, v58  }
0x413: {  	v37 =	vor.u32 v37, v34;
	_ =	sdelay $0x1  }
0x414: {  	v35 =	vperm.xlane v35, v5;
	_ =	sdelay $0x1  }
0x415: {  	[tilespmem:v59+s22+$0x0] =	vst.idx.msk $0xffff, v35  }
0x416: {  	v35 =	vld.idx.msk [tilespmem:v37+s17+$0x0], $0xffff  }
0x417: {  	v60 =	vor.u32 s30, v10  }
0x418: {  	v61 =	vor.u32 v9, v36;
	v37 =	vand.u32 $0x7F, v60  }
0x419: {  	v37 =	vor.u32 v37, v34;
	_ =	sdelay $0x1  }
0x41a: {  	v35 =	vperm.xlane v35, v8;
	_ =	sdelay $0x1  }
0x41b: {  	[tilespmem:v61+s22+$0x0] =	vst.idx.msk $0xffff, v35  }
0x41c: {  	v35 =	vld.idx.msk [tilespmem:v37+s17+$0x0], $0xffff  }
0x41d: {  	v62 =	vor.u32 s30, v13  }
0x41e: {  	v63 =	vor.u32 v12, v36;
	v37 =	vand.u32 $0x7F, v62  }
0x41f: {  	v37 =	vor.u32 v37, v34;
	_ =	sdelay $0x1  }
0x420: {  	v35 =	vperm.xlane v35, v11;
	_ =	sdelay $0x1  }
0x421: {  	[tilespmem:v63+s22+$0x0] =	vst.idx.msk $0xffff, v35  }
0x422: {  	v35 =	vld.idx.msk [tilespmem:v37+s17+$0x0], $0xffff  }
0x423: {  	v40 =	vor.u32 s30, v16  }
0x424: {  	v41 =	vor.u32 v15, v36;
	v37 =	vand.u32 $0x7F, v40  }
0x425: {  	v37 =	vor.u32 v37, v34;
	_ =	sdelay $0x1  }
0x426: {  	v35 =	vperm.xlane v35, v14;
	_ =	sdelay $0x1  }
0x427: {  	[tilespmem:v41+s22+$0x0] =	vst.idx.msk $0xffff, v35  }
0x428: {  	v35 =	vld.idx.msk [tilespmem:v37+s17+$0x0], $0xffff  }
0x429: {  	v42 =	vor.u32 s30, v22  }
0x42a: {  	v43 =	vor.u32 v17, v36;
	v37 =	vand.u32 $0x7F, v42  }
0x42b: {  	v37 =	vor.u32 v37, v34;
	_ =	sdelay $0x1  }
0x42c: {  	v35 =	vperm.xlane v35, v19;
	_ =	sdelay $0x1  }
0x42d: {  	[tilespmem:v43+s22+$0x0] =	vst.idx.msk $0xffff, v35  }
0x42e: {  	v35 =	vld.idx.msk [tilespmem:v37+s17+$0x0], $0xffff  }
0x42f: {  	v44 =	vor.u32 s30, v28  }
0x430: {  	v45 =	vor.u32 v18, v36;
	v37 =	vand.u32 $0x7F, v44  }
0x431: {  	v37 =	vor.u32 v37, v34;
	_ =	sdelay $0x1  }
0x432: {  	v35 =	vperm.xlane v35, v25;
	_ =	sdelay $0x1  }
0x433: {  	[tilespmem:v45+s22+$0x0] =	vst.idx.msk $0xffff, v35  }
0x434: {  	v35 =	vld.idx.msk [tilespmem:v37+s17+$0x0], $0xffff  }
0x435: {  	v46 =	vor.u32 s30, v21  }
0x436: {  	v47 =	vor.u32 v20, v36;
	v37 =	vand.u32 $0x7F, v46  }
0x437: {  	v37 =	vor.u32 v37, v34;
	_ =	sdelay $0x1  }
0x438: {  	v35 =	vperm.xlane v35, v31;
	_ =	sdelay $0x1  }
0x439: {  	[tilespmem:v47+s22+$0x0] =	vst.idx.msk $0xffff, v35  }
0x43a: {  	v35 =	vld.idx.msk [tilespmem:v37+s17+$0x0], $0xffff  }
0x43b: {  	v48 =	vor.u32 s30, v31  }
0x43c: {  	v49 =	vor.u32 v23, v36;
	v37 =	vand.u32 $0x7F, v48  }
0x43d: {  	v37 =	vor.u32 v37, v34;
	_ =	sdelay $0x1  }
0x43e: {  	v35 =	vperm.xlane v35, v21;
	_ =	sdelay $0x1  }
0x43f: {  	[tilespmem:v49+s22+$0x0] =	vst.idx.msk $0xffff, v35  }
0x440: {  	v35 =	vld.idx.msk [tilespmem:v37+s17+$0x0], $0xffff  }
0x441: {  	v50 =	vor.u32 s30, v25  }
0x442: {  	v51 =	vor.u32 v24, v36;
	v37 =	vand.u32 $0x7F, v50  }
0x443: {  	v37 =	vor.u32 v37, v34;
	_ =	sdelay $0x1  }
0x444: {  	v35 =	vperm.xlane v35, v28;
	_ =	sdelay $0x1  }
0x445: {  	[tilespmem:v51+s22+$0x0] =	vst.idx.msk $0xffff, v35  }
0x446: {  	v35 =	vld.idx.msk [tilespmem:v37+s17+$0x0], $0xffff  }
0x447: {  	v52 =	vor.u32 s30, v19  }
0x448: {  	v53 =	vor.u32 v26, v36;
	v37 =	vand.u32 $0x7F, v52  }
0x449: {  	v37 =	vor.u32 v37, v34;
	_ =	sdelay $0x1  }
0x44a: {  	v35 =	vperm.xlane v35, v22;
	_ =	sdelay $0x1  }
0x44b: {  	[tilespmem:v53+s22+$0x0] =	vst.idx.msk $0xffff, v35  }
0x44c: {  	v35 =	vld.idx.msk [tilespmem:v37+s17+$0x0], $0xffff  }
0x44d: {  	v54 =	vor.u32 s30, v14  }
0x44e: {  	v55 =	vor.u32 v27, v36;
	v37 =	vand.u32 $0x7F, v54  }
0x44f: {  	v37 =	vor.u32 v37, v34;
	_ =	sdelay $0x1  }
0x450: {  	v35 =	vperm.xlane v35, v16;
	_ =	sdelay $0x1  }
0x451: {  	[tilespmem:v55+s22+$0x0] =	vst.idx.msk $0xffff, v35  }
0x452: {  	v35 =	vld.idx.msk [tilespmem:v37+s17+$0x0], $0xffff  }
0x453: {  	v56 =	vor.u32 s30, v11  }
0x454: {  	v57 =	vor.u32 v29, v36;
	v37 =	vand.u32 $0x7F, v56  }
0x455: {  	v37 =	vor.u32 v37, v34;
	_ =	sdelay $0x1  }
0x456: {  	v35 =	vperm.xlane v35, v13;
	_ =	sdelay $0x1  }
0x457: {  	[tilespmem:v57+s22+$0x0] =	vst.idx.msk $0xffff, v35  }
0x458: {  	v35 =	vld.idx.msk [tilespmem:v37+s17+$0x0], $0xffff  }
0x459: {  	v58 =	vor.u32 s30, v8  }
0x45a: {  	v59 =	vor.u32 v30, v36;
	v37 =	vand.u32 $0x7F, v58  }
0x45b: {  	v37 =	vor.u32 v37, v34;
	_ =	sdelay $0x1  }
0x45c: {  	v35 =	vperm.xlane v35, v10;
	_ =	sdelay $0x1  }
0x45d: {  	[tilespmem:v59+s22+$0x0] =	vst.idx.msk $0xffff, v35  }
0x45e: {  	v35 =	vld.idx.msk [tilespmem:v37+s17+$0x0], $0xffff  }
0x45f: {  	v60 =	vor.u32 s30, v5  }
0x460: {  	v61 =	vor.u32 v32, v36;
	v37 =	vand.u32 $0x7F, v60  }
0x461: {  	v34 =	vor.u32 v37, v34;
	_ =	sdelay $0x1  }
0x462: {  	v35 =	vperm.xlane v35, v7  }
0x463: {  	s31 =	simm.s32 $0x10  }
0x464: {  	v62 =	vmov s31;
	[tilespmem:v61+s22+$0x0] =	vst.idx.msk $0xffff, v35  }
0x465: {  	v37 =	vld.idx.msk [tilespmem:v34+s17+$0x0], $0xffff;
	v34 =	vshll.u32 v62, $0x3  }
0x466: {  	v63 =	vor.u32 s31, v0;
	v34 =	vand.u32 $0x400, v34  }
0x467: {  	v36 =	vor.u32 v33, v36;
	v35 =	vand.u32 $0x7F, v63;
	v34 =	vor.u32 v1, v34  }
0x468: {  	v35 =	vor.u32 v35, v34;
	_ =	sdelay $0x1  }
0x469: {  	s2 =	simm.s32 $0x20;
	v37 =	vperm.xlane v37, v4  }
.LBB2_12:
0x46a: {  	p1 =	sne.s32 s2, $0xF0  }
0x46b: {  	s30 =	sadd.s32 $0x2, s30;
	s1 =	smov.u32 s2;
	s2 =	sadd.s32 $0x10, s2;
	[tilespmem:v36+s22+$0x0] =	vst.idx.msk $0xffff, v37  }
0x46c: {  	v36 =	vld.idx.msk [tilespmem:v35+s17+$0x0], $0xffff;
	v35 =	vmov s30  }
0x46d: {  	v35 =	vshll.u32 v35, $0x7  }
0x46e: {  	v37 =	vor.u32 s31, v4;
	v35 =	vor.u32 v2, v35  }
0x46f: {  	v37 =	vand.u32 $0x7F, v37;
	v38 =	vor.u32 v3, v35  }
0x470: {  	v37 =	vor.u32 v37, v34;
	_ =	sdelay $0x1  }
0x471: {  	v36 =	vperm.xlane v36, v0;
	_ =	sdelay $0x1  }
0x472: {  	[tilespmem:v38+s22+$0x0] =	vst.idx.msk $0xffff, v36  }
0x473: {  	v36 =	vld.idx.msk [tilespmem:v37+s17+$0x0], $0xffff;
	_ =	sdelay $0x1  }
0x474: {  	v37 =	vor.u32 s31, v7  }
0x475: {  	v38 =	vor.u32 v6, v35;
	v37 =	vand.u32 $0x7F, v37  }
0x476: {  	v37 =	vor.u32 v37, v34;
	_ =	sdelay $0x1  }
0x477: {  	v36 =	vperm.xlane v36, v5;
	_ =	sdelay $0x1  }
0x478: {  	[tilespmem:v38+s22+$0x0] =	vst.idx.msk $0xffff, v36  }
0x479: {  	v36 =	vld.idx.msk [tilespmem:v37+s17+$0x0], $0xffff;
	_ =	sdelay $0x1  }
0x47a: {  	v37 =	vor.u32 s31, v10  }
0x47b: {  	v38 =	vor.u32 v9, v35;
	v37 =	vand.u32 $0x7F, v37  }
0x47c: {  	v37 =	vor.u32 v37, v34;
	_ =	sdelay $0x1  }
0x47d: {  	v36 =	vperm.xlane v36, v8;
	_ =	sdelay $0x1  }
0x47e: {  	[tilespmem:v38+s22+$0x0] =	vst.idx.msk $0xffff, v36  }
0x47f: {  	v36 =	vld.idx.msk [tilespmem:v37+s17+$0x0], $0xffff;
	_ =	sdelay $0x1  }
0x480: {  	v37 =	vor.u32 s31, v13  }
0x481: {  	v38 =	vor.u32 v12, v35;
	v37 =	vand.u32 $0x7F, v37  }
0x482: {  	v37 =	vor.u32 v37, v34;
	_ =	sdelay $0x1  }
0x483: {  	v36 =	vperm.xlane v36, v11;
	_ =	sdelay $0x1  }
0x484: {  	[tilespmem:v38+s22+$0x0] =	vst.idx.msk $0xffff, v36  }
0x485: {  	v36 =	vld.idx.msk [tilespmem:v37+s17+$0x0], $0xffff;
	_ =	sdelay $0x1  }
0x486: {  	v37 =	vor.u32 s31, v16  }
0x487: {  	v38 =	vor.u32 v15, v35;
	v37 =	vand.u32 $0x7F, v37  }
0x488: {  	v37 =	vor.u32 v37, v34;
	_ =	sdelay $0x1  }
0x489: {  	v36 =	vperm.xlane v36, v14;
	_ =	sdelay $0x1  }
0x48a: {  	[tilespmem:v38+s22+$0x0] =	vst.idx.msk $0xffff, v36  }
0x48b: {  	v36 =	vld.idx.msk [tilespmem:v37+s17+$0x0], $0xffff;
	_ =	sdelay $0x1  }
0x48c: {  	v37 =	vor.u32 s31, v22  }
0x48d: {  	v38 =	vor.u32 v17, v35;
	v37 =	vand.u32 $0x7F, v37  }
0x48e: {  	v37 =	vor.u32 v37, v34;
	_ =	sdelay $0x1  }
0x48f: {  	v36 =	vperm.xlane v36, v19;
	_ =	sdelay $0x1  }
0x490: {  	[tilespmem:v38+s22+$0x0] =	vst.idx.msk $0xffff, v36  }
0x491: {  	v36 =	vld.idx.msk [tilespmem:v37+s17+$0x0], $0xffff;
	_ =	sdelay $0x1  }
0x492: {  	v37 =	vor.u32 s31, v28  }
0x493: {  	v38 =	vor.u32 v18, v35;
	v37 =	vand.u32 $0x7F, v37  }
0x494: {  	v37 =	vor.u32 v37, v34;
	_ =	sdelay $0x1  }
0x495: {  	v36 =	vperm.xlane v36, v25;
	_ =	sdelay $0x1  }
0x496: {  	[tilespmem:v38+s22+$0x0] =	vst.idx.msk $0xffff, v36  }
0x497: {  	v36 =	vld.idx.msk [tilespmem:v37+s17+$0x0], $0xffff;
	_ =	sdelay $0x1  }
0x498: {  	v37 =	vor.u32 s31, v21  }
0x499: {  	v38 =	vor.u32 v20, v35;
	v37 =	vand.u32 $0x7F, v37  }
0x49a: {  	v37 =	vor.u32 v37, v34;
	_ =	sdelay $0x1  }
0x49b: {  	v36 =	vperm.xlane v36, v31;
	_ =	sdelay $0x1  }
0x49c: {  	[tilespmem:v38+s22+$0x0] =	vst.idx.msk $0xffff, v36  }
0x49d: {  	v36 =	vld.idx.msk [tilespmem:v37+s17+$0x0], $0xffff;
	_ =	sdelay $0x1  }
0x49e: {  	v37 =	vor.u32 s31, v31  }
0x49f: {  	v38 =	vor.u32 v23, v35;
	v37 =	vand.u32 $0x7F, v37  }
0x4a0: {  	v37 =	vor.u32 v37, v34;
	_ =	sdelay $0x1  }
0x4a1: {  	v36 =	vperm.xlane v36, v21;
	_ =	sdelay $0x1  }
0x4a2: {  	[tilespmem:v38+s22+$0x0] =	vst.idx.msk $0xffff, v36  }
0x4a3: {  	v36 =	vld.idx.msk [tilespmem:v37+s17+$0x0], $0xffff;
	_ =	sdelay $0x1  }
0x4a4: {  	v37 =	vor.u32 s31, v25  }
0x4a5: {  	v38 =	vor.u32 v24, v35;
	v37 =	vand.u32 $0x7F, v37  }
0x4a6: {  	v37 =	vor.u32 v37, v34;
	_ =	sdelay $0x1  }
0x4a7: {  	v36 =	vperm.xlane v36, v28;
	_ =	sdelay $0x1  }
0x4a8: {  	[tilespmem:v38+s22+$0x0] =	vst.idx.msk $0xffff, v36  }
0x4a9: {  	v36 =	vld.idx.msk [tilespmem:v37+s17+$0x0], $0xffff;
	_ =	sdelay $0x1  }
0x4aa: {  	v37 =	vor.u32 s31, v19  }
0x4ab: {  	v38 =	vor.u32 v26, v35;
	v37 =	vand.u32 $0x7F, v37  }
0x4ac: {  	v37 =	vor.u32 v37, v34;
	_ =	sdelay $0x1  }
0x4ad: {  	v36 =	vperm.xlane v36, v22;
	_ =	sdelay $0x1  }
0x4ae: {  	[tilespmem:v38+s22+$0x0] =	vst.idx.msk $0xffff, v36  }
0x4af: {  	v36 =	vld.idx.msk [tilespmem:v37+s17+$0x0], $0xffff;
	_ =	sdelay $0x1  }
0x4b0: {  	v37 =	vor.u32 s31, v14  }
0x4b1: {  	v38 =	vor.u32 v27, v35;
	v37 =	vand.u32 $0x7F, v37  }
0x4b2: {  	v37 =	vor.u32 v37, v34;
	_ =	sdelay $0x1  }
0x4b3: {  	v36 =	vperm.xlane v36, v16;
	_ =	sdelay $0x1  }
0x4b4: {  	[tilespmem:v38+s22+$0x0] =	vst.idx.msk $0xffff, v36  }
0x4b5: {  	v36 =	vld.idx.msk [tilespmem:v37+s17+$0x0], $0xffff;
	_ =	sdelay $0x1  }
0x4b6: {  	v37 =	vor.u32 s31, v11  }
0x4b7: {  	v38 =	vor.u32 v29, v35;
	v37 =	vand.u32 $0x7F, v37  }
0x4b8: {  	v37 =	vor.u32 v37, v34;
	_ =	sdelay $0x1  }
0x4b9: {  	v36 =	vperm.xlane v36, v13;
	_ =	sdelay $0x1  }
0x4ba: {  	[tilespmem:v38+s22+$0x0] =	vst.idx.msk $0xffff, v36  }
0x4bb: {  	v36 =	vld.idx.msk [tilespmem:v37+s17+$0x0], $0xffff;
	_ =	sdelay $0x1  }
0x4bc: {  	v37 =	vor.u32 s31, v8  }
0x4bd: {  	v38 =	vor.u32 v30, v35;
	v37 =	vand.u32 $0x7F, v37  }
0x4be: {  	v37 =	vor.u32 v37, v34;
	_ =	sdelay $0x1  }
0x4bf: {  	v36 =	vperm.xlane v36, v10;
	_ =	sdelay $0x1  }
0x4c0: {  	[tilespmem:v38+s22+$0x0] =	vst.idx.msk $0xffff, v36  }
0x4c1: {  	v36 =	vld.idx.msk [tilespmem:v37+s17+$0x0], $0xffff;
	_ =	sdelay $0x1  }
0x4c2: {  	v37 =	vor.u32 s31, v5;
	s31 =	smov.u32 s1  }
0x4c3: {  	v38 =	vor.u32 v32, v35;
	v37 =	vand.u32 $0x7F, v37  }
0x4c4: {  	v34 =	vor.u32 v37, v34;
	_ =	sdelay $0x1  }
0x4c5: {  	v36 =	vperm.xlane v36, v7;
	_ =	sdelay $0x1  }
0x4c6: {  	[tilespmem:v38+s22+$0x0] =	vst.idx.msk $0xffff, v36  }
0x4c7: {  	v36 =	vmov s31;
	v37 =	vld.idx.msk [tilespmem:v34+s17+$0x0], $0xffff  }
0x4c8: {  	v34 =	vshll.u32 v36, $0x3  }
.Ltmp10:
0x4c9: {  	v36 =	vor.u32 s31, v0;
	v34 =	vand.u32 $0x400, v34;
	(pc) =	sbr.rel @p1 .LBB2_12-.Ltmp10, $3  }
0x4ca: {  	v38 =	vand.u32 $0x7F, v36;
	v36 =	vor.u32 v33, v35;
	v34 =	vor.u32 v1, v34  }
0x4cb: {  	v35 =	vor.u32 v38, v34;
	_ =	sdelay $0x1  }
0x4cc: {  	v37 =	vperm.xlane v37, v4  }
0x4cd: {  	_ =	sdelay $0x2  }
0x4ce: {  	s0 =	sadd.s32 $0x2, s30  }
0x4cf: {  	[tilespmem:v36+s22+$0x0] =	vst.idx.msk $0xffff, v37;
	v56 =	vmov s0  }
0x4d0: {  	v35 =	vld.idx.msk [tilespmem:v35+s17+$0x0], $0xffff;
	v36 =	vshll.u32 v56, $0x7  }
0x4d1: {  	v57 =	vor.u32 s31, v4;
	v36 =	vor.u32 v2, v36  }
0x4d2: {  	v37 =	vand.u32 $0x7F, v57;
	v38 =	vor.u32 v3, v36  }
0x4d3: {  	v37 =	vor.u32 v37, v34;
	_ =	sdelay $0x1  }
0x4d4: {  	v35 =	vperm.xlane v35, v0;
	_ =	sdelay $0x1  }
0x4d5: {  	[tilespmem:v38+s22+$0x0] =	vst.idx.msk $0xffff, v35  }
0x4d6: {  	v35 =	vld.idx.msk [tilespmem:v37+s17+$0x0], $0xffff  }
0x4d7: {  	v58 =	vor.u32 s31, v7  }
0x4d8: {  	v59 =	vor.u32 v6, v36;
	v37 =	vand.u32 $0x7F, v58  }
0x4d9: {  	v37 =	vor.u32 v37, v34;
	_ =	sdelay $0x1  }
0x4da: {  	v35 =	vperm.xlane v35, v5;
	_ =	sdelay $0x1  }
0x4db: {  	[tilespmem:v59+s22+$0x0] =	vst.idx.msk $0xffff, v35  }
0x4dc: {  	v35 =	vld.idx.msk [tilespmem:v37+s17+$0x0], $0xffff  }
0x4dd: {  	v60 =	vor.u32 s31, v10  }
0x4de: {  	v61 =	vor.u32 v9, v36;
	v37 =	vand.u32 $0x7F, v60  }
0x4df: {  	v37 =	vor.u32 v37, v34;
	_ =	sdelay $0x1  }
0x4e0: {  	v35 =	vperm.xlane v35, v8;
	_ =	sdelay $0x1  }
0x4e1: {  	[tilespmem:v61+s22+$0x0] =	vst.idx.msk $0xffff, v35  }
0x4e2: {  	v35 =	vld.idx.msk [tilespmem:v37+s17+$0x0], $0xffff  }
0x4e3: {  	v62 =	vor.u32 s31, v13  }
0x4e4: {  	v63 =	vor.u32 v12, v36;
	v37 =	vand.u32 $0x7F, v62  }
0x4e5: {  	v37 =	vor.u32 v37, v34;
	_ =	sdelay $0x1  }
0x4e6: {  	v35 =	vperm.xlane v35, v11;
	_ =	sdelay $0x1  }
0x4e7: {  	[tilespmem:v63+s22+$0x0] =	vst.idx.msk $0xffff, v35  }
0x4e8: {  	v35 =	vld.idx.msk [tilespmem:v37+s17+$0x0], $0xffff  }
0x4e9: {  	v40 =	vor.u32 s31, v16  }
0x4ea: {  	v41 =	vor.u32 v15, v36;
	v37 =	vand.u32 $0x7F, v40  }
0x4eb: {  	v37 =	vor.u32 v37, v34;
	_ =	sdelay $0x1  }
0x4ec: {  	v35 =	vperm.xlane v35, v14;
	_ =	sdelay $0x1  }
0x4ed: {  	[tilespmem:v41+s22+$0x0] =	vst.idx.msk $0xffff, v35  }
0x4ee: {  	v35 =	vld.idx.msk [tilespmem:v37+s17+$0x0], $0xffff  }
0x4ef: {  	v42 =	vor.u32 s31, v22  }
0x4f0: {  	v43 =	vor.u32 v17, v36;
	v37 =	vand.u32 $0x7F, v42  }
0x4f1: {  	v37 =	vor.u32 v37, v34;
	_ =	sdelay $0x1  }
0x4f2: {  	v35 =	vperm.xlane v35, v19;
	_ =	sdelay $0x1  }
0x4f3: {  	[tilespmem:v43+s22+$0x0] =	vst.idx.msk $0xffff, v35  }
0x4f4: {  	v35 =	vld.idx.msk [tilespmem:v37+s17+$0x0], $0xffff  }
0x4f5: {  	v44 =	vor.u32 s31, v28  }
0x4f6: {  	v45 =	vor.u32 v18, v36;
	v37 =	vand.u32 $0x7F, v44  }
0x4f7: {  	v37 =	vor.u32 v37, v34;
	_ =	sdelay $0x1  }
0x4f8: {  	v35 =	vperm.xlane v35, v25;
	_ =	sdelay $0x1  }
0x4f9: {  	[tilespmem:v45+s22+$0x0] =	vst.idx.msk $0xffff, v35  }
0x4fa: {  	v35 =	vld.idx.msk [tilespmem:v37+s17+$0x0], $0xffff  }
0x4fb: {  	v46 =	vor.u32 s31, v21  }
0x4fc: {  	v47 =	vor.u32 v20, v36;
	v37 =	vand.u32 $0x7F, v46  }
0x4fd: {  	v37 =	vor.u32 v37, v34;
	_ =	sdelay $0x1  }
0x4fe: {  	v35 =	vperm.xlane v35, v31;
	_ =	sdelay $0x1  }
0x4ff: {  	[tilespmem:v47+s22+$0x0] =	vst.idx.msk $0xffff, v35  }
0x500: {  	v35 =	vld.idx.msk [tilespmem:v37+s17+$0x0], $0xffff  }
0x501: {  	v48 =	vor.u32 s31, v31  }
0x502: {  	v49 =	vor.u32 v23, v36;
	v37 =	vand.u32 $0x7F, v48  }
0x503: {  	v37 =	vor.u32 v37, v34;
	_ =	sdelay $0x1  }
0x504: {  	v35 =	vperm.xlane v35, v21;
	_ =	sdelay $0x1  }
0x505: {  	[tilespmem:v49+s22+$0x0] =	vst.idx.msk $0xffff, v35  }
0x506: {  	v35 =	vld.idx.msk [tilespmem:v37+s17+$0x0], $0xffff  }
0x507: {  	v50 =	vor.u32 s31, v25  }
0x508: {  	v51 =	vor.u32 v24, v36;
	v37 =	vand.u32 $0x7F, v50  }
0x509: {  	v37 =	vor.u32 v37, v34;
	_ =	sdelay $0x1  }
0x50a: {  	v35 =	vperm.xlane v35, v28;
	_ =	sdelay $0x1  }
0x50b: {  	[tilespmem:v51+s22+$0x0] =	vst.idx.msk $0xffff, v35  }
0x50c: {  	v35 =	vld.idx.msk [tilespmem:v37+s17+$0x0], $0xffff  }
0x50d: {  	v52 =	vor.u32 s31, v19  }
0x50e: {  	v53 =	vor.u32 v26, v36;
	v37 =	vand.u32 $0x7F, v52  }
0x50f: {  	v37 =	vor.u32 v37, v34;
	_ =	sdelay $0x1  }
0x510: {  	v35 =	vperm.xlane v35, v22;
	_ =	sdelay $0x1  }
0x511: {  	[tilespmem:v53+s22+$0x0] =	vst.idx.msk $0xffff, v35  }
0x512: {  	v35 =	vld.idx.msk [tilespmem:v37+s17+$0x0], $0xffff  }
0x513: {  	v54 =	vor.u32 s31, v14  }
0x514: {  	v55 =	vor.u32 v27, v36;
	v37 =	vand.u32 $0x7F, v54  }
0x515: {  	v37 =	vor.u32 v37, v34;
	_ =	sdelay $0x1  }
0x516: {  	v35 =	vperm.xlane v35, v16;
	_ =	sdelay $0x1  }
0x517: {  	[tilespmem:v55+s22+$0x0] =	vst.idx.msk $0xffff, v35  }
0x518: {  	v35 =	vld.idx.msk [tilespmem:v37+s17+$0x0], $0xffff  }
0x519: {  	v56 =	vor.u32 s31, v11  }
0x51a: {  	v57 =	vor.u32 v29, v36;
	v37 =	vand.u32 $0x7F, v56  }
0x51b: {  	v37 =	vor.u32 v37, v34;
	_ =	sdelay $0x1  }
0x51c: {  	v35 =	vperm.xlane v35, v13;
	_ =	sdelay $0x1  }
0x51d: {  	[tilespmem:v57+s22+$0x0] =	vst.idx.msk $0xffff, v35  }
0x51e: {  	v35 =	vld.idx.msk [tilespmem:v37+s17+$0x0], $0xffff  }
0x51f: {  	v58 =	vor.u32 s31, v8  }
0x520: {  	v59 =	vor.u32 v30, v36;
	v37 =	vand.u32 $0x7F, v58  }
0x521: {  	v37 =	vor.u32 v37, v34;
	_ =	sdelay $0x1  }
0x522: {  	v35 =	vperm.xlane v35, v10;
	_ =	sdelay $0x1  }
0x523: {  	[tilespmem:v59+s22+$0x0] =	vst.idx.msk $0xffff, v35  }
0x524: {  	v35 =	vld.idx.msk [tilespmem:v37+s17+$0x0], $0xffff  }
0x525: {  	v60 =	vor.u32 s31, v5  }
0x526: {  	v61 =	vor.u32 v32, v36;
	v37 =	vand.u32 $0x7F, v60  }
0x527: {  	v62 =	vor.u32 v37, v34;
	_ =	sdelay $0x1  }
0x528: {  	v35 =	vperm.xlane v35, v7;
	_ =	sdelay $0x1  }
0x529: {  	[tilespmem:v61+s22+$0x0] =	vst.idx.msk $0xffff, v35  }
0x52a: {  	v34 =	vld.idx.msk [tilespmem:v62+s17+$0x0], $0xffff;
	_ =	sdelay $0x1  }
0x52b: {  	v63 =	vor.u32 v33, v36;
	_ =	sdelay $0x2  }
0x52c: {  	v34 =	vperm.xlane v34, v4  }
0x52d: {  	s31 =	sshll.u32 s29, $0xE  }
0x52e: {  	s0 =	sadd.s32 s31, s9;
	[tilespmem:v63+s22+$0x0] =	vst.idx.msk $0xffff, v34  }
0x52f: {  	[hbm4b:s0+s3] =	stream.linear.scatter [tilespmem:s22], [sflag:$0x2], $0x1000, $0x38;
	[tilespmem:$0x8000] =	vst v63  }
.Ltmp11:
0x530: {  	s0 =	sadd.s32 $0x7, s28;
	(pc) =	sbr.rel .LBB2_14-.Ltmp11, $4  }
0x531: {  	p1 =	sge.u32 s0, s4  }
0x532: {  	s0 =	sshll.u32 @!p1 s0, $0xD;
	s1 =	simm.s32 @!p1 $0x800  }
0x533: {  	s2 =	simm.s32 @!p1 $0x7A1400;
	s28 =	simm.s32 @!p1 $0x3000;
	s0 =	sadd.s32 @!p1 s0, s5  }
0x534: {  	[tilespmem:s28], [sflag:$0x1] =	stream.strided.gather @!p1 [hbm4b:s0+s1], $0x1000, s2, s1, $0x38;
	[tilespmem:$0x8000] =	vst v63  }
.LBB2_16:
0x535: {  	s0 =	rddreg [dreg:$0x1];
	s29 =	simm.s32 $0x0  }
0x536: {  	[tilespmem:s3], [sflag:$0x3] =	stream.linear.gather [hbm4b:s0+s3], $0x400, $0x38;
	[tilespmem:$0x8000] =	vst v63  }
0x537: {  	v34 =	vor.u32 s29, v1  }
0x538: {  	[tilespmem:s13], [sflag:$0x3] =	stream.linear.gather [hbm4b:s12+s3], $0x400, $0x38;
	[tilespmem:$0x8000] =	vst v63  }
0x539: {  	_ =	swait.ge [sflag:s24], $0x800  }
0x53a: {  	[sflag:s24] =	ssyncset.done $0x0  }
0x53b: {  	[sflag:s24] =	ssyncadd.s32 $0xFFFFF800  }
0x53c: {  	s30 =	simm.s32 $0x1;
	v34 =	vld.idx.msk [tilespmem:v34+s3+$0x0], $0xffff  }
0x53d: {  	v35 =	vor.u32 s30, v1;
	_ =	sdelay $0x2  }
0x53e: {  	s1 =	simm.s32 $0x4040  }
0x53f: {  	[tilespmem:s1+$0xFFFFFFC0] =	vst v34  }
0x540: {  	s31 =	simm.s32 $0x2;
	v34 =	vld.idx.msk [tilespmem:v35+s3+$0x0], $0xffff  }
0x541: {  	v58 =	vor.u32 s31, v1;
	_ =	sdelay $0x3  }
0x542: {  	[tilespmem:s1+$0xFFFFFFD0] =	vst v34  }
0x543: {  	s2 =	simm.s32 $0x3;
	v34 =	vld.idx.msk [tilespmem:v58+s3+$0x0], $0xffff  }
0x544: {  	v59 =	vor.u32 s2, v1;
	_ =	sdelay $0x3  }
0x545: {  	[tilespmem:s1+$0xFFFFFFE0] =	vst v34  }
0x546: {  	s26 =	simm.s32 $0x4;
	v34 =	vld.idx.msk [tilespmem:v59+s3+$0x0], $0xffff  }
0x547: {  	v60 =	vor.u32 s26, v1;
	_ =	sdelay $0x3  }
0x548: {  	[tilespmem:s1+$0xFFFFFFF0] =	vst v34  }
0x549: {  	s29 =	simm.s32 $0x5;
	v34 =	vld.idx.msk [tilespmem:v60+s3+$0x0], $0xffff  }
0x54a: {  	v61 =	vor.u32 s29, v1;
	_ =	sdelay $0x3  }
0x54b: {  	[tilespmem:s1+$0x0] =	vst v34  }
0x54c: {  	s30 =	simm.s32 $0x6;
	v34 =	vld.idx.msk [tilespmem:v61+s3+$0x0], $0xffff  }
0x54d: {  	v62 =	vor.u32 s30, v1;
	_ =	sdelay $0x3  }
0x54e: {  	[tilespmem:s1+$0x10] =	vst v34  }
0x54f: {  	s31 =	simm.s32 $0x7;
	v34 =	vld.idx.msk [tilespmem:v62+s3+$0x0], $0xffff  }
0x550: {  	v63 =	vor.u32 s31, v1;
	_ =	sdelay $0x3  }
0x551: {  	[tilespmem:s1+$0x20] =	vst v34  }
0x552: {  	s28 =	simm.s32 $0x8;
	s2 =	simm.s32 $0xF;
	s26 =	simm.s32 $0x17;
	v34 =	vld.idx.msk [tilespmem:v63+s3+$0x0], $0xffff  }
.LBB2_17:
0x553: {  	p1 =	sne.s32 s26, $0x3F;
	v35 =	vor.u32 s28, v1;
	_ =	sdelay $0x3  }
0x554: {  	[tilespmem:s1+$0x30] =	vst v34  }
0x555: {  	v34 =	vld.idx.msk [tilespmem:v35+s3+$0x0], $0xffff  }
0x556: {  	s0 =	sadd.s32 $0xFFFFFFFA, s2  }
0x557: {  	v35 =	vor.u32 s0, v1;
	_ =	sdelay $0x2  }
0x558: {  	s1 =	sadd.s32 $0x80, s1  }
0x559: {  	[tilespmem:s1+$0xFFFFFFC0] =	vst v34  }
0x55a: {  	v34 =	vld.idx.msk [tilespmem:v35+s3+$0x0], $0xffff  }
0x55b: {  	s0 =	sadd.s32 $0xFFFFFFFB, s2  }
0x55c: {  	v35 =	vor.u32 s0, v1;
	_ =	sdelay $0x3  }
0x55d: {  	[tilespmem:s1+$0xFFFFFFD0] =	vst v34  }
0x55e: {  	v34 =	vld.idx.msk [tilespmem:v35+s3+$0x0], $0xffff  }
0x55f: {  	s0 =	sadd.s32 $0xFFFFFFFC, s2  }
0x560: {  	v35 =	vor.u32 s0, v1;
	_ =	sdelay $0x3  }
0x561: {  	[tilespmem:s1+$0xFFFFFFE0] =	vst v34  }
0x562: {  	v34 =	vld.idx.msk [tilespmem:v35+s3+$0x0], $0xffff  }
0x563: {  	s0 =	sadd.s32 $0xFFFFFFFD, s2  }
0x564: {  	v35 =	vor.u32 s0, v1;
	_ =	sdelay $0x3  }
0x565: {  	[tilespmem:s1+$0xFFFFFFF0] =	vst v34  }
0x566: {  	v34 =	vld.idx.msk [tilespmem:v35+s3+$0x0], $0xffff  }
0x567: {  	s0 =	sadd.s32 $0xFFFFFFFE, s2  }
0x568: {  	v35 =	vor.u32 s0, v1;
	_ =	sdelay $0x3  }
0x569: {  	[tilespmem:s1+$0x0] =	vst v34  }
0x56a: {  	v34 =	vld.idx.msk [tilespmem:v35+s3+$0x0], $0xffff  }
0x56b: {  	s0 =	sadd.s32 $0xFFFFFFFF, s2  }
0x56c: {  	v35 =	vor.u32 s0, v1;
	_ =	sdelay $0x3  }
0x56d: {  	[tilespmem:s1+$0x10] =	vst v34  }
0x56e: {  	v34 =	vld.idx.msk [tilespmem:v35+s3+$0x0], $0xffff;
	_ =	sdelay $0x1  }
0x56f: {  	v35 =	vor.u32 s2, v1;
	s2 =	smov.u32 s26;
	_ =	sdelay $0x1  }
.Ltmp12:
0x570: {  	(pc) =	sbr.rel @p1 .LBB2_17-.Ltmp12, $4  }
0x571: {  	_ = 	snop  }
0x572: {  	[tilespmem:s1+$0x20] =	vst v34  }
0x573: {  	v34 =	vld.idx.msk [tilespmem:v35+s3+$0x0], $0xffff  }
0x574: {  	s26 =	sadd.s32 $0x8, s26;
	s28 =	sadd.s32 $0xFFFFFFF9, s2  }
0x575: {  	v35 =	vor.u32 s28, v1;
	_ =	sdelay $0x3  }
0x576: {  	[tilespmem:s1+$0x30] =	vst v34  }
0x577: {  	s0 =	sadd.s32 $0xFFFFFFFA, s2;
	v34 =	vld.idx.msk [tilespmem:v35+s3+$0x0], $0xffff  }
0x578: {  	v57 =	vor.u32 s0, v1;
	_ =	sdelay $0x2  }
0x579: {  	s0 =	sadd.s32 $0x80, s1  }
0x57a: {  	[tilespmem:s0+$0xFFFFFFC0] =	vst v34  }
0x57b: {  	s26 =	sadd.s32 $0xFFFFFFFB, s2;
	v34 =	vld.idx.msk [tilespmem:v57+s3+$0x0], $0xffff  }
0x57c: {  	v58 =	vor.u32 s26, v1;
	_ =	sdelay $0x3  }
0x57d: {  	[tilespmem:s0+$0xFFFFFFD0] =	vst v34  }
0x57e: {  	s28 =	sadd.s32 $0xFFFFFFFC, s2;
	v34 =	vld.idx.msk [tilespmem:v58+s3+$0x0], $0xffff  }
0x57f: {  	v59 =	vor.u32 s28, v1;
	_ =	sdelay $0x3  }
0x580: {  	[tilespmem:s0+$0xFFFFFFE0] =	vst v34  }
0x581: {  	s29 =	sadd.s32 $0xFFFFFFFD, s2;
	v34 =	vld.idx.msk [tilespmem:v59+s3+$0x0], $0xffff  }
0x582: {  	v60 =	vor.u32 s29, v1;
	_ =	sdelay $0x3  }
0x583: {  	[tilespmem:s0+$0xFFFFFFF0] =	vst v34  }
0x584: {  	s30 =	sadd.s32 $0xFFFFFFFE, s2;
	v34 =	vld.idx.msk [tilespmem:v60+s3+$0x0], $0xffff  }
0x585: {  	v61 =	vor.u32 s30, v1;
	_ =	sdelay $0x3  }
0x586: {  	[tilespmem:s0+$0x0] =	vst v34  }
0x587: {  	s31 =	sadd.s32 $0xFFFFFFFF, s2;
	v34 =	vld.idx.msk [tilespmem:v61+s3+$0x0], $0xffff  }
0x588: {  	v62 =	vor.u32 s31, v1;
	_ =	sdelay $0x3  }
0x589: {  	[tilespmem:s0+$0x10] =	vst v34  }
0x58a: {  	v34 =	vld.idx.msk [tilespmem:v62+s3+$0x0], $0xffff  }
0x58b: {  	v63 =	vor.u32 s2, v1;
	_ =	sdelay $0x3  }
0x58c: {  	[tilespmem:s0+$0x20] =	vst v34  }
0x58d: {  	v34 =	vld.idx.msk [tilespmem:v63+s3+$0x0], $0xffff;
	_ =	sdelay $0x4  }
.Ltmp13:
0x58e: {  	[tilespmem:s0+$0x30] =	vst v34;
	(pc) =	sbr.rel .LBB2_19-.Ltmp13, $4  }
0x58f: {  	[hbm4b:s10+s3] =	stream.linear.scatter [tilespmem:s19], [sflag:$0x3], $0x400, $0x38;
	[tilespmem:$0x8000] =	vst v63  }
0x590: {  	_ =	swait.ge [sflag:s24], $0x400  }
0x591: {  	[sflag:s24] =	ssyncset.done $0x0  }
0x592: {  	[sflag:s24] =	ssyncadd.s32 $0xFFFFFC00  }
.LBB2_20:
0x593: {  	_ =	sfence.sel $0x180000  }
0x594: {  	[bflag:$0x0] =	sbarrier.arrive $0xFFFF  }
0x595: {  	_ =	strace $0x90000047  }
0x596: {  	s0 =	stileid.u32;
	[bflag:$0x2] =	sbarrier.arrive $0xFFFF  }
0x597: {  	p0 =	sne.s32 s0, $0x0;
	s0 =	rddreg [dreg:$0x3]  }
0x598: {  	s0 =	sadd.s32 @!p0 $0x100000, s0  }
0x599: {  	[sflag:s0] =	ssyncadd.tile.s32 @!p0 $0x1;
	_ =	shalt  }
.Lfunc_end2:
_tile_overlayer_lowered:
.L_overlay_start_2:
0x59a: {  	(tag) =	ssettag $0x2  }
0x59b: {  	s0 =	rddreg [dreg:$0x0];
	s2 =	stileid.u32  }
0x59c: {  	s1 =	rddreg [dreg:$0x1];
	p0 =	sne.s32 s2, $0x0  }
0x59d: {  	s3 =	rddreg [dreg:$0x2];
	[bflag:$0x3] =	sbarrier.arrive $0xFFFF;
	s2 =	simm.s32 @!p0 $0x1C03  }
0x59e: {  	[timem:s3], [sflag:s2] =	dma.local @!p0 [hbm:s0], s1  }
0x59f: {  	s0 =	simm.s32 @!p0 $0x3  }
0x5a0: {  	_ =	swait.ge @!p0 [sflag:s0], s1  }
0x5a1: {  	s1 =	ssub.s32 @!p0 $0x0, s1;
	[sflag:s0] =	ssyncset.done @!p0 $0x0  }
0x5a2: {  	[sflag:s0] =	ssyncadd.s32 @!p0 s1  }
0x5a3: {  	[bflag:$0x3] =	sbarrier.arrive $0xFFFF  }
0x5a4: {  	_ =	shalt  }

// kernel: kernel.7.cloned.1.call-start
scs
__scs_entry_jumppad:
0x0: {  	(pc) =	sbr.rel $0x88, $3  }
0x1: {  	(tag) =	ssettag $0x0;
	lr =	simm.s32 $0x1  }
0x2: {  	[smem:$0x3F9F] =	sst lr;
	_ =	strace $0xD0000000  }
0x3: {  	_ = 	snop  }
0x4: {  	_ = 	snop  }
0x5: {  	_ = 	snop  }
0x6: {  	_ = 	snop  }
0x7: {  	_ = 	snop  }
__scs_overlays_trampoline_lowered:
0x8: {  	[smem:$0x3FAE] =	sst s0  }
0x9: {  	[smem:$0x3FAF] =	sst s1  }
0xa: {  	[smem:$0x3FB0] =	sst s2  }
0xb: {  	[smem:$0x3FB1] =	sst s3  }
0xc: {  	[smem:$0x3FB2] =	sst s4  }
0xd: {  	[smem:$0x3FB3] =	sst s5  }
0xe: {  	[smem:$0x3FB4] =	sst s6  }
0xf: {  	[smem:$0x3FB5] =	sst s7  }
0x10: {  	[smem:$0x3FB6] =	sst s8  }
0x11: {  	[smem:$0x3FB7] =	sst s9;
	s0 =	simm.s32 @!p0 $0x0  }
0x12: {  	s1 =	sld [smem:$0x3F9D];
	s0 =	simm.s32 @p0 $0x1  }
0x13: {  	[smem:$0x3FB8] =	sst s0;
	s0 =	simm.s32 @!p1 $0x0  }
0x14: {  	s2 =	sld [smem:$0x3F9C];
	s0 =	simm.s32 @p1 $0x1  }
0x15: {  	[smem:$0x3FB9] =	sst s0;
	s0 =	simm.s32 @!p2 $0x0  }
0x16: {  	s3 =	sld [smem:$0x3FDB];
	s0 =	simm.s32 @p2 $0x1  }
0x17: {  	s4 =	simm.s32 $0x1BF5;
	[smem:$0x3FBB] =	sst s0  }
0x18: {  	s0 =	sld [smem:$0x3F9E];
	_ =	swait.ge [sflag:s4], $0x0  }
0x19: {  	s7 =	sld [smem:$0x3F9F]  }
0x1a: {  	s8 =	sadd.s32 $0xFFFFE003, lr  }
0x1b: {  	s9 =	sadd.s32 $0xFFFFFEF7, lr;
	s5 =	simm.s32 $0xFFFFFFFF;
	p2 =	slt.u32 s8, $0xFFFFF086  }
0x1c: {  	p1 =	slt.u32 s9, $0xF7A;
	s5 =	simm.s32 @!p2 $0x0  }
0x1d: {  	s5 =	simm.s32 @p1 $0x1;
	p0 =	seq.s32 s7, s2  }
0x1e: {  	s7 =	smul.u32 @!p0 $0xF7A, s2;
	p2 =	seq.s32 @!p0 s5, $0x0  }
0x1f: {  	s9 =	smul.u32 $0xF7A, s1;
	s8 =	simm.s32 @!p0 $0x1BF5;
	p2 =	por !p2, p0  }
0x20: {  	[sflag:s8] =	ssyncset.s32 @!p0 $0xFFFFF086;
	s6 =	sadd.s32 @!p0 s3, s7;
	s7 =	simm.s32 @!p0 $0x108  }
0x21: {  	s3 =	sadd.s32 s3, s9;
	s6 =	sadd.s32 @!p0 $0x88, s6;
	s7 =	simm.s32 @p2 $0x1082  }
0x22: {  	[simem:s7], [sflag:s8] =	dma.local @!p0 [hbm:s6], $0xF7A  }
0x23: {  	s9 =	sor.u32 $0xD0000000, s2;
	s6 =	simm.s32 $0x108;
	_ =	swait.ge @!p0 [sflag:s8], $0x0  }
0x24: {  	s3 =	sadd.s32 $0x88, s3;
	s6 =	simm.s32 @!p1 $0x1082;
	[sflag:s4] =	ssyncset.s32 $0xFFFFF086  }
0x25: {  	[simem:s6], [sflag:s4] =	dma.local [hbm:s3], $0xF7A  }
0x26: {  	[smem:$0x3F9F] =	sst s1;
	(tag) =	ssettag s2;
	_ =	strace s9  }
0x27: {  	s1 =	sld [smem:$0x3FAF]  }
0x28: {  	s2 =	sld [smem:$0x3FB0]  }
0x29: {  	s4 =	sld [smem:$0x3FB2]  }
0x2a: {  	p0 =	seq.s32 s5, $0x0;
	s5 =	sld [smem:$0x3FB3]  }
0x2b: {  	s6 =	sld [smem:$0x3FB4]  }
0x2c: {  	s7 =	sld [smem:$0x3FB5]  }
0x2d: {  	s3 =	simm.s32 $0x108;
	s8 =	sld [smem:$0x3FB6]  }
0x2e: {  	s3 =	simm.s32 @!p0 $0x1082;
	s9 =	sld [smem:$0x3FB7]  }
0x2f: {  	lr =	sadd.s32 s0, s3;
	s0 =	sld [smem:$0x3FAE]  }
0x30: {  	s3 =	sld [smem:$0x3FB1]  }
0x31: {  	[smem:$0x3FBA] =	sst s10  }
0x32: {  	s10 =	sld [smem:$0x3FB8];
	_ =	sdelay $0x3  }
0x33: {  	p0 =	seq.s32 s10, $0x1;
	s10 =	sld [smem:$0x3FBA];
	_ =	sdelay $0x3  }
0x34: {  	[smem:$0x3FBA] =	sst s10  }
0x35: {  	s10 =	sld [smem:$0x3FB9];
	_ =	sdelay $0x3  }
0x36: {  	p1 =	seq.s32 s10, $0x1;
	s10 =	sld [smem:$0x3FBA];
	_ =	sdelay $0x3  }
0x37: {  	[smem:$0x3FBA] =	sst s10  }
0x38: {  	s10 =	sld [smem:$0x3FBB]  }
0x39: {  	_ = 	snop;
	(pc) =	sbr.ind lr, $3  }
0x3a: {  	_ = 	snop  }
0x3b: {  	_ = 	snop  }
0x3c: {  	p2 =	seq.s32 s10, $0x1;
	s10 =	sld [smem:$0x3FBA]  }
0x3d: {  	_ =	shalt  }
0x3e: {  	_ =	shalt  }
0x3f: {  	_ =	shalt  }
0x40: {  	_ =	shalt  }
0x41: {  	_ =	shalt  }
0x42: {  	_ =	shalt  }
0x43: {  	_ =	shalt  }
0x44: {  	_ =	shalt  }
0x45: {  	_ =	shalt  }
0x46: {  	_ =	shalt  }
0x47: {  	_ =	shalt  }
0x48: {  	_ =	shalt  }
0x49: {  	_ =	shalt  }
0x4a: {  	_ =	shalt  }
0x4b: {  	_ =	shalt  }
0x4c: {  	_ =	shalt  }
0x4d: {  	_ =	shalt  }
0x4e: {  	_ =	shalt  }
0x4f: {  	_ =	shalt  }
0x50: {  	_ =	shalt  }
0x51: {  	_ =	shalt  }
0x52: {  	_ =	shalt  }
0x53: {  	_ =	shalt  }
0x54: {  	_ =	shalt  }
0x55: {  	_ =	shalt  }
0x56: {  	_ =	shalt  }
0x57: {  	_ =	shalt  }
0x58: {  	_ =	shalt  }
0x59: {  	_ =	shalt  }
0x5a: {  	_ =	shalt  }
0x5b: {  	_ =	shalt  }
0x5c: {  	_ =	shalt  }
0x5d: {  	_ =	shalt  }
0x5e: {  	_ =	shalt  }
0x5f: {  	_ =	shalt  }
0x60: {  	_ =	shalt  }
0x61: {  	_ =	shalt  }
0x62: {  	_ =	shalt  }
0x63: {  	_ =	shalt  }
0x64: {  	_ =	shalt  }
0x65: {  	_ =	shalt  }
0x66: {  	_ =	shalt  }
0x67: {  	_ =	shalt  }
0x68: {  	_ =	shalt  }
0x69: {  	_ =	shalt  }
0x6a: {  	_ =	shalt  }
0x6b: {  	_ =	shalt  }
0x6c: {  	_ =	shalt  }
0x6d: {  	_ =	shalt  }
0x6e: {  	_ =	shalt  }
0x6f: {  	_ =	shalt  }
0x70: {  	_ =	shalt  }
0x71: {  	_ =	shalt  }
0x72: {  	_ =	shalt  }
0x73: {  	_ =	shalt  }
0x74: {  	_ =	shalt  }
0x75: {  	_ =	shalt  }
0x76: {  	_ =	shalt  }
0x77: {  	_ =	shalt  }
0x78: {  	_ =	shalt  }
0x79: {  	_ =	shalt  }
0x7a: {  	_ =	shalt  }
0x7b: {  	_ =	shalt  }
0x7c: {  	_ =	shalt  }
0x7d: {  	_ =	shalt  }
0x7e: {  	_ =	shalt  }
0x7f: {  	_ =	shalt  }
0x80: {  	_ =	shalt  }
0x81: {  	_ =	shalt  }
0x82: {  	_ =	shalt  }
0x83: {  	_ =	shalt  }
0x84: {  	_ =	shalt  }
0x85: {  	_ =	shalt  }
0x86: {  	_ =	shalt  }
0x87: {  	_ =	shalt  }
.Lfunc_end0:
.L_simem_size_0:
called_computation.1_lowered:
.L_overlay_start_0:
0x88: {  	s2 =	sld [smem:$0x3FD9]  }
0x89: {  	s3 =	sld [smem:$0x3FFE];
	_ =	sdelay $0x1  }
0x8a: {  	s1 =	srdreg.scid  }
0x8b: {  	s0 =	sand.u32 $0x1, s1  }
0x8c: {  	s17 =	sshll.u32 s0, $0xA;
	s2 =	sadd.s32 s3, s2  }
0x8d: {  	s2 =	sadd.s32 s2, s17  }
0x8e: {  	[smem:$0x3FC6] =	sst s2  }
0x8f: {  	_ = 	snop  }
0x90: {  	s2 =	sld [smem:$0x3FD0];
	(tm) =	ssettm $0x1  }
0x91: {  	s18 =	sld [smem:$0x3FFB];
	_ =	sdelay $0x3  }
0x92: {  	_ =	strace s18  }
0x93: {  	s3 =	sld [smem:$0x3FFC];
	_ =	sdelay $0x3  }
0x94: {  	_ =	strace s3  }
0x95: {  	s3 =	sld [smem:$0x3FFD];
	_ =	sdelay $0x3  }
0x96: {  	_ =	strace s3  }
0x97: {  	_ =	strace $0x8FFFFFFF  }
0x98: {  	s19 =	sld [smem:$0x3FDB];
	_ =	sdelay $0x1  }
0x99: {  	s4 =	simm.s32 $_scs_section_size  }
0x9a: {  	s5 =	simm.s32 $_size__tile_overlayer_lowered;
	s6 =	simm.s32 $_tile_overlayer_lowered  }
0x9b: {  	s22 =	simm.s32 $0x1BFF;
	s21 =	sshll.u32 s6, $0x1;
	s3 =	sadd.s32 s4, s19  }
0x9c: {  	s7 =	simm.s32 $0x0;
	s20 =	sshll.u32 s5, $0x1;
	s5 =	sadd.s32 s21, s3  }
0x9d: {  	[timem:s7], [sflag:s22] =	dma.local [hbm:s5], s20  }
0x9e: {  	_ =	swait.ge [sflag:s22], s20  }
0x9f: {  	s4 =	ssub.s32 $0x0, s20;
	[sflag:s22] =	ssyncset.done $0x0  }
0xa0: {  	[sflag:s22] =	ssyncadd.s32 s4;
	_ =	sdelay $0x1  }
0xa1: {  	s23 =	simm.s32 $0x1B8B  }
0xa2: {  	_ =	swait.ge [sflag:s23], $0x1  }
0xa3: {  	[sflag:s23] =	ssyncset.done $0x0  }
0xa4: {  	s25 =	simm.s32 $0x1B8E;
	s24 =	sld [smem:$0x3FFE];
	[sflag:s23] =	ssyncadd.s32 $0xFFFFFFFF  }
0xa5: {  	s26 =	simm.s32 $execute0_lowered;
	[smem:$0x3FD2] =	sst s25  }
0xa6: {  	s5 =	sshll.u32 s26, $0x1;
	_ =	strace $0x80000049;
	[dreg:$0x1] =	wrdreg $0xFFFFFFFF  }
0xa7: {  	s28 =	simm.s32 $_size_execute0_lowered;
	s3 =	sadd.s32 s3, s5;
	[dreg:$0x0] =	wrdreg $0x0  }
0xa8: {  	s5 =	sshll.u32 s28, $0x1;
	[dreg:$0x2] =	wrdreg s3  }
0xa9: {  	[dreg:$0x3] =	wrdreg s5  }
0xaa: {  	[dreg:$0x4] =	wrdreg $0xC0  }
0xab: {  	_ =	task [dreg:s7], $0x5FFFF  }
0xac: {  	[dreg:$0x1] =	wrdreg $0xFFFFFFFF  }
0xad: {  	[dreg:$0x0] =	wrdreg $0x60  }
0xae: {  	[dreg:$0x2] =	wrdreg s24  }
0xaf: {  	[dreg:$0x3] =	wrdreg s2  }
0xb0: {  	[dreg:$0x4] =	wrdreg $0x9  }
0xb1: {  	_ =	task.clear_ibuf [dreg:s7], $0x5FFFF;
	_ =	strace $0x90000049  }
0xb2: {  	s29 =	simm.s32 $0x9;
	_ =	strace $0x8000004B  }
0xb3: {  	_ =	swait.ge [sflag:s29], $0x1  }
0xb4: {  	[sflag:s29] =	ssyncadd.s32 $0xFFFFFFFF  }
0xb5: {  	_ =	strace $0x9000004B  }
0xb6: {  	_ =	sfence  }
0xb7: {  	s30 =	sld [smem:$0x0];
	_ =	sdelay $0x2  }
0xb8: {  	s31 =	sshll.u32 s1, $0xD;
	s1 =	sshrl.u32 s1, $0x2  }
0xb9: {  	s3 =	sand.u32 $0x4000, s31;
	s1 =	sadd.s32 s1, s30  }
0xba: {  	s0 =	sor.u32 s3, s0;
	s1 =	sshll.u32 s1, $0x11  }
0xbb: {  	s0 =	sor.u32 s1, s0  }
0xbc: {  	s0 =	sadd.s32 $0x8F2B, s0  }
0xbd: {  	[sflag:s0] =	ssyncadd.remote.s32 $0x1  }
0xbe: {  	_ =	sfence.sel $0xFFFF  }
0xbf: {  	[dreg:$0x0] =	wrdreg $0xFFFFFFFF;
	(pc) =	sbr.abs _section_cstart, $3  }
0xc0: {  	[dreg:$0x1] =	wrdreg $0xFFFFFFFF  }
0xc1: {  	_ =	task.clear_ibuf [dreg:s7], $0x2FFFF;
	_ =	strace $0x9FFFFFFF  }
0xc2: {  	(tm) =	ssettm $0x7FFFFFFF  }
0xc3: {  	_ =	shalt  }
tec
execute0_lowered:
.L_overlay_start_1:
0x0: {  	(tag) =	ssettag $0x1  }
0x1: {  	s0 =	srdreg.scid;
	s1 =	rddreg [dreg:$0x0]  }
0x2: {  	s2 =	stileid.u32;
	s5 =	simm.s32 $0x0;
	s9 =	simm.s32 $0x4000  }
0x3: {  	s10 =	simm.s32 $0x2;
	s11 =	simm.s32 $0x80;
	s19 =	simm.s32 $0x8000  }
0x4: {  	s20 =	simm.s32 $0x8800;
	s21 =	simm.s32 $0x9000;
	s22 =	simm.s32 $0x9800  }
0x5: {  	s23 =	simm.s32 $0xA000;
	s24 =	simm.s32 $0xA800;
	s28 =	simm.s32 $0xC000  }
0x6: {  	s29 =	simm.s32 $0xC800;
	s30 =	simm.s32 $0xD000;
	s31 =	simm.s32 $0xD800  }
0x7: {  	s8 =	simm.s32 $0xF000;
	s6 =	simm.s32 $0xF800;
	s7 =	simm.s32 $0x10000  }
0x8: {  	s12 =	simm.s32 $0x11000;
	s14 =	simm.s32 $0x0;
	s0 =	sand.u32 $0x1, s0  }
0x9: {  	s2 =	sshll.u32 s2, $0xA;
	[smem:$0x7FF] =	sst s5;
	s5 =	sadd.s32 $0xA00, s1  }
0xa: {  	s3 =	sshll.u32 s0, $0x9;
	s0 =	ssub.s32 $0x2, s0;
	_ =	strace $0x8000004A  }
0xb: {  	s4 =	sor.u32 s3, s2;
	s25 =	sshrl.u32 s0, $0x1;
	s3 =	simm.s32 $0x1  }
0xc: {  	s2 =	sshrl.u32 s4, $0x3;
	s0 =	ssub.s32 s0, s25;
	s25 =	simm.s32 $0xB000  }
0xd: {  	s2 =	sadd.s32 s2, s1;
	s0 =	smax.u32 s0, $0x1;
	s1 =	simm.s32 $0xE000  }
0xe: {  	s26 =	sadd.s32 $0x1E9000, s2;
	[dreg:$0x4] =	wrdreg s0;
	s0 =	simm.s32 $0xE800  }
0xf: {  	s2 =	simm.s32 $0x10800;
	[dreg:$0x3] =	wrdreg s26;
	s26 =	simm.s32 $0xB800  }
.LBB2_1:
0x10: {  	[dreg:$0x5] =	wrdreg s14  }
0x11: {  	s13 =	simm.s32 $0x0;
	s18 =	rddreg [dreg:$0x3];
	s15 =	simm.s32 $0x200  }
0x12: {  	[tilespmem:s13], [sflag:$0x2] =	stream.strided.gather [hbm4b:s18+s15], $0x4000, s9, s15, $0x38;
	[tilespmem:$0x11800] =	vst v63  }
0x13: {  	_ =	swait.ge [sflag:s10], $0x4000  }
0x14: {  	[sflag:s10] =	ssyncset.done $0x0  }
0x15: {  	s13 =	simm.s32 $0x0;
	[sflag:s10] =	ssyncadd.s32 $0xFFFFC000  }
.LBB2_2:
0x16: {  	s14 =	sshll.u32 s13, $0x7  }
0x17: {  	[tilespmem:s9], [sflag:$0x1] =	stream.indirect.gather [hbm4b:s5+s11], $0x10, s14, s11, $0xb8;
	[tilespmem:$0x11800] =	vst v63  }
0x18: {  	s16 =	simm.s32 $0x4800;
	s15 =	sadd.s32 $0x200, s14  }
0x19: {  	[tilespmem:s16], [sflag:$0x1] =	stream.indirect.gather [hbm4b:s5+s11], $0x10, s15, s11, $0xb8;
	[tilespmem:$0x11800] =	vst v63  }
0x1a: {  	s18 =	simm.s32 $0x5000;
	s17 =	sadd.s32 $0x400, s14  }
0x1b: {  	[tilespmem:s18], [sflag:$0x1] =	stream.indirect.gather [hbm4b:s5+s11], $0x10, s17, s11, $0xb8;
	[tilespmem:$0x11800] =	vst v63  }
0x1c: {  	s17 =	sadd.s32 $0x600, s14;
	s18 =	simm.s32 $0x5800  }
0x1d: {  	[tilespmem:s18], [sflag:$0x1] =	stream.indirect.gather [hbm4b:s5+s11], $0x10, s17, s11, $0xb8;
	[tilespmem:$0x11800] =	vst v63  }
0x1e: {  	s17 =	sadd.s32 $0x800, s14;
	s18 =	simm.s32 $0x6000  }
0x1f: {  	[tilespmem:s18], [sflag:$0x1] =	stream.indirect.gather [hbm4b:s5+s11], $0x10, s17, s11, $0xb8;
	[tilespmem:$0x11800] =	vst v63  }
0x20: {  	s17 =	sadd.s32 $0xA00, s14;
	s18 =	simm.s32 $0x6800  }
0x21: {  	[tilespmem:s18], [sflag:$0x1] =	stream.indirect.gather [hbm4b:s5+s11], $0x10, s17, s11, $0xb8;
	[tilespmem:$0x11800] =	vst v63  }
0x22: {  	s17 =	sadd.s32 $0xC00, s14;
	s18 =	simm.s32 $0x7000  }
0x23: {  	[tilespmem:s18], [sflag:$0x1] =	stream.indirect.gather [hbm4b:s5+s11], $0x10, s17, s11, $0xb8;
	[tilespmem:$0x11800] =	vst v63  }
0x24: {  	s17 =	sadd.s32 $0xE00, s14;
	s18 =	simm.s32 $0x7800  }
0x25: {  	[tilespmem:s18], [sflag:$0x1] =	stream.indirect.gather [hbm4b:s5+s11], $0x10, s17, s11, $0xb8;
	[tilespmem:$0x11800] =	vst v63  }
0x26: {  	s16 =	sadd.s32 $0x1000, s14  }
0x27: {  	[tilespmem:s19], [sflag:$0x1] =	stream.indirect.gather [hbm4b:s5+s11], $0x10, s16, s11, $0xb8;
	[tilespmem:$0x11800] =	vst v63  }
0x28: {  	s17 =	sadd.s32 $0x1200, s14  }
0x29: {  	[tilespmem:s20], [sflag:$0x1] =	stream.indirect.gather [hbm4b:s5+s11], $0x10, s17, s11, $0xb8;
	[tilespmem:$0x11800] =	vst v63  }
0x2a: {  	s18 =	sadd.s32 $0x1400, s14  }
0x2b: {  	[tilespmem:s21], [sflag:$0x1] =	stream.indirect.gather [hbm4b:s5+s11], $0x10, s18, s11, $0xb8;
	[tilespmem:$0x11800] =	vst v63  }
0x2c: {  	s16 =	sadd.s32 $0x1600, s14  }
0x2d: {  	[tilespmem:s22], [sflag:$0x1] =	stream.indirect.gather [hbm4b:s5+s11], $0x10, s16, s11, $0xb8;
	[tilespmem:$0x11800] =	vst v63  }
0x2e: {  	s17 =	sadd.s32 $0x1800, s14  }
0x2f: {  	[tilespmem:s23], [sflag:$0x1] =	stream.indirect.gather [hbm4b:s5+s11], $0x10, s17, s11, $0xb8;
	[tilespmem:$0x11800] =	vst v63  }
0x30: {  	s18 =	sadd.s32 $0x1A00, s14  }
0x31: {  	[tilespmem:s24], [sflag:$0x1] =	stream.indirect.gather [hbm4b:s5+s11], $0x10, s18, s11, $0xb8;
	[tilespmem:$0x11800] =	vst v63  }
0x32: {  	s16 =	sadd.s32 $0x1C00, s14  }
0x33: {  	[tilespmem:s25], [sflag:$0x1] =	stream.indirect.gather [hbm4b:s5+s11], $0x10, s16, s11, $0xb8;
	[tilespmem:$0x11800] =	vst v63  }
0x34: {  	s17 =	sadd.s32 $0x1E00, s14  }
0x35: {  	[tilespmem:s26], [sflag:$0x1] =	stream.indirect.gather [hbm4b:s5+s11], $0x10, s17, s11, $0xb8;
	[tilespmem:$0x11800] =	vst v63  }
0x36: {  	s18 =	sadd.s32 $0x2000, s14  }
0x37: {  	[tilespmem:s28], [sflag:$0x1] =	stream.indirect.gather [hbm4b:s5+s11], $0x10, s18, s11, $0xb8;
	[tilespmem:$0x11800] =	vst v63  }
0x38: {  	s16 =	sadd.s32 $0x2200, s14  }
0x39: {  	[tilespmem:s29], [sflag:$0x1] =	stream.indirect.gather [hbm4b:s5+s11], $0x10, s16, s11, $0xb8;
	[tilespmem:$0x11800] =	vst v63  }
0x3a: {  	s17 =	sadd.s32 $0x2400, s14  }
0x3b: {  	[tilespmem:s30], [sflag:$0x1] =	stream.indirect.gather [hbm4b:s5+s11], $0x10, s17, s11, $0xb8;
	[tilespmem:$0x11800] =	vst v63  }
0x3c: {  	s18 =	sadd.s32 $0x2600, s14  }
0x3d: {  	[tilespmem:s31], [sflag:$0x1] =	stream.indirect.gather [hbm4b:s5+s11], $0x10, s18, s11, $0xb8;
	[tilespmem:$0x11800] =	vst v63  }
0x3e: {  	s16 =	sadd.s32 $0x2800, s14  }
0x3f: {  	[tilespmem:s1], [sflag:$0x1] =	stream.indirect.gather [hbm4b:s5+s11], $0x10, s16, s11, $0xb8;
	[tilespmem:$0x11800] =	vst v63  }
0x40: {  	s17 =	sadd.s32 $0x2A00, s14  }
0x41: {  	[tilespmem:s0], [sflag:$0x1] =	stream.indirect.gather [hbm4b:s5+s11], $0x10, s17, s11, $0xb8;
	[tilespmem:$0x11800] =	vst v63  }
0x42: {  	s18 =	sadd.s32 $0x2C00, s14  }
0x43: {  	[tilespmem:s8], [sflag:$0x1] =	stream.indirect.gather [hbm4b:s5+s11], $0x10, s18, s11, $0xb8;
	[tilespmem:$0x11800] =	vst v63  }
0x44: {  	s16 =	sadd.s32 $0x2E00, s14  }
0x45: {  	[tilespmem:s6], [sflag:$0x1] =	stream.indirect.gather [hbm4b:s5+s11], $0x10, s16, s11, $0xb8;
	[tilespmem:$0x11800] =	vst v63  }
0x46: {  	s17 =	sadd.s32 $0x3000, s14  }
0x47: {  	[tilespmem:s7], [sflag:$0x1] =	stream.indirect.gather [hbm4b:s5+s11], $0x10, s17, s11, $0xb8;
	[tilespmem:$0x11800] =	vst v63  }
0x48: {  	s18 =	sadd.s32 $0x3200, s14  }
0x49: {  	[tilespmem:s2], [sflag:$0x1] =	stream.indirect.gather [hbm4b:s5+s11], $0x10, s18, s11, $0xb8;
	[tilespmem:$0x11800] =	vst v63  }
0x4a: {  	_ =	swait.ge [sflag:s3], $0xD000  }
0x4b: {  	[sflag:s3] =	ssyncset.done $0x0  }
0x4c: {  	s16 =	simm.s32 $0x0;
	[sflag:s3] =	ssyncadd.s32 $0xFFFF3000  }
0x4d: {  	v0 =	vld [tilespmem:s16+$0x4000]  }
0x4e: {  	v1 =	vld [tilespmem:s16+$0x4800];
	_ =	sdelay $0x1  }
0x4f: {  	v2 =	vld [tilespmem:s16+$0x5000];
	_ =	sdelay $0x1  }
0x50: {  	v3 =	vld [tilespmem:s16+$0x5800]  }
0x51: {  	v0 =	vadd.f32 v1, v0  }
0x52: {  	v1 =	vld [tilespmem:s16+$0x6000]  }
0x53: {  	v0 =	vadd.f32 v2, v0  }
0x54: {  	v2 =	vld [tilespmem:s16+$0x6800]  }
0x55: {  	v0 =	vadd.f32 v3, v0  }
0x56: {  	v3 =	vld [tilespmem:s16+$0x7000]  }
0x57: {  	v0 =	vadd.f32 v1, v0  }
0x58: {  	v1 =	vld [tilespmem:s16+$0x7800]  }
0x59: {  	v0 =	vadd.f32 v2, v0  }
0x5a: {  	v2 =	vld [tilespmem:s16+$0x8000]  }
0x5b: {  	v0 =	vadd.f32 v3, v0  }
0x5c: {  	v3 =	vld [tilespmem:s16+$0x8800]  }
0x5d: {  	v0 =	vadd.f32 v1, v0  }
0x5e: {  	v1 =	vld [tilespmem:s16+$0x9000]  }
0x5f: {  	v0 =	vadd.f32 v2, v0  }
0x60: {  	v2 =	vld [tilespmem:s16+$0x9800]  }
0x61: {  	v0 =	vadd.f32 v3, v0  }
0x62: {  	v3 =	vld [tilespmem:s16+$0xA000]  }
0x63: {  	s15 =	simm.s32 $0x10;
	v4 =	vld [tilespmem:s16+$0xA800];
	v0 =	vadd.f32 v1, v0  }
0x64: {  	v5 =	vld [tilespmem:s15+$0x4000]  }
0x65: {  	v1 =	vld [tilespmem:s16+$0xB000];
	v0 =	vadd.f32 v2, v0  }
0x66: {  	v2 =	vld [tilespmem:s15+$0x4800]  }
0x67: {  	v6 =	vld [tilespmem:s15+$0x5000];
	v0 =	vadd.f32 v3, v0  }
0x68: {  	v3 =	vld [tilespmem:s16+$0xB800]  }
0x69: {  	v7 =	vld [tilespmem:s15+$0x5800];
	v0 =	vadd.f32 v4, v0  }
0x6a: {  	v4 =	vld [tilespmem:s16+$0xC000]  }
0x6b: {  	v2 =	vadd.f32 v2, v5;
	v5 =	vld [tilespmem:s15+$0x6000];
	v0 =	vadd.f32 v1, v0  }
0x6c: {  	v1 =	vld [tilespmem:s16+$0xC800]  }
0x6d: {  	v2 =	vadd.f32 v6, v2;
	v6 =	vld [tilespmem:s15+$0x6800];
	v0 =	vadd.f32 v3, v0  }
0x6e: {  	v3 =	vld [tilespmem:s16+$0xD000]  }
0x6f: {  	v2 =	vadd.f32 v7, v2;
	v7 =	vld [tilespmem:s15+$0x7000];
	v0 =	vadd.f32 v4, v0  }
0x70: {  	v4 =	vld [tilespmem:s16+$0xD800]  }
0x71: {  	v2 =	vadd.f32 v5, v2;
	v5 =	vld [tilespmem:s15+$0x7800];
	v0 =	vadd.f32 v1, v0  }
0x72: {  	v1 =	vld [tilespmem:s16+$0xE000]  }
0x73: {  	v2 =	vadd.f32 v6, v2;
	v6 =	vld [tilespmem:s15+$0x8000];
	v0 =	vadd.f32 v3, v0  }
0x74: {  	v3 =	vld [tilespmem:s16+$0xE800]  }
0x75: {  	v2 =	vadd.f32 v7, v2;
	v7 =	vld [tilespmem:s15+$0x8800];
	v0 =	vadd.f32 v4, v0  }
0x76: {  	v4 =	vld [tilespmem:s16+$0xF000]  }
0x77: {  	v2 =	vadd.f32 v5, v2;
	v5 =	vld [tilespmem:s15+$0x9000];
	v0 =	vadd.f32 v1, v0  }
0x78: {  	v1 =	vld [tilespmem:s16+$0xF800]  }
0x79: {  	v8 =	vld [tilespmem:s15+$0x9800];
	v2 =	vadd.f32 v6, v2;
	v0 =	vadd.f32 v3, v0  }
0x7a: {  	v6 =	vld [tilespmem:s16+$0x10000]  }
0x7b: {  	v3 =	vld [tilespmem:s15+$0xA000];
	v7 =	vadd.f32 v7, v2;
	v4 =	vadd.f32 v4, v0  }
0x7c: {  	v2 =	vld [tilespmem:s16+$0x10800]  }
0x7d: {  	v0 =	vld [tilespmem:s15+$0xB000];
	v5 =	vadd.f32 v5, v7;
	v7 =	vadd.f32 v1, v4  }
0x7e: {  	s17 =	simm.s32 $0x20;
	v4 =	vld [tilespmem:s15+$0xA800]  }
0x7f: {  	s18 =	simm.s32 $0xC0;
	v1 =	vld [tilespmem:s17+$0x4000];
	v5 =	vadd.f32 v8, v5;
	v6 =	vadd.f32 v6, v7  }
.LBB2_3:
0x80: {  	p0 =	sne.s32 s18, $0x1FC0;
	v7 =	vld [tilespmem:s17+$0x4800]  }
0x81: {  	v3 =	vadd.f32 v3, v5;
	v5 =	vld [tilespmem:s15+$0xB800];
	v2 =	vadd.f32 v2, v6  }
0x82: {  	v6 =	vld [tilespmem:s17+$0x5000]  }
0x83: {  	v3 =	vadd.f32 v4, v3;
	v4 =	vld [tilespmem:s15+$0xC000];
	[tilespmem:s16+$0x11000] =	vst v2;
	s16 =	smov.u32 s15;
	s15 =	smov.u32 s17  }
0x84: {  	v2 =	vld [tilespmem:s15+$0x5800]  }
0x85: {  	v1 =	vadd.f32 v7, v1;
	v0 =	vadd.f32 v0, v3;
	v3 =	vld [tilespmem:s16+$0xC800]  }
0x86: {  	v7 =	vld [tilespmem:s15+$0x6000]  }
0x87: {  	v1 =	vadd.f32 v6, v1;
	v0 =	vadd.f32 v5, v0;
	v5 =	vld [tilespmem:s16+$0xD000]  }
0x88: {  	v6 =	vld [tilespmem:s15+$0x6800]  }
0x89: {  	v1 =	vadd.f32 v2, v1;
	v0 =	vadd.f32 v4, v0;
	v2 =	vld [tilespmem:s16+$0xD800]  }
0x8a: {  	v4 =	vld [tilespmem:s15+$0x7000]  }
0x8b: {  	v1 =	vadd.f32 v7, v1;
	v0 =	vadd.f32 v3, v0;
	v3 =	vld [tilespmem:s16+$0xE000]  }
0x8c: {  	v7 =	vld [tilespmem:s15+$0x7800]  }
0x8d: {  	v1 =	vadd.f32 v6, v1;
	v0 =	vadd.f32 v5, v0;
	v5 =	vld [tilespmem:s16+$0xE800]  }
0x8e: {  	v6 =	vld [tilespmem:s15+$0x8000]  }
0x8f: {  	v1 =	vadd.f32 v4, v1;
	v0 =	vadd.f32 v2, v0;
	v2 =	vld [tilespmem:s16+$0xF000]  }
0x90: {  	v4 =	vld [tilespmem:s15+$0x8800]  }
0x91: {  	v1 =	vadd.f32 v7, v1;
	v0 =	vadd.f32 v3, v0;
	v7 =	vld [tilespmem:s16+$0xF800]  }
0x92: {  	v8 =	vld [tilespmem:s15+$0x9000]  }
0x93: {  	v1 =	vadd.f32 v6, v1;
	v0 =	vadd.f32 v5, v0;
	v6 =	vld [tilespmem:s16+$0x10000]  }
0x94: {  	v5 =	vld [tilespmem:s15+$0x9800]  }
.Ltmp0:
0x95: {  	v1 =	vadd.f32 v4, v1;
	v4 =	vadd.f32 v2, v0;
	v2 =	vld [tilespmem:s16+$0x10800];
	(pc) =	sbr.rel @p0 .LBB2_3-.Ltmp0, $4  }
0x96: {  	v3 =	vld [tilespmem:s15+$0xA000]  }
0x97: {  	v8 =	vadd.f32 v8, v1;
	v0 =	vld [tilespmem:s15+$0xB000];
	v7 =	vadd.f32 v7, v4  }
0x98: {  	s17 =	sshra.s32 s18, $0x2;
	v4 =	vld [tilespmem:s15+$0xA800]  }
0x99: {  	s18 =	sadd.s32 $0x40, s18;
	v1 =	vld [tilespmem:s17+$0x4000];
	v5 =	vadd.f32 v5, v8;
	v6 =	vadd.f32 v6, v7  }
0x9a: {  	v7 =	vld [tilespmem:s17+$0x4800]  }
0x9b: {  	v8 =	vld [tilespmem:s15+$0xB800];
	v2 =	vadd.f32 v2, v6  }
0x9c: {  	v31 =	vld [tilespmem:s17+$0x5000]  }
0x9d: {  	v9 =	vld [tilespmem:s15+$0xC000];
	v3 =	vadd.f32 v3, v5;
	[tilespmem:s16+$0x11000] =	vst v2  }
0x9e: {  	v2 =	vld [tilespmem:s17+$0x5800]  }
0x9f: {  	v3 =	vadd.f32 v4, v3;
	v1 =	vadd.f32 v7, v1  }
0xa0: {  	v32 =	vld [tilespmem:s17+$0x6000]  }
0xa1: {  	v33 =	vld [tilespmem:s15+$0xC800];
	v0 =	vadd.f32 v0, v3;
	v1 =	vadd.f32 v31, v1  }
0xa2: {  	v34 =	vld [tilespmem:s17+$0x6800]  }
0xa3: {  	v35 =	vld [tilespmem:s15+$0xD000];
	v0 =	vadd.f32 v8, v0;
	v1 =	vadd.f32 v2, v1  }
0xa4: {  	v36 =	vld [tilespmem:s17+$0x7000]  }
0xa5: {  	v37 =	vld [tilespmem:s15+$0xD800];
	v0 =	vadd.f32 v9, v0;
	v1 =	vadd.f32 v32, v1  }
0xa6: {  	v38 =	vld [tilespmem:s17+$0x7800]  }
0xa7: {  	v39 =	vld [tilespmem:s15+$0xE000];
	v0 =	vadd.f32 v33, v0;
	v1 =	vadd.f32 v34, v1  }
0xa8: {  	v40 =	vld [tilespmem:s17+$0x8000]  }
0xa9: {  	v41 =	vld [tilespmem:s15+$0xE800];
	v0 =	vadd.f32 v35, v0;
	v1 =	vadd.f32 v36, v1  }
0xaa: {  	v42 =	vld [tilespmem:s17+$0x8800]  }
0xab: {  	v43 =	vld [tilespmem:s15+$0xF000];
	v0 =	vadd.f32 v37, v0;
	v1 =	vadd.f32 v38, v1  }
0xac: {  	v44 =	vld [tilespmem:s17+$0x9000]  }
0xad: {  	v45 =	vld [tilespmem:s15+$0xF800];
	v0 =	vadd.f32 v39, v0;
	v1 =	vadd.f32 v40, v1  }
0xae: {  	v46 =	vld [tilespmem:s17+$0x9800]  }
0xaf: {  	v47 =	vld [tilespmem:s15+$0x10000];
	v0 =	vadd.f32 v41, v0;
	v1 =	vadd.f32 v42, v1  }
0xb0: {  	v48 =	vld [tilespmem:s17+$0xA000]  }
0xb1: {  	v49 =	vld [tilespmem:s15+$0x10800];
	v0 =	vadd.f32 v43, v0;
	v1 =	vadd.f32 v44, v1  }
0xb2: {  	v50 =	vld [tilespmem:s17+$0xA800]  }
0xb3: {  	v0 =	vadd.f32 v45, v0;
	v1 =	vadd.f32 v46, v1  }
0xb4: {  	v51 =	vld [tilespmem:s17+$0xB000]  }
0xb5: {  	v0 =	vadd.f32 v47, v0;
	v1 =	vadd.f32 v48, v1  }
0xb6: {  	v52 =	vld [tilespmem:s17+$0xB800]  }
0xb7: {  	v0 =	vadd.f32 v49, v0;
	v1 =	vadd.f32 v50, v1  }
0xb8: {  	v53 =	vld [tilespmem:s17+$0xC000]  }
0xb9: {  	[tilespmem:s15+$0x11000] =	vst v0;
	v54 =	vadd.f32 v51, v1  }
0xba: {  	v55 =	vld [tilespmem:s17+$0xC800]  }
0xbb: {  	v0 =	vadd.f32 v52, v54  }
0xbc: {  	v56 =	vld [tilespmem:s17+$0xD000]  }
0xbd: {  	v0 =	vadd.f32 v53, v0  }
0xbe: {  	v57 =	vld [tilespmem:s17+$0xD800]  }
0xbf: {  	v0 =	vadd.f32 v55, v0  }
0xc0: {  	v58 =	vld [tilespmem:s17+$0xE000]  }
0xc1: {  	v0 =	vadd.f32 v56, v0  }
0xc2: {  	v59 =	vld [tilespmem:s17+$0xE800]  }
0xc3: {  	v0 =	vadd.f32 v57, v0  }
0xc4: {  	v60 =	vld [tilespmem:s17+$0xF000]  }
0xc5: {  	v0 =	vadd.f32 v58, v0  }
0xc6: {  	v61 =	vld [tilespmem:s17+$0xF800]  }
0xc7: {  	v0 =	vadd.f32 v59, v0  }
0xc8: {  	v62 =	vld [tilespmem:s17+$0x10000]  }
0xc9: {  	v0 =	vadd.f32 v60, v0  }
0xca: {  	v63 =	vld [tilespmem:s17+$0x10800]  }
0xcb: {  	v0 =	vadd.f32 v61, v0;
	_ =	sdelay $0x1  }
0xcc: {  	v0 =	vadd.f32 v62, v0;
	_ =	sdelay $0x1  }
0xcd: {  	v0 =	vadd.f32 v63, v0  }
0xce: {  	s14 =	sadd.s32 s4, s14;
	s13 =	sadd.s32 $0x1, s13  }
0xcf: {  	s14 =	sshll.u32 s14, $0x1;
	p0 =	sne.s32 s13, $0x4;
	[tilespmem:s17+$0x11000] =	vst v0;
	s17 =	rddreg [dreg:$0x1]  }
.Ltmp1:
0xd0: {  	s18 =	simm.s32 $0x0;
	s14 =	sadd.s32 s17, s14;
	(pc) =	sbr.rel @p0 .LBB2_2-.Ltmp1, $4  }
0xd1: {  	[hbm4b:s14+s18] =	stream.linear.scatter [tilespmem:s12], [sflag:$0x2], $0x800, $0x38;
	[tilespmem:$0x11800] =	vst v63  }
0xd2: {  	_ =	swait.ge [sflag:s10], $0x800  }
0xd3: {  	[sflag:s10] =	ssyncset.done $0x0  }
0xd4: {  	[sflag:s10] =	ssyncadd.s32 $0xFFFFF800  }
0xd5: {  	s14 =	rddreg [dreg:$0x5]  }
0xd6: {  	s13 =	rddreg [dreg:$0x4];
	s14 =	sadd.s32 $0x1, s14  }
0xd7: {  	p0 =	sne.s32 s14, s13  }
.Ltmp2:
0xd8: {  	_ = 	snop;
	(pc) =	sbr.rel @p0 .LBB2_1-.Ltmp2, $1  }
0xd9: {  	_ =	sdelay $0x3  }
0xda: {  	_ =	sfence.sel $0x180000  }
0xdb: {  	[bflag:$0x0] =	sbarrier.arrive $0xFFFF  }
0xdc: {  	_ =	strace $0x9000004A  }
0xdd: {  	s0 =	stileid.u32;
	[bflag:$0x2] =	sbarrier.arrive $0xFFFF  }
0xde: {  	p0 =	sne.s32 s0, $0x0;
	s0 =	rddreg [dreg:$0x2]  }
0xdf: {  	s0 =	sadd.s32 @!p0 $0x100000, s0  }
0xe0: {  	[sflag:s0] =	ssyncadd.tile.s32 @!p0 $0x1;
	_ =	shalt  }
.Lfunc_end2:
_tile_overlayer_lowered:
.L_overlay_start_2:
0xe1: {  	(tag) =	ssettag $0x2  }
0xe2: {  	s0 =	rddreg [dreg:$0x0];
	s2 =	stileid.u32  }
0xe3: {  	s1 =	rddreg [dreg:$0x1];
	p0 =	sne.s32 s2, $0x0  }
0xe4: {  	s3 =	rddreg [dreg:$0x2];
	[bflag:$0x3] =	sbarrier.arrive $0xFFFF;
	s2 =	simm.s32 @!p0 $0x1C02  }
0xe5: {  	[timem:s3], [sflag:s2] =	dma.local @!p0 [hbm:s0], s1  }
0xe6: {  	s0 =	simm.s32 @!p0 $0x2  }
0xe7: {  	_ =	swait.ge @!p0 [sflag:s0], s1  }
0xe8: {  	s1 =	ssub.s32 @!p0 $0x0, s1;
	[sflag:s0] =	ssyncset.done @!p0 $0x0  }
0xe9: {  	[sflag:s0] =	ssyncadd.s32 @!p0 s1  }
0xea: {  	[bflag:$0x3] =	sbarrier.arrive $0xFFFF  }
0xeb: {  	_ =	shalt  }

</sc_bundles>
